<compile_context>
chip_gen: v7x
topology: tpu7x:2x2x1
jax: 0.10.2.dev20260603
libtpu: 0.0.44.dev20260713+nightly
codegen_flags: <defaults>
</compile_context>

<pallas_src>
import functools

import jax
import jax.numpy as jnp
from jax import lax
from jax.experimental import pallas as pl
from jax.experimental.pallas import tpu as pltpu
from jax.experimental.pallas import tpu_sc as plsc

_NUM_CLASSES = 80
_SCORE_THR = 0.05
_IOU_THR = 0.5
_MAX_PER_IMG = 100
_PRE_NMS = 1000
_CLASS_OFFSET = 4096.0
_N = 20000
_ROWS = 160
_LANES = 128
_NPAD = _ROWS * _LANES
_NCHUNK = 32
_CHUNK = _NPAD // _NCHUNK
_CAP = 1024
_OUTN = 2048


def _select_body(s_ref, out_ref):
    s = s_ref[:, :]
    key = jnp.where(s > _SCORE_THR, lax.bitcast_convert_type(s, jnp.int32),
                    jnp.int32(0))
    idx2 = (lax.broadcasted_iota(jnp.int32, (_ROWS, _LANES), 0) * _LANES
            + lax.broadcasted_iota(jnp.int32, (_ROWS, _LANES), 1))

    def bs_body(_, carry):
        lo, hi = carry
        mid = lo + (hi - lo) // 2
        cnt = jnp.sum((key >= mid).astype(jnp.int32))
        ge = cnt >= _PRE_NMS
        return (jnp.where(ge, mid, lo), jnp.where(ge, hi, mid))

    T, _ = lax.fori_loop(0, 31, bs_body,
                         (jnp.int32(0), jnp.int32(0x7F800000)))
    k = jnp.sum((key > T).astype(jnp.int32))
    m = jnp.where(T > 0, _PRE_NMS - k, 0)
    tie = key == T

    def bs2_body(_, carry):
        lo2, hi2 = carry
        mid = lo2 + (hi2 - lo2) // 2
        c = jnp.sum((tie & (idx2 < mid)).astype(jnp.int32))
        ge = c >= m
        return (jnp.where(ge, lo2, mid), jnp.where(ge, mid, hi2))

    _, J = lax.fori_loop(0, 16, bs2_body, (jnp.int32(0), jnp.int32(_NPAD)))
    J = jnp.where(m > 0, J, 0)

    seli = ((key > T) | (tie & (T > 0) & (idx2 < J))).astype(jnp.int32)
    out_ref[0] = T
    out_ref[1] = J
    run = jnp.int32(0)
    rows_per_chunk = _CHUNK // _LANES
    for w in range(_NCHUNK):
        out_ref[16 + w] = run
        cnt_w = jnp.sum(seli[w * rows_per_chunk:(w + 1) * rows_per_chunk, :])
        run = run + cnt_w
    out_ref[2] = run


def _stage_a(s2d):
    return pl.pallas_call(
        _select_body,
        out_shape=jax.ShapeDtypeStruct((48,), jnp.int32),
        out_specs=pl.BlockSpec(memory_space=pltpu.SMEM),
    )(s2d)


def _compact_body(x1_h, y1_h, x2_h, y2_h, s_h, lbl_h, meta_h,
                  ox1, oy1, ox2, oy2, os_, olbl,
                  x1_v, y1_v, x2_v, y2_v, s_v, lbl_v, meta_v, pos_v,
                  sx1, sy1, sx2, sy2, ss, slbl, sem):
    c = lax.axis_index("c")
    sid = lax.axis_index("s")
    w = c * 16 + sid
    base_off = w * _CHUNK
    loads = [pltpu.async_copy(src.at[pl.ds(base_off, _CHUNK)], dst, sem)
             for src, dst in ((x1_h, x1_v), (y1_h, y1_v), (x2_h, x2_v),
                              (y2_h, y2_v), (s_h, s_v), (lbl_h, lbl_v))]
    loads.append(pltpu.async_copy(meta_h, meta_v, sem))
    for cp in loads:
        cp.wait()

    iota16 = lax.broadcasted_iota(jnp.int32, (16,), 0)
    m0 = meta_v[pl.ds(0, 16)]
    mb1 = meta_v[pl.ds(16, 16)]
    mb2 = meta_v[pl.ds(32, 16)]
    T = jnp.sum(jnp.where(iota16 == 0, m0, 0))
    J = jnp.sum(jnp.where(iota16 == 1, m0, 0))
    base_vec = jnp.where(c == 0, mb1, mb2)
    base = jnp.sum(jnp.where(iota16 == sid, base_vec, 0))
    tpos = T > 0
    trash = jnp.int32(_CAP) + w * 16

    run = jnp.int32(0)
    for g in range(_CHUNK // 16):
        s_g = s_v[pl.ds(g * 16, 16)]
        keyg = jnp.where(s_g > _SCORE_THR,
                         lax.bitcast_convert_type(s_g, jnp.int32),
                         jnp.int32(0))
        gidx = base_off + g * 16 + iota16
        sel = (keyg > T) | ((keyg == T) & tpos & (gidx < J))
        seli = sel.astype(jnp.int32)
        inc = jnp.cumsum(seli)
        pos = jnp.where(sel, base + run + inc - 1, trash)
        pos_v[g // 8, pl.ds((g % 8) * 16, 16)] = pos
        run = run + jnp.sum(seli)

    copies = []
    for chunk in range(_CHUNK // _LANES):
        idx = pos_v.at[chunk]
        sl = pl.ds(chunk * _LANES, _LANES)
        for src, dst in ((x1_v, sx1), (y1_v, sy1), (x2_v, sx2),
                         (y2_v, sy2), (s_v, ss), (lbl_v, slbl)):
            copies.append(pltpu.async_copy(src.at[sl], dst.at[idx], sem))
    for cp in copies:
        cp.wait()
    plsc.subcore_barrier()

    for k, (src, dst) in enumerate(((sx1, ox1), (sy1, oy1), (sx2, ox2),
                                    (sy2, oy2), (ss, os_), (slbl, olbl))):
        @pl.when(sid == k)
        def _(src=src, dst=dst):
            pltpu.sync_copy(src.at[pl.ds(0, _CAP)], dst.at[c])


def _stage_b(x1f, y1f, x2f, y2f, sf, lblf, meta):
    mesh = plsc.VectorSubcoreMesh(core_axis_name="c", subcore_axis_name="s")
    f32 = jnp.float32
    i32 = jnp.int32
    kfn = functools.partial(
        pl.kernel,
        mesh=mesh,
        compiler_params=pltpu.CompilerParams(needs_layout_passes=False),
        out_type=[jax.ShapeDtypeStruct((2, _CAP), f32)] * 5
                 + [jax.ShapeDtypeStruct((2, _CAP), i32)],
        scratch_types=[pltpu.VMEM((_CHUNK,), f32)] * 5
                      + [pltpu.VMEM((_CHUNK,), i32),
                         pltpu.VMEM((48,), i32),
                         pltpu.VMEM((_CHUNK // _LANES, _LANES), i32),
                         pltpu.VMEM_SHARED((_OUTN,), f32),
                         pltpu.VMEM_SHARED((_OUTN,), f32),
                         pltpu.VMEM_SHARED((_OUTN,), f32),
                         pltpu.VMEM_SHARED((_OUTN,), f32),
                         pltpu.VMEM_SHARED((_OUTN,), f32),
                         pltpu.VMEM_SHARED((_OUTN,), i32),
                         pltpu.SemaphoreType.DMA],
    )(_compact_body)
    return kfn(x1f, y1f, x2f, y2f, sf, lblf, meta)


def _nms_body(x1_ref, y1_ref, x2_ref, y2_ref, s_ref, lbl_ref,
              x1s, y1s, x2s, y2s, lbls, meta_ref, out_ref):
    f32 = jnp.float32
    neg = jnp.array(-jnp.inf, f32)
    count = meta_ref[2]
    b16 = meta_ref[32]
    cidx = (lax.broadcasted_iota(jnp.int32, (8, _LANES), 0) * _LANES
            + lax.broadcasted_iota(jnp.int32, (8, _LANES), 1))
    core0 = cidx < b16
    x1 = jnp.where(core0, x1_ref[0], x1_ref[1])
    y1 = jnp.where(core0, y1_ref[0], y1_ref[1])
    x2 = jnp.where(core0, x2_ref[0], x2_ref[1])
    y2 = jnp.where(core0, y2_ref[0], y2_ref[1])
    s = jnp.where(core0, s_ref[0], s_ref[1])
    lbl = jnp.where(core0, lbl_ref[0], lbl_ref[1])
    live = cidx < count
    scur0 = jnp.where(live, s, neg)
    lblf = lbl.astype(f32)
    offs = lblf * _CLASS_OFFSET
    x1o = x1 + offs
    y1o = y1 + offs
    x2o = x2 + offs
    y2o = y2 + offs
    area = (x2o - x1o) * (y2o - y1o)
    row8 = lax.broadcasted_iota(jnp.int32, (8, _LANES), 0)
    col8 = lax.broadcasted_iota(jnp.int32, (8, _LANES), 1)

    def step(t, carry):
        scur, out = carry
        mval = jnp.max(scur)
        bidx = jnp.min(jnp.where(scur == mval, cidx, jnp.int32(_CAP)))
        onehot = cidx == bidx
        is0 = bidx < b16

        def pick(ref):
            return jnp.where(is0, ref[0, bidx], ref[1, bidx])

        bx1 = pick(x1s)
        by1 = pick(y1s)
        bx2 = pick(x2s)
        by2 = pick(y2s)
        blf = pick(lbls).astype(f32)
        boff = blf * _CLASS_OFFSET
        ox1 = bx1 + boff
        oy1 = by1 + boff
        ox2 = bx2 + boff
        oy2 = by2 + boff
        a1 = (ox2 - ox1) * (oy2 - oy1)
        ix1 = jnp.maximum(ox1, x1o)
        iy1 = jnp.maximum(oy1, y1o)
        ix2 = jnp.minimum(ox2, x2o)
        iy2 = jnp.minimum(oy2, y2o)
        inter = jnp.maximum(ix2 - ix1, 0.0) * jnp.maximum(iy2 - iy1, 0.0)
        iou = inter / (a1 + area - inter + 1e-6)
        ns = jnp.where(iou >= _IOU_THR, neg, scur)
        ns = jnp.where(onehot, neg, ns)
        valid = mval > neg
        vx1 = jnp.where(valid, bx1, 0.0)
        vy1 = jnp.where(valid, by1, 0.0)
        vx2 = jnp.where(valid, bx2, 0.0)
        vy2 = jnp.where(valid, by2, 0.0)
        vsc = jnp.where(valid, mval, 0.0)
        vlb = jnp.where(valid, blf, -1.0)
        newcol = jnp.where(row8 == 0, vx1,
                 jnp.where(row8 == 1, vy1,
                 jnp.where(row8 == 2, vx2,
                 jnp.where(row8 == 3, vy2,
                 jnp.where(row8 == 4, vsc, vlb)))))
        return ns, jnp.where(col8 == t, newcol, out)

    _, out = lax.fori_loop(0, _MAX_PER_IMG, step,
                           (scur0, jnp.zeros((8, _LANES), f32)))
    out_ref[:, :] = out


def _stage_c(cx1, cy1, cx2, cy2, cs, clbl, meta):
    spec_v = pl.BlockSpec(memory_space=pltpu.VMEM)
    spec_s = pl.BlockSpec(memory_space=pltpu.SMEM)
    return pl.pallas_call(
        _nms_body,
        out_shape=jax.ShapeDtypeStruct((8, _LANES), jnp.float32),
        in_specs=[spec_v] * 6 + [spec_s] * 6,
    )(cx1.reshape(2, 8, _LANES), cy1.reshape(2, 8, _LANES),
      cx2.reshape(2, 8, _LANES), cy2.reshape(2, 8, _LANES),
      cs.reshape(2, 8, _LANES), clbl.reshape(2, 8, _LANES),
      cx1, cy1, cx2, cy2, clbl, meta)


def kernel(cat_bboxes, cat_labels):
    pad = _NPAD - _N
    cb = jnp.pad(cat_bboxes, ((0, pad), (0, 0)))
    x1f = cb[:, 0]
    y1f = cb[:, 1]
    x2f = cb[:, 2]
    y2f = cb[:, 3]
    sf = cb[:, 4]
    lblf = jnp.pad(cat_labels, (0, pad))
    meta = _stage_a(sf.reshape(_ROWS, _LANES))
    cx1, cy1, cx2, cy2, cs, clbl = _stage_b(x1f, y1f, x2f, y2f, sf, lblf,
                                            meta)
    out = _stage_c(cx1, cy1, cx2, cy2, cs, clbl, meta)
    det_bboxes = out[0:5, :_MAX_PER_IMG].T
    det_labels = out[5, :_MAX_PER_IMG].astype(jnp.int32)
    return det_bboxes, det_labels

# --- scband reference (transcript-rebuilt; emitter-appended) ---
"""Pipeline reference for scband-tanner-head-52398601011843 (READ-ONLY COPY).

The authoritative reference and input builder live on the scoring server;
editing this copy changes nothing except your own understanding.
"""

import jax, jax.numpy as jnp
import numpy as np

NUM_CLASSES = 80
SCORE_THR = 0.05
IOU_THR = 0.5
MAX_PER_IMG = 100
PRE_NMS = 1000
CLASS_OFFSET = 4096.0
N_BOXES = 20000


def setup_inputs(seed: int = 0):
    key = jax.random.key(seed)
    k1, k2, k3, k4, k5, k6 = jax.random.split(key, 6)
    cx = jax.random.uniform(k1, (N_BOXES,)) * 1024.0
    cy = jax.random.uniform(k2, (N_BOXES,)) * 1024.0
    w = jax.random.uniform(k3, (N_BOXES,)) * 192.0 + 8.0
    h = jax.random.uniform(k4, (N_BOXES,)) * 192.0 + 8.0
    s = jax.random.uniform(k5, (N_BOXES,))
    cat_bboxes = jnp.stack([cx - w / 2, cy - h / 2, cx + w / 2, cy + h / 2, s], axis=1).astype(jnp.float32)
    cat_labels = jax.random.randint(k6, (N_BOXES,), 0, NUM_CLASSES).astype(jnp.int32)
    return {"cat_bboxes": cat_bboxes, "cat_labels": cat_labels}


def _nms_core(cat_bboxes, cat_labels):
    # Faithful jax translation of TannerHead.get_bboxes post-processing:
    # scatter per-box scores into a dense [N, num_classes+1] score matrix
    # (mlvl_scores[index_x, index_y] = value_scores), then class-aware
    # (multihead) NMS with score_thr / iou_threshold / max_per_img.
    N = cat_bboxes.shape[0]
    C = NUM_CLASSES
    boxes = cat_bboxes[:, :4]
    value_scores = cat_bboxes[:, 4]
    # scatter-overwrite: mlvl_scores[arange(N), cat_labels] = value_scores
    mlvl_scores = jnp.zeros((N, C + 1), dtype=cat_bboxes.dtype)
    mlvl_scores = mlvl_scores.at[jnp.arange(N), cat_labels].set(value_scores)
    scores = mlvl_scores[:, :C]
    flat = scores.reshape(-1)  # [N*C], class-major within each box
    masked = jnp.where(flat > SCORE_THR, flat, -jnp.inf)
    # pre-NMS top-k over all (box, class) candidates
    _, top_idx = jax.lax.top_k(jax.lax.stop_gradient(masked), PRE_NMS)
    top_scores = masked[top_idx]
    box_idx = top_idx // C
    cls = top_idx % C
    cand = boxes[box_idx]  # [PRE_NMS, 4]
    # class-aware NMS via per-class coordinate offset (batched NMS trick)
    cand_off = jax.lax.stop_gradient(cand) + cls[:, None].astype(cand.dtype) * CLASS_OFFSET
    areas = (cand_off[:, 2] - cand_off[:, 0]) * (cand_off[:, 3] - cand_off[:, 1])

    def step(scores_cur, _):
        idx = jnp.argmax(scores_cur)
        sel = scores_cur[idx]
        b = cand_off[idx]
        x1 = jnp.maximum(b[0], cand_off[:, 0])
        y1 = jnp.maximum(b[1], cand_off[:, 1])
        x2 = jnp.minimum(b[2], cand_off[:, 2])
        y2 = jnp.minimum(b[3], cand_off[:, 3])
        inter = jnp.maximum(x2 - x1, 0.0) * jnp.maximum(y2 - y1, 0.0)
        a1 = (b[2] - b[0]) * (b[3] - b[1])
        iou = inter / (a1 + areas - inter + 1e-6)
        new_scores = jnp.where(iou >= IOU_THR, -jnp.inf, scores_cur)
        new_scores = new_scores.at[idx].set(-jnp.inf)
        return new_scores, (idx, jnp.isfinite(sel))

    _, (keep, valid) = jax.lax.scan(step, jax.lax.stop_gradient(top_scores), None, length=MAX_PER_IMG)
    det_boxes = cand[keep]
    det_scores = top_scores[keep]
    det_scores = jnp.where(valid & jnp.isfinite(det_scores), det_scores, 0.0)
    det_boxes = jnp.where(valid[:, None], det_boxes, 0.0)
    det_labels = jnp.where(valid, cls[keep], -1)
    det_bboxes = jnp.concatenate([det_boxes, det_scores[:, None]], axis=1)
    return det_bboxes, det_labels


def reference(cat_bboxes, cat_labels):
    return _nms_core(cat_bboxes, cat_labels)

if __name__ == "__main__":
    import jax
    _d = setup_inputs()
    print(jax.jit(kernel)(*tuple(_d.values())))

</pallas_src>

<mosaic_0001>
#map = affine_map<(d0, d1) -> (0)>
#map1 = affine_map<(d0, d1) -> (0, 0)>
module attributes {stable_mosaic.version = 14 : i64} {
  func.func @_compact_body(%arg0: i32, %arg1: i32, %arg2: memref<20480xf32, #tpu.memory_space<hbm>>, %arg3: memref<20480xf32, #tpu.memory_space<hbm>>, %arg4: memref<20480xf32, #tpu.memory_space<hbm>>, %arg5: memref<20480xf32, #tpu.memory_space<hbm>>, %arg6: memref<20480xf32, #tpu.memory_space<hbm>>, %arg7: memref<20480xi32, #tpu.memory_space<hbm>>, %arg8: memref<48xi32, #tpu.memory_space<hbm>>, %arg9: memref<2x1024xf32, #tpu.memory_space<hbm>>, %arg10: memref<2x1024xf32, #tpu.memory_space<hbm>>, %arg11: memref<2x1024xf32, #tpu.memory_space<hbm>>, %arg12: memref<2x1024xf32, #tpu.memory_space<hbm>>, %arg13: memref<2x1024xf32, #tpu.memory_space<hbm>>, %arg14: memref<2x1024xi32, #tpu.memory_space<hbm>>, %arg15: memref<640xf32, #tpu.memory_space<vmem>>, %arg16: memref<640xf32, #tpu.memory_space<vmem>>, %arg17: memref<640xf32, #tpu.memory_space<vmem>>, %arg18: memref<640xf32, #tpu.memory_space<vmem>>, %arg19: memref<640xf32, #tpu.memory_space<vmem>>, %arg20: memref<640xi32, #tpu.memory_space<vmem>>, %arg21: memref<48xi32, #tpu.memory_space<vmem>>, %arg22: memref<5x128xi32, #tpu.memory_space<vmem>>, %arg23: memref<2048xf32, #tpu.memory_space<vmem_shared>>, %arg24: memref<2048xf32, #tpu.memory_space<vmem_shared>>, %arg25: memref<2048xf32, #tpu.memory_space<vmem_shared>>, %arg26: memref<2048xf32, #tpu.memory_space<vmem_shared>>, %arg27: memref<2048xf32, #tpu.memory_space<vmem_shared>>, %arg28: memref<2048xi32, #tpu.memory_space<vmem_shared>>, %arg29: memref<!tpu.dma_semaphore, #tpu.memory_space<semaphore_mem>>) attributes {dimension_semantics = [#tpu.dimension_semantics<core_parallel>, #tpu.dimension_semantics<subcore_parallel>], iteration_bounds = array<i64: 2, 16>, scalar_prefetch = 0 : i64, scratch_operands = 15 : i64, tpu.core_type = #tpu.core_type<sc_vector_subcore>, window_params = [{transform_indices = #map}, {transform_indices = #map}, {transform_indices = #map}, {transform_indices = #map}, {transform_indices = #map}, {transform_indices = #map}, {transform_indices = #map}, {transform_indices = #map1}, {transform_indices = #map1}, {transform_indices = #map1}, {transform_indices = #map1}, {transform_indices = #map1}, {transform_indices = #map1}]} {
    %mul3A = arith.constant 16 : i32
    %mul3A_0 = arith.muli %arg0, %mul3A : i32
    %add3A = arith.addi %mul3A_0, %arg1 : i32
    %mul3A_1 = arith.constant 640 : i32
    %mul3A_2 = arith.muli %add3A, %mul3A_1 : i32
    %dma_start3A = tpu.memref_slice %arg2[%mul3A_2] : memref<20480xf32, #tpu.memory_space<hbm>> -> memref<640xf32, #tpu.memory_space<hbm>>
    %dma_start3A_3 = tpu.memref_slice %arg2[%mul3A_2] : memref<20480xf32, #tpu.memory_space<hbm>> -> memref<640xf32, #tpu.memory_space<hbm>>
    tpu.enqueue_dma source(%dma_start3A_3 : memref<640xf32, #tpu.memory_space<hbm>>) target(%arg15 : memref<640xf32, #tpu.memory_space<vmem>>) target_semaphore(%arg29 : memref<!tpu.dma_semaphore, #tpu.memory_space<semaphore_mem>>)
    %dma_start3A_4 = tpu.memref_slice %arg3[%mul3A_2] : memref<20480xf32, #tpu.memory_space<hbm>> -> memref<640xf32, #tpu.memory_space<hbm>>
    %dma_start3A_5 = tpu.memref_slice %arg3[%mul3A_2] : memref<20480xf32, #tpu.memory_space<hbm>> -> memref<640xf32, #tpu.memory_space<hbm>>
    tpu.enqueue_dma source(%dma_start3A_5 : memref<640xf32, #tpu.memory_space<hbm>>) target(%arg16 : memref<640xf32, #tpu.memory_space<vmem>>) target_semaphore(%arg29 : memref<!tpu.dma_semaphore, #tpu.memory_space<semaphore_mem>>)
    %dma_start3A_6 = tpu.memref_slice %arg4[%mul3A_2] : memref<20480xf32, #tpu.memory_space<hbm>> -> memref<640xf32, #tpu.memory_space<hbm>>
    %dma_start3A_7 = tpu.memref_slice %arg4[%mul3A_2] : memref<20480xf32, #tpu.memory_space<hbm>> -> memref<640xf32, #tpu.memory_space<hbm>>
    tpu.enqueue_dma source(%dma_start3A_7 : memref<640xf32, #tpu.memory_space<hbm>>) target(%arg17 : memref<640xf32, #tpu.memory_space<vmem>>) target_semaphore(%arg29 : memref<!tpu.dma_semaphore, #tpu.memory_space<semaphore_mem>>)
    %dma_start3A_8 = tpu.memref_slice %arg5[%mul3A_2] : memref<20480xf32, #tpu.memory_space<hbm>> -> memref<640xf32, #tpu.memory_space<hbm>>
    %dma_start3A_9 = tpu.memref_slice %arg5[%mul3A_2] : memref<20480xf32, #tpu.memory_space<hbm>> -> memref<640xf32, #tpu.memory_space<hbm>>
    tpu.enqueue_dma source(%dma_start3A_9 : memref<640xf32, #tpu.memory_space<hbm>>) target(%arg18 : memref<640xf32, #tpu.memory_space<vmem>>) target_semaphore(%arg29 : memref<!tpu.dma_semaphore, #tpu.memory_space<semaphore_mem>>)
    %dma_start3A_10 = tpu.memref_slice %arg6[%mul3A_2] : memref<20480xf32, #tpu.memory_space<hbm>> -> memref<640xf32, #tpu.memory_space<hbm>>
    %dma_start3A_11 = tpu.memref_slice %arg6[%mul3A_2] : memref<20480xf32, #tpu.memory_space<hbm>> -> memref<640xf32, #tpu.memory_space<hbm>>
    tpu.enqueue_dma source(%dma_start3A_11 : memref<640xf32, #tpu.memory_space<hbm>>) target(%arg19 : memref<640xf32, #tpu.memory_space<vmem>>) target_semaphore(%arg29 : memref<!tpu.dma_semaphore, #tpu.memory_space<semaphore_mem>>)
    %dma_start3A_12 = tpu.memref_slice %arg7[%mul3A_2] : memref<20480xi32, #tpu.memory_space<hbm>> -> memref<640xi32, #tpu.memory_space<hbm>>
    %dma_start3A_13 = tpu.memref_slice %arg7[%mul3A_2] : memref<20480xi32, #tpu.memory_space<hbm>> -> memref<640xi32, #tpu.memory_space<hbm>>
    tpu.enqueue_dma source(%dma_start3A_13 : memref<640xi32, #tpu.memory_space<hbm>>) target(%arg20 : memref<640xi32, #tpu.memory_space<vmem>>) target_semaphore(%arg29 : memref<!tpu.dma_semaphore, #tpu.memory_space<semaphore_mem>>)
    tpu.enqueue_dma source(%arg8 : memref<48xi32, #tpu.memory_space<hbm>>) target(%arg21 : memref<48xi32, #tpu.memory_space<vmem>>) target_semaphore(%arg29 : memref<!tpu.dma_semaphore, #tpu.memory_space<semaphore_mem>>)
    %dma_wait3A = tpu.memref_slice %arg2[%mul3A_2] : memref<20480xf32, #tpu.memory_space<hbm>> -> memref<640xf32, #tpu.memory_space<hbm>>
    %dma_wait3A_14 = tpu.memref_slice %arg2[%mul3A_2] : memref<20480xf32, #tpu.memory_space<hbm>> -> memref<640xf32, #tpu.memory_space<hbm>>
    tpu.wait_dma2 semaphore(%arg29 : memref<!tpu.dma_semaphore, #tpu.memory_space<semaphore_mem>>) src(%dma_wait3A_14 : memref<640xf32, #tpu.memory_space<hbm>>) dst(%arg15 : memref<640xf32, #tpu.memory_space<vmem>>)
    %dma_wait3A_15 = tpu.memref_slice %arg3[%mul3A_2] : memref<20480xf32, #tpu.memory_space<hbm>> -> memref<640xf32, #tpu.memory_space<hbm>>
    %dma_wait3A_16 = tpu.memref_slice %arg3[%mul3A_2] : memref<20480xf32, #tpu.memory_space<hbm>> -> memref<640xf32, #tpu.memory_space<hbm>>
    tpu.wait_dma2 semaphore(%arg29 : memref<!tpu.dma_semaphore, #tpu.memory_space<semaphore_mem>>) src(%dma_wait3A_16 : memref<640xf32, #tpu.memory_space<hbm>>) dst(%arg16 : memref<640xf32, #tpu.memory_space<vmem>>)
    %dma_wait3A_17 = tpu.memref_slice %arg4[%mul3A_2] : memref<20480xf32, #tpu.memory_space<hbm>> -> memref<640xf32, #tpu.memory_space<hbm>>
    %dma_wait3A_18 = tpu.memref_slice %arg4[%mul3A_2] : memref<20480xf32, #tpu.memory_space<hbm>> -> memref<640xf32, #tpu.memory_space<hbm>>
    tpu.wait_dma2 semaphore(%arg29 : memref<!tpu.dma_semaphore, #tpu.memory_space<semaphore_mem>>) src(%dma_wait3A_18 : memref<640xf32, #tpu.memory_space<hbm>>) dst(%arg17 : memref<640xf32, #tpu.memory_space<vmem>>)
    %dma_wait3A_19 = tpu.memref_slice %arg5[%mul3A_2] : memref<20480xf32, #tpu.memory_space<hbm>> -> memref<640xf32, #tpu.memory_space<hbm>>
    %dma_wait3A_20 = tpu.memref_slice %arg5[%mul3A_2] : memref<20480xf32, #tpu.memory_space<hbm>> -> memref<640xf32, #tpu.memory_space<hbm>>
    tpu.wait_dma2 semaphore(%arg29 : memref<!tpu.dma_semaphore, #tpu.memory_space<semaphore_mem>>) src(%dma_wait3A_20 : memref<640xf32, #tpu.memory_space<hbm>>) dst(%arg18 : memref<640xf32, #tpu.memory_space<vmem>>)
    %dma_wait3A_21 = tpu.memref_slice %arg6[%mul3A_2] : memref<20480xf32, #tpu.memory_space<hbm>> -> memref<640xf32, #tpu.memory_space<hbm>>
    %dma_wait3A_22 = tpu.memref_slice %arg6[%mul3A_2] : memref<20480xf32, #tpu.memory_space<hbm>> -> memref<640xf32, #tpu.memory_space<hbm>>
    tpu.wait_dma2 semaphore(%arg29 : memref<!tpu.dma_semaphore, #tpu.memory_space<semaphore_mem>>) src(%dma_wait3A_22 : memref<640xf32, #tpu.memory_space<hbm>>) dst(%arg19 : memref<640xf32, #tpu.memory_space<vmem>>)
    %dma_wait3A_23 = tpu.memref_slice %arg7[%mul3A_2] : memref<20480xi32, #tpu.memory_space<hbm>> -> memref<640xi32, #tpu.memory_space<hbm>>
    %dma_wait3A_24 = tpu.memref_slice %arg7[%mul3A_2] : memref<20480xi32, #tpu.memory_space<hbm>> -> memref<640xi32, #tpu.memory_space<hbm>>
    tpu.wait_dma2 semaphore(%arg29 : memref<!tpu.dma_semaphore, #tpu.memory_space<semaphore_mem>>) src(%dma_wait3A_24 : memref<640xi32, #tpu.memory_space<hbm>>) dst(%arg20 : memref<640xi32, #tpu.memory_space<vmem>>)
    tpu.wait_dma2 semaphore(%arg29 : memref<!tpu.dma_semaphore, #tpu.memory_space<semaphore_mem>>) src(%arg8 : memref<48xi32, #tpu.memory_space<hbm>>) dst(%arg21 : memref<48xi32, #tpu.memory_space<vmem>>)
    %iota3A = tpu.iota {dimensions = array<i32: 0>} : vector<16xi32>
    %get3A = arith.constant 0 : index
    %get3A_25 = tpu.vector_load %arg21[%get3A] {strides = array<i32>} : memref<48xi32, #tpu.memory_space<vmem>>, vector<16xi32>,
    %get3A_26 = arith.constant 16 : index
    %get3A_27 = tpu.vector_load %arg21[%get3A_26] {strides = array<i32>} : memref<48xi32, #tpu.memory_space<vmem>>, vector<16xi32>,
    %get3A_28 = arith.constant 32 : index
    %get3A_29 = tpu.vector_load %arg21[%get3A_28] {strides = array<i32>} : memref<48xi32, #tpu.memory_space<vmem>>, vector<16xi32>,
    %eq3A = arith.constant 0 : i32
    %eq3A_30 = vector.broadcast %eq3A : i32 to vector<16xi32>
    %eq3A_31 = arith.cmpi eq, %iota3A, %eq3A_30 : vector<16xi32>
    %jit3A = arith.constant 0 : i32
    %broadcast_in_dim3A = vector.broadcast %jit3A : i32 to vector<16xi32>
    %select_n3A = arith.select %eq3A_31, %get3A_25, %broadcast_in_dim3A : vector<16xi1>, vector<16xi32>
    %reduce_sum3A = arith.constant true
    %reduce_sum3A_32 = vector.broadcast %reduce_sum3A : i1 to vector<16xi1>
    %reduce_sum3A_33 = tpu.scan <sum>, %select_n3A masked %reduce_sum3A_32 : vector<16xi32>, vector<16xi1> -> vector<16xi32>
    %reduce_sum3A_34 = vector.extract %reduce_sum3A_33[15] : i32 from vector<16xi32>
    %eq3A_35 = arith.constant 1 : i32
    %eq3A_36 = vector.broadcast %eq3A_35 : i32 to vector<16xi32>
    %eq3A_37 = arith.cmpi eq, %iota3A, %eq3A_36 : vector<16xi32>
    %jit3A_38 = arith.constant 0 : i32
    %broadcast_in_dim3A_39 = vector.broadcast %jit3A_38 : i32 to vector<16xi32>
    %select_n3A_40 = arith.select %eq3A_37, %get3A_25, %broadcast_in_dim3A_39 : vector<16xi1>, vector<16xi32>
    %reduce_sum3A_41 = arith.constant true
    %reduce_sum3A_42 = vector.broadcast %reduce_sum3A_41 : i1 to vector<16xi1>
    %reduce_sum3A_43 = tpu.scan <sum>, %select_n3A_40 masked %reduce_sum3A_42 : vector<16xi32>, vector<16xi1> -> vector<16xi32>
    %reduce_sum3A_44 = vector.extract %reduce_sum3A_43[15] : i32 from vector<16xi32>
    %eq3A_45 = arith.constant 0 : i32
    %eq3A_46 = arith.cmpi eq, %arg0, %eq3A_45 : i32
    %select_n3A_47 = arith.select %eq3A_46, %get3A_27, %get3A_29 : vector<16xi32>
    %eq3A_48 = vector.broadcast %arg1 : i32 to vector<16xi32>
    %eq3A_49 = arith.cmpi eq, %iota3A, %eq3A_48 : vector<16xi32>
    %jit3A_50 = arith.constant 0 : i32
    %broadcast_in_dim3A_51 = vector.broadcast %jit3A_50 : i32 to vector<16xi32>
    %select_n3A_52 = arith.select %eq3A_49, %select_n3A_47, %broadcast_in_dim3A_51 : vector<16xi1>, vector<16xi32>
    %reduce_sum3A_53 = arith.constant true
    %reduce_sum3A_54 = vector.broadcast %reduce_sum3A_53 : i1 to vector<16xi1>
    %reduce_sum3A_55 = tpu.scan <sum>, %select_n3A_52 masked %reduce_sum3A_54 : vector<16xi32>, vector<16xi1> -> vector<16xi32>
    %reduce_sum3A_56 = vector.extract %reduce_sum3A_55[15] : i32 from vector<16xi32>
    %gt3A = arith.constant 0 : i32
    %gt3A_57 = arith.cmpi sgt, %reduce_sum3A_34, %gt3A : i32
    %mul3A_58 = arith.constant 16 : i32
    %mul3A_59 = arith.muli %add3A, %mul3A_58 : i32
    %add3A_60 = arith.constant 1024 : i32
    %add3A_61 = arith.addi %add3A_60, %mul3A_59 : i32
    %get3A_62 = arith.constant 0 : index
    %get3A_63 = tpu.vector_load %arg19[%get3A_62] {strides = array<i32>} : memref<640xf32, #tpu.memory_space<vmem>>, vector<16xf32>,
    %gt3A_64 = arith.constant 5.000000e-02 : f32
    %gt3A_65 = vector.broadcast %gt3A_64 : f32 to vector<16xf32>
    %gt3A_66 = arith.cmpf ogt, %get3A_63, %gt3A_65 : vector<16xf32>
    %bitcast_convert_type3A = tpu.bitcast %get3A_63 : vector<16xf32> -> vector<16xi32>
    %jit3A_67 = arith.constant 0 : i32
    %broadcast_in_dim3A_68 = vector.broadcast %jit3A_67 : i32 to vector<16xi32>
    %select_n3A_69 = arith.select %gt3A_66, %bitcast_convert_type3A, %broadcast_in_dim3A_68 : vector<16xi1>, vector<16xi32>
    %add3A_70 = arith.constant 0 : i32
    %add3A_71 = arith.addi %mul3A_2, %add3A_70 : i32
    %add3A_72 = vector.broadcast %add3A_71 : i32 to vector<16xi32>
    %add3A_73 = arith.addi %add3A_72, %iota3A : vector<16xi32>
    %gt3A_74 = vector.broadcast %reduce_sum3A_34 : i32 to vector<16xi32>
    %gt3A_75 = arith.cmpi sgt, %select_n3A_69, %gt3A_74 : vector<16xi32>
    %eq3A_76 = vector.broadcast %reduce_sum3A_34 : i32 to vector<16xi32>
    %eq3A_77 = arith.cmpi eq, %select_n3A_69, %eq3A_76 : vector<16xi32>
    %and3A = vector.broadcast %gt3A_57 : i1 to vector<16xi1>
    %and3A_78 = arith.andi %eq3A_77, %and3A : vector<16xi1>
    %lt3A = vector.broadcast %reduce_sum3A_44 : i32 to vector<16xi32>
    %lt3A_79 = arith.cmpi slt, %add3A_73, %lt3A : vector<16xi32>
    %and3A_80 = arith.andi %and3A_78, %lt3A_79 : vector<16xi1>
    %or3A = arith.ori %gt3A_75, %and3A_80 : vector<16xi1>
    %convert_element_type3A = arith.extui %or3A : vector<16xi1> to vector<16xi32>
    %cumsum3A = arith.constant true
    %cumsum3A_81 = vector.broadcast %cumsum3A : i1 to vector<16xi1>
    %cumsum3A_82 = tpu.scan <sum>, %convert_element_type3A masked %cumsum3A_81 : vector<16xi32>, vector<16xi1> -> vector<16xi32>
    %add3A_83 = arith.constant 0 : i32
    %add3A_84 = arith.addi %reduce_sum3A_56, %add3A_83 : i32
    %add3A_85 = vector.broadcast %add3A_84 : i32 to vector<16xi32>
    %add3A_86 = arith.addi %add3A_85, %cumsum3A_82 : vector<16xi32>
    %sub3A = arith.constant 1 : i32
    %sub3A_87 = vector.broadcast %sub3A : i32 to vector<16xi32>
    %sub3A_88 = arith.subi %add3A_86, %sub3A_87 : vector<16xi32>
    %broadcast_in_dim3A_89 = vector.broadcast %add3A_61 : i32 to vector<16xi32>
    %select_n3A_90 = arith.select %or3A, %sub3A_88, %broadcast_in_dim3A_89 : vector<16xi1>, vector<16xi32>
    %swap3A = arith.constant 0 : i32
    %swap3A_91 = arith.index_cast %swap3A : i32 to index
    %swap3A_92 = arith.constant 0 : index
    %swap3A_93 = tpu.vector_load %arg22[%swap3A_91, %swap3A_92] {strides = array<i32>} : memref<5x128xi32, #tpu.memory_space<vmem>>, vector<16xi32>,
    tpu.vector_store %arg22[%swap3A_91, %swap3A_92], %select_n3A_90 {strides = array<i32>} : memref<5x128xi32, #tpu.memory_space<vmem>>, vector<16xi32>,
    %reduce_sum3A_94 = arith.constant true
    %reduce_sum3A_95 = vector.broadcast %reduce_sum3A_94 : i1 to vector<16xi1>
    %reduce_sum3A_96 = tpu.scan <sum>, %convert_element_type3A masked %reduce_sum3A_95 : vector<16xi32>, vector<16xi1> -> vector<16xi32>
    %reduce_sum3A_97 = vector.extract %reduce_sum3A_96[15] : i32 from vector<16xi32>
    %add3A_98 = arith.constant 0 : i32
    %add3A_99 = arith.addi %add3A_98, %reduce_sum3A_97 : i32
    %get3A_100 = arith.constant 16 : index
    %get3A_101 = tpu.vector_load %arg19[%get3A_100] {strides = array<i32>} : memref<640xf32, #tpu.memory_space<vmem>>, vector<16xf32>,
    %gt3A_102 = arith.constant 5.000000e-02 : f32
    %gt3A_103 = vector.broadcast %gt3A_102 : f32 to vector<16xf32>
    %gt3A_104 = arith.cmpf ogt, %get3A_101, %gt3A_103 : vector<16xf32>
    %bitcast_convert_type3A_105 = tpu.bitcast %get3A_101 : vector<16xf32> -> vector<16xi32>
    %jit3A_106 = arith.constant 0 : i32
    %broadcast_in_dim3A_107 = vector.broadcast %jit3A_106 : i32 to vector<16xi32>
    %select_n3A_108 = arith.select %gt3A_104, %bitcast_convert_type3A_105, %broadcast_in_dim3A_107 : vector<16xi1>, vector<16xi32>
    %add3A_109 = arith.constant 16 : i32
    %add3A_110 = arith.addi %mul3A_2, %add3A_109 : i32
    %add3A_111 = vector.broadcast %add3A_110 : i32 to vector<16xi32>
    %add3A_112 = arith.addi %add3A_111, %iota3A : vector<16xi32>
    %gt3A_113 = vector.broadcast %reduce_sum3A_34 : i32 to vector<16xi32>
    %gt3A_114 = arith.cmpi sgt, %select_n3A_108, %gt3A_113 : vector<16xi32>
    %eq3A_115 = vector.broadcast %reduce_sum3A_34 : i32 to vector<16xi32>
    %eq3A_116 = arith.cmpi eq, %select_n3A_108, %eq3A_115 : vector<16xi32>
    %and3A_117 = vector.broadcast %gt3A_57 : i1 to vector<16xi1>
    %and3A_118 = arith.andi %eq3A_116, %and3A_117 : vector<16xi1>
    %lt3A_119 = vector.broadcast %reduce_sum3A_44 : i32 to vector<16xi32>
    %lt3A_120 = arith.cmpi slt, %add3A_112, %lt3A_119 : vector<16xi32>
    %and3A_121 = arith.andi %and3A_118, %lt3A_120 : vector<16xi1>
    %or3A_122 = arith.ori %gt3A_114, %and3A_121 : vector<16xi1>
    %convert_element_type3A_123 = arith.extui %or3A_122 : vector<16xi1> to vector<16xi32>
    %cumsum3A_124 = arith.constant true
    %cumsum3A_125 = vector.broadcast %cumsum3A_124 : i1 to vector<16xi1>
    %cumsum3A_126 = tpu.scan <sum>, %convert_element_type3A_123 masked %cumsum3A_125 : vector<16xi32>, vector<16xi1> -> vector<16xi32>
    %add3A_127 = arith.addi %reduce_sum3A_56, %add3A_99 : i32
    %add3A_128 = vector.broadcast %add3A_127 : i32 to vector<16xi32>
    %add3A_129 = arith.addi %add3A_128, %cumsum3A_126 : vector<16xi32>
    %sub3A_130 = arith.constant 1 : i32
    %sub3A_131 = vector.broadcast %sub3A_130 : i32 to vector<16xi32>
    %sub3A_132 = arith.subi %add3A_129, %sub3A_131 : vector<16xi32>
    %broadcast_in_dim3A_133 = vector.broadcast %add3A_61 : i32 to vector<16xi32>
    %select_n3A_134 = arith.select %or3A_122, %sub3A_132, %broadcast_in_dim3A_133 : vector<16xi1>, vector<16xi32>
    %swap3A_135 = arith.constant 0 : i32
    %swap3A_136 = arith.index_cast %swap3A_135 : i32 to index
    %swap3A_137 = arith.constant 16 : index
    %swap3A_138 = tpu.vector_load %arg22[%swap3A_136, %swap3A_137] {strides = array<i32>} : memref<5x128xi32, #tpu.memory_space<vmem>>, vector<16xi32>,
    tpu.vector_store %arg22[%swap3A_136, %swap3A_137], %select_n3A_134 {strides = array<i32>} : memref<5x128xi32, #tpu.memory_space<vmem>>, vector<16xi32>,
    %reduce_sum3A_139 = arith.constant true
    %reduce_sum3A_140 = vector.broadcast %reduce_sum3A_139 : i1 to vector<16xi1>
    %reduce_sum3A_141 = tpu.scan <sum>, %convert_element_type3A_123 masked %reduce_sum3A_140 : vector<16xi32>, vector<16xi1> -> vector<16xi32>
    %reduce_sum3A_142 = vector.extract %reduce_sum3A_141[15] : i32 from vector<16xi32>
    %add3A_143 = arith.addi %add3A_99, %reduce_sum3A_142 : i32
    %get3A_144 = arith.constant 32 : index
    %get3A_145 = tpu.vector_load %arg19[%get3A_144] {strides = array<i32>} : memref<640xf32, #tpu.memory_space<vmem>>, vector<16xf32>,
    %gt3A_146 = arith.constant 5.000000e-02 : f32
    %gt3A_147 = vector.broadcast %gt3A_146 : f32 to vector<16xf32>
    %gt3A_148 = arith.cmpf ogt, %get3A_145, %gt3A_147 : vector<16xf32>
    %bitcast_convert_type3A_149 = tpu.bitcast %get3A_145 : vector<16xf32> -> vector<16xi32>
    %jit3A_150 = arith.constant 0 : i32
    %broadcast_in_dim3A_151 = vector.broadcast %jit3A_150 : i32 to vector<16xi32>
    %select_n3A_152 = arith.select %gt3A_148, %bitcast_convert_type3A_149, %broadcast_in_dim3A_151 : vector<16xi1>, vector<16xi32>
    %add3A_153 = arith.constant 32 : i32
    %add3A_154 = arith.addi %mul3A_2, %add3A_153 : i32
    %add3A_155 = vector.broadcast %add3A_154 : i32 to vector<16xi32>
    %add3A_156 = arith.addi %add3A_155, %iota3A : vector<16xi32>
    %gt3A_157 = vector.broadcast %reduce_sum3A_34 : i32 to vector<16xi32>
    %gt3A_158 = arith.cmpi sgt, %select_n3A_152, %gt3A_157 : vector<16xi32>
    %eq3A_159 = vector.broadcast %reduce_sum3A_34 : i32 to vector<16xi32>
    %eq3A_160 = arith.cmpi eq, %select_n3A_152, %eq3A_159 : vector<16xi32>
    %and3A_161 = vector.broadcast %gt3A_57 : i1 to vector<16xi1>
    %and3A_162 = arith.andi %eq3A_160, %and3A_161 : vector<16xi1>
    %lt3A_163 = vector.broadcast %reduce_sum3A_44 : i32 to vector<16xi32>
    %lt3A_164 = arith.cmpi slt, %add3A_156, %lt3A_163 : vector<16xi32>
    %and3A_165 = arith.andi %and3A_162, %lt3A_164 : vector<16xi1>
    %or3A_166 = arith.ori %gt3A_158, %and3A_165 : vector<16xi1>
    %convert_element_type3A_167 = arith.extui %or3A_166 : vector<16xi1> to vector<16xi32>
    %cumsum3A_168 = arith.constant true
    %cumsum3A_169 = vector.broadcast %cumsum3A_168 : i1 to vector<16xi1>
    %cumsum3A_170 = tpu.scan <sum>, %convert_element_type3A_167 masked %cumsum3A_169 : vector<16xi32>, vector<16xi1> -> vector<16xi32>
    %add3A_171 = arith.addi %reduce_sum3A_56, %add3A_143 : i32
    %add3A_172 = vector.broadcast %add3A_171 : i32 to vector<16xi32>
    %add3A_173 = arith.addi %add3A_172, %cumsum3A_170 : vector<16xi32>
    %sub3A_174 = arith.constant 1 : i32
    %sub3A_175 = vector.broadcast %sub3A_174 : i32 to vector<16xi32>
    %sub3A_176 = arith.subi %add3A_173, %sub3A_175 : vector<16xi32>
    %broadcast_in_dim3A_177 = vector.broadcast %add3A_61 : i32 to vector<16xi32>
    %select_n3A_178 = arith.select %or3A_166, %sub3A_176, %broadcast_in_dim3A_177 : vector<16xi1>, vector<16xi32>
    %swap3A_179 = arith.constant 0 : i32
    %swap3A_180 = arith.index_cast %swap3A_179 : i32 to index
    %swap3A_181 = arith.constant 32 : index
    %swap3A_182 = tpu.vector_load %arg22[%swap3A_180, %swap3A_181] {strides = array<i32>} : memref<5x128xi32, #tpu.memory_space<vmem>>, vector<16xi32>,
    tpu.vector_store %arg22[%swap3A_180, %swap3A_181], %select_n3A_178 {strides = array<i32>} : memref<5x128xi32, #tpu.memory_space<vmem>>, vector<16xi32>,
    %reduce_sum3A_183 = arith.constant true
    %reduce_sum3A_184 = vector.broadcast %reduce_sum3A_183 : i1 to vector<16xi1>
    %reduce_sum3A_185 = tpu.scan <sum>, %convert_element_type3A_167 masked %reduce_sum3A_184 : vector<16xi32>, vector<16xi1> -> vector<16xi32>
    %reduce_sum3A_186 = vector.extract %reduce_sum3A_185[15] : i32 from vector<16xi32>
    %add3A_187 = arith.addi %add3A_143, %reduce_sum3A_186 : i32
    %get3A_188 = arith.constant 48 : index
    %get3A_189 = tpu.vector_load %arg19[%get3A_188] {strides = array<i32>} : memref<640xf32, #tpu.memory_space<vmem>>, vector<16xf32>,
    %gt3A_190 = arith.constant 5.000000e-02 : f32
    %gt3A_191 = vector.broadcast %gt3A_190 : f32 to vector<16xf32>
    %gt3A_192 = arith.cmpf ogt, %get3A_189, %gt3A_191 : vector<16xf32>
    %bitcast_convert_type3A_193 = tpu.bitcast %get3A_189 : vector<16xf32> -> vector<16xi32>
    %jit3A_194 = arith.constant 0 : i32
    %broadcast_in_dim3A_195 = vector.broadcast %jit3A_194 : i32 to vector<16xi32>
    %select_n3A_196 = arith.select %gt3A_192, %bitcast_convert_type3A_193, %broadcast_in_dim3A_195 : vector<16xi1>, vector<16xi32>
    %add3A_197 = arith.constant 48 : i32
    %add3A_198 = arith.addi %mul3A_2, %add3A_197 : i32
    %add3A_199 = vector.broadcast %add3A_198 : i32 to vector<16xi32>
    %add3A_200 = arith.addi %add3A_199, %iota3A : vector<16xi32>
    %gt3A_201 = vector.broadcast %reduce_sum3A_34 : i32 to vector<16xi32>
    %gt3A_202 = arith.cmpi sgt, %select_n3A_196, %gt3A_201 : vector<16xi32>
    %eq3A_203 = vector.broadcast %reduce_sum3A_34 : i32 to vector<16xi32>
    %eq3A_204 = arith.cmpi eq, %select_n3A_196, %eq3A_203 : vector<16xi32>
    %and3A_205 = vector.broadcast %gt3A_57 : i1 to vector<16xi1>
    %and3A_206 = arith.andi %eq3A_204, %and3A_205 : vector<16xi1>
    %lt3A_207 = vector.broadcast %reduce_sum3A_44 : i32 to vector<16xi32>
    %lt3A_208 = arith.cmpi slt, %add3A_200, %lt3A_207 : vector<16xi32>
    %and3A_209 = arith.andi %and3A_206, %lt3A_208 : vector<16xi1>
    %or3A_210 = arith.ori %gt3A_202, %and3A_209 : vector<16xi1>
    %convert_element_type3A_211 = arith.extui %or3A_210 : vector<16xi1> to vector<16xi32>
    %cumsum3A_212 = arith.constant true
    %cumsum3A_213 = vector.broadcast %cumsum3A_212 : i1 to vector<16xi1>
    %cumsum3A_214 = tpu.scan <sum>, %convert_element_type3A_211 masked %cumsum3A_213 : vector<16xi32>, vector<16xi1> -> vector<16xi32>
    %add3A_215 = arith.addi %reduce_sum3A_56, %add3A_187 : i32
    %add3A_216 = vector.broadcast %add3A_215 : i32 to vector<16xi32>
    %add3A_217 = arith.addi %add3A_216, %cumsum3A_214 : vector<16xi32>
    %sub3A_218 = arith.constant 1 : i32
    %sub3A_219 = vector.broadcast %sub3A_218 : i32 to vector<16xi32>
    %sub3A_220 = arith.subi %add3A_217, %sub3A_219 : vector<16xi32>
    %broadcast_in_dim3A_221 = vector.broadcast %add3A_61 : i32 to vector<16xi32>
    %select_n3A_222 = arith.select %or3A_210, %sub3A_220, %broadcast_in_dim3A_221 : vector<16xi1>, vector<16xi32>
    %swap3A_223 = arith.constant 0 : i32
    %swap3A_224 = arith.index_cast %swap3A_223 : i32 to index
    %swap3A_225 = arith.constant 48 : index
    %swap3A_226 = tpu.vector_load %arg22[%swap3A_224, %swap3A_225] {strides = array<i32>} : memref<5x128xi32, #tpu.memory_space<vmem>>, vector<16xi32>,
    tpu.vector_store %arg22[%swap3A_224, %swap3A_225], %select_n3A_222 {strides = array<i32>} : memref<5x128xi32, #tpu.memory_space<vmem>>, vector<16xi32>,
    %reduce_sum3A_227 = arith.constant true
    %reduce_sum3A_228 = vector.broadcast %reduce_sum3A_227 : i1 to vector<16xi1>
    %reduce_sum3A_229 = tpu.scan <sum>, %convert_element_type3A_211 masked %reduce_sum3A_228 : vector<16xi32>, vector<16xi1> -> vector<16xi32>
    %reduce_sum3A_230 = vector.extract %reduce_sum3A_229[15] : i32 from vector<16xi32>
    %add3A_231 = arith.addi %add3A_187, %reduce_sum3A_230 : i32
    %get3A_232 = arith.constant 64 : index
    %get3A_233 = tpu.vector_load %arg19[%get3A_232] {strides = array<i32>} : memref<640xf32, #tpu.memory_space<vmem>>, vector<16xf32>,
    %gt3A_234 = arith.constant 5.000000e-02 : f32
    %gt3A_235 = vector.broadcast %gt3A_234 : f32 to vector<16xf32>
    %gt3A_236 = arith.cmpf ogt, %get3A_233, %gt3A_235 : vector<16xf32>
    %bitcast_convert_type3A_237 = tpu.bitcast %get3A_233 : vector<16xf32> -> vector<16xi32>
    %jit3A_238 = arith.constant 0 : i32
    %broadcast_in_dim3A_239 = vector.broadcast %jit3A_238 : i32 to vector<16xi32>
    %select_n3A_240 = arith.select %gt3A_236, %bitcast_convert_type3A_237, %broadcast_in_dim3A_239 : vector<16xi1>, vector<16xi32>
    %add3A_241 = arith.constant 64 : i32
    %add3A_242 = arith.addi %mul3A_2, %add3A_241 : i32
    %add3A_243 = vector.broadcast %add3A_242 : i32 to vector<16xi32>
    %add3A_244 = arith.addi %add3A_243, %iota3A : vector<16xi32>
    %gt3A_245 = vector.broadcast %reduce_sum3A_34 : i32 to vector<16xi32>
    %gt3A_246 = arith.cmpi sgt, %select_n3A_240, %gt3A_245 : vector<16xi32>
    %eq3A_247 = vector.broadcast %reduce_sum3A_34 : i32 to vector<16xi32>
    %eq3A_248 = arith.cmpi eq, %select_n3A_240, %eq3A_247 : vector<16xi32>
    %and3A_249 = vector.broadcast %gt3A_57 : i1 to vector<16xi1>
    %and3A_250 = arith.andi %eq3A_248, %and3A_249 : vector<16xi1>
    %lt3A_251 = vector.broadcast %reduce_sum3A_44 : i32 to vector<16xi32>
    %lt3A_252 = arith.cmpi slt, %add3A_244, %lt3A_251 : vector<16xi32>
    %and3A_253 = arith.andi %and3A_250, %lt3A_252 : vector<16xi1>
    %or3A_254 = arith.ori %gt3A_246, %and3A_253 : vector<16xi1>
    %convert_element_type3A_255 = arith.extui %or3A_254 : vector<16xi1> to vector<16xi32>
    %cumsum3A_256 = arith.constant true
    %cumsum3A_257 = vector.broadcast %cumsum3A_256 : i1 to vector<16xi1>
    %cumsum3A_258 = tpu.scan <sum>, %convert_element_type3A_255 masked %cumsum3A_257 : vector<16xi32>, vector<16xi1> -> vector<16xi32>
    %add3A_259 = arith.addi %reduce_sum3A_56, %add3A_231 : i32
    %add3A_260 = vector.broadcast %add3A_259 : i32 to vector<16xi32>
    %add3A_261 = arith.addi %add3A_260, %cumsum3A_258 : vector<16xi32>
    %sub3A_262 = arith.constant 1 : i32
    %sub3A_263 = vector.broadcast %sub3A_262 : i32 to vector<16xi32>
    %sub3A_264 = arith.subi %add3A_261, %sub3A_263 : vector<16xi32>
    %broadcast_in_dim3A_265 = vector.broadcast %add3A_61 : i32 to vector<16xi32>
    %select_n3A_266 = arith.select %or3A_254, %sub3A_264, %broadcast_in_dim3A_265 : vector<16xi1>, vector<16xi32>
    %swap3A_267 = arith.constant 0 : i32
    %swap3A_268 = arith.index_cast %swap3A_267 : i32 to index
    %swap3A_269 = arith.constant 64 : index
    %swap3A_270 = tpu.vector_load %arg22[%swap3A_268, %swap3A_269] {strides = array<i32>} : memref<5x128xi32, #tpu.memory_space<vmem>>, vector<16xi32>,
    tpu.vector_store %arg22[%swap3A_268, %swap3A_269], %select_n3A_266 {strides = array<i32>} : memref<5x128xi32, #tpu.memory_space<vmem>>, vector<16xi32>,
    %reduce_sum3A_271 = arith.constant true
    %reduce_sum3A_272 = vector.broadcast %reduce_sum3A_271 : i1 to vector<16xi1>
    %reduce_sum3A_273 = tpu.scan <sum>, %convert_element_type3A_255 masked %reduce_sum3A_272 : vector<16xi32>, vector<16xi1> -> vector<16xi32>
    %reduce_sum3A_274 = vector.extract %reduce_sum3A_273[15] : i32 from vector<16xi32>
    %add3A_275 = arith.addi %add3A_231, %reduce_sum3A_274 : i32
    %get3A_276 = arith.constant 80 : index
    %get3A_277 = tpu.vector_load %arg19[%get3A_276] {strides = array<i32>} : memref<640xf32, #tpu.memory_space<vmem>>, vector<16xf32>,
    %gt3A_278 = arith.constant 5.000000e-02 : f32
    %gt3A_279 = vector.broadcast %gt3A_278 : f32 to vector<16xf32>
    %gt3A_280 = arith.cmpf ogt, %get3A_277, %gt3A_279 : vector<16xf32>
    %bitcast_convert_type3A_281 = tpu.bitcast %get3A_277 : vector<16xf32> -> vector<16xi32>
    %jit3A_282 = arith.constant 0 : i32
    %broadcast_in_dim3A_283 = vector.broadcast %jit3A_282 : i32 to vector<16xi32>
    %select_n3A_284 = arith.select %gt3A_280, %bitcast_convert_type3A_281, %broadcast_in_dim3A_283 : vector<16xi1>, vector<16xi32>
    %add3A_285 = arith.constant 80 : i32
    %add3A_286 = arith.addi %mul3A_2, %add3A_285 : i32
    %add3A_287 = vector.broadcast %add3A_286 : i32 to vector<16xi32>
    %add3A_288 = arith.addi %add3A_287, %iota3A : vector<16xi32>
    %gt3A_289 = vector.broadcast %reduce_sum3A_34 : i32 to vector<16xi32>
    %gt3A_290 = arith.cmpi sgt, %select_n3A_284, %gt3A_289 : vector<16xi32>
    %eq3A_291 = vector.broadcast %reduce_sum3A_34 : i32 to vector<16xi32>
    %eq3A_292 = arith.cmpi eq, %select_n3A_284, %eq3A_291 : vector<16xi32>
    %and3A_293 = vector.broadcast %gt3A_57 : i1 to vector<16xi1>
    %and3A_294 = arith.andi %eq3A_292, %and3A_293 : vector<16xi1>
    %lt3A_295 = vector.broadcast %reduce_sum3A_44 : i32 to vector<16xi32>
    %lt3A_296 = arith.cmpi slt, %add3A_288, %lt3A_295 : vector<16xi32>
    %and3A_297 = arith.andi %and3A_294, %lt3A_296 : vector<16xi1>
    %or3A_298 = arith.ori %gt3A_290, %and3A_297 : vector<16xi1>
    %convert_element_type3A_299 = arith.extui %or3A_298 : vector<16xi1> to vector<16xi32>
    %cumsum3A_300 = arith.constant true
    %cumsum3A_301 = vector.broadcast %cumsum3A_300 : i1 to vector<16xi1>
    %cumsum3A_302 = tpu.scan <sum>, %convert_element_type3A_299 masked %cumsum3A_301 : vector<16xi32>, vector<16xi1> -> vector<16xi32>
    %add3A_303 = arith.addi %reduce_sum3A_56, %add3A_275 : i32
    %add3A_304 = vector.broadcast %add3A_303 : i32 to vector<16xi32>
    %add3A_305 = arith.addi %add3A_304, %cumsum3A_302 : vector<16xi32>
    %sub3A_306 = arith.constant 1 : i32
    %sub3A_307 = vector.broadcast %sub3A_306 : i32 to vector<16xi32>
    %sub3A_308 = arith.subi %add3A_305, %sub3A_307 : vector<16xi32>
    %broadcast_in_dim3A_309 = vector.broadcast %add3A_61 : i32 to vector<16xi32>
    %select_n3A_310 = arith.select %or3A_298, %sub3A_308, %broadcast_in_dim3A_309 : vector<16xi1>, vector<16xi32>
    %swap3A_311 = arith.constant 0 : i32
    %swap3A_312 = arith.index_cast %swap3A_311 : i32 to index
    %swap3A_313 = arith.constant 80 : index
    %swap3A_314 = tpu.vector_load %arg22[%swap3A_312, %swap3A_313] {strides = array<i32>} : memref<5x128xi32, #tpu.memory_space<vmem>>, vector<16xi32>,
    tpu.vector_store %arg22[%swap3A_312, %swap3A_313], %select_n3A_310 {strides = array<i32>} : memref<5x128xi32, #tpu.memory_space<vmem>>, vector<16xi32>,
    %reduce_sum3A_315 = arith.constant true
    %reduce_sum3A_316 = vector.broadcast %reduce_sum3A_315 : i1 to vector<16xi1>
    %reduce_sum3A_317 = tpu.scan <sum>, %convert_element_type3A_299 masked %reduce_sum3A_316 : vector<16xi32>, vector<16xi1> -> vector<16xi32>
    %reduce_sum3A_318 = vector.extract %reduce_sum3A_317[15] : i32 from vector<16xi32>
    %add3A_319 = arith.addi %add3A_275, %reduce_sum3A_318 : i32
    %get3A_320 = arith.constant 96 : index
    %get3A_321 = tpu.vector_load %arg19[%get3A_320] {strides = array<i32>} : memref<640xf32, #tpu.memory_space<vmem>>, vector<16xf32>,
    %gt3A_322 = arith.constant 5.000000e-02 : f32
    %gt3A_323 = vector.broadcast %gt3A_322 : f32 to vector<16xf32>
    %gt3A_324 = arith.cmpf ogt, %get3A_321, %gt3A_323 : vector<16xf32>
    %bitcast_convert_type3A_325 = tpu.bitcast %get3A_321 : vector<16xf32> -> vector<16xi32>
    %jit3A_326 = arith.constant 0 : i32
    %broadcast_in_dim3A_327 = vector.broadcast %jit3A_326 : i32 to vector<16xi32>
    %select_n3A_328 = arith.select %gt3A_324, %bitcast_convert_type3A_325, %broadcast_in_dim3A_327 : vector<16xi1>, vector<16xi32>
    %add3A_329 = arith.constant 96 : i32
    %add3A_330 = arith.addi %mul3A_2, %add3A_329 : i32
    %add3A_331 = vector.broadcast %add3A_330 : i32 to vector<16xi32>
    %add3A_332 = arith.addi %add3A_331, %iota3A : vector<16xi32>
    %gt3A_333 = vector.broadcast %reduce_sum3A_34 : i32 to vector<16xi32>
    %gt3A_334 = arith.cmpi sgt, %select_n3A_328, %gt3A_333 : vector<16xi32>
    %eq3A_335 = vector.broadcast %reduce_sum3A_34 : i32 to vector<16xi32>
    %eq3A_336 = arith.cmpi eq, %select_n3A_328, %eq3A_335 : vector<16xi32>
    %and3A_337 = vector.broadcast %gt3A_57 : i1 to vector<16xi1>
    %and3A_338 = arith.andi %eq3A_336, %and3A_337 : vector<16xi1>
    %lt3A_339 = vector.broadcast %reduce_sum3A_44 : i32 to vector<16xi32>
    %lt3A_340 = arith.cmpi slt, %add3A_332, %lt3A_339 : vector<16xi32>
    %and3A_341 = arith.andi %and3A_338, %lt3A_340 : vector<16xi1>
    %or3A_342 = arith.ori %gt3A_334, %and3A_341 : vector<16xi1>
    %convert_element_type3A_343 = arith.extui %or3A_342 : vector<16xi1> to vector<16xi32>
    %cumsum3A_344 = arith.constant true
    %cumsum3A_345 = vector.broadcast %cumsum3A_344 : i1 to vector<16xi1>
    %cumsum3A_346 = tpu.scan <sum>, %convert_element_type3A_343 masked %cumsum3A_345 : vector<16xi32>, vector<16xi1> -> vector<16xi32>
    %add3A_347 = arith.addi %reduce_sum3A_56, %add3A_319 : i32
    %add3A_348 = vector.broadcast %add3A_347 : i32 to vector<16xi32>
    %add3A_349 = arith.addi %add3A_348, %cumsum3A_346 : vector<16xi32>
    %sub3A_350 = arith.constant 1 : i32
    %sub3A_351 = vector.broadcast %sub3A_350 : i32 to vector<16xi32>
    %sub3A_352 = arith.subi %add3A_349, %sub3A_351 : vector<16xi32>
    %broadcast_in_dim3A_353 = vector.broadcast %add3A_61 : i32 to vector<16xi32>
    %select_n3A_354 = arith.select %or3A_342, %sub3A_352, %broadcast_in_dim3A_353 : vector<16xi1>, vector<16xi32>
    %swap3A_355 = arith.constant 0 : i32
    %swap3A_356 = arith.index_cast %swap3A_355 : i32 to index
    %swap3A_357 = arith.constant 96 : index
    %swap3A_358 = tpu.vector_load %arg22[%swap3A_356, %swap3A_357] {strides = array<i32>} : memref<5x128xi32, #tpu.memory_space<vmem>>, vector<16xi32>,
    tpu.vector_store %arg22[%swap3A_356, %swap3A_357], %select_n3A_354 {strides = array<i32>} : memref<5x128xi32, #tpu.memory_space<vmem>>, vector<16xi32>,
    %reduce_sum3A_359 = arith.constant true
    %reduce_sum3A_360 = vector.broadcast %reduce_sum3A_359 : i1 to vector<16xi1>
    %reduce_sum3A_361 = tpu.scan <sum>, %convert_element_type3A_343 masked %reduce_sum3A_360 : vector<16xi32>, vector<16xi1> -> vector<16xi32>
    %reduce_sum3A_362 = vector.extract %reduce_sum3A_361[15] : i32 from vector<16xi32>
    %add3A_363 = arith.addi %add3A_319, %reduce_sum3A_362 : i32
    %get3A_364 = arith.constant 112 : index
    %get3A_365 = tpu.vector_load %arg19[%get3A_364] {strides = array<i32>} : memref<640xf32, #tpu.memory_space<vmem>>, vector<16xf32>,
    %gt3A_366 = arith.constant 5.000000e-02 : f32
    %gt3A_367 = vector.broadcast %gt3A_366 : f32 to vector<16xf32>
    %gt3A_368 = arith.cmpf ogt, %get3A_365, %gt3A_367 : vector<16xf32>
    %bitcast_convert_type3A_369 = tpu.bitcast %get3A_365 : vector<16xf32> -> vector<16xi32>
    %jit3A_370 = arith.constant 0 : i32
    %broadcast_in_dim3A_371 = vector.broadcast %jit3A_370 : i32 to vector<16xi32>
    %select_n3A_372 = arith.select %gt3A_368, %bitcast_convert_type3A_369, %broadcast_in_dim3A_371 : vector<16xi1>, vector<16xi32>
    %add3A_373 = arith.constant 112 : i32
    %add3A_374 = arith.addi %mul3A_2, %add3A_373 : i32
    %add3A_375 = vector.broadcast %add3A_374 : i32 to vector<16xi32>
    %add3A_376 = arith.addi %add3A_375, %iota3A : vector<16xi32>
    %gt3A_377 = vector.broadcast %reduce_sum3A_34 : i32 to vector<16xi32>
    %gt3A_378 = arith.cmpi sgt, %select_n3A_372, %gt3A_377 : vector<16xi32>
    %eq3A_379 = vector.broadcast %reduce_sum3A_34 : i32 to vector<16xi32>
    %eq3A_380 = arith.cmpi eq, %select_n3A_372, %eq3A_379 : vector<16xi32>
    %and3A_381 = vector.broadcast %gt3A_57 : i1 to vector<16xi1>
    %and3A_382 = arith.andi %eq3A_380, %and3A_381 : vector<16xi1>
    %lt3A_383 = vector.broadcast %reduce_sum3A_44 : i32 to vector<16xi32>
    %lt3A_384 = arith.cmpi slt, %add3A_376, %lt3A_383 : vector<16xi32>
    %and3A_385 = arith.andi %and3A_382, %lt3A_384 : vector<16xi1>
    %or3A_386 = arith.ori %gt3A_378, %and3A_385 : vector<16xi1>
    %convert_element_type3A_387 = arith.extui %or3A_386 : vector<16xi1> to vector<16xi32>
    %cumsum3A_388 = arith.constant true
    %cumsum3A_389 = vector.broadcast %cumsum3A_388 : i1 to vector<16xi1>
    %cumsum3A_390 = tpu.scan <sum>, %convert_element_type3A_387 masked %cumsum3A_389 : vector<16xi32>, vector<16xi1> -> vector<16xi32>
    %add3A_391 = arith.addi %reduce_sum3A_56, %add3A_363 : i32
    %add3A_392 = vector.broadcast %add3A_391 : i32 to vector<16xi32>
    %add3A_393 = arith.addi %add3A_392, %cumsum3A_390 : vector<16xi32>
    %sub3A_394 = arith.constant 1 : i32
    %sub3A_395 = vector.broadcast %sub3A_394 : i32 to vector<16xi32>
    %sub3A_396 = arith.subi %add3A_393, %sub3A_395 : vector<16xi32>
    %broadcast_in_dim3A_397 = vector.broadcast %add3A_61 : i32 to vector<16xi32>
    %select_n3A_398 = arith.select %or3A_386, %sub3A_396, %broadcast_in_dim3A_397 : vector<16xi1>, vector<16xi32>
    %swap3A_399 = arith.constant 0 : i32
    %swap3A_400 = arith.index_cast %swap3A_399 : i32 to index
    %swap3A_401 = arith.constant 112 : index
    %swap3A_402 = tpu.vector_load %arg22[%swap3A_400, %swap3A_401] {strides = array<i32>} : memref<5x128xi32, #tpu.memory_space<vmem>>, vector<16xi32>,
    tpu.vector_store %arg22[%swap3A_400, %swap3A_401], %select_n3A_398 {strides = array<i32>} : memref<5x128xi32, #tpu.memory_space<vmem>>, vector<16xi32>,
    %reduce_sum3A_403 = arith.constant true
    %reduce_sum3A_404 = vector.broadcast %reduce_sum3A_403 : i1 to vector<16xi1>
    %reduce_sum3A_405 = tpu.scan <sum>, %convert_element_type3A_387 masked %reduce_sum3A_404 : vector<16xi32>, vector<16xi1> -> vector<16xi32>
    %reduce_sum3A_406 = vector.extract %reduce_sum3A_405[15] : i32 from vector<16xi32>
    %add3A_407 = arith.addi %add3A_363, %reduce_sum3A_406 : i32
    %get3A_408 = arith.constant 128 : index
    %get3A_409 = tpu.vector_load %arg19[%get3A_408] {strides = array<i32>} : memref<640xf32, #tpu.memory_space<vmem>>, vector<16xf32>,
    %gt3A_410 = arith.constant 5.000000e-02 : f32
    %gt3A_411 = vector.broadcast %gt3A_410 : f32 to vector<16xf32>
    %gt3A_412 = arith.cmpf ogt, %get3A_409, %gt3A_411 : vector<16xf32>
    %bitcast_convert_type3A_413 = tpu.bitcast %get3A_409 : vector<16xf32> -> vector<16xi32>
    %jit3A_414 = arith.constant 0 : i32
    %broadcast_in_dim3A_415 = vector.broadcast %jit3A_414 : i32 to vector<16xi32>
    %select_n3A_416 = arith.select %gt3A_412, %bitcast_convert_type3A_413, %broadcast_in_dim3A_415 : vector<16xi1>, vector<16xi32>
    %add3A_417 = arith.constant 128 : i32
    %add3A_418 = arith.addi %mul3A_2, %add3A_417 : i32
    %add3A_419 = vector.broadcast %add3A_418 : i32 to vector<16xi32>
    %add3A_420 = arith.addi %add3A_419, %iota3A : vector<16xi32>
    %gt3A_421 = vector.broadcast %reduce_sum3A_34 : i32 to vector<16xi32>
    %gt3A_422 = arith.cmpi sgt, %select_n3A_416, %gt3A_421 : vector<16xi32>
    %eq3A_423 = vector.broadcast %reduce_sum3A_34 : i32 to vector<16xi32>
    %eq3A_424 = arith.cmpi eq, %select_n3A_416, %eq3A_423 : vector<16xi32>
    %and3A_425 = vector.broadcast %gt3A_57 : i1 to vector<16xi1>
    %and3A_426 = arith.andi %eq3A_424, %and3A_425 : vector<16xi1>
    %lt3A_427 = vector.broadcast %reduce_sum3A_44 : i32 to vector<16xi32>
    %lt3A_428 = arith.cmpi slt, %add3A_420, %lt3A_427 : vector<16xi32>
    %and3A_429 = arith.andi %and3A_426, %lt3A_428 : vector<16xi1>
    %or3A_430 = arith.ori %gt3A_422, %and3A_429 : vector<16xi1>
    %convert_element_type3A_431 = arith.extui %or3A_430 : vector<16xi1> to vector<16xi32>
    %cumsum3A_432 = arith.constant true
    %cumsum3A_433 = vector.broadcast %cumsum3A_432 : i1 to vector<16xi1>
    %cumsum3A_434 = tpu.scan <sum>, %convert_element_type3A_431 masked %cumsum3A_433 : vector<16xi32>, vector<16xi1> -> vector<16xi32>
    %add3A_435 = arith.addi %reduce_sum3A_56, %add3A_407 : i32
    %add3A_436 = vector.broadcast %add3A_435 : i32 to vector<16xi32>
    %add3A_437 = arith.addi %add3A_436, %cumsum3A_434 : vector<16xi32>
    %sub3A_438 = arith.constant 1 : i32
    %sub3A_439 = vector.broadcast %sub3A_438 : i32 to vector<16xi32>
    %sub3A_440 = arith.subi %add3A_437, %sub3A_439 : vector<16xi32>
    %broadcast_in_dim3A_441 = vector.broadcast %add3A_61 : i32 to vector<16xi32>
    %select_n3A_442 = arith.select %or3A_430, %sub3A_440, %broadcast_in_dim3A_441 : vector<16xi1>, vector<16xi32>
    %swap3A_443 = arith.constant 1 : i32
    %swap3A_444 = arith.index_cast %swap3A_443 : i32 to index
    %swap3A_445 = arith.constant 0 : index
    %swap3A_446 = tpu.vector_load %arg22[%swap3A_444, %swap3A_445] {strides = array<i32>} : memref<5x128xi32, #tpu.memory_space<vmem>>, vector<16xi32>,
    tpu.vector_store %arg22[%swap3A_444, %swap3A_445], %select_n3A_442 {strides = array<i32>} : memref<5x128xi32, #tpu.memory_space<vmem>>, vector<16xi32>,
    %reduce_sum3A_447 = arith.constant true
    %reduce_sum3A_448 = vector.broadcast %reduce_sum3A_447 : i1 to vector<16xi1>
    %reduce_sum3A_449 = tpu.scan <sum>, %convert_element_type3A_431 masked %reduce_sum3A_448 : vector<16xi32>, vector<16xi1> -> vector<16xi32>
    %reduce_sum3A_450 = vector.extract %reduce_sum3A_449[15] : i32 from vector<16xi32>
    %add3A_451 = arith.addi %add3A_407, %reduce_sum3A_450 : i32
    %get3A_452 = arith.constant 144 : index
    %get3A_453 = tpu.vector_load %arg19[%get3A_452] {strides = array<i32>} : memref<640xf32, #tpu.memory_space<vmem>>, vector<16xf32>,
    %gt3A_454 = arith.constant 5.000000e-02 : f32
    %gt3A_455 = vector.broadcast %gt3A_454 : f32 to vector<16xf32>
    %gt3A_456 = arith.cmpf ogt, %get3A_453, %gt3A_455 : vector<16xf32>
    %bitcast_convert_type3A_457 = tpu.bitcast %get3A_453 : vector<16xf32> -> vector<16xi32>
    %jit3A_458 = arith.constant 0 : i32
    %broadcast_in_dim3A_459 = vector.broadcast %jit3A_458 : i32 to vector<16xi32>
    %select_n3A_460 = arith.select %gt3A_456, %bitcast_convert_type3A_457, %broadcast_in_dim3A_459 : vector<16xi1>, vector<16xi32>
    %add3A_461 = arith.constant 144 : i32
    %add3A_462 = arith.addi %mul3A_2, %add3A_461 : i32
    %add3A_463 = vector.broadcast %add3A_462 : i32 to vector<16xi32>
    %add3A_464 = arith.addi %add3A_463, %iota3A : vector<16xi32>
    %gt3A_465 = vector.broadcast %reduce_sum3A_34 : i32 to vector<16xi32>
    %gt3A_466 = arith.cmpi sgt, %select_n3A_460, %gt3A_465 : vector<16xi32>
    %eq3A_467 = vector.broadcast %reduce_sum3A_34 : i32 to vector<16xi32>
    %eq3A_468 = arith.cmpi eq, %select_n3A_460, %eq3A_467 : vector<16xi32>
    %and3A_469 = vector.broadcast %gt3A_57 : i1 to vector<16xi1>
    %and3A_470 = arith.andi %eq3A_468, %and3A_469 : vector<16xi1>
    %lt3A_471 = vector.broadcast %reduce_sum3A_44 : i32 to vector<16xi32>
    %lt3A_472 = arith.cmpi slt, %add3A_464, %lt3A_471 : vector<16xi32>
    %and3A_473 = arith.andi %and3A_470, %lt3A_472 : vector<16xi1>
    %or3A_474 = arith.ori %gt3A_466, %and3A_473 : vector<16xi1>
    %convert_element_type3A_475 = arith.extui %or3A_474 : vector<16xi1> to vector<16xi32>
    %cumsum3A_476 = arith.constant true
    %cumsum3A_477 = vector.broadcast %cumsum3A_476 : i1 to vector<16xi1>
    %cumsum3A_478 = tpu.scan <sum>, %convert_element_type3A_475 masked %cumsum3A_477 : vector<16xi32>, vector<16xi1> -> vector<16xi32>
    %add3A_479 = arith.addi %reduce_sum3A_56, %add3A_451 : i32
    %add3A_480 = vector.broadcast %add3A_479 : i32 to vector<16xi32>
    %add3A_481 = arith.addi %add3A_480, %cumsum3A_478 : vector<16xi32>
    %sub3A_482 = arith.constant 1 : i32
    %sub3A_483 = vector.broadcast %sub3A_482 : i32 to vector<16xi32>
    %sub3A_484 = arith.subi %add3A_481, %sub3A_483 : vector<16xi32>
    %broadcast_in_dim3A_485 = vector.broadcast %add3A_61 : i32 to vector<16xi32>
    %select_n3A_486 = arith.select %or3A_474, %sub3A_484, %broadcast_in_dim3A_485 : vector<16xi1>, vector<16xi32>
    %swap3A_487 = arith.constant 1 : i32
    %swap3A_488 = arith.index_cast %swap3A_487 : i32 to index
    %swap3A_489 = arith.constant 16 : index
    %swap3A_490 = tpu.vector_load %arg22[%swap3A_488, %swap3A_489] {strides = array<i32>} : memref<5x128xi32, #tpu.memory_space<vmem>>, vector<16xi32>,
    tpu.vector_store %arg22[%swap3A_488, %swap3A_489], %select_n3A_486 {strides = array<i32>} : memref<5x128xi32, #tpu.memory_space<vmem>>, vector<16xi32>,
    %reduce_sum3A_491 = arith.constant true
    %reduce_sum3A_492 = vector.broadcast %reduce_sum3A_491 : i1 to vector<16xi1>
    %reduce_sum3A_493 = tpu.scan <sum>, %convert_element_type3A_475 masked %reduce_sum3A_492 : vector<16xi32>, vector<16xi1> -> vector<16xi32>
    %reduce_sum3A_494 = vector.extract %reduce_sum3A_493[15] : i32 from vector<16xi32>
    %add3A_495 = arith.addi %add3A_451, %reduce_sum3A_494 : i32
    %get3A_496 = arith.constant 160 : index
    %get3A_497 = tpu.vector_load %arg19[%get3A_496] {strides = array<i32>} : memref<640xf32, #tpu.memory_space<vmem>>, vector<16xf32>,
    %gt3A_498 = arith.constant 5.000000e-02 : f32
    %gt3A_499 = vector.broadcast %gt3A_498 : f32 to vector<16xf32>
    %gt3A_500 = arith.cmpf ogt, %get3A_497, %gt3A_499 : vector<16xf32>
    %bitcast_convert_type3A_501 = tpu.bitcast %get3A_497 : vector<16xf32> -> vector<16xi32>
    %jit3A_502 = arith.constant 0 : i32
    %broadcast_in_dim3A_503 = vector.broadcast %jit3A_502 : i32 to vector<16xi32>
    %select_n3A_504 = arith.select %gt3A_500, %bitcast_convert_type3A_501, %broadcast_in_dim3A_503 : vector<16xi1>, vector<16xi32>
    %add3A_505 = arith.constant 160 : i32
    %add3A_506 = arith.addi %mul3A_2, %add3A_505 : i32
    %add3A_507 = vector.broadcast %add3A_506 : i32 to vector<16xi32>
    %add3A_508 = arith.addi %add3A_507, %iota3A : vector<16xi32>
    %gt3A_509 = vector.broadcast %reduce_sum3A_34 : i32 to vector<16xi32>
    %gt3A_510 = arith.cmpi sgt, %select_n3A_504, %gt3A_509 : vector<16xi32>
    %eq3A_511 = vector.broadcast %reduce_sum3A_34 : i32 to vector<16xi32>
    %eq3A_512 = arith.cmpi eq, %select_n3A_504, %eq3A_511 : vector<16xi32>
    %and3A_513 = vector.broadcast %gt3A_57 : i1 to vector<16xi1>
    %and3A_514 = arith.andi %eq3A_512, %and3A_513 : vector<16xi1>
    %lt3A_515 = vector.broadcast %reduce_sum3A_44 : i32 to vector<16xi32>
    %lt3A_516 = arith.cmpi slt, %add3A_508, %lt3A_515 : vector<16xi32>
    %and3A_517 = arith.andi %and3A_514, %lt3A_516 : vector<16xi1>
    %or3A_518 = arith.ori %gt3A_510, %and3A_517 : vector<16xi1>
    %convert_element_type3A_519 = arith.extui %or3A_518 : vector<16xi1> to vector<16xi32>
    %cumsum3A_520 = arith.constant true
    %cumsum3A_521 = vector.broadcast %cumsum3A_520 : i1 to vector<16xi1>
    %cumsum3A_522 = tpu.scan <sum>, %convert_element_type3A_519 masked %cumsum3A_521 : vector<16xi32>, vector<16xi1> -> vector<16xi32>
    %add3A_523 = arith.addi %reduce_sum3A_56, %add3A_495 : i32
    %add3A_524 = vector.broadcast %add3A_523 : i32 to vector<16xi32>
    %add3A_525 = arith.addi %add3A_524, %cumsum3A_522 : vector<16xi32>
    %sub3A_526 = arith.constant 1 : i32
    %sub3A_527 = vector.broadcast %sub3A_526 : i32 to vector<16xi32>
    %sub3A_528 = arith.subi %add3A_525, %sub3A_527 : vector<16xi32>
    %broadcast_in_dim3A_529 = vector.broadcast %add3A_61 : i32 to vector<16xi32>
    %select_n3A_530 = arith.select %or3A_518, %sub3A_528, %broadcast_in_dim3A_529 : vector<16xi1>, vector<16xi32>
    %swap3A_531 = arith.constant 1 : i32
    %swap3A_532 = arith.index_cast %swap3A_531 : i32 to index
    %swap3A_533 = arith.constant 32 : index
    %swap3A_534 = tpu.vector_load %arg22[%swap3A_532, %swap3A_533] {strides = array<i32>} : memref<5x128xi32, #tpu.memory_space<vmem>>, vector<16xi32>,
    tpu.vector_store %arg22[%swap3A_532, %swap3A_533], %select_n3A_530 {strides = array<i32>} : memref<5x128xi32, #tpu.memory_space<vmem>>, vector<16xi32>,
    %reduce_sum3A_535 = arith.constant true
    %reduce_sum3A_536 = vector.broadcast %reduce_sum3A_535 : i1 to vector<16xi1>
    %reduce_sum3A_537 = tpu.scan <sum>, %convert_element_type3A_519 masked %reduce_sum3A_536 : vector<16xi32>, vector<16xi1> -> vector<16xi32>
    %reduce_sum3A_538 = vector.extract %reduce_sum3A_537[15] : i32 from vector<16xi32>
    %add3A_539 = arith.addi %add3A_495, %reduce_sum3A_538 : i32
    %get3A_540 = arith.constant 176 : index
    %get3A_541 = tpu.vector_load %arg19[%get3A_540] {strides = array<i32>} : memref<640xf32, #tpu.memory_space<vmem>>, vector<16xf32>,
    %gt3A_542 = arith.constant 5.000000e-02 : f32
    %gt3A_543 = vector.broadcast %gt3A_542 : f32 to vector<16xf32>
    %gt3A_544 = arith.cmpf ogt, %get3A_541, %gt3A_543 : vector<16xf32>
    %bitcast_convert_type3A_545 = tpu.bitcast %get3A_541 : vector<16xf32> -> vector<16xi32>
    %jit3A_546 = arith.constant 0 : i32
    %broadcast_in_dim3A_547 = vector.broadcast %jit3A_546 : i32 to vector<16xi32>
    %select_n3A_548 = arith.select %gt3A_544, %bitcast_convert_type3A_545, %broadcast_in_dim3A_547 : vector<16xi1>, vector<16xi32>
    %add3A_549 = arith.constant 176 : i32
    %add3A_550 = arith.addi %mul3A_2, %add3A_549 : i32
    %add3A_551 = vector.broadcast %add3A_550 : i32 to vector<16xi32>
    %add3A_552 = arith.addi %add3A_551, %iota3A : vector<16xi32>
    %gt3A_553 = vector.broadcast %reduce_sum3A_34 : i32 to vector<16xi32>
    %gt3A_554 = arith.cmpi sgt, %select_n3A_548, %gt3A_553 : vector<16xi32>
    %eq3A_555 = vector.broadcast %reduce_sum3A_34 : i32 to vector<16xi32>
    %eq3A_556 = arith.cmpi eq, %select_n3A_548, %eq3A_555 : vector<16xi32>
    %and3A_557 = vector.broadcast %gt3A_57 : i1 to vector<16xi1>
    %and3A_558 = arith.andi %eq3A_556, %and3A_557 : vector<16xi1>
    %lt3A_559 = vector.broadcast %reduce_sum3A_44 : i32 to vector<16xi32>
    %lt3A_560 = arith.cmpi slt, %add3A_552, %lt3A_559 : vector<16xi32>
    %and3A_561 = arith.andi %and3A_558, %lt3A_560 : vector<16xi1>
    %or3A_562 = arith.ori %gt3A_554, %and3A_561 : vector<16xi1>
    %convert_element_type3A_563 = arith.extui %or3A_562 : vector<16xi1> to vector<16xi32>
    %cumsum3A_564 = arith.constant true
    %cumsum3A_565 = vector.broadcast %cumsum3A_564 : i1 to vector<16xi1>
    %cumsum3A_566 = tpu.scan <sum>, %convert_element_type3A_563 masked %cumsum3A_565 : vector<16xi32>, vector<16xi1> -> vector<16xi32>
    %add3A_567 = arith.addi %reduce_sum3A_56, %add3A_539 : i32
    %add3A_568 = vector.broadcast %add3A_567 : i32 to vector<16xi32>
    %add3A_569 = arith.addi %add3A_568, %cumsum3A_566 : vector<16xi32>
    %sub3A_570 = arith.constant 1 : i32
    %sub3A_571 = vector.broadcast %sub3A_570 : i32 to vector<16xi32>
    %sub3A_572 = arith.subi %add3A_569, %sub3A_571 : vector<16xi32>
    %broadcast_in_dim3A_573 = vector.broadcast %add3A_61 : i32 to vector<16xi32>
    %select_n3A_574 = arith.select %or3A_562, %sub3A_572, %broadcast_in_dim3A_573 : vector<16xi1>, vector<16xi32>
    %swap3A_575 = arith.constant 1 : i32
    %swap3A_576 = arith.index_cast %swap3A_575 : i32 to index
    %swap3A_577 = arith.constant 48 : index
    %swap3A_578 = tpu.vector_load %arg22[%swap3A_576, %swap3A_577] {strides = array<i32>} : memref<5x128xi32, #tpu.memory_space<vmem>>, vector<16xi32>,
    tpu.vector_store %arg22[%swap3A_576, %swap3A_577], %select_n3A_574 {strides = array<i32>} : memref<5x128xi32, #tpu.memory_space<vmem>>, vector<16xi32>,
    %reduce_sum3A_579 = arith.constant true
    %reduce_sum3A_580 = vector.broadcast %reduce_sum3A_579 : i1 to vector<16xi1>
    %reduce_sum3A_581 = tpu.scan <sum>, %convert_element_type3A_563 masked %reduce_sum3A_580 : vector<16xi32>, vector<16xi1> -> vector<16xi32>
    %reduce_sum3A_582 = vector.extract %reduce_sum3A_581[15] : i32 from vector<16xi32>
    %add3A_583 = arith.addi %add3A_539, %reduce_sum3A_582 : i32
    %get3A_584 = arith.constant 192 : index
    %get3A_585 = tpu.vector_load %arg19[%get3A_584] {strides = array<i32>} : memref<640xf32, #tpu.memory_space<vmem>>, vector<16xf32>,
    %gt3A_586 = arith.constant 5.000000e-02 : f32
    %gt3A_587 = vector.broadcast %gt3A_586 : f32 to vector<16xf32>
    %gt3A_588 = arith.cmpf ogt, %get3A_585, %gt3A_587 : vector<16xf32>
    %bitcast_convert_type3A_589 = tpu.bitcast %get3A_585 : vector<16xf32> -> vector<16xi32>
    %jit3A_590 = arith.constant 0 : i32
    %broadcast_in_dim3A_591 = vector.broadcast %jit3A_590 : i32 to vector<16xi32>
    %select_n3A_592 = arith.select %gt3A_588, %bitcast_convert_type3A_589, %broadcast_in_dim3A_591 : vector<16xi1>, vector<16xi32>
    %add3A_593 = arith.constant 192 : i32
    %add3A_594 = arith.addi %mul3A_2, %add3A_593 : i32
    %add3A_595 = vector.broadcast %add3A_594 : i32 to vector<16xi32>
    %add3A_596 = arith.addi %add3A_595, %iota3A : vector<16xi32>
    %gt3A_597 = vector.broadcast %reduce_sum3A_34 : i32 to vector<16xi32>
    %gt3A_598 = arith.cmpi sgt, %select_n3A_592, %gt3A_597 : vector<16xi32>
    %eq3A_599 = vector.broadcast %reduce_sum3A_34 : i32 to vector<16xi32>
    %eq3A_600 = arith.cmpi eq, %select_n3A_592, %eq3A_599 : vector<16xi32>
    %and3A_601 = vector.broadcast %gt3A_57 : i1 to vector<16xi1>
    %and3A_602 = arith.andi %eq3A_600, %and3A_601 : vector<16xi1>
    %lt3A_603 = vector.broadcast %reduce_sum3A_44 : i32 to vector<16xi32>
    %lt3A_604 = arith.cmpi slt, %add3A_596, %lt3A_603 : vector<16xi32>
    %and3A_605 = arith.andi %and3A_602, %lt3A_604 : vector<16xi1>
    %or3A_606 = arith.ori %gt3A_598, %and3A_605 : vector<16xi1>
    %convert_element_type3A_607 = arith.extui %or3A_606 : vector<16xi1> to vector<16xi32>
    %cumsum3A_608 = arith.constant true
    %cumsum3A_609 = vector.broadcast %cumsum3A_608 : i1 to vector<16xi1>
    %cumsum3A_610 = tpu.scan <sum>, %convert_element_type3A_607 masked %cumsum3A_609 : vector<16xi32>, vector<16xi1> -> vector<16xi32>
    %add3A_611 = arith.addi %reduce_sum3A_56, %add3A_583 : i32
    %add3A_612 = vector.broadcast %add3A_611 : i32 to vector<16xi32>
    %add3A_613 = arith.addi %add3A_612, %cumsum3A_610 : vector<16xi32>
    %sub3A_614 = arith.constant 1 : i32
    %sub3A_615 = vector.broadcast %sub3A_614 : i32 to vector<16xi32>
    %sub3A_616 = arith.subi %add3A_613, %sub3A_615 : vector<16xi32>
    %broadcast_in_dim3A_617 = vector.broadcast %add3A_61 : i32 to vector<16xi32>
    %select_n3A_618 = arith.select %or3A_606, %sub3A_616, %broadcast_in_dim3A_617 : vector<16xi1>, vector<16xi32>
    %swap3A_619 = arith.constant 1 : i32
    %swap3A_620 = arith.index_cast %swap3A_619 : i32 to index
    %swap3A_621 = arith.constant 64 : index
    %swap3A_622 = tpu.vector_load %arg22[%swap3A_620, %swap3A_621] {strides = array<i32>} : memref<5x128xi32, #tpu.memory_space<vmem>>, vector<16xi32>,
    tpu.vector_store %arg22[%swap3A_620, %swap3A_621], %select_n3A_618 {strides = array<i32>} : memref<5x128xi32, #tpu.memory_space<vmem>>, vector<16xi32>,
    %reduce_sum3A_623 = arith.constant true
    %reduce_sum3A_624 = vector.broadcast %reduce_sum3A_623 : i1 to vector<16xi1>
    %reduce_sum3A_625 = tpu.scan <sum>, %convert_element_type3A_607 masked %reduce_sum3A_624 : vector<16xi32>, vector<16xi1> -> vector<16xi32>
    %reduce_sum3A_626 = vector.extract %reduce_sum3A_625[15] : i32 from vector<16xi32>
    %add3A_627 = arith.addi %add3A_583, %reduce_sum3A_626 : i32
    %get3A_628 = arith.constant 208 : index
    %get3A_629 = tpu.vector_load %arg19[%get3A_628] {strides = array<i32>} : memref<640xf32, #tpu.memory_space<vmem>>, vector<16xf32>,
    %gt3A_630 = arith.constant 5.000000e-02 : f32
    %gt3A_631 = vector.broadcast %gt3A_630 : f32 to vector<16xf32>
    %gt3A_632 = arith.cmpf ogt, %get3A_629, %gt3A_631 : vector<16xf32>
    %bitcast_convert_type3A_633 = tpu.bitcast %get3A_629 : vector<16xf32> -> vector<16xi32>
    %jit3A_634 = arith.constant 0 : i32
    %broadcast_in_dim3A_635 = vector.broadcast %jit3A_634 : i32 to vector<16xi32>
    %select_n3A_636 = arith.select %gt3A_632, %bitcast_convert_type3A_633, %broadcast_in_dim3A_635 : vector<16xi1>, vector<16xi32>
    %add3A_637 = arith.constant 208 : i32
    %add3A_638 = arith.addi %mul3A_2, %add3A_637 : i32
    %add3A_639 = vector.broadcast %add3A_638 : i32 to vector<16xi32>
    %add3A_640 = arith.addi %add3A_639, %iota3A : vector<16xi32>
    %gt3A_641 = vector.broadcast %reduce_sum3A_34 : i32 to vector<16xi32>
    %gt3A_642 = arith.cmpi sgt, %select_n3A_636, %gt3A_641 : vector<16xi32>
    %eq3A_643 = vector.broadcast %reduce_sum3A_34 : i32 to vector<16xi32>
    %eq3A_644 = arith.cmpi eq, %select_n3A_636, %eq3A_643 : vector<16xi32>
    %and3A_645 = vector.broadcast %gt3A_57 : i1 to vector<16xi1>
    %and3A_646 = arith.andi %eq3A_644, %and3A_645 : vector<16xi1>
    %lt3A_647 = vector.broadcast %reduce_sum3A_44 : i32 to vector<16xi32>
    %lt3A_648 = arith.cmpi slt, %add3A_640, %lt3A_647 : vector<16xi32>
    %and3A_649 = arith.andi %and3A_646, %lt3A_648 : vector<16xi1>
    %or3A_650 = arith.ori %gt3A_642, %and3A_649 : vector<16xi1>
    %convert_element_type3A_651 = arith.extui %or3A_650 : vector<16xi1> to vector<16xi32>
    %cumsum3A_652 = arith.constant true
    %cumsum3A_653 = vector.broadcast %cumsum3A_652 : i1 to vector<16xi1>
    %cumsum3A_654 = tpu.scan <sum>, %convert_element_type3A_651 masked %cumsum3A_653 : vector<16xi32>, vector<16xi1> -> vector<16xi32>
    %add3A_655 = arith.addi %reduce_sum3A_56, %add3A_627 : i32
    %add3A_656 = vector.broadcast %add3A_655 : i32 to vector<16xi32>
    %add3A_657 = arith.addi %add3A_656, %cumsum3A_654 : vector<16xi32>
    %sub3A_658 = arith.constant 1 : i32
    %sub3A_659 = vector.broadcast %sub3A_658 : i32 to vector<16xi32>
    %sub3A_660 = arith.subi %add3A_657, %sub3A_659 : vector<16xi32>
    %broadcast_in_dim3A_661 = vector.broadcast %add3A_61 : i32 to vector<16xi32>
    %select_n3A_662 = arith.select %or3A_650, %sub3A_660, %broadcast_in_dim3A_661 : vector<16xi1>, vector<16xi32>
    %swap3A_663 = arith.constant 1 : i32
    %swap3A_664 = arith.index_cast %swap3A_663 : i32 to index
    %swap3A_665 = arith.constant 80 : index
    %swap3A_666 = tpu.vector_load %arg22[%swap3A_664, %swap3A_665] {strides = array<i32>} : memref<5x128xi32, #tpu.memory_space<vmem>>, vector<16xi32>,
    tpu.vector_store %arg22[%swap3A_664, %swap3A_665], %select_n3A_662 {strides = array<i32>} : memref<5x128xi32, #tpu.memory_space<vmem>>, vector<16xi32>,
    %reduce_sum3A_667 = arith.constant true
    %reduce_sum3A_668 = vector.broadcast %reduce_sum3A_667 : i1 to vector<16xi1>
    %reduce_sum3A_669 = tpu.scan <sum>, %convert_element_type3A_651 masked %reduce_sum3A_668 : vector<16xi32>, vector<16xi1> -> vector<16xi32>
    %reduce_sum3A_670 = vector.extract %reduce_sum3A_669[15] : i32 from vector<16xi32>
    %add3A_671 = arith.addi %add3A_627, %reduce_sum3A_670 : i32
    %get3A_672 = arith.constant 224 : index
    %get3A_673 = tpu.vector_load %arg19[%get3A_672] {strides = array<i32>} : memref<640xf32, #tpu.memory_space<vmem>>, vector<16xf32>,
    %gt3A_674 = arith.constant 5.000000e-02 : f32
    %gt3A_675 = vector.broadcast %gt3A_674 : f32 to vector<16xf32>
    %gt3A_676 = arith.cmpf ogt, %get3A_673, %gt3A_675 : vector<16xf32>
    %bitcast_convert_type3A_677 = tpu.bitcast %get3A_673 : vector<16xf32> -> vector<16xi32>
    %jit3A_678 = arith.constant 0 : i32
    %broadcast_in_dim3A_679 = vector.broadcast %jit3A_678 : i32 to vector<16xi32>
    %select_n3A_680 = arith.select %gt3A_676, %bitcast_convert_type3A_677, %broadcast_in_dim3A_679 : vector<16xi1>, vector<16xi32>
    %add3A_681 = arith.constant 224 : i32
    %add3A_682 = arith.addi %mul3A_2, %add3A_681 : i32
    %add3A_683 = vector.broadcast %add3A_682 : i32 to vector<16xi32>
    %add3A_684 = arith.addi %add3A_683, %iota3A : vector<16xi32>
    %gt3A_685 = vector.broadcast %reduce_sum3A_34 : i32 to vector<16xi32>
    %gt3A_686 = arith.cmpi sgt, %select_n3A_680, %gt3A_685 : vector<16xi32>
    %eq3A_687 = vector.broadcast %reduce_sum3A_34 : i32 to vector<16xi32>
    %eq3A_688 = arith.cmpi eq, %select_n3A_680, %eq3A_687 : vector<16xi32>
    %and3A_689 = vector.broadcast %gt3A_57 : i1 to vector<16xi1>
    %and3A_690 = arith.andi %eq3A_688, %and3A_689 : vector<16xi1>
    %lt3A_691 = vector.broadcast %reduce_sum3A_44 : i32 to vector<16xi32>
    %lt3A_692 = arith.cmpi slt, %add3A_684, %lt3A_691 : vector<16xi32>
    %and3A_693 = arith.andi %and3A_690, %lt3A_692 : vector<16xi1>
    %or3A_694 = arith.ori %gt3A_686, %and3A_693 : vector<16xi1>
    %convert_element_type3A_695 = arith.extui %or3A_694 : vector<16xi1> to vector<16xi32>
    %cumsum3A_696 = arith.constant true
    %cumsum3A_697 = vector.broadcast %cumsum3A_696 : i1 to vector<16xi1>
    %cumsum3A_698 = tpu.scan <sum>, %convert_element_type3A_695 masked %cumsum3A_697 : vector<16xi32>, vector<16xi1> -> vector<16xi32>
    %add3A_699 = arith.addi %reduce_sum3A_56, %add3A_671 : i32
    %add3A_700 = vector.broadcast %add3A_699 : i32 to vector<16xi32>
    %add3A_701 = arith.addi %add3A_700, %cumsum3A_698 : vector<16xi32>
    %sub3A_702 = arith.constant 1 : i32
    %sub3A_703 = vector.broadcast %sub3A_702 : i32 to vector<16xi32>
    %sub3A_704 = arith.subi %add3A_701, %sub3A_703 : vector<16xi32>
    %broadcast_in_dim3A_705 = vector.broadcast %add3A_61 : i32 to vector<16xi32>
    %select_n3A_706 = arith.select %or3A_694, %sub3A_704, %broadcast_in_dim3A_705 : vector<16xi1>, vector<16xi32>
    %swap3A_707 = arith.constant 1 : i32
    %swap3A_708 = arith.index_cast %swap3A_707 : i32 to index
    %swap3A_709 = arith.constant 96 : index
    %swap3A_710 = tpu.vector_load %arg22[%swap3A_708, %swap3A_709] {strides = array<i32>} : memref<5x128xi32, #tpu.memory_space<vmem>>, vector<16xi32>,
    tpu.vector_store %arg22[%swap3A_708, %swap3A_709], %select_n3A_706 {strides = array<i32>} : memref<5x128xi32, #tpu.memory_space<vmem>>, vector<16xi32>,
    %reduce_sum3A_711 = arith.constant true
    %reduce_sum3A_712 = vector.broadcast %reduce_sum3A_711 : i1 to vector<16xi1>
    %reduce_sum3A_713 = tpu.scan <sum>, %convert_element_type3A_695 masked %reduce_sum3A_712 : vector<16xi32>, vector<16xi1> -> vector<16xi32>
    %reduce_sum3A_714 = vector.extract %reduce_sum3A_713[15] : i32 from vector<16xi32>
    %add3A_715 = arith.addi %add3A_671, %reduce_sum3A_714 : i32
    %get3A_716 = arith.constant 240 : index
    %get3A_717 = tpu.vector_load %arg19[%get3A_716] {strides = array<i32>} : memref<640xf32, #tpu.memory_space<vmem>>, vector<16xf32>,
    %gt3A_718 = arith.constant 5.000000e-02 : f32
    %gt3A_719 = vector.broadcast %gt3A_718 : f32 to vector<16xf32>
    %gt3A_720 = arith.cmpf ogt, %get3A_717, %gt3A_719 : vector<16xf32>
    %bitcast_convert_type3A_721 = tpu.bitcast %get3A_717 : vector<16xf32> -> vector<16xi32>
    %jit3A_722 = arith.constant 0 : i32
    %broadcast_in_dim3A_723 = vector.broadcast %jit3A_722 : i32 to vector<16xi32>
    %select_n3A_724 = arith.select %gt3A_720, %bitcast_convert_type3A_721, %broadcast_in_dim3A_723 : vector<16xi1>, vector<16xi32>
    %add3A_725 = arith.constant 240 : i32
    %add3A_726 = arith.addi %mul3A_2, %add3A_725 : i32
    %add3A_727 = vector.broadcast %add3A_726 : i32 to vector<16xi32>
    %add3A_728 = arith.addi %add3A_727, %iota3A : vector<16xi32>
    %gt3A_729 = vector.broadcast %reduce_sum3A_34 : i32 to vector<16xi32>
    %gt3A_730 = arith.cmpi sgt, %select_n3A_724, %gt3A_729 : vector<16xi32>
    %eq3A_731 = vector.broadcast %reduce_sum3A_34 : i32 to vector<16xi32>
    %eq3A_732 = arith.cmpi eq, %select_n3A_724, %eq3A_731 : vector<16xi32>
    %and3A_733 = vector.broadcast %gt3A_57 : i1 to vector<16xi1>
    %and3A_734 = arith.andi %eq3A_732, %and3A_733 : vector<16xi1>
    %lt3A_735 = vector.broadcast %reduce_sum3A_44 : i32 to vector<16xi32>
    %lt3A_736 = arith.cmpi slt, %add3A_728, %lt3A_735 : vector<16xi32>
    %and3A_737 = arith.andi %and3A_734, %lt3A_736 : vector<16xi1>
    %or3A_738 = arith.ori %gt3A_730, %and3A_737 : vector<16xi1>
    %convert_element_type3A_739 = arith.extui %or3A_738 : vector<16xi1> to vector<16xi32>
    %cumsum3A_740 = arith.constant true
    %cumsum3A_741 = vector.broadcast %cumsum3A_740 : i1 to vector<16xi1>
    %cumsum3A_742 = tpu.scan <sum>, %convert_element_type3A_739 masked %cumsum3A_741 : vector<16xi32>, vector<16xi1> -> vector<16xi32>
    %add3A_743 = arith.addi %reduce_sum3A_56, %add3A_715 : i32
    %add3A_744 = vector.broadcast %add3A_743 : i32 to vector<16xi32>
    %add3A_745 = arith.addi %add3A_744, %cumsum3A_742 : vector<16xi32>
    %sub3A_746 = arith.constant 1 : i32
    %sub3A_747 = vector.broadcast %sub3A_746 : i32 to vector<16xi32>
    %sub3A_748 = arith.subi %add3A_745, %sub3A_747 : vector<16xi32>
    %broadcast_in_dim3A_749 = vector.broadcast %add3A_61 : i32 to vector<16xi32>
    %select_n3A_750 = arith.select %or3A_738, %sub3A_748, %broadcast_in_dim3A_749 : vector<16xi1>, vector<16xi32>
    %swap3A_751 = arith.constant 1 : i32
    %swap3A_752 = arith.index_cast %swap3A_751 : i32 to index
    %swap3A_753 = arith.constant 112 : index
    %swap3A_754 = tpu.vector_load %arg22[%swap3A_752, %swap3A_753] {strides = array<i32>} : memref<5x128xi32, #tpu.memory_space<vmem>>, vector<16xi32>,
    tpu.vector_store %arg22[%swap3A_752, %swap3A_753], %select_n3A_750 {strides = array<i32>} : memref<5x128xi32, #tpu.memory_space<vmem>>, vector<16xi32>,
    %reduce_sum3A_755 = arith.constant true
    %reduce_sum3A_756 = vector.broadcast %reduce_sum3A_755 : i1 to vector<16xi1>
    %reduce_sum3A_757 = tpu.scan <sum>, %convert_element_type3A_739 masked %reduce_sum3A_756 : vector<16xi32>, vector<16xi1> -> vector<16xi32>
    %reduce_sum3A_758 = vector.extract %reduce_sum3A_757[15] : i32 from vector<16xi32>
    %add3A_759 = arith.addi %add3A_715, %reduce_sum3A_758 : i32
    %get3A_760 = arith.constant 256 : index
    %get3A_761 = tpu.vector_load %arg19[%get3A_760] {strides = array<i32>} : memref<640xf32, #tpu.memory_space<vmem>>, vector<16xf32>,
    %gt3A_762 = arith.constant 5.000000e-02 : f32
    %gt3A_763 = vector.broadcast %gt3A_762 : f32 to vector<16xf32>
    %gt3A_764 = arith.cmpf ogt, %get3A_761, %gt3A_763 : vector<16xf32>
    %bitcast_convert_type3A_765 = tpu.bitcast %get3A_761 : vector<16xf32> -> vector<16xi32>
    %jit3A_766 = arith.constant 0 : i32
    %broadcast_in_dim3A_767 = vector.broadcast %jit3A_766 : i32 to vector<16xi32>
    %select_n3A_768 = arith.select %gt3A_764, %bitcast_convert_type3A_765, %broadcast_in_dim3A_767 : vector<16xi1>, vector<16xi32>
    %add3A_769 = arith.constant 256 : i32
    %add3A_770 = arith.addi %mul3A_2, %add3A_769 : i32
    %add3A_771 = vector.broadcast %add3A_770 : i32 to vector<16xi32>
    %add3A_772 = arith.addi %add3A_771, %iota3A : vector<16xi32>
    %gt3A_773 = vector.broadcast %reduce_sum3A_34 : i32 to vector<16xi32>
    %gt3A_774 = arith.cmpi sgt, %select_n3A_768, %gt3A_773 : vector<16xi32>
    %eq3A_775 = vector.broadcast %reduce_sum3A_34 : i32 to vector<16xi32>
    %eq3A_776 = arith.cmpi eq, %select_n3A_768, %eq3A_775 : vector<16xi32>
    %and3A_777 = vector.broadcast %gt3A_57 : i1 to vector<16xi1>
    %and3A_778 = arith.andi %eq3A_776, %and3A_777 : vector<16xi1>
    %lt3A_779 = vector.broadcast %reduce_sum3A_44 : i32 to vector<16xi32>
    %lt3A_780 = arith.cmpi slt, %add3A_772, %lt3A_779 : vector<16xi32>
    %and3A_781 = arith.andi %and3A_778, %lt3A_780 : vector<16xi1>
    %or3A_782 = arith.ori %gt3A_774, %and3A_781 : vector<16xi1>
    %convert_element_type3A_783 = arith.extui %or3A_782 : vector<16xi1> to vector<16xi32>
    %cumsum3A_784 = arith.constant true
    %cumsum3A_785 = vector.broadcast %cumsum3A_784 : i1 to vector<16xi1>
    %cumsum3A_786 = tpu.scan <sum>, %convert_element_type3A_783 masked %cumsum3A_785 : vector<16xi32>, vector<16xi1> -> vector<16xi32>
    %add3A_787 = arith.addi %reduce_sum3A_56, %add3A_759 : i32
    %add3A_788 = vector.broadcast %add3A_787 : i32 to vector<16xi32>
    %add3A_789 = arith.addi %add3A_788, %cumsum3A_786 : vector<16xi32>
    %sub3A_790 = arith.constant 1 : i32
    %sub3A_791 = vector.broadcast %sub3A_790 : i32 to vector<16xi32>
    %sub3A_792 = arith.subi %add3A_789, %sub3A_791 : vector<16xi32>
    %broadcast_in_dim3A_793 = vector.broadcast %add3A_61 : i32 to vector<16xi32>
    %select_n3A_794 = arith.select %or3A_782, %sub3A_792, %broadcast_in_dim3A_793 : vector<16xi1>, vector<16xi32>
    %swap3A_795 = arith.constant 2 : i32
    %swap3A_796 = arith.index_cast %swap3A_795 : i32 to index
    %swap3A_797 = arith.constant 0 : index
    %swap3A_798 = tpu.vector_load %arg22[%swap3A_796, %swap3A_797] {strides = array<i32>} : memref<5x128xi32, #tpu.memory_space<vmem>>, vector<16xi32>,
    tpu.vector_store %arg22[%swap3A_796, %swap3A_797], %select_n3A_794 {strides = array<i32>} : memref<5x128xi32, #tpu.memory_space<vmem>>, vector<16xi32>,
    %reduce_sum3A_799 = arith.constant true
    %reduce_sum3A_800 = vector.broadcast %reduce_sum3A_799 : i1 to vector<16xi1>
    %reduce_sum3A_801 = tpu.scan <sum>, %convert_element_type3A_783 masked %reduce_sum3A_800 : vector<16xi32>, vector<16xi1> -> vector<16xi32>
    %reduce_sum3A_802 = vector.extract %reduce_sum3A_801[15] : i32 from vector<16xi32>
    %add3A_803 = arith.addi %add3A_759, %reduce_sum3A_802 : i32
    %get3A_804 = arith.constant 272 : index
    %get3A_805 = tpu.vector_load %arg19[%get3A_804] {strides = array<i32>} : memref<640xf32, #tpu.memory_space<vmem>>, vector<16xf32>,
    %gt3A_806 = arith.constant 5.000000e-02 : f32
    %gt3A_807 = vector.broadcast %gt3A_806 : f32 to vector<16xf32>
    %gt3A_808 = arith.cmpf ogt, %get3A_805, %gt3A_807 : vector<16xf32>
    %bitcast_convert_type3A_809 = tpu.bitcast %get3A_805 : vector<16xf32> -> vector<16xi32>
    %jit3A_810 = arith.constant 0 : i32
    %broadcast_in_dim3A_811 = vector.broadcast %jit3A_810 : i32 to vector<16xi32>
    %select_n3A_812 = arith.select %gt3A_808, %bitcast_convert_type3A_809, %broadcast_in_dim3A_811 : vector<16xi1>, vector<16xi32>
    %add3A_813 = arith.constant 272 : i32
    %add3A_814 = arith.addi %mul3A_2, %add3A_813 : i32
    %add3A_815 = vector.broadcast %add3A_814 : i32 to vector<16xi32>
    %add3A_816 = arith.addi %add3A_815, %iota3A : vector<16xi32>
    %gt3A_817 = vector.broadcast %reduce_sum3A_34 : i32 to vector<16xi32>
    %gt3A_818 = arith.cmpi sgt, %select_n3A_812, %gt3A_817 : vector<16xi32>
    %eq3A_819 = vector.broadcast %reduce_sum3A_34 : i32 to vector<16xi32>
    %eq3A_820 = arith.cmpi eq, %select_n3A_812, %eq3A_819 : vector<16xi32>
    %and3A_821 = vector.broadcast %gt3A_57 : i1 to vector<16xi1>
    %and3A_822 = arith.andi %eq3A_820, %and3A_821 : vector<16xi1>
    %lt3A_823 = vector.broadcast %reduce_sum3A_44 : i32 to vector<16xi32>
    %lt3A_824 = arith.cmpi slt, %add3A_816, %lt3A_823 : vector<16xi32>
    %and3A_825 = arith.andi %and3A_822, %lt3A_824 : vector<16xi1>
    %or3A_826 = arith.ori %gt3A_818, %and3A_825 : vector<16xi1>
    %convert_element_type3A_827 = arith.extui %or3A_826 : vector<16xi1> to vector<16xi32>
    %cumsum3A_828 = arith.constant true
    %cumsum3A_829 = vector.broadcast %cumsum3A_828 : i1 to vector<16xi1>
    %cumsum3A_830 = tpu.scan <sum>, %convert_element_type3A_827 masked %cumsum3A_829 : vector<16xi32>, vector<16xi1> -> vector<16xi32>
    %add3A_831 = arith.addi %reduce_sum3A_56, %add3A_803 : i32
    %add3A_832 = vector.broadcast %add3A_831 : i32 to vector<16xi32>
    %add3A_833 = arith.addi %add3A_832, %cumsum3A_830 : vector<16xi32>
    %sub3A_834 = arith.constant 1 : i32
    %sub3A_835 = vector.broadcast %sub3A_834 : i32 to vector<16xi32>
    %sub3A_836 = arith.subi %add3A_833, %sub3A_835 : vector<16xi32>
    %broadcast_in_dim3A_837 = vector.broadcast %add3A_61 : i32 to vector<16xi32>
    %select_n3A_838 = arith.select %or3A_826, %sub3A_836, %broadcast_in_dim3A_837 : vector<16xi1>, vector<16xi32>
    %swap3A_839 = arith.constant 2 : i32
    %swap3A_840 = arith.index_cast %swap3A_839 : i32 to index
    %swap3A_841 = arith.constant 16 : index
    %swap3A_842 = tpu.vector_load %arg22[%swap3A_840, %swap3A_841] {strides = array<i32>} : memref<5x128xi32, #tpu.memory_space<vmem>>, vector<16xi32>,
    tpu.vector_store %arg22[%swap3A_840, %swap3A_841], %select_n3A_838 {strides = array<i32>} : memref<5x128xi32, #tpu.memory_space<vmem>>, vector<16xi32>,
    %reduce_sum3A_843 = arith.constant true
    %reduce_sum3A_844 = vector.broadcast %reduce_sum3A_843 : i1 to vector<16xi1>
    %reduce_sum3A_845 = tpu.scan <sum>, %convert_element_type3A_827 masked %reduce_sum3A_844 : vector<16xi32>, vector<16xi1> -> vector<16xi32>
    %reduce_sum3A_846 = vector.extract %reduce_sum3A_845[15] : i32 from vector<16xi32>
    %add3A_847 = arith.addi %add3A_803, %reduce_sum3A_846 : i32
    %get3A_848 = arith.constant 288 : index
    %get3A_849 = tpu.vector_load %arg19[%get3A_848] {strides = array<i32>} : memref<640xf32, #tpu.memory_space<vmem>>, vector<16xf32>,
    %gt3A_850 = arith.constant 5.000000e-02 : f32
    %gt3A_851 = vector.broadcast %gt3A_850 : f32 to vector<16xf32>
    %gt3A_852 = arith.cmpf ogt, %get3A_849, %gt3A_851 : vector<16xf32>
    %bitcast_convert_type3A_853 = tpu.bitcast %get3A_849 : vector<16xf32> -> vector<16xi32>
    %jit3A_854 = arith.constant 0 : i32
    %broadcast_in_dim3A_855 = vector.broadcast %jit3A_854 : i32 to vector<16xi32>
    %select_n3A_856 = arith.select %gt3A_852, %bitcast_convert_type3A_853, %broadcast_in_dim3A_855 : vector<16xi1>, vector<16xi32>
    %add3A_857 = arith.constant 288 : i32
    %add3A_858 = arith.addi %mul3A_2, %add3A_857 : i32
    %add3A_859 = vector.broadcast %add3A_858 : i32 to vector<16xi32>
    %add3A_860 = arith.addi %add3A_859, %iota3A : vector<16xi32>
    %gt3A_861 = vector.broadcast %reduce_sum3A_34 : i32 to vector<16xi32>
    %gt3A_862 = arith.cmpi sgt, %select_n3A_856, %gt3A_861 : vector<16xi32>
    %eq3A_863 = vector.broadcast %reduce_sum3A_34 : i32 to vector<16xi32>
    %eq3A_864 = arith.cmpi eq, %select_n3A_856, %eq3A_863 : vector<16xi32>
    %and3A_865 = vector.broadcast %gt3A_57 : i1 to vector<16xi1>
    %and3A_866 = arith.andi %eq3A_864, %and3A_865 : vector<16xi1>
    %lt3A_867 = vector.broadcast %reduce_sum3A_44 : i32 to vector<16xi32>
    %lt3A_868 = arith.cmpi slt, %add3A_860, %lt3A_867 : vector<16xi32>
    %and3A_869 = arith.andi %and3A_866, %lt3A_868 : vector<16xi1>
    %or3A_870 = arith.ori %gt3A_862, %and3A_869 : vector<16xi1>
    %convert_element_type3A_871 = arith.extui %or3A_870 : vector<16xi1> to vector<16xi32>
    %cumsum3A_872 = arith.constant true
    %cumsum3A_873 = vector.broadcast %cumsum3A_872 : i1 to vector<16xi1>
    %cumsum3A_874 = tpu.scan <sum>, %convert_element_type3A_871 masked %cumsum3A_873 : vector<16xi32>, vector<16xi1> -> vector<16xi32>
    %add3A_875 = arith.addi %reduce_sum3A_56, %add3A_847 : i32
    %add3A_876 = vector.broadcast %add3A_875 : i32 to vector<16xi32>
    %add3A_877 = arith.addi %add3A_876, %cumsum3A_874 : vector<16xi32>
    %sub3A_878 = arith.constant 1 : i32
    %sub3A_879 = vector.broadcast %sub3A_878 : i32 to vector<16xi32>
    %sub3A_880 = arith.subi %add3A_877, %sub3A_879 : vector<16xi32>
    %broadcast_in_dim3A_881 = vector.broadcast %add3A_61 : i32 to vector<16xi32>
    %select_n3A_882 = arith.select %or3A_870, %sub3A_880, %broadcast_in_dim3A_881 : vector<16xi1>, vector<16xi32>
    %swap3A_883 = arith.constant 2 : i32
    %swap3A_884 = arith.index_cast %swap3A_883 : i32 to index
    %swap3A_885 = arith.constant 32 : index
    %swap3A_886 = tpu.vector_load %arg22[%swap3A_884, %swap3A_885] {strides = array<i32>} : memref<5x128xi32, #tpu.memory_space<vmem>>, vector<16xi32>,
    tpu.vector_store %arg22[%swap3A_884, %swap3A_885], %select_n3A_882 {strides = array<i32>} : memref<5x128xi32, #tpu.memory_space<vmem>>, vector<16xi32>,
    %reduce_sum3A_887 = arith.constant true
    %reduce_sum3A_888 = vector.broadcast %reduce_sum3A_887 : i1 to vector<16xi1>
    %reduce_sum3A_889 = tpu.scan <sum>, %convert_element_type3A_871 masked %reduce_sum3A_888 : vector<16xi32>, vector<16xi1> -> vector<16xi32>
    %reduce_sum3A_890 = vector.extract %reduce_sum3A_889[15] : i32 from vector<16xi32>
    %add3A_891 = arith.addi %add3A_847, %reduce_sum3A_890 : i32
    %get3A_892 = arith.constant 304 : index
    %get3A_893 = tpu.vector_load %arg19[%get3A_892] {strides = array<i32>} : memref<640xf32, #tpu.memory_space<vmem>>, vector<16xf32>,
    %gt3A_894 = arith.constant 5.000000e-02 : f32
    %gt3A_895 = vector.broadcast %gt3A_894 : f32 to vector<16xf32>
    %gt3A_896 = arith.cmpf ogt, %get3A_893, %gt3A_895 : vector<16xf32>
    %bitcast_convert_type3A_897 = tpu.bitcast %get3A_893 : vector<16xf32> -> vector<16xi32>
    %jit3A_898 = arith.constant 0 : i32
    %broadcast_in_dim3A_899 = vector.broadcast %jit3A_898 : i32 to vector<16xi32>
    %select_n3A_900 = arith.select %gt3A_896, %bitcast_convert_type3A_897, %broadcast_in_dim3A_899 : vector<16xi1>, vector<16xi32>
    %add3A_901 = arith.constant 304 : i32
    %add3A_902 = arith.addi %mul3A_2, %add3A_901 : i32
    %add3A_903 = vector.broadcast %add3A_902 : i32 to vector<16xi32>
    %add3A_904 = arith.addi %add3A_903, %iota3A : vector<16xi32>
    %gt3A_905 = vector.broadcast %reduce_sum3A_34 : i32 to vector<16xi32>
    %gt3A_906 = arith.cmpi sgt, %select_n3A_900, %gt3A_905 : vector<16xi32>
    %eq3A_907 = vector.broadcast %reduce_sum3A_34 : i32 to vector<16xi32>
    %eq3A_908 = arith.cmpi eq, %select_n3A_900, %eq3A_907 : vector<16xi32>
    %and3A_909 = vector.broadcast %gt3A_57 : i1 to vector<16xi1>
    %and3A_910 = arith.andi %eq3A_908, %and3A_909 : vector<16xi1>
    %lt3A_911 = vector.broadcast %reduce_sum3A_44 : i32 to vector<16xi32>
    %lt3A_912 = arith.cmpi slt, %add3A_904, %lt3A_911 : vector<16xi32>
    %and3A_913 = arith.andi %and3A_910, %lt3A_912 : vector<16xi1>
    %or3A_914 = arith.ori %gt3A_906, %and3A_913 : vector<16xi1>
    %convert_element_type3A_915 = arith.extui %or3A_914 : vector<16xi1> to vector<16xi32>
    %cumsum3A_916 = arith.constant true
    %cumsum3A_917 = vector.broadcast %cumsum3A_916 : i1 to vector<16xi1>
    %cumsum3A_918 = tpu.scan <sum>, %convert_element_type3A_915 masked %cumsum3A_917 : vector<16xi32>, vector<16xi1> -> vector<16xi32>
    %add3A_919 = arith.addi %reduce_sum3A_56, %add3A_891 : i32
    %add3A_920 = vector.broadcast %add3A_919 : i32 to vector<16xi32>
    %add3A_921 = arith.addi %add3A_920, %cumsum3A_918 : vector<16xi32>
    %sub3A_922 = arith.constant 1 : i32
    %sub3A_923 = vector.broadcast %sub3A_922 : i32 to vector<16xi32>
    %sub3A_924 = arith.subi %add3A_921, %sub3A_923 : vector<16xi32>
    %broadcast_in_dim3A_925 = vector.broadcast %add3A_61 : i32 to vector<16xi32>
    %select_n3A_926 = arith.select %or3A_914, %sub3A_924, %broadcast_in_dim3A_925 : vector<16xi1>, vector<16xi32>
    %swap3A_927 = arith.constant 2 : i32
    %swap3A_928 = arith.index_cast %swap3A_927 : i32 to index
    %swap3A_929 = arith.constant 48 : index
    %swap3A_930 = tpu.vector_load %arg22[%swap3A_928, %swap3A_929] {strides = array<i32>} : memref<5x128xi32, #tpu.memory_space<vmem>>, vector<16xi32>,
    tpu.vector_store %arg22[%swap3A_928, %swap3A_929], %select_n3A_926 {strides = array<i32>} : memref<5x128xi32, #tpu.memory_space<vmem>>, vector<16xi32>,
    %reduce_sum3A_931 = arith.constant true
    %reduce_sum3A_932 = vector.broadcast %reduce_sum3A_931 : i1 to vector<16xi1>
    %reduce_sum3A_933 = tpu.scan <sum>, %convert_element_type3A_915 masked %reduce_sum3A_932 : vector<16xi32>, vector<16xi1> -> vector<16xi32>
    %reduce_sum3A_934 = vector.extract %reduce_sum3A_933[15] : i32 from vector<16xi32>
    %add3A_935 = arith.addi %add3A_891, %reduce_sum3A_934 : i32
    %get3A_936 = arith.constant 320 : index
    %get3A_937 = tpu.vector_load %arg19[%get3A_936] {strides = array<i32>} : memref<640xf32, #tpu.memory_space<vmem>>, vector<16xf32>,
    %gt3A_938 = arith.constant 5.000000e-02 : f32
    %gt3A_939 = vector.broadcast %gt3A_938 : f32 to vector<16xf32>
    %gt3A_940 = arith.cmpf ogt, %get3A_937, %gt3A_939 : vector<16xf32>
    %bitcast_convert_type3A_941 = tpu.bitcast %get3A_937 : vector<16xf32> -> vector<16xi32>
    %jit3A_942 = arith.constant 0 : i32
    %broadcast_in_dim3A_943 = vector.broadcast %jit3A_942 : i32 to vector<16xi32>
    %select_n3A_944 = arith.select %gt3A_940, %bitcast_convert_type3A_941, %broadcast_in_dim3A_943 : vector<16xi1>, vector<16xi32>
    %add3A_945 = arith.constant 320 : i32
    %add3A_946 = arith.addi %mul3A_2, %add3A_945 : i32
    %add3A_947 = vector.broadcast %add3A_946 : i32 to vector<16xi32>
    %add3A_948 = arith.addi %add3A_947, %iota3A : vector<16xi32>
    %gt3A_949 = vector.broadcast %reduce_sum3A_34 : i32 to vector<16xi32>
    %gt3A_950 = arith.cmpi sgt, %select_n3A_944, %gt3A_949 : vector<16xi32>
    %eq3A_951 = vector.broadcast %reduce_sum3A_34 : i32 to vector<16xi32>
    %eq3A_952 = arith.cmpi eq, %select_n3A_944, %eq3A_951 : vector<16xi32>
    %and3A_953 = vector.broadcast %gt3A_57 : i1 to vector<16xi1>
    %and3A_954 = arith.andi %eq3A_952, %and3A_953 : vector<16xi1>
    %lt3A_955 = vector.broadcast %reduce_sum3A_44 : i32 to vector<16xi32>
    %lt3A_956 = arith.cmpi slt, %add3A_948, %lt3A_955 : vector<16xi32>
    %and3A_957 = arith.andi %and3A_954, %lt3A_956 : vector<16xi1>
    %or3A_958 = arith.ori %gt3A_950, %and3A_957 : vector<16xi1>
    %convert_element_type3A_959 = arith.extui %or3A_958 : vector<16xi1> to vector<16xi32>
    %cumsum3A_960 = arith.constant true
    %cumsum3A_961 = vector.broadcast %cumsum3A_960 : i1 to vector<16xi1>
    %cumsum3A_962 = tpu.scan <sum>, %convert_element_type3A_959 masked %cumsum3A_961 : vector<16xi32>, vector<16xi1> -> vector<16xi32>
    %add3A_963 = arith.addi %reduce_sum3A_56, %add3A_935 : i32
    %add3A_964 = vector.broadcast %add3A_963 : i32 to vector<16xi32>
    %add3A_965 = arith.addi %add3A_964, %cumsum3A_962 : vector<16xi32>
    %sub3A_966 = arith.constant 1 : i32
    %sub3A_967 = vector.broadcast %sub3A_966 : i32 to vector<16xi32>
    %sub3A_968 = arith.subi %add3A_965, %sub3A_967 : vector<16xi32>
    %broadcast_in_dim3A_969 = vector.broadcast %add3A_61 : i32 to vector<16xi32>
    %select_n3A_970 = arith.select %or3A_958, %sub3A_968, %broadcast_in_dim3A_969 : vector<16xi1>, vector<16xi32>
    %swap3A_971 = arith.constant 2 : i32
    %swap3A_972 = arith.index_cast %swap3A_971 : i32 to index
    %swap3A_973 = arith.constant 64 : index
    %swap3A_974 = tpu.vector_load %arg22[%swap3A_972, %swap3A_973] {strides = array<i32>} : memref<5x128xi32, #tpu.memory_space<vmem>>, vector<16xi32>,
    tpu.vector_store %arg22[%swap3A_972, %swap3A_973], %select_n3A_970 {strides = array<i32>} : memref<5x128xi32, #tpu.memory_space<vmem>>, vector<16xi32>,
    %reduce_sum3A_975 = arith.constant true
    %reduce_sum3A_976 = vector.broadcast %reduce_sum3A_975 : i1 to vector<16xi1>
    %reduce_sum3A_977 = tpu.scan <sum>, %convert_element_type3A_959 masked %reduce_sum3A_976 : vector<16xi32>, vector<16xi1> -> vector<16xi32>
    %reduce_sum3A_978 = vector.extract %reduce_sum3A_977[15] : i32 from vector<16xi32>
    %add3A_979 = arith.addi %add3A_935, %reduce_sum3A_978 : i32
    %get3A_980 = arith.constant 336 : index
    %get3A_981 = tpu.vector_load %arg19[%get3A_980] {strides = array<i32>} : memref<640xf32, #tpu.memory_space<vmem>>, vector<16xf32>,
    %gt3A_982 = arith.constant 5.000000e-02 : f32
    %gt3A_983 = vector.broadcast %gt3A_982 : f32 to vector<16xf32>
    %gt3A_984 = arith.cmpf ogt, %get3A_981, %gt3A_983 : vector<16xf32>
    %bitcast_convert_type3A_985 = tpu.bitcast %get3A_981 : vector<16xf32> -> vector<16xi32>
    %jit3A_986 = arith.constant 0 : i32
    %broadcast_in_dim3A_987 = vector.broadcast %jit3A_986 : i32 to vector<16xi32>
    %select_n3A_988 = arith.select %gt3A_984, %bitcast_convert_type3A_985, %broadcast_in_dim3A_987 : vector<16xi1>, vector<16xi32>
    %add3A_989 = arith.constant 336 : i32
    %add3A_990 = arith.addi %mul3A_2, %add3A_989 : i32
    %add3A_991 = vector.broadcast %add3A_990 : i32 to vector<16xi32>
    %add3A_992 = arith.addi %add3A_991, %iota3A : vector<16xi32>
    %gt3A_993 = vector.broadcast %reduce_sum3A_34 : i32 to vector<16xi32>
    %gt3A_994 = arith.cmpi sgt, %select_n3A_988, %gt3A_993 : vector<16xi32>
    %eq3A_995 = vector.broadcast %reduce_sum3A_34 : i32 to vector<16xi32>
    %eq3A_996 = arith.cmpi eq, %select_n3A_988, %eq3A_995 : vector<16xi32>
    %and3A_997 = vector.broadcast %gt3A_57 : i1 to vector<16xi1>
    %and3A_998 = arith.andi %eq3A_996, %and3A_997 : vector<16xi1>
    %lt3A_999 = vector.broadcast %reduce_sum3A_44 : i32 to vector<16xi32>
    %lt3A_1000 = arith.cmpi slt, %add3A_992, %lt3A_999 : vector<16xi32>
    %and3A_1001 = arith.andi %and3A_998, %lt3A_1000 : vector<16xi1>
    %or3A_1002 = arith.ori %gt3A_994, %and3A_1001 : vector<16xi1>
    %convert_element_type3A_1003 = arith.extui %or3A_1002 : vector<16xi1> to vector<16xi32>
    %cumsum3A_1004 = arith.constant true
    %cumsum3A_1005 = vector.broadcast %cumsum3A_1004 : i1 to vector<16xi1>
    %cumsum3A_1006 = tpu.scan <sum>, %convert_element_type3A_1003 masked %cumsum3A_1005 : vector<16xi32>, vector<16xi1> -> vector<16xi32>
    %add3A_1007 = arith.addi %reduce_sum3A_56, %add3A_979 : i32
    %add3A_1008 = vector.broadcast %add3A_1007 : i32 to vector<16xi32>
    %add3A_1009 = arith.addi %add3A_1008, %cumsum3A_1006 : vector<16xi32>
    %sub3A_1010 = arith.constant 1 : i32
    %sub3A_1011 = vector.broadcast %sub3A_1010 : i32 to vector<16xi32>
    %sub3A_1012 = arith.subi %add3A_1009, %sub3A_1011 : vector<16xi32>
    %broadcast_in_dim3A_1013 = vector.broadcast %add3A_61 : i32 to vector<16xi32>
    %select_n3A_1014 = arith.select %or3A_1002, %sub3A_1012, %broadcast_in_dim3A_1013 : vector<16xi1>, vector<16xi32>
    %swap3A_1015 = arith.constant 2 : i32
    %swap3A_1016 = arith.index_cast %swap3A_1015 : i32 to index
    %swap3A_1017 = arith.constant 80 : index
    %swap3A_1018 = tpu.vector_load %arg22[%swap3A_1016, %swap3A_1017] {strides = array<i32>} : memref<5x128xi32, #tpu.memory_space<vmem>>, vector<16xi32>,
    tpu.vector_store %arg22[%swap3A_1016, %swap3A_1017], %select_n3A_1014 {strides = array<i32>} : memref<5x128xi32, #tpu.memory_space<vmem>>, vector<16xi32>,
    %reduce_sum3A_1019 = arith.constant true
    %reduce_sum3A_1020 = vector.broadcast %reduce_sum3A_1019 : i1 to vector<16xi1>
    %reduce_sum3A_1021 = tpu.scan <sum>, %convert_element_type3A_1003 masked %reduce_sum3A_1020 : vector<16xi32>, vector<16xi1> -> vector<16xi32>
    %reduce_sum3A_1022 = vector.extract %reduce_sum3A_1021[15] : i32 from vector<16xi32>
    %add3A_1023 = arith.addi %add3A_979, %reduce_sum3A_1022 : i32
    %get3A_1024 = arith.constant 352 : index
    %get3A_1025 = tpu.vector_load %arg19[%get3A_1024] {strides = array<i32>} : memref<640xf32, #tpu.memory_space<vmem>>, vector<16xf32>,
    %gt3A_1026 = arith.constant 5.000000e-02 : f32
    %gt3A_1027 = vector.broadcast %gt3A_1026 : f32 to vector<16xf32>
    %gt3A_1028 = arith.cmpf ogt, %get3A_1025, %gt3A_1027 : vector<16xf32>
    %bitcast_convert_type3A_1029 = tpu.bitcast %get3A_1025 : vector<16xf32> -> vector<16xi32>
    %jit3A_1030 = arith.constant 0 : i32
    %broadcast_in_dim3A_1031 = vector.broadcast %jit3A_1030 : i32 to vector<16xi32>
    %select_n3A_1032 = arith.select %gt3A_1028, %bitcast_convert_type3A_1029, %broadcast_in_dim3A_1031 : vector<16xi1>, vector<16xi32>
    %add3A_1033 = arith.constant 352 : i32
    %add3A_1034 = arith.addi %mul3A_2, %add3A_1033 : i32
    %add3A_1035 = vector.broadcast %add3A_1034 : i32 to vector<16xi32>
    %add3A_1036 = arith.addi %add3A_1035, %iota3A : vector<16xi32>
    %gt3A_1037 = vector.broadcast %reduce_sum3A_34 : i32 to vector<16xi32>
    %gt3A_1038 = arith.cmpi sgt, %select_n3A_1032, %gt3A_1037 : vector<16xi32>
    %eq3A_1039 = vector.broadcast %reduce_sum3A_34 : i32 to vector<16xi32>
    %eq3A_1040 = arith.cmpi eq, %select_n3A_1032, %eq3A_1039 : vector<16xi32>
    %and3A_1041 = vector.broadcast %gt3A_57 : i1 to vector<16xi1>
    %and3A_1042 = arith.andi %eq3A_1040, %and3A_1041 : vector<16xi1>
    %lt3A_1043 = vector.broadcast %reduce_sum3A_44 : i32 to vector<16xi32>
    %lt3A_1044 = arith.cmpi slt, %add3A_1036, %lt3A_1043 : vector<16xi32>
    %and3A_1045 = arith.andi %and3A_1042, %lt3A_1044 : vector<16xi1>
    %or3A_1046 = arith.ori %gt3A_1038, %and3A_1045 : vector<16xi1>
    %convert_element_type3A_1047 = arith.extui %or3A_1046 : vector<16xi1> to vector<16xi32>
    %cumsum3A_1048 = arith.constant true
    %cumsum3A_1049 = vector.broadcast %cumsum3A_1048 : i1 to vector<16xi1>
    %cumsum3A_1050 = tpu.scan <sum>, %convert_element_type3A_1047 masked %cumsum3A_1049 : vector<16xi32>, vector<16xi1> -> vector<16xi32>
    %add3A_1051 = arith.addi %reduce_sum3A_56, %add3A_1023 : i32
    %add3A_1052 = vector.broadcast %add3A_1051 : i32 to vector<16xi32>
    %add3A_1053 = arith.addi %add3A_1052, %cumsum3A_1050 : vector<16xi32>
    %sub3A_1054 = arith.constant 1 : i32
    %sub3A_1055 = vector.broadcast %sub3A_1054 : i32 to vector<16xi32>
    %sub3A_1056 = arith.subi %add3A_1053, %sub3A_1055 : vector<16xi32>
    %broadcast_in_dim3A_1057 = vector.broadcast %add3A_61 : i32 to vector<16xi32>
    %select_n3A_1058 = arith.select %or3A_1046, %sub3A_1056, %broadcast_in_dim3A_1057 : vector<16xi1>, vector<16xi32>
    %swap3A_1059 = arith.constant 2 : i32
    %swap3A_1060 = arith.index_cast %swap3A_1059 : i32 to index
    %swap3A_1061 = arith.constant 96 : index
    %swap3A_1062 = tpu.vector_load %arg22[%swap3A_1060, %swap3A_1061] {strides = array<i32>} : memref<5x128xi32, #tpu.memory_space<vmem>>, vector<16xi32>,
    tpu.vector_store %arg22[%swap3A_1060, %swap3A_1061], %select_n3A_1058 {strides = array<i32>} : memref<5x128xi32, #tpu.memory_space<vmem>>, vector<16xi32>,
    %reduce_sum3A_1063 = arith.constant true
    %reduce_sum3A_1064 = vector.broadcast %reduce_sum3A_1063 : i1 to vector<16xi1>
    %reduce_sum3A_1065 = tpu.scan <sum>, %convert_element_type3A_1047 masked %reduce_sum3A_1064 : vector<16xi32>, vector<16xi1> -> vector<16xi32>
    %reduce_sum3A_1066 = vector.extract %reduce_sum3A_1065[15] : i32 from vector<16xi32>
    %add3A_1067 = arith.addi %add3A_1023, %reduce_sum3A_1066 : i32
    %get3A_1068 = arith.constant 368 : index
    %get3A_1069 = tpu.vector_load %arg19[%get3A_1068] {strides = array<i32>} : memref<640xf32, #tpu.memory_space<vmem>>, vector<16xf32>,
    %gt3A_1070 = arith.constant 5.000000e-02 : f32
    %gt3A_1071 = vector.broadcast %gt3A_1070 : f32 to vector<16xf32>
    %gt3A_1072 = arith.cmpf ogt, %get3A_1069, %gt3A_1071 : vector<16xf32>
    %bitcast_convert_type3A_1073 = tpu.bitcast %get3A_1069 : vector<16xf32> -> vector<16xi32>
    %jit3A_1074 = arith.constant 0 : i32
    %broadcast_in_dim3A_1075 = vector.broadcast %jit3A_1074 : i32 to vector<16xi32>
    %select_n3A_1076 = arith.select %gt3A_1072, %bitcast_convert_type3A_1073, %broadcast_in_dim3A_1075 : vector<16xi1>, vector<16xi32>
    %add3A_1077 = arith.constant 368 : i32
    %add3A_1078 = arith.addi %mul3A_2, %add3A_1077 : i32
    %add3A_1079 = vector.broadcast %add3A_1078 : i32 to vector<16xi32>
    %add3A_1080 = arith.addi %add3A_1079, %iota3A : vector<16xi32>
    %gt3A_1081 = vector.broadcast %reduce_sum3A_34 : i32 to vector<16xi32>
    %gt3A_1082 = arith.cmpi sgt, %select_n3A_1076, %gt3A_1081 : vector<16xi32>
    %eq3A_1083 = vector.broadcast %reduce_sum3A_34 : i32 to vector<16xi32>
    %eq3A_1084 = arith.cmpi eq, %select_n3A_1076, %eq3A_1083 : vector<16xi32>
    %and3A_1085 = vector.broadcast %gt3A_57 : i1 to vector<16xi1>
    %and3A_1086 = arith.andi %eq3A_1084, %and3A_1085 : vector<16xi1>
    %lt3A_1087 = vector.broadcast %reduce_sum3A_44 : i32 to vector<16xi32>
    %lt3A_1088 = arith.cmpi slt, %add3A_1080, %lt3A_1087 : vector<16xi32>
    %and3A_1089 = arith.andi %and3A_1086, %lt3A_1088 : vector<16xi1>
    %or3A_1090 = arith.ori %gt3A_1082, %and3A_1089 : vector<16xi1>
    %convert_element_type3A_1091 = arith.extui %or3A_1090 : vector<16xi1> to vector<16xi32>
    %cumsum3A_1092 = arith.constant true
    %cumsum3A_1093 = vector.broadcast %cumsum3A_1092 : i1 to vector<16xi1>
    %cumsum3A_1094 = tpu.scan <sum>, %convert_element_type3A_1091 masked %cumsum3A_1093 : vector<16xi32>, vector<16xi1> -> vector<16xi32>
    %add3A_1095 = arith.addi %reduce_sum3A_56, %add3A_1067 : i32
    %add3A_1096 = vector.broadcast %add3A_1095 : i32 to vector<16xi32>
    %add3A_1097 = arith.addi %add3A_1096, %cumsum3A_1094 : vector<16xi32>
    %sub3A_1098 = arith.constant 1 : i32
    %sub3A_1099 = vector.broadcast %sub3A_1098 : i32 to vector<16xi32>
    %sub3A_1100 = arith.subi %add3A_1097, %sub3A_1099 : vector<16xi32>
    %broadcast_in_dim3A_1101 = vector.broadcast %add3A_61 : i32 to vector<16xi32>
    %select_n3A_1102 = arith.select %or3A_1090, %sub3A_1100, %broadcast_in_dim3A_1101 : vector<16xi1>, vector<16xi32>
    %swap3A_1103 = arith.constant 2 : i32
    %swap3A_1104 = arith.index_cast %swap3A_1103 : i32 to index
    %swap3A_1105 = arith.constant 112 : index
    %swap3A_1106 = tpu.vector_load %arg22[%swap3A_1104, %swap3A_1105] {strides = array<i32>} : memref<5x128xi32, #tpu.memory_space<vmem>>, vector<16xi32>,
    tpu.vector_store %arg22[%swap3A_1104, %swap3A_1105], %select_n3A_1102 {strides = array<i32>} : memref<5x128xi32, #tpu.memory_space<vmem>>, vector<16xi32>,
    %reduce_sum3A_1107 = arith.constant true
    %reduce_sum3A_1108 = vector.broadcast %reduce_sum3A_1107 : i1 to vector<16xi1>
    %reduce_sum3A_1109 = tpu.scan <sum>, %convert_element_type3A_1091 masked %reduce_sum3A_1108 : vector<16xi32>, vector<16xi1> -> vector<16xi32>
    %reduce_sum3A_1110 = vector.extract %reduce_sum3A_1109[15] : i32 from vector<16xi32>
    %add3A_1111 = arith.addi %add3A_1067, %reduce_sum3A_1110 : i32
    %get3A_1112 = arith.constant 384 : index
    %get3A_1113 = tpu.vector_load %arg19[%get3A_1112] {strides = array<i32>} : memref<640xf32, #tpu.memory_space<vmem>>, vector<16xf32>,
    %gt3A_1114 = arith.constant 5.000000e-02 : f32
    %gt3A_1115 = vector.broadcast %gt3A_1114 : f32 to vector<16xf32>
    %gt3A_1116 = arith.cmpf ogt, %get3A_1113, %gt3A_1115 : vector<16xf32>
    %bitcast_convert_type3A_1117 = tpu.bitcast %get3A_1113 : vector<16xf32> -> vector<16xi32>
    %jit3A_1118 = arith.constant 0 : i32
    %broadcast_in_dim3A_1119 = vector.broadcast %jit3A_1118 : i32 to vector<16xi32>
    %select_n3A_1120 = arith.select %gt3A_1116, %bitcast_convert_type3A_1117, %broadcast_in_dim3A_1119 : vector<16xi1>, vector<16xi32>
    %add3A_1121 = arith.constant 384 : i32
    %add3A_1122 = arith.addi %mul3A_2, %add3A_1121 : i32
    %add3A_1123 = vector.broadcast %add3A_1122 : i32 to vector<16xi32>
    %add3A_1124 = arith.addi %add3A_1123, %iota3A : vector<16xi32>
    %gt3A_1125 = vector.broadcast %reduce_sum3A_34 : i32 to vector<16xi32>
    %gt3A_1126 = arith.cmpi sgt, %select_n3A_1120, %gt3A_1125 : vector<16xi32>
    %eq3A_1127 = vector.broadcast %reduce_sum3A_34 : i32 to vector<16xi32>
    %eq3A_1128 = arith.cmpi eq, %select_n3A_1120, %eq3A_1127 : vector<16xi32>
    %and3A_1129 = vector.broadcast %gt3A_57 : i1 to vector<16xi1>
    %and3A_1130 = arith.andi %eq3A_1128, %and3A_1129 : vector<16xi1>
    %lt3A_1131 = vector.broadcast %reduce_sum3A_44 : i32 to vector<16xi32>
    %lt3A_1132 = arith.cmpi slt, %add3A_1124, %lt3A_1131 : vector<16xi32>
    %and3A_1133 = arith.andi %and3A_1130, %lt3A_1132 : vector<16xi1>
    %or3A_1134 = arith.ori %gt3A_1126, %and3A_1133 : vector<16xi1>
    %convert_element_type3A_1135 = arith.extui %or3A_1134 : vector<16xi1> to vector<16xi32>
    %cumsum3A_1136 = arith.constant true
    %cumsum3A_1137 = vector.broadcast %cumsum3A_1136 : i1 to vector<16xi1>
    %cumsum3A_1138 = tpu.scan <sum>, %convert_element_type3A_1135 masked %cumsum3A_1137 : vector<16xi32>, vector<16xi1> -> vector<16xi32>
    %add3A_1139 = arith.addi %reduce_sum3A_56, %add3A_1111 : i32
    %add3A_1140 = vector.broadcast %add3A_1139 : i32 to vector<16xi32>
    %add3A_1141 = arith.addi %add3A_1140, %cumsum3A_1138 : vector<16xi32>
    %sub3A_1142 = arith.constant 1 : i32
    %sub3A_1143 = vector.broadcast %sub3A_1142 : i32 to vector<16xi32>
    %sub3A_1144 = arith.subi %add3A_1141, %sub3A_1143 : vector<16xi32>
    %broadcast_in_dim3A_1145 = vector.broadcast %add3A_61 : i32 to vector<16xi32>
    %select_n3A_1146 = arith.select %or3A_1134, %sub3A_1144, %broadcast_in_dim3A_1145 : vector<16xi1>, vector<16xi32>
    %swap3A_1147 = arith.constant 3 : i32
    %swap3A_1148 = arith.index_cast %swap3A_1147 : i32 to index
    %swap3A_1149 = arith.constant 0 : index
    %swap3A_1150 = tpu.vector_load %arg22[%swap3A_1148, %swap3A_1149] {strides = array<i32>} : memref<5x128xi32, #tpu.memory_space<vmem>>, vector<16xi32>,
    tpu.vector_store %arg22[%swap3A_1148, %swap3A_1149], %select_n3A_1146 {strides = array<i32>} : memref<5x128xi32, #tpu.memory_space<vmem>>, vector<16xi32>,
    %reduce_sum3A_1151 = arith.constant true
    %reduce_sum3A_1152 = vector.broadcast %reduce_sum3A_1151 : i1 to vector<16xi1>
    %reduce_sum3A_1153 = tpu.scan <sum>, %convert_element_type3A_1135 masked %reduce_sum3A_1152 : vector<16xi32>, vector<16xi1> -> vector<16xi32>
    %reduce_sum3A_1154 = vector.extract %reduce_sum3A_1153[15] : i32 from vector<16xi32>
    %add3A_1155 = arith.addi %add3A_1111, %reduce_sum3A_1154 : i32
    %get3A_1156 = arith.constant 400 : index
    %get3A_1157 = tpu.vector_load %arg19[%get3A_1156] {strides = array<i32>} : memref<640xf32, #tpu.memory_space<vmem>>, vector<16xf32>,
    %gt3A_1158 = arith.constant 5.000000e-02 : f32
    %gt3A_1159 = vector.broadcast %gt3A_1158 : f32 to vector<16xf32>
    %gt3A_1160 = arith.cmpf ogt, %get3A_1157, %gt3A_1159 : vector<16xf32>
    %bitcast_convert_type3A_1161 = tpu.bitcast %get3A_1157 : vector<16xf32> -> vector<16xi32>
    %jit3A_1162 = arith.constant 0 : i32
    %broadcast_in_dim3A_1163 = vector.broadcast %jit3A_1162 : i32 to vector<16xi32>
    %select_n3A_1164 = arith.select %gt3A_1160, %bitcast_convert_type3A_1161, %broadcast_in_dim3A_1163 : vector<16xi1>, vector<16xi32>
    %add3A_1165 = arith.constant 400 : i32
    %add3A_1166 = arith.addi %mul3A_2, %add3A_1165 : i32
    %add3A_1167 = vector.broadcast %add3A_1166 : i32 to vector<16xi32>
    %add3A_1168 = arith.addi %add3A_1167, %iota3A : vector<16xi32>
    %gt3A_1169 = vector.broadcast %reduce_sum3A_34 : i32 to vector<16xi32>
    %gt3A_1170 = arith.cmpi sgt, %select_n3A_1164, %gt3A_1169 : vector<16xi32>
    %eq3A_1171 = vector.broadcast %reduce_sum3A_34 : i32 to vector<16xi32>
    %eq3A_1172 = arith.cmpi eq, %select_n3A_1164, %eq3A_1171 : vector<16xi32>
    %and3A_1173 = vector.broadcast %gt3A_57 : i1 to vector<16xi1>
    %and3A_1174 = arith.andi %eq3A_1172, %and3A_1173 : vector<16xi1>
    %lt3A_1175 = vector.broadcast %reduce_sum3A_44 : i32 to vector<16xi32>
    %lt3A_1176 = arith.cmpi slt, %add3A_1168, %lt3A_1175 : vector<16xi32>
    %and3A_1177 = arith.andi %and3A_1174, %lt3A_1176 : vector<16xi1>
    %or3A_1178 = arith.ori %gt3A_1170, %and3A_1177 : vector<16xi1>
    %convert_element_type3A_1179 = arith.extui %or3A_1178 : vector<16xi1> to vector<16xi32>
    %cumsum3A_1180 = arith.constant true
    %cumsum3A_1181 = vector.broadcast %cumsum3A_1180 : i1 to vector<16xi1>
    %cumsum3A_1182 = tpu.scan <sum>, %convert_element_type3A_1179 masked %cumsum3A_1181 : vector<16xi32>, vector<16xi1> -> vector<16xi32>
    %add3A_1183 = arith.addi %reduce_sum3A_56, %add3A_1155 : i32
    %add3A_1184 = vector.broadcast %add3A_1183 : i32 to vector<16xi32>
    %add3A_1185 = arith.addi %add3A_1184, %cumsum3A_1182 : vector<16xi32>
    %sub3A_1186 = arith.constant 1 : i32
    %sub3A_1187 = vector.broadcast %sub3A_1186 : i32 to vector<16xi32>
    %sub3A_1188 = arith.subi %add3A_1185, %sub3A_1187 : vector<16xi32>
    %broadcast_in_dim3A_1189 = vector.broadcast %add3A_61 : i32 to vector<16xi32>
    %select_n3A_1190 = arith.select %or3A_1178, %sub3A_1188, %broadcast_in_dim3A_1189 : vector<16xi1>, vector<16xi32>
    %swap3A_1191 = arith.constant 3 : i32
    %swap3A_1192 = arith.index_cast %swap3A_1191 : i32 to index
    %swap3A_1193 = arith.constant 16 : index
    %swap3A_1194 = tpu.vector_load %arg22[%swap3A_1192, %swap3A_1193] {strides = array<i32>} : memref<5x128xi32, #tpu.memory_space<vmem>>, vector<16xi32>,
    tpu.vector_store %arg22[%swap3A_1192, %swap3A_1193], %select_n3A_1190 {strides = array<i32>} : memref<5x128xi32, #tpu.memory_space<vmem>>, vector<16xi32>,
    %reduce_sum3A_1195 = arith.constant true
    %reduce_sum3A_1196 = vector.broadcast %reduce_sum3A_1195 : i1 to vector<16xi1>
    %reduce_sum3A_1197 = tpu.scan <sum>, %convert_element_type3A_1179 masked %reduce_sum3A_1196 : vector<16xi32>, vector<16xi1> -> vector<16xi32>
    %reduce_sum3A_1198 = vector.extract %reduce_sum3A_1197[15] : i32 from vector<16xi32>
    %add3A_1199 = arith.addi %add3A_1155, %reduce_sum3A_1198 : i32
    %get3A_1200 = arith.constant 416 : index
    %get3A_1201 = tpu.vector_load %arg19[%get3A_1200] {strides = array<i32>} : memref<640xf32, #tpu.memory_space<vmem>>, vector<16xf32>,
    %gt3A_1202 = arith.constant 5.000000e-02 : f32
    %gt3A_1203 = vector.broadcast %gt3A_1202 : f32 to vector<16xf32>
    %gt3A_1204 = arith.cmpf ogt, %get3A_1201, %gt3A_1203 : vector<16xf32>
    %bitcast_convert_type3A_1205 = tpu.bitcast %get3A_1201 : vector<16xf32> -> vector<16xi32>
    %jit3A_1206 = arith.constant 0 : i32
    %broadcast_in_dim3A_1207 = vector.broadcast %jit3A_1206 : i32 to vector<16xi32>
    %select_n3A_1208 = arith.select %gt3A_1204, %bitcast_convert_type3A_1205, %broadcast_in_dim3A_1207 : vector<16xi1>, vector<16xi32>
    %add3A_1209 = arith.constant 416 : i32
    %add3A_1210 = arith.addi %mul3A_2, %add3A_1209 : i32
    %add3A_1211 = vector.broadcast %add3A_1210 : i32 to vector<16xi32>
    %add3A_1212 = arith.addi %add3A_1211, %iota3A : vector<16xi32>
    %gt3A_1213 = vector.broadcast %reduce_sum3A_34 : i32 to vector<16xi32>
    %gt3A_1214 = arith.cmpi sgt, %select_n3A_1208, %gt3A_1213 : vector<16xi32>
    %eq3A_1215 = vector.broadcast %reduce_sum3A_34 : i32 to vector<16xi32>
    %eq3A_1216 = arith.cmpi eq, %select_n3A_1208, %eq3A_1215 : vector<16xi32>
    %and3A_1217 = vector.broadcast %gt3A_57 : i1 to vector<16xi1>
    %and3A_1218 = arith.andi %eq3A_1216, %and3A_1217 : vector<16xi1>
    %lt3A_1219 = vector.broadcast %reduce_sum3A_44 : i32 to vector<16xi32>
    %lt3A_1220 = arith.cmpi slt, %add3A_1212, %lt3A_1219 : vector<16xi32>
    %and3A_1221 = arith.andi %and3A_1218, %lt3A_1220 : vector<16xi1>
    %or3A_1222 = arith.ori %gt3A_1214, %and3A_1221 : vector<16xi1>
    %convert_element_type3A_1223 = arith.extui %or3A_1222 : vector<16xi1> to vector<16xi32>
    %cumsum3A_1224 = arith.constant true
    %cumsum3A_1225 = vector.broadcast %cumsum3A_1224 : i1 to vector<16xi1>
    %cumsum3A_1226 = tpu.scan <sum>, %convert_element_type3A_1223 masked %cumsum3A_1225 : vector<16xi32>, vector<16xi1> -> vector<16xi32>
    %add3A_1227 = arith.addi %reduce_sum3A_56, %add3A_1199 : i32
    %add3A_1228 = vector.broadcast %add3A_1227 : i32 to vector<16xi32>
    %add3A_1229 = arith.addi %add3A_1228, %cumsum3A_1226 : vector<16xi32>
    %sub3A_1230 = arith.constant 1 : i32
    %sub3A_1231 = vector.broadcast %sub3A_1230 : i32 to vector<16xi32>
    %sub3A_1232 = arith.subi %add3A_1229, %sub3A_1231 : vector<16xi32>
    %broadcast_in_dim3A_1233 = vector.broadcast %add3A_61 : i32 to vector<16xi32>
    %select_n3A_1234 = arith.select %or3A_1222, %sub3A_1232, %broadcast_in_dim3A_1233 : vector<16xi1>, vector<16xi32>
    %swap3A_1235 = arith.constant 3 : i32
    %swap3A_1236 = arith.index_cast %swap3A_1235 : i32 to index
    %swap3A_1237 = arith.constant 32 : index
    %swap3A_1238 = tpu.vector_load %arg22[%swap3A_1236, %swap3A_1237] {strides = array<i32>} : memref<5x128xi32, #tpu.memory_space<vmem>>, vector<16xi32>,
    tpu.vector_store %arg22[%swap3A_1236, %swap3A_1237], %select_n3A_1234 {strides = array<i32>} : memref<5x128xi32, #tpu.memory_space<vmem>>, vector<16xi32>,
    %reduce_sum3A_1239 = arith.constant true
    %reduce_sum3A_1240 = vector.broadcast %reduce_sum3A_1239 : i1 to vector<16xi1>
    %reduce_sum3A_1241 = tpu.scan <sum>, %convert_element_type3A_1223 masked %reduce_sum3A_1240 : vector<16xi32>, vector<16xi1> -> vector<16xi32>
    %reduce_sum3A_1242 = vector.extract %reduce_sum3A_1241[15] : i32 from vector<16xi32>
    %add3A_1243 = arith.addi %add3A_1199, %reduce_sum3A_1242 : i32
    %get3A_1244 = arith.constant 432 : index
    %get3A_1245 = tpu.vector_load %arg19[%get3A_1244] {strides = array<i32>} : memref<640xf32, #tpu.memory_space<vmem>>, vector<16xf32>,
    %gt3A_1246 = arith.constant 5.000000e-02 : f32
    %gt3A_1247 = vector.broadcast %gt3A_1246 : f32 to vector<16xf32>
    %gt3A_1248 = arith.cmpf ogt, %get3A_1245, %gt3A_1247 : vector<16xf32>
    %bitcast_convert_type3A_1249 = tpu.bitcast %get3A_1245 : vector<16xf32> -> vector<16xi32>
    %jit3A_1250 = arith.constant 0 : i32
    %broadcast_in_dim3A_1251 = vector.broadcast %jit3A_1250 : i32 to vector<16xi32>
    %select_n3A_1252 = arith.select %gt3A_1248, %bitcast_convert_type3A_1249, %broadcast_in_dim3A_1251 : vector<16xi1>, vector<16xi32>
    %add3A_1253 = arith.constant 432 : i32
    %add3A_1254 = arith.addi %mul3A_2, %add3A_1253 : i32
    %add3A_1255 = vector.broadcast %add3A_1254 : i32 to vector<16xi32>
    %add3A_1256 = arith.addi %add3A_1255, %iota3A : vector<16xi32>
    %gt3A_1257 = vector.broadcast %reduce_sum3A_34 : i32 to vector<16xi32>
    %gt3A_1258 = arith.cmpi sgt, %select_n3A_1252, %gt3A_1257 : vector<16xi32>
    %eq3A_1259 = vector.broadcast %reduce_sum3A_34 : i32 to vector<16xi32>
    %eq3A_1260 = arith.cmpi eq, %select_n3A_1252, %eq3A_1259 : vector<16xi32>
    %and3A_1261 = vector.broadcast %gt3A_57 : i1 to vector<16xi1>
    %and3A_1262 = arith.andi %eq3A_1260, %and3A_1261 : vector<16xi1>
    %lt3A_1263 = vector.broadcast %reduce_sum3A_44 : i32 to vector<16xi32>
    %lt3A_1264 = arith.cmpi slt, %add3A_1256, %lt3A_1263 : vector<16xi32>
    %and3A_1265 = arith.andi %and3A_1262, %lt3A_1264 : vector<16xi1>
    %or3A_1266 = arith.ori %gt3A_1258, %and3A_1265 : vector<16xi1>
    %convert_element_type3A_1267 = arith.extui %or3A_1266 : vector<16xi1> to vector<16xi32>
    %cumsum3A_1268 = arith.constant true
    %cumsum3A_1269 = vector.broadcast %cumsum3A_1268 : i1 to vector<16xi1>
    %cumsum3A_1270 = tpu.scan <sum>, %convert_element_type3A_1267 masked %cumsum3A_1269 : vector<16xi32>, vector<16xi1> -> vector<16xi32>
    %add3A_1271 = arith.addi %reduce_sum3A_56, %add3A_1243 : i32
    %add3A_1272 = vector.broadcast %add3A_1271 : i32 to vector<16xi32>
    %add3A_1273 = arith.addi %add3A_1272, %cumsum3A_1270 : vector<16xi32>
    %sub3A_1274 = arith.constant 1 : i32
    %sub3A_1275 = vector.broadcast %sub3A_1274 : i32 to vector<16xi32>
    %sub3A_1276 = arith.subi %add3A_1273, %sub3A_1275 : vector<16xi32>
    %broadcast_in_dim3A_1277 = vector.broadcast %add3A_61 : i32 to vector<16xi32>
    %select_n3A_1278 = arith.select %or3A_1266, %sub3A_1276, %broadcast_in_dim3A_1277 : vector<16xi1>, vector<16xi32>
    %swap3A_1279 = arith.constant 3 : i32
    %swap3A_1280 = arith.index_cast %swap3A_1279 : i32 to index
    %swap3A_1281 = arith.constant 48 : index
    %swap3A_1282 = tpu.vector_load %arg22[%swap3A_1280, %swap3A_1281] {strides = array<i32>} : memref<5x128xi32, #tpu.memory_space<vmem>>, vector<16xi32>,
    tpu.vector_store %arg22[%swap3A_1280, %swap3A_1281], %select_n3A_1278 {strides = array<i32>} : memref<5x128xi32, #tpu.memory_space<vmem>>, vector<16xi32>,
    %reduce_sum3A_1283 = arith.constant true
    %reduce_sum3A_1284 = vector.broadcast %reduce_sum3A_1283 : i1 to vector<16xi1>
    %reduce_sum3A_1285 = tpu.scan <sum>, %convert_element_type3A_1267 masked %reduce_sum3A_1284 : vector<16xi32>, vector<16xi1> -> vector<16xi32>
    %reduce_sum3A_1286 = vector.extract %reduce_sum3A_1285[15] : i32 from vector<16xi32>
    %add3A_1287 = arith.addi %add3A_1243, %reduce_sum3A_1286 : i32
    %get3A_1288 = arith.constant 448 : index
    %get3A_1289 = tpu.vector_load %arg19[%get3A_1288] {strides = array<i32>} : memref<640xf32, #tpu.memory_space<vmem>>, vector<16xf32>,
    %gt3A_1290 = arith.constant 5.000000e-02 : f32
    %gt3A_1291 = vector.broadcast %gt3A_1290 : f32 to vector<16xf32>
    %gt3A_1292 = arith.cmpf ogt, %get3A_1289, %gt3A_1291 : vector<16xf32>
    %bitcast_convert_type3A_1293 = tpu.bitcast %get3A_1289 : vector<16xf32> -> vector<16xi32>
    %jit3A_1294 = arith.constant 0 : i32
    %broadcast_in_dim3A_1295 = vector.broadcast %jit3A_1294 : i32 to vector<16xi32>
    %select_n3A_1296 = arith.select %gt3A_1292, %bitcast_convert_type3A_1293, %broadcast_in_dim3A_1295 : vector<16xi1>, vector<16xi32>
    %add3A_1297 = arith.constant 448 : i32
    %add3A_1298 = arith.addi %mul3A_2, %add3A_1297 : i32
    %add3A_1299 = vector.broadcast %add3A_1298 : i32 to vector<16xi32>
    %add3A_1300 = arith.addi %add3A_1299, %iota3A : vector<16xi32>
    %gt3A_1301 = vector.broadcast %reduce_sum3A_34 : i32 to vector<16xi32>
    %gt3A_1302 = arith.cmpi sgt, %select_n3A_1296, %gt3A_1301 : vector<16xi32>
    %eq3A_1303 = vector.broadcast %reduce_sum3A_34 : i32 to vector<16xi32>
    %eq3A_1304 = arith.cmpi eq, %select_n3A_1296, %eq3A_1303 : vector<16xi32>
    %and3A_1305 = vector.broadcast %gt3A_57 : i1 to vector<16xi1>
    %and3A_1306 = arith.andi %eq3A_1304, %and3A_1305 : vector<16xi1>
    %lt3A_1307 = vector.broadcast %reduce_sum3A_44 : i32 to vector<16xi32>
    %lt3A_1308 = arith.cmpi slt, %add3A_1300, %lt3A_1307 : vector<16xi32>
    %and3A_1309 = arith.andi %and3A_1306, %lt3A_1308 : vector<16xi1>
    %or3A_1310 = arith.ori %gt3A_1302, %and3A_1309 : vector<16xi1>
    %convert_element_type3A_1311 = arith.extui %or3A_1310 : vector<16xi1> to vector<16xi32>
    %cumsum3A_1312 = arith.constant true
    %cumsum3A_1313 = vector.broadcast %cumsum3A_1312 : i1 to vector<16xi1>
    %cumsum3A_1314 = tpu.scan <sum>, %convert_element_type3A_1311 masked %cumsum3A_1313 : vector<16xi32>, vector<16xi1> -> vector<16xi32>
    %add3A_1315 = arith.addi %reduce_sum3A_56, %add3A_1287 : i32
    %add3A_1316 = vector.broadcast %add3A_1315 : i32 to vector<16xi32>
    %add3A_1317 = arith.addi %add3A_1316, %cumsum3A_1314 : vector<16xi32>
    %sub3A_1318 = arith.constant 1 : i32
    %sub3A_1319 = vector.broadcast %sub3A_1318 : i32 to vector<16xi32>
    %sub3A_1320 = arith.subi %add3A_1317, %sub3A_1319 : vector<16xi32>
    %broadcast_in_dim3A_1321 = vector.broadcast %add3A_61 : i32 to vector<16xi32>
    %select_n3A_1322 = arith.select %or3A_1310, %sub3A_1320, %broadcast_in_dim3A_1321 : vector<16xi1>, vector<16xi32>
    %swap3A_1323 = arith.constant 3 : i32
    %swap3A_1324 = arith.index_cast %swap3A_1323 : i32 to index
    %swap3A_1325 = arith.constant 64 : index
    %swap3A_1326 = tpu.vector_load %arg22[%swap3A_1324, %swap3A_1325] {strides = array<i32>} : memref<5x128xi32, #tpu.memory_space<vmem>>, vector<16xi32>,
    tpu.vector_store %arg22[%swap3A_1324, %swap3A_1325], %select_n3A_1322 {strides = array<i32>} : memref<5x128xi32, #tpu.memory_space<vmem>>, vector<16xi32>,
    %reduce_sum3A_1327 = arith.constant true
    %reduce_sum3A_1328 = vector.broadcast %reduce_sum3A_1327 : i1 to vector<16xi1>
    %reduce_sum3A_1329 = tpu.scan <sum>, %convert_element_type3A_1311 masked %reduce_sum3A_1328 : vector<16xi32>, vector<16xi1> -> vector<16xi32>
    %reduce_sum3A_1330 = vector.extract %reduce_sum3A_1329[15] : i32 from vector<16xi32>
    %add3A_1331 = arith.addi %add3A_1287, %reduce_sum3A_1330 : i32
    %get3A_1332 = arith.constant 464 : index
    %get3A_1333 = tpu.vector_load %arg19[%get3A_1332] {strides = array<i32>} : memref<640xf32, #tpu.memory_space<vmem>>, vector<16xf32>,
    %gt3A_1334 = arith.constant 5.000000e-02 : f32
    %gt3A_1335 = vector.broadcast %gt3A_1334 : f32 to vector<16xf32>
    %gt3A_1336 = arith.cmpf ogt, %get3A_1333, %gt3A_1335 : vector<16xf32>
    %bitcast_convert_type3A_1337 = tpu.bitcast %get3A_1333 : vector<16xf32> -> vector<16xi32>
    %jit3A_1338 = arith.constant 0 : i32
    %broadcast_in_dim3A_1339 = vector.broadcast %jit3A_1338 : i32 to vector<16xi32>
    %select_n3A_1340 = arith.select %gt3A_1336, %bitcast_convert_type3A_1337, %broadcast_in_dim3A_1339 : vector<16xi1>, vector<16xi32>
    %add3A_1341 = arith.constant 464 : i32
    %add3A_1342 = arith.addi %mul3A_2, %add3A_1341 : i32
    %add3A_1343 = vector.broadcast %add3A_1342 : i32 to vector<16xi32>
    %add3A_1344 = arith.addi %add3A_1343, %iota3A : vector<16xi32>
    %gt3A_1345 = vector.broadcast %reduce_sum3A_34 : i32 to vector<16xi32>
    %gt3A_1346 = arith.cmpi sgt, %select_n3A_1340, %gt3A_1345 : vector<16xi32>
    %eq3A_1347 = vector.broadcast %reduce_sum3A_34 : i32 to vector<16xi32>
    %eq3A_1348 = arith.cmpi eq, %select_n3A_1340, %eq3A_1347 : vector<16xi32>
    %and3A_1349 = vector.broadcast %gt3A_57 : i1 to vector<16xi1>
    %and3A_1350 = arith.andi %eq3A_1348, %and3A_1349 : vector<16xi1>
    %lt3A_1351 = vector.broadcast %reduce_sum3A_44 : i32 to vector<16xi32>
    %lt3A_1352 = arith.cmpi slt, %add3A_1344, %lt3A_1351 : vector<16xi32>
    %and3A_1353 = arith.andi %and3A_1350, %lt3A_1352 : vector<16xi1>
    %or3A_1354 = arith.ori %gt3A_1346, %and3A_1353 : vector<16xi1>
    %convert_element_type3A_1355 = arith.extui %or3A_1354 : vector<16xi1> to vector<16xi32>
    %cumsum3A_1356 = arith.constant true
    %cumsum3A_1357 = vector.broadcast %cumsum3A_1356 : i1 to vector<16xi1>
    %cumsum3A_1358 = tpu.scan <sum>, %convert_element_type3A_1355 masked %cumsum3A_1357 : vector<16xi32>, vector<16xi1> -> vector<16xi32>
    %add3A_1359 = arith.addi %reduce_sum3A_56, %add3A_1331 : i32
    %add3A_1360 = vector.broadcast %add3A_1359 : i32 to vector<16xi32>
    %add3A_1361 = arith.addi %add3A_1360, %cumsum3A_1358 : vector<16xi32>
    %sub3A_1362 = arith.constant 1 : i32
    %sub3A_1363 = vector.broadcast %sub3A_1362 : i32 to vector<16xi32>
    %sub3A_1364 = arith.subi %add3A_1361, %sub3A_1363 : vector<16xi32>
    %broadcast_in_dim3A_1365 = vector.broadcast %add3A_61 : i32 to vector<16xi32>
    %select_n3A_1366 = arith.select %or3A_1354, %sub3A_1364, %broadcast_in_dim3A_1365 : vector<16xi1>, vector<16xi32>
    %swap3A_1367 = arith.constant 3 : i32
    %swap3A_1368 = arith.index_cast %swap3A_1367 : i32 to index
    %swap3A_1369 = arith.constant 80 : index
    %swap3A_1370 = tpu.vector_load %arg22[%swap3A_1368, %swap3A_1369] {strides = array<i32>} : memref<5x128xi32, #tpu.memory_space<vmem>>, vector<16xi32>,
    tpu.vector_store %arg22[%swap3A_1368, %swap3A_1369], %select_n3A_1366 {strides = array<i32>} : memref<5x128xi32, #tpu.memory_space<vmem>>, vector<16xi32>,
    %reduce_sum3A_1371 = arith.constant true
    %reduce_sum3A_1372 = vector.broadcast %reduce_sum3A_1371 : i1 to vector<16xi1>
    %reduce_sum3A_1373 = tpu.scan <sum>, %convert_element_type3A_1355 masked %reduce_sum3A_1372 : vector<16xi32>, vector<16xi1> -> vector<16xi32>
    %reduce_sum3A_1374 = vector.extract %reduce_sum3A_1373[15] : i32 from vector<16xi32>
    %add3A_1375 = arith.addi %add3A_1331, %reduce_sum3A_1374 : i32
    %get3A_1376 = arith.constant 480 : index
    %get3A_1377 = tpu.vector_load %arg19[%get3A_1376] {strides = array<i32>} : memref<640xf32, #tpu.memory_space<vmem>>, vector<16xf32>,
    %gt3A_1378 = arith.constant 5.000000e-02 : f32
    %gt3A_1379 = vector.broadcast %gt3A_1378 : f32 to vector<16xf32>
    %gt3A_1380 = arith.cmpf ogt, %get3A_1377, %gt3A_1379 : vector<16xf32>
    %bitcast_convert_type3A_1381 = tpu.bitcast %get3A_1377 : vector<16xf32> -> vector<16xi32>
    %jit3A_1382 = arith.constant 0 : i32
    %broadcast_in_dim3A_1383 = vector.broadcast %jit3A_1382 : i32 to vector<16xi32>
    %select_n3A_1384 = arith.select %gt3A_1380, %bitcast_convert_type3A_1381, %broadcast_in_dim3A_1383 : vector<16xi1>, vector<16xi32>
    %add3A_1385 = arith.constant 480 : i32
    %add3A_1386 = arith.addi %mul3A_2, %add3A_1385 : i32
    %add3A_1387 = vector.broadcast %add3A_1386 : i32 to vector<16xi32>
    %add3A_1388 = arith.addi %add3A_1387, %iota3A : vector<16xi32>
    %gt3A_1389 = vector.broadcast %reduce_sum3A_34 : i32 to vector<16xi32>
    %gt3A_1390 = arith.cmpi sgt, %select_n3A_1384, %gt3A_1389 : vector<16xi32>
    %eq3A_1391 = vector.broadcast %reduce_sum3A_34 : i32 to vector<16xi32>
    %eq3A_1392 = arith.cmpi eq, %select_n3A_1384, %eq3A_1391 : vector<16xi32>
    %and3A_1393 = vector.broadcast %gt3A_57 : i1 to vector<16xi1>
    %and3A_1394 = arith.andi %eq3A_1392, %and3A_1393 : vector<16xi1>
    %lt3A_1395 = vector.broadcast %reduce_sum3A_44 : i32 to vector<16xi32>
    %lt3A_1396 = arith.cmpi slt, %add3A_1388, %lt3A_1395 : vector<16xi32>
    %and3A_1397 = arith.andi %and3A_1394, %lt3A_1396 : vector<16xi1>
    %or3A_1398 = arith.ori %gt3A_1390, %and3A_1397 : vector<16xi1>
    %convert_element_type3A_1399 = arith.extui %or3A_1398 : vector<16xi1> to vector<16xi32>
    %cumsum3A_1400 = arith.constant true
    %cumsum3A_1401 = vector.broadcast %cumsum3A_1400 : i1 to vector<16xi1>
    %cumsum3A_1402 = tpu.scan <sum>, %convert_element_type3A_1399 masked %cumsum3A_1401 : vector<16xi32>, vector<16xi1> -> vector<16xi32>
    %add3A_1403 = arith.addi %reduce_sum3A_56, %add3A_1375 : i32
    %add3A_1404 = vector.broadcast %add3A_1403 : i32 to vector<16xi32>
    %add3A_1405 = arith.addi %add3A_1404, %cumsum3A_1402 : vector<16xi32>
    %sub3A_1406 = arith.constant 1 : i32
    %sub3A_1407 = vector.broadcast %sub3A_1406 : i32 to vector<16xi32>
    %sub3A_1408 = arith.subi %add3A_1405, %sub3A_1407 : vector<16xi32>
    %broadcast_in_dim3A_1409 = vector.broadcast %add3A_61 : i32 to vector<16xi32>
    %select_n3A_1410 = arith.select %or3A_1398, %sub3A_1408, %broadcast_in_dim3A_1409 : vector<16xi1>, vector<16xi32>
    %swap3A_1411 = arith.constant 3 : i32
    %swap3A_1412 = arith.index_cast %swap3A_1411 : i32 to index
    %swap3A_1413 = arith.constant 96 : index
    %swap3A_1414 = tpu.vector_load %arg22[%swap3A_1412, %swap3A_1413] {strides = array<i32>} : memref<5x128xi32, #tpu.memory_space<vmem>>, vector<16xi32>,
    tpu.vector_store %arg22[%swap3A_1412, %swap3A_1413], %select_n3A_1410 {strides = array<i32>} : memref<5x128xi32, #tpu.memory_space<vmem>>, vector<16xi32>,
    %reduce_sum3A_1415 = arith.constant true
    %reduce_sum3A_1416 = vector.broadcast %reduce_sum3A_1415 : i1 to vector<16xi1>
    %reduce_sum3A_1417 = tpu.scan <sum>, %convert_element_type3A_1399 masked %reduce_sum3A_1416 : vector<16xi32>, vector<16xi1> -> vector<16xi32>
    %reduce_sum3A_1418 = vector.extract %reduce_sum3A_1417[15] : i32 from vector<16xi32>
    %add3A_1419 = arith.addi %add3A_1375, %reduce_sum3A_1418 : i32
    %get3A_1420 = arith.constant 496 : index
    %get3A_1421 = tpu.vector_load %arg19[%get3A_1420] {strides = array<i32>} : memref<640xf32, #tpu.memory_space<vmem>>, vector<16xf32>,
    %gt3A_1422 = arith.constant 5.000000e-02 : f32
    %gt3A_1423 = vector.broadcast %gt3A_1422 : f32 to vector<16xf32>
    %gt3A_1424 = arith.cmpf ogt, %get3A_1421, %gt3A_1423 : vector<16xf32>
    %bitcast_convert_type3A_1425 = tpu.bitcast %get3A_1421 : vector<16xf32> -> vector<16xi32>
    %jit3A_1426 = arith.constant 0 : i32
    %broadcast_in_dim3A_1427 = vector.broadcast %jit3A_1426 : i32 to vector<16xi32>
    %select_n3A_1428 = arith.select %gt3A_1424, %bitcast_convert_type3A_1425, %broadcast_in_dim3A_1427 : vector<16xi1>, vector<16xi32>
    %add3A_1429 = arith.constant 496 : i32
    %add3A_1430 = arith.addi %mul3A_2, %add3A_1429 : i32
    %add3A_1431 = vector.broadcast %add3A_1430 : i32 to vector<16xi32>
    %add3A_1432 = arith.addi %add3A_1431, %iota3A : vector<16xi32>
    %gt3A_1433 = vector.broadcast %reduce_sum3A_34 : i32 to vector<16xi32>
    %gt3A_1434 = arith.cmpi sgt, %select_n3A_1428, %gt3A_1433 : vector<16xi32>
    %eq3A_1435 = vector.broadcast %reduce_sum3A_34 : i32 to vector<16xi32>
    %eq3A_1436 = arith.cmpi eq, %select_n3A_1428, %eq3A_1435 : vector<16xi32>
    %and3A_1437 = vector.broadcast %gt3A_57 : i1 to vector<16xi1>
    %and3A_1438 = arith.andi %eq3A_1436, %and3A_1437 : vector<16xi1>
    %lt3A_1439 = vector.broadcast %reduce_sum3A_44 : i32 to vector<16xi32>
    %lt3A_1440 = arith.cmpi slt, %add3A_1432, %lt3A_1439 : vector<16xi32>
    %and3A_1441 = arith.andi %and3A_1438, %lt3A_1440 : vector<16xi1>
    %or3A_1442 = arith.ori %gt3A_1434, %and3A_1441 : vector<16xi1>
    %convert_element_type3A_1443 = arith.extui %or3A_1442 : vector<16xi1> to vector<16xi32>
    %cumsum3A_1444 = arith.constant true
    %cumsum3A_1445 = vector.broadcast %cumsum3A_1444 : i1 to vector<16xi1>
    %cumsum3A_1446 = tpu.scan <sum>, %convert_element_type3A_1443 masked %cumsum3A_1445 : vector<16xi32>, vector<16xi1> -> vector<16xi32>
    %add3A_1447 = arith.addi %reduce_sum3A_56, %add3A_1419 : i32
    %add3A_1448 = vector.broadcast %add3A_1447 : i32 to vector<16xi32>
    %add3A_1449 = arith.addi %add3A_1448, %cumsum3A_1446 : vector<16xi32>
    %sub3A_1450 = arith.constant 1 : i32
    %sub3A_1451 = vector.broadcast %sub3A_1450 : i32 to vector<16xi32>
    %sub3A_1452 = arith.subi %add3A_1449, %sub3A_1451 : vector<16xi32>
    %broadcast_in_dim3A_1453 = vector.broadcast %add3A_61 : i32 to vector<16xi32>
    %select_n3A_1454 = arith.select %or3A_1442, %sub3A_1452, %broadcast_in_dim3A_1453 : vector<16xi1>, vector<16xi32>
    %swap3A_1455 = arith.constant 3 : i32
    %swap3A_1456 = arith.index_cast %swap3A_1455 : i32 to index
    %swap3A_1457 = arith.constant 112 : index
    %swap3A_1458 = tpu.vector_load %arg22[%swap3A_1456, %swap3A_1457] {strides = array<i32>} : memref<5x128xi32, #tpu.memory_space<vmem>>, vector<16xi32>,
    tpu.vector_store %arg22[%swap3A_1456, %swap3A_1457], %select_n3A_1454 {strides = array<i32>} : memref<5x128xi32, #tpu.memory_space<vmem>>, vector<16xi32>,
    %reduce_sum3A_1459 = arith.constant true
    %reduce_sum3A_1460 = vector.broadcast %reduce_sum3A_1459 : i1 to vector<16xi1>
    %reduce_sum3A_1461 = tpu.scan <sum>, %convert_element_type3A_1443 masked %reduce_sum3A_1460 : vector<16xi32>, vector<16xi1> -> vector<16xi32>
    %reduce_sum3A_1462 = vector.extract %reduce_sum3A_1461[15] : i32 from vector<16xi32>
    %add3A_1463 = arith.addi %add3A_1419, %reduce_sum3A_1462 : i32
    %get3A_1464 = arith.constant 512 : index
    %get3A_1465 = tpu.vector_load %arg19[%get3A_1464] {strides = array<i32>} : memref<640xf32, #tpu.memory_space<vmem>>, vector<16xf32>,
    %gt3A_1466 = arith.constant 5.000000e-02 : f32
    %gt3A_1467 = vector.broadcast %gt3A_1466 : f32 to vector<16xf32>
    %gt3A_1468 = arith.cmpf ogt, %get3A_1465, %gt3A_1467 : vector<16xf32>
    %bitcast_convert_type3A_1469 = tpu.bitcast %get3A_1465 : vector<16xf32> -> vector<16xi32>
    %jit3A_1470 = arith.constant 0 : i32
    %broadcast_in_dim3A_1471 = vector.broadcast %jit3A_1470 : i32 to vector<16xi32>
    %select_n3A_1472 = arith.select %gt3A_1468, %bitcast_convert_type3A_1469, %broadcast_in_dim3A_1471 : vector<16xi1>, vector<16xi32>
    %add3A_1473 = arith.constant 512 : i32
    %add3A_1474 = arith.addi %mul3A_2, %add3A_1473 : i32
    %add3A_1475 = vector.broadcast %add3A_1474 : i32 to vector<16xi32>
    %add3A_1476 = arith.addi %add3A_1475, %iota3A : vector<16xi32>
    %gt3A_1477 = vector.broadcast %reduce_sum3A_34 : i32 to vector<16xi32>
    %gt3A_1478 = arith.cmpi sgt, %select_n3A_1472, %gt3A_1477 : vector<16xi32>
    %eq3A_1479 = vector.broadcast %reduce_sum3A_34 : i32 to vector<16xi32>
    %eq3A_1480 = arith.cmpi eq, %select_n3A_1472, %eq3A_1479 : vector<16xi32>
    %and3A_1481 = vector.broadcast %gt3A_57 : i1 to vector<16xi1>
    %and3A_1482 = arith.andi %eq3A_1480, %and3A_1481 : vector<16xi1>
    %lt3A_1483 = vector.broadcast %reduce_sum3A_44 : i32 to vector<16xi32>
    %lt3A_1484 = arith.cmpi slt, %add3A_1476, %lt3A_1483 : vector<16xi32>
    %and3A_1485 = arith.andi %and3A_1482, %lt3A_1484 : vector<16xi1>
    %or3A_1486 = arith.ori %gt3A_1478, %and3A_1485 : vector<16xi1>
    %convert_element_type3A_1487 = arith.extui %or3A_1486 : vector<16xi1> to vector<16xi32>
    %cumsum3A_1488 = arith.constant true
    %cumsum3A_1489 = vector.broadcast %cumsum3A_1488 : i1 to vector<16xi1>
    %cumsum3A_1490 = tpu.scan <sum>, %convert_element_type3A_1487 masked %cumsum3A_1489 : vector<16xi32>, vector<16xi1> -> vector<16xi32>
    %add3A_1491 = arith.addi %reduce_sum3A_56, %add3A_1463 : i32
    %add3A_1492 = vector.broadcast %add3A_1491 : i32 to vector<16xi32>
    %add3A_1493 = arith.addi %add3A_1492, %cumsum3A_1490 : vector<16xi32>
    %sub3A_1494 = arith.constant 1 : i32
    %sub3A_1495 = vector.broadcast %sub3A_1494 : i32 to vector<16xi32>
    %sub3A_1496 = arith.subi %add3A_1493, %sub3A_1495 : vector<16xi32>
    %broadcast_in_dim3A_1497 = vector.broadcast %add3A_61 : i32 to vector<16xi32>
    %select_n3A_1498 = arith.select %or3A_1486, %sub3A_1496, %broadcast_in_dim3A_1497 : vector<16xi1>, vector<16xi32>
    %swap3A_1499 = arith.constant 4 : i32
    %swap3A_1500 = arith.index_cast %swap3A_1499 : i32 to index
    %swap3A_1501 = arith.constant 0 : index
    %swap3A_1502 = tpu.vector_load %arg22[%swap3A_1500, %swap3A_1501] {strides = array<i32>} : memref<5x128xi32, #tpu.memory_space<vmem>>, vector<16xi32>,
    tpu.vector_store %arg22[%swap3A_1500, %swap3A_1501], %select_n3A_1498 {strides = array<i32>} : memref<5x128xi32, #tpu.memory_space<vmem>>, vector<16xi32>,
    %reduce_sum3A_1503 = arith.constant true
    %reduce_sum3A_1504 = vector.broadcast %reduce_sum3A_1503 : i1 to vector<16xi1>
    %reduce_sum3A_1505 = tpu.scan <sum>, %convert_element_type3A_1487 masked %reduce_sum3A_1504 : vector<16xi32>, vector<16xi1> -> vector<16xi32>
    %reduce_sum3A_1506 = vector.extract %reduce_sum3A_1505[15] : i32 from vector<16xi32>
    %add3A_1507 = arith.addi %add3A_1463, %reduce_sum3A_1506 : i32
    %get3A_1508 = arith.constant 528 : index
    %get3A_1509 = tpu.vector_load %arg19[%get3A_1508] {strides = array<i32>} : memref<640xf32, #tpu.memory_space<vmem>>, vector<16xf32>,
    %gt3A_1510 = arith.constant 5.000000e-02 : f32
    %gt3A_1511 = vector.broadcast %gt3A_1510 : f32 to vector<16xf32>
    %gt3A_1512 = arith.cmpf ogt, %get3A_1509, %gt3A_1511 : vector<16xf32>
    %bitcast_convert_type3A_1513 = tpu.bitcast %get3A_1509 : vector<16xf32> -> vector<16xi32>
    %jit3A_1514 = arith.constant 0 : i32
    %broadcast_in_dim3A_1515 = vector.broadcast %jit3A_1514 : i32 to vector<16xi32>
    %select_n3A_1516 = arith.select %gt3A_1512, %bitcast_convert_type3A_1513, %broadcast_in_dim3A_1515 : vector<16xi1>, vector<16xi32>
    %add3A_1517 = arith.constant 528 : i32
    %add3A_1518 = arith.addi %mul3A_2, %add3A_1517 : i32
    %add3A_1519 = vector.broadcast %add3A_1518 : i32 to vector<16xi32>
    %add3A_1520 = arith.addi %add3A_1519, %iota3A : vector<16xi32>
    %gt3A_1521 = vector.broadcast %reduce_sum3A_34 : i32 to vector<16xi32>
    %gt3A_1522 = arith.cmpi sgt, %select_n3A_1516, %gt3A_1521 : vector<16xi32>
    %eq3A_1523 = vector.broadcast %reduce_sum3A_34 : i32 to vector<16xi32>
    %eq3A_1524 = arith.cmpi eq, %select_n3A_1516, %eq3A_1523 : vector<16xi32>
    %and3A_1525 = vector.broadcast %gt3A_57 : i1 to vector<16xi1>
    %and3A_1526 = arith.andi %eq3A_1524, %and3A_1525 : vector<16xi1>
    %lt3A_1527 = vector.broadcast %reduce_sum3A_44 : i32 to vector<16xi32>
    %lt3A_1528 = arith.cmpi slt, %add3A_1520, %lt3A_1527 : vector<16xi32>
    %and3A_1529 = arith.andi %and3A_1526, %lt3A_1528 : vector<16xi1>
    %or3A_1530 = arith.ori %gt3A_1522, %and3A_1529 : vector<16xi1>
    %convert_element_type3A_1531 = arith.extui %or3A_1530 : vector<16xi1> to vector<16xi32>
    %cumsum3A_1532 = arith.constant true
    %cumsum3A_1533 = vector.broadcast %cumsum3A_1532 : i1 to vector<16xi1>
    %cumsum3A_1534 = tpu.scan <sum>, %convert_element_type3A_1531 masked %cumsum3A_1533 : vector<16xi32>, vector<16xi1> -> vector<16xi32>
    %add3A_1535 = arith.addi %reduce_sum3A_56, %add3A_1507 : i32
    %add3A_1536 = vector.broadcast %add3A_1535 : i32 to vector<16xi32>
    %add3A_1537 = arith.addi %add3A_1536, %cumsum3A_1534 : vector<16xi32>
    %sub3A_1538 = arith.constant 1 : i32
    %sub3A_1539 = vector.broadcast %sub3A_1538 : i32 to vector<16xi32>
    %sub3A_1540 = arith.subi %add3A_1537, %sub3A_1539 : vector<16xi32>
    %broadcast_in_dim3A_1541 = vector.broadcast %add3A_61 : i32 to vector<16xi32>
    %select_n3A_1542 = arith.select %or3A_1530, %sub3A_1540, %broadcast_in_dim3A_1541 : vector<16xi1>, vector<16xi32>
    %swap3A_1543 = arith.constant 4 : i32
    %swap3A_1544 = arith.index_cast %swap3A_1543 : i32 to index
    %swap3A_1545 = arith.constant 16 : index
    %swap3A_1546 = tpu.vector_load %arg22[%swap3A_1544, %swap3A_1545] {strides = array<i32>} : memref<5x128xi32, #tpu.memory_space<vmem>>, vector<16xi32>,
    tpu.vector_store %arg22[%swap3A_1544, %swap3A_1545], %select_n3A_1542 {strides = array<i32>} : memref<5x128xi32, #tpu.memory_space<vmem>>, vector<16xi32>,
    %reduce_sum3A_1547 = arith.constant true
    %reduce_sum3A_1548 = vector.broadcast %reduce_sum3A_1547 : i1 to vector<16xi1>
    %reduce_sum3A_1549 = tpu.scan <sum>, %convert_element_type3A_1531 masked %reduce_sum3A_1548 : vector<16xi32>, vector<16xi1> -> vector<16xi32>
    %reduce_sum3A_1550 = vector.extract %reduce_sum3A_1549[15] : i32 from vector<16xi32>
    %add3A_1551 = arith.addi %add3A_1507, %reduce_sum3A_1550 : i32
    %get3A_1552 = arith.constant 544 : index
    %get3A_1553 = tpu.vector_load %arg19[%get3A_1552] {strides = array<i32>} : memref<640xf32, #tpu.memory_space<vmem>>, vector<16xf32>,
    %gt3A_1554 = arith.constant 5.000000e-02 : f32
    %gt3A_1555 = vector.broadcast %gt3A_1554 : f32 to vector<16xf32>
    %gt3A_1556 = arith.cmpf ogt, %get3A_1553, %gt3A_1555 : vector<16xf32>
    %bitcast_convert_type3A_1557 = tpu.bitcast %get3A_1553 : vector<16xf32> -> vector<16xi32>
    %jit3A_1558 = arith.constant 0 : i32
    %broadcast_in_dim3A_1559 = vector.broadcast %jit3A_1558 : i32 to vector<16xi32>
    %select_n3A_1560 = arith.select %gt3A_1556, %bitcast_convert_type3A_1557, %broadcast_in_dim3A_1559 : vector<16xi1>, vector<16xi32>
    %add3A_1561 = arith.constant 544 : i32
    %add3A_1562 = arith.addi %mul3A_2, %add3A_1561 : i32
    %add3A_1563 = vector.broadcast %add3A_1562 : i32 to vector<16xi32>
    %add3A_1564 = arith.addi %add3A_1563, %iota3A : vector<16xi32>
    %gt3A_1565 = vector.broadcast %reduce_sum3A_34 : i32 to vector<16xi32>
    %gt3A_1566 = arith.cmpi sgt, %select_n3A_1560, %gt3A_1565 : vector<16xi32>
    %eq3A_1567 = vector.broadcast %reduce_sum3A_34 : i32 to vector<16xi32>
    %eq3A_1568 = arith.cmpi eq, %select_n3A_1560, %eq3A_1567 : vector<16xi32>
    %and3A_1569 = vector.broadcast %gt3A_57 : i1 to vector<16xi1>
    %and3A_1570 = arith.andi %eq3A_1568, %and3A_1569 : vector<16xi1>
    %lt3A_1571 = vector.broadcast %reduce_sum3A_44 : i32 to vector<16xi32>
    %lt3A_1572 = arith.cmpi slt, %add3A_1564, %lt3A_1571 : vector<16xi32>
    %and3A_1573 = arith.andi %and3A_1570, %lt3A_1572 : vector<16xi1>
    %or3A_1574 = arith.ori %gt3A_1566, %and3A_1573 : vector<16xi1>
    %convert_element_type3A_1575 = arith.extui %or3A_1574 : vector<16xi1> to vector<16xi32>
    %cumsum3A_1576 = arith.constant true
    %cumsum3A_1577 = vector.broadcast %cumsum3A_1576 : i1 to vector<16xi1>
    %cumsum3A_1578 = tpu.scan <sum>, %convert_element_type3A_1575 masked %cumsum3A_1577 : vector<16xi32>, vector<16xi1> -> vector<16xi32>
    %add3A_1579 = arith.addi %reduce_sum3A_56, %add3A_1551 : i32
    %add3A_1580 = vector.broadcast %add3A_1579 : i32 to vector<16xi32>
    %add3A_1581 = arith.addi %add3A_1580, %cumsum3A_1578 : vector<16xi32>
    %sub3A_1582 = arith.constant 1 : i32
    %sub3A_1583 = vector.broadcast %sub3A_1582 : i32 to vector<16xi32>
    %sub3A_1584 = arith.subi %add3A_1581, %sub3A_1583 : vector<16xi32>
    %broadcast_in_dim3A_1585 = vector.broadcast %add3A_61 : i32 to vector<16xi32>
    %select_n3A_1586 = arith.select %or3A_1574, %sub3A_1584, %broadcast_in_dim3A_1585 : vector<16xi1>, vector<16xi32>
    %swap3A_1587 = arith.constant 4 : i32
    %swap3A_1588 = arith.index_cast %swap3A_1587 : i32 to index
    %swap3A_1589 = arith.constant 32 : index
    %swap3A_1590 = tpu.vector_load %arg22[%swap3A_1588, %swap3A_1589] {strides = array<i32>} : memref<5x128xi32, #tpu.memory_space<vmem>>, vector<16xi32>,
    tpu.vector_store %arg22[%swap3A_1588, %swap3A_1589], %select_n3A_1586 {strides = array<i32>} : memref<5x128xi32, #tpu.memory_space<vmem>>, vector<16xi32>,
    %reduce_sum3A_1591 = arith.constant true
    %reduce_sum3A_1592 = vector.broadcast %reduce_sum3A_1591 : i1 to vector<16xi1>
    %reduce_sum3A_1593 = tpu.scan <sum>, %convert_element_type3A_1575 masked %reduce_sum3A_1592 : vector<16xi32>, vector<16xi1> -> vector<16xi32>
    %reduce_sum3A_1594 = vector.extract %reduce_sum3A_1593[15] : i32 from vector<16xi32>
    %add3A_1595 = arith.addi %add3A_1551, %reduce_sum3A_1594 : i32
    %get3A_1596 = arith.constant 560 : index
    %get3A_1597 = tpu.vector_load %arg19[%get3A_1596] {strides = array<i32>} : memref<640xf32, #tpu.memory_space<vmem>>, vector<16xf32>,
    %gt3A_1598 = arith.constant 5.000000e-02 : f32
    %gt3A_1599 = vector.broadcast %gt3A_1598 : f32 to vector<16xf32>
    %gt3A_1600 = arith.cmpf ogt, %get3A_1597, %gt3A_1599 : vector<16xf32>
    %bitcast_convert_type3A_1601 = tpu.bitcast %get3A_1597 : vector<16xf32> -> vector<16xi32>
    %jit3A_1602 = arith.constant 0 : i32
    %broadcast_in_dim3A_1603 = vector.broadcast %jit3A_1602 : i32 to vector<16xi32>
    %select_n3A_1604 = arith.select %gt3A_1600, %bitcast_convert_type3A_1601, %broadcast_in_dim3A_1603 : vector<16xi1>, vector<16xi32>
    %add3A_1605 = arith.constant 560 : i32
    %add3A_1606 = arith.addi %mul3A_2, %add3A_1605 : i32
    %add3A_1607 = vector.broadcast %add3A_1606 : i32 to vector<16xi32>
    %add3A_1608 = arith.addi %add3A_1607, %iota3A : vector<16xi32>
    %gt3A_1609 = vector.broadcast %reduce_sum3A_34 : i32 to vector<16xi32>
    %gt3A_1610 = arith.cmpi sgt, %select_n3A_1604, %gt3A_1609 : vector<16xi32>
    %eq3A_1611 = vector.broadcast %reduce_sum3A_34 : i32 to vector<16xi32>
    %eq3A_1612 = arith.cmpi eq, %select_n3A_1604, %eq3A_1611 : vector<16xi32>
    %and3A_1613 = vector.broadcast %gt3A_57 : i1 to vector<16xi1>
    %and3A_1614 = arith.andi %eq3A_1612, %and3A_1613 : vector<16xi1>
    %lt3A_1615 = vector.broadcast %reduce_sum3A_44 : i32 to vector<16xi32>
    %lt3A_1616 = arith.cmpi slt, %add3A_1608, %lt3A_1615 : vector<16xi32>
    %and3A_1617 = arith.andi %and3A_1614, %lt3A_1616 : vector<16xi1>
    %or3A_1618 = arith.ori %gt3A_1610, %and3A_1617 : vector<16xi1>
    %convert_element_type3A_1619 = arith.extui %or3A_1618 : vector<16xi1> to vector<16xi32>
    %cumsum3A_1620 = arith.constant true
    %cumsum3A_1621 = vector.broadcast %cumsum3A_1620 : i1 to vector<16xi1>
    %cumsum3A_1622 = tpu.scan <sum>, %convert_element_type3A_1619 masked %cumsum3A_1621 : vector<16xi32>, vector<16xi1> -> vector<16xi32>
    %add3A_1623 = arith.addi %reduce_sum3A_56, %add3A_1595 : i32
    %add3A_1624 = vector.broadcast %add3A_1623 : i32 to vector<16xi32>
    %add3A_1625 = arith.addi %add3A_1624, %cumsum3A_1622 : vector<16xi32>
    %sub3A_1626 = arith.constant 1 : i32
    %sub3A_1627 = vector.broadcast %sub3A_1626 : i32 to vector<16xi32>
    %sub3A_1628 = arith.subi %add3A_1625, %sub3A_1627 : vector<16xi32>
    %broadcast_in_dim3A_1629 = vector.broadcast %add3A_61 : i32 to vector<16xi32>
    %select_n3A_1630 = arith.select %or3A_1618, %sub3A_1628, %broadcast_in_dim3A_1629 : vector<16xi1>, vector<16xi32>
    %swap3A_1631 = arith.constant 4 : i32
    %swap3A_1632 = arith.index_cast %swap3A_1631 : i32 to index
    %swap3A_1633 = arith.constant 48 : index
    %swap3A_1634 = tpu.vector_load %arg22[%swap3A_1632, %swap3A_1633] {strides = array<i32>} : memref<5x128xi32, #tpu.memory_space<vmem>>, vector<16xi32>,
    tpu.vector_store %arg22[%swap3A_1632, %swap3A_1633], %select_n3A_1630 {strides = array<i32>} : memref<5x128xi32, #tpu.memory_space<vmem>>, vector<16xi32>,
    %reduce_sum3A_1635 = arith.constant true
    %reduce_sum3A_1636 = vector.broadcast %reduce_sum3A_1635 : i1 to vector<16xi1>
    %reduce_sum3A_1637 = tpu.scan <sum>, %convert_element_type3A_1619 masked %reduce_sum3A_1636 : vector<16xi32>, vector<16xi1> -> vector<16xi32>
    %reduce_sum3A_1638 = vector.extract %reduce_sum3A_1637[15] : i32 from vector<16xi32>
    %add3A_1639 = arith.addi %add3A_1595, %reduce_sum3A_1638 : i32
    %get3A_1640 = arith.constant 576 : index
    %get3A_1641 = tpu.vector_load %arg19[%get3A_1640] {strides = array<i32>} : memref<640xf32, #tpu.memory_space<vmem>>, vector<16xf32>,
    %gt3A_1642 = arith.constant 5.000000e-02 : f32
    %gt3A_1643 = vector.broadcast %gt3A_1642 : f32 to vector<16xf32>
    %gt3A_1644 = arith.cmpf ogt, %get3A_1641, %gt3A_1643 : vector<16xf32>
    %bitcast_convert_type3A_1645 = tpu.bitcast %get3A_1641 : vector<16xf32> -> vector<16xi32>
    %jit3A_1646 = arith.constant 0 : i32
    %broadcast_in_dim3A_1647 = vector.broadcast %jit3A_1646 : i32 to vector<16xi32>
    %select_n3A_1648 = arith.select %gt3A_1644, %bitcast_convert_type3A_1645, %broadcast_in_dim3A_1647 : vector<16xi1>, vector<16xi32>
    %add3A_1649 = arith.constant 576 : i32
    %add3A_1650 = arith.addi %mul3A_2, %add3A_1649 : i32
    %add3A_1651 = vector.broadcast %add3A_1650 : i32 to vector<16xi32>
    %add3A_1652 = arith.addi %add3A_1651, %iota3A : vector<16xi32>
    %gt3A_1653 = vector.broadcast %reduce_sum3A_34 : i32 to vector<16xi32>
    %gt3A_1654 = arith.cmpi sgt, %select_n3A_1648, %gt3A_1653 : vector<16xi32>
    %eq3A_1655 = vector.broadcast %reduce_sum3A_34 : i32 to vector<16xi32>
    %eq3A_1656 = arith.cmpi eq, %select_n3A_1648, %eq3A_1655 : vector<16xi32>
    %and3A_1657 = vector.broadcast %gt3A_57 : i1 to vector<16xi1>
    %and3A_1658 = arith.andi %eq3A_1656, %and3A_1657 : vector<16xi1>
    %lt3A_1659 = vector.broadcast %reduce_sum3A_44 : i32 to vector<16xi32>
    %lt3A_1660 = arith.cmpi slt, %add3A_1652, %lt3A_1659 : vector<16xi32>
    %and3A_1661 = arith.andi %and3A_1658, %lt3A_1660 : vector<16xi1>
    %or3A_1662 = arith.ori %gt3A_1654, %and3A_1661 : vector<16xi1>
    %convert_element_type3A_1663 = arith.extui %or3A_1662 : vector<16xi1> to vector<16xi32>
    %cumsum3A_1664 = arith.constant true
    %cumsum3A_1665 = vector.broadcast %cumsum3A_1664 : i1 to vector<16xi1>
    %cumsum3A_1666 = tpu.scan <sum>, %convert_element_type3A_1663 masked %cumsum3A_1665 : vector<16xi32>, vector<16xi1> -> vector<16xi32>
    %add3A_1667 = arith.addi %reduce_sum3A_56, %add3A_1639 : i32
    %add3A_1668 = vector.broadcast %add3A_1667 : i32 to vector<16xi32>
    %add3A_1669 = arith.addi %add3A_1668, %cumsum3A_1666 : vector<16xi32>
    %sub3A_1670 = arith.constant 1 : i32
    %sub3A_1671 = vector.broadcast %sub3A_1670 : i32 to vector<16xi32>
    %sub3A_1672 = arith.subi %add3A_1669, %sub3A_1671 : vector<16xi32>
    %broadcast_in_dim3A_1673 = vector.broadcast %add3A_61 : i32 to vector<16xi32>
    %select_n3A_1674 = arith.select %or3A_1662, %sub3A_1672, %broadcast_in_dim3A_1673 : vector<16xi1>, vector<16xi32>
    %swap3A_1675 = arith.constant 4 : i32
    %swap3A_1676 = arith.index_cast %swap3A_1675 : i32 to index
    %swap3A_1677 = arith.constant 64 : index
    %swap3A_1678 = tpu.vector_load %arg22[%swap3A_1676, %swap3A_1677] {strides = array<i32>} : memref<5x128xi32, #tpu.memory_space<vmem>>, vector<16xi32>,
    tpu.vector_store %arg22[%swap3A_1676, %swap3A_1677], %select_n3A_1674 {strides = array<i32>} : memref<5x128xi32, #tpu.memory_space<vmem>>, vector<16xi32>,
    %reduce_sum3A_1679 = arith.constant true
    %reduce_sum3A_1680 = vector.broadcast %reduce_sum3A_1679 : i1 to vector<16xi1>
    %reduce_sum3A_1681 = tpu.scan <sum>, %convert_element_type3A_1663 masked %reduce_sum3A_1680 : vector<16xi32>, vector<16xi1> -> vector<16xi32>
    %reduce_sum3A_1682 = vector.extract %reduce_sum3A_1681[15] : i32 from vector<16xi32>
    %add3A_1683 = arith.addi %add3A_1639, %reduce_sum3A_1682 : i32
    %get3A_1684 = arith.constant 592 : index
    %get3A_1685 = tpu.vector_load %arg19[%get3A_1684] {strides = array<i32>} : memref<640xf32, #tpu.memory_space<vmem>>, vector<16xf32>,
    %gt3A_1686 = arith.constant 5.000000e-02 : f32
    %gt3A_1687 = vector.broadcast %gt3A_1686 : f32 to vector<16xf32>
    %gt3A_1688 = arith.cmpf ogt, %get3A_1685, %gt3A_1687 : vector<16xf32>
    %bitcast_convert_type3A_1689 = tpu.bitcast %get3A_1685 : vector<16xf32> -> vector<16xi32>
    %jit3A_1690 = arith.constant 0 : i32
    %broadcast_in_dim3A_1691 = vector.broadcast %jit3A_1690 : i32 to vector<16xi32>
    %select_n3A_1692 = arith.select %gt3A_1688, %bitcast_convert_type3A_1689, %broadcast_in_dim3A_1691 : vector<16xi1>, vector<16xi32>
    %add3A_1693 = arith.constant 592 : i32
    %add3A_1694 = arith.addi %mul3A_2, %add3A_1693 : i32
    %add3A_1695 = vector.broadcast %add3A_1694 : i32 to vector<16xi32>
    %add3A_1696 = arith.addi %add3A_1695, %iota3A : vector<16xi32>
    %gt3A_1697 = vector.broadcast %reduce_sum3A_34 : i32 to vector<16xi32>
    %gt3A_1698 = arith.cmpi sgt, %select_n3A_1692, %gt3A_1697 : vector<16xi32>
    %eq3A_1699 = vector.broadcast %reduce_sum3A_34 : i32 to vector<16xi32>
    %eq3A_1700 = arith.cmpi eq, %select_n3A_1692, %eq3A_1699 : vector<16xi32>
    %and3A_1701 = vector.broadcast %gt3A_57 : i1 to vector<16xi1>
    %and3A_1702 = arith.andi %eq3A_1700, %and3A_1701 : vector<16xi1>
    %lt3A_1703 = vector.broadcast %reduce_sum3A_44 : i32 to vector<16xi32>
    %lt3A_1704 = arith.cmpi slt, %add3A_1696, %lt3A_1703 : vector<16xi32>
    %and3A_1705 = arith.andi %and3A_1702, %lt3A_1704 : vector<16xi1>
    %or3A_1706 = arith.ori %gt3A_1698, %and3A_1705 : vector<16xi1>
    %convert_element_type3A_1707 = arith.extui %or3A_1706 : vector<16xi1> to vector<16xi32>
    %cumsum3A_1708 = arith.constant true
    %cumsum3A_1709 = vector.broadcast %cumsum3A_1708 : i1 to vector<16xi1>
    %cumsum3A_1710 = tpu.scan <sum>, %convert_element_type3A_1707 masked %cumsum3A_1709 : vector<16xi32>, vector<16xi1> -> vector<16xi32>
    %add3A_1711 = arith.addi %reduce_sum3A_56, %add3A_1683 : i32
    %add3A_1712 = vector.broadcast %add3A_1711 : i32 to vector<16xi32>
    %add3A_1713 = arith.addi %add3A_1712, %cumsum3A_1710 : vector<16xi32>
    %sub3A_1714 = arith.constant 1 : i32
    %sub3A_1715 = vector.broadcast %sub3A_1714 : i32 to vector<16xi32>
    %sub3A_1716 = arith.subi %add3A_1713, %sub3A_1715 : vector<16xi32>
    %broadcast_in_dim3A_1717 = vector.broadcast %add3A_61 : i32 to vector<16xi32>
    %select_n3A_1718 = arith.select %or3A_1706, %sub3A_1716, %broadcast_in_dim3A_1717 : vector<16xi1>, vector<16xi32>
    %swap3A_1719 = arith.constant 4 : i32
    %swap3A_1720 = arith.index_cast %swap3A_1719 : i32 to index
    %swap3A_1721 = arith.constant 80 : index
    %swap3A_1722 = tpu.vector_load %arg22[%swap3A_1720, %swap3A_1721] {strides = array<i32>} : memref<5x128xi32, #tpu.memory_space<vmem>>, vector<16xi32>,
    tpu.vector_store %arg22[%swap3A_1720, %swap3A_1721], %select_n3A_1718 {strides = array<i32>} : memref<5x128xi32, #tpu.memory_space<vmem>>, vector<16xi32>,
    %reduce_sum3A_1723 = arith.constant true
    %reduce_sum3A_1724 = vector.broadcast %reduce_sum3A_1723 : i1 to vector<16xi1>
    %reduce_sum3A_1725 = tpu.scan <sum>, %convert_element_type3A_1707 masked %reduce_sum3A_1724 : vector<16xi32>, vector<16xi1> -> vector<16xi32>
    %reduce_sum3A_1726 = vector.extract %reduce_sum3A_1725[15] : i32 from vector<16xi32>
    %add3A_1727 = arith.addi %add3A_1683, %reduce_sum3A_1726 : i32
    %get3A_1728 = arith.constant 608 : index
    %get3A_1729 = tpu.vector_load %arg19[%get3A_1728] {strides = array<i32>} : memref<640xf32, #tpu.memory_space<vmem>>, vector<16xf32>,
    %gt3A_1730 = arith.constant 5.000000e-02 : f32
    %gt3A_1731 = vector.broadcast %gt3A_1730 : f32 to vector<16xf32>
    %gt3A_1732 = arith.cmpf ogt, %get3A_1729, %gt3A_1731 : vector<16xf32>
    %bitcast_convert_type3A_1733 = tpu.bitcast %get3A_1729 : vector<16xf32> -> vector<16xi32>
    %jit3A_1734 = arith.constant 0 : i32
    %broadcast_in_dim3A_1735 = vector.broadcast %jit3A_1734 : i32 to vector<16xi32>
    %select_n3A_1736 = arith.select %gt3A_1732, %bitcast_convert_type3A_1733, %broadcast_in_dim3A_1735 : vector<16xi1>, vector<16xi32>
    %add3A_1737 = arith.constant 608 : i32
    %add3A_1738 = arith.addi %mul3A_2, %add3A_1737 : i32
    %add3A_1739 = vector.broadcast %add3A_1738 : i32 to vector<16xi32>
    %add3A_1740 = arith.addi %add3A_1739, %iota3A : vector<16xi32>
    %gt3A_1741 = vector.broadcast %reduce_sum3A_34 : i32 to vector<16xi32>
    %gt3A_1742 = arith.cmpi sgt, %select_n3A_1736, %gt3A_1741 : vector<16xi32>
    %eq3A_1743 = vector.broadcast %reduce_sum3A_34 : i32 to vector<16xi32>
    %eq3A_1744 = arith.cmpi eq, %select_n3A_1736, %eq3A_1743 : vector<16xi32>
    %and3A_1745 = vector.broadcast %gt3A_57 : i1 to vector<16xi1>
    %and3A_1746 = arith.andi %eq3A_1744, %and3A_1745 : vector<16xi1>
    %lt3A_1747 = vector.broadcast %reduce_sum3A_44 : i32 to vector<16xi32>
    %lt3A_1748 = arith.cmpi slt, %add3A_1740, %lt3A_1747 : vector<16xi32>
    %and3A_1749 = arith.andi %and3A_1746, %lt3A_1748 : vector<16xi1>
    %or3A_1750 = arith.ori %gt3A_1742, %and3A_1749 : vector<16xi1>
    %convert_element_type3A_1751 = arith.extui %or3A_1750 : vector<16xi1> to vector<16xi32>
    %cumsum3A_1752 = arith.constant true
    %cumsum3A_1753 = vector.broadcast %cumsum3A_1752 : i1 to vector<16xi1>
    %cumsum3A_1754 = tpu.scan <sum>, %convert_element_type3A_1751 masked %cumsum3A_1753 : vector<16xi32>, vector<16xi1> -> vector<16xi32>
    %add3A_1755 = arith.addi %reduce_sum3A_56, %add3A_1727 : i32
    %add3A_1756 = vector.broadcast %add3A_1755 : i32 to vector<16xi32>
    %add3A_1757 = arith.addi %add3A_1756, %cumsum3A_1754 : vector<16xi32>
    %sub3A_1758 = arith.constant 1 : i32
    %sub3A_1759 = vector.broadcast %sub3A_1758 : i32 to vector<16xi32>
    %sub3A_1760 = arith.subi %add3A_1757, %sub3A_1759 : vector<16xi32>
    %broadcast_in_dim3A_1761 = vector.broadcast %add3A_61 : i32 to vector<16xi32>
    %select_n3A_1762 = arith.select %or3A_1750, %sub3A_1760, %broadcast_in_dim3A_1761 : vector<16xi1>, vector<16xi32>
    %swap3A_1763 = arith.constant 4 : i32
    %swap3A_1764 = arith.index_cast %swap3A_1763 : i32 to index
    %swap3A_1765 = arith.constant 96 : index
    %swap3A_1766 = tpu.vector_load %arg22[%swap3A_1764, %swap3A_1765] {strides = array<i32>} : memref<5x128xi32, #tpu.memory_space<vmem>>, vector<16xi32>,
    tpu.vector_store %arg22[%swap3A_1764, %swap3A_1765], %select_n3A_1762 {strides = array<i32>} : memref<5x128xi32, #tpu.memory_space<vmem>>, vector<16xi32>,
    %reduce_sum3A_1767 = arith.constant true
    %reduce_sum3A_1768 = vector.broadcast %reduce_sum3A_1767 : i1 to vector<16xi1>
    %reduce_sum3A_1769 = tpu.scan <sum>, %convert_element_type3A_1751 masked %reduce_sum3A_1768 : vector<16xi32>, vector<16xi1> -> vector<16xi32>
    %reduce_sum3A_1770 = vector.extract %reduce_sum3A_1769[15] : i32 from vector<16xi32>
    %add3A_1771 = arith.addi %add3A_1727, %reduce_sum3A_1770 : i32
    %get3A_1772 = arith.constant 624 : index
    %get3A_1773 = tpu.vector_load %arg19[%get3A_1772] {strides = array<i32>} : memref<640xf32, #tpu.memory_space<vmem>>, vector<16xf32>,
    %gt3A_1774 = arith.constant 5.000000e-02 : f32
    %gt3A_1775 = vector.broadcast %gt3A_1774 : f32 to vector<16xf32>
    %gt3A_1776 = arith.cmpf ogt, %get3A_1773, %gt3A_1775 : vector<16xf32>
    %bitcast_convert_type3A_1777 = tpu.bitcast %get3A_1773 : vector<16xf32> -> vector<16xi32>
    %jit3A_1778 = arith.constant 0 : i32
    %broadcast_in_dim3A_1779 = vector.broadcast %jit3A_1778 : i32 to vector<16xi32>
    %select_n3A_1780 = arith.select %gt3A_1776, %bitcast_convert_type3A_1777, %broadcast_in_dim3A_1779 : vector<16xi1>, vector<16xi32>
    %add3A_1781 = arith.constant 624 : i32
    %add3A_1782 = arith.addi %mul3A_2, %add3A_1781 : i32
    %add3A_1783 = vector.broadcast %add3A_1782 : i32 to vector<16xi32>
    %add3A_1784 = arith.addi %add3A_1783, %iota3A : vector<16xi32>
    %gt3A_1785 = vector.broadcast %reduce_sum3A_34 : i32 to vector<16xi32>
    %gt3A_1786 = arith.cmpi sgt, %select_n3A_1780, %gt3A_1785 : vector<16xi32>
    %eq3A_1787 = vector.broadcast %reduce_sum3A_34 : i32 to vector<16xi32>
    %eq3A_1788 = arith.cmpi eq, %select_n3A_1780, %eq3A_1787 : vector<16xi32>
    %and3A_1789 = vector.broadcast %gt3A_57 : i1 to vector<16xi1>
    %and3A_1790 = arith.andi %eq3A_1788, %and3A_1789 : vector<16xi1>
    %lt3A_1791 = vector.broadcast %reduce_sum3A_44 : i32 to vector<16xi32>
    %lt3A_1792 = arith.cmpi slt, %add3A_1784, %lt3A_1791 : vector<16xi32>
    %and3A_1793 = arith.andi %and3A_1790, %lt3A_1792 : vector<16xi1>
    %or3A_1794 = arith.ori %gt3A_1786, %and3A_1793 : vector<16xi1>
    %convert_element_type3A_1795 = arith.extui %or3A_1794 : vector<16xi1> to vector<16xi32>
    %cumsum3A_1796 = arith.constant true
    %cumsum3A_1797 = vector.broadcast %cumsum3A_1796 : i1 to vector<16xi1>
    %cumsum3A_1798 = tpu.scan <sum>, %convert_element_type3A_1795 masked %cumsum3A_1797 : vector<16xi32>, vector<16xi1> -> vector<16xi32>
    %add3A_1799 = arith.addi %reduce_sum3A_56, %add3A_1771 : i32
    %add3A_1800 = vector.broadcast %add3A_1799 : i32 to vector<16xi32>
    %add3A_1801 = arith.addi %add3A_1800, %cumsum3A_1798 : vector<16xi32>
    %sub3A_1802 = arith.constant 1 : i32
    %sub3A_1803 = vector.broadcast %sub3A_1802 : i32 to vector<16xi32>
    %sub3A_1804 = arith.subi %add3A_1801, %sub3A_1803 : vector<16xi32>
    %broadcast_in_dim3A_1805 = vector.broadcast %add3A_61 : i32 to vector<16xi32>
    %select_n3A_1806 = arith.select %or3A_1794, %sub3A_1804, %broadcast_in_dim3A_1805 : vector<16xi1>, vector<16xi32>
    %swap3A_1807 = arith.constant 4 : i32
    %swap3A_1808 = arith.index_cast %swap3A_1807 : i32 to index
    %swap3A_1809 = arith.constant 112 : index
    %swap3A_1810 = tpu.vector_load %arg22[%swap3A_1808, %swap3A_1809] {strides = array<i32>} : memref<5x128xi32, #tpu.memory_space<vmem>>, vector<16xi32>,
    tpu.vector_store %arg22[%swap3A_1808, %swap3A_1809], %select_n3A_1806 {strides = array<i32>} : memref<5x128xi32, #tpu.memory_space<vmem>>, vector<16xi32>,
    %reduce_sum3A_1811 = arith.constant true
    %reduce_sum3A_1812 = vector.broadcast %reduce_sum3A_1811 : i1 to vector<16xi1>
    %reduce_sum3A_1813 = tpu.scan <sum>, %convert_element_type3A_1795 masked %reduce_sum3A_1812 : vector<16xi32>, vector<16xi1> -> vector<16xi32>
    %reduce_sum3A_1814 = vector.extract %reduce_sum3A_1813[15] : i32 from vector<16xi32>
    %add3A_1815 = arith.addi %add3A_1771, %reduce_sum3A_1814 : i32
    %dma_start3A_1816 = arith.constant 0 : i32
    %dma_start3A_1817 = arith.constant 0 : i32
    %dma_start3A_1818 = tpu.memref_slice %arg15[%dma_start3A_1817] : memref<640xf32, #tpu.memory_space<vmem>> -> memref<128xf32, #tpu.memory_space<vmem>>
    %dma_start3A_1819 = arith.constant 0 : i32
    %dma_start3A_1820 = tpu.memref_slice %arg22[%dma_start3A_1816, %dma_start3A_1819] : memref<5x128xi32, #tpu.memory_space<vmem>> -> memref<1x128xi32, #tpu.memory_space<vmem>>
    %dma_start3A_1821 = tpu.memref_squeeze %dma_start3A_1820 : memref<1x128xi32, #tpu.memory_space<vmem>> -> memref<128xi32, #tpu.memory_space<vmem>>
    %dma_start3A_1822 = arith.constant 0 : i32
    %dma_start3A_1823 = tpu.memref_slice %arg23[%dma_start3A_1822] : memref<2048xf32, #tpu.memory_space<vmem_shared>> -> memref<2048xf32, #tpu.memory_space<vmem_shared>>
    tpu.enqueue_indirect_dma source(%dma_start3A_1818 : memref<128xf32, #tpu.memory_space<vmem>>) target(%dma_start3A_1823 : memref<2048xf32, #tpu.memory_space<vmem_shared>>) offsets(%dma_start3A_1821 : memref<128xi32, #tpu.memory_space<vmem>>) semaphore(%arg29 : memref<!tpu.dma_semaphore, #tpu.memory_space<semaphore_mem>>)
    %dma_start3A_1824 = arith.constant 0 : i32
    %dma_start3A_1825 = arith.constant 0 : i32
    %dma_start3A_1826 = tpu.memref_slice %arg16[%dma_start3A_1825] : memref<640xf32, #tpu.memory_space<vmem>> -> memref<128xf32, #tpu.memory_space<vmem>>
    %dma_start3A_1827 = arith.constant 0 : i32
    %dma_start3A_1828 = tpu.memref_slice %arg22[%dma_start3A_1824, %dma_start3A_1827] : memref<5x128xi32, #tpu.memory_space<vmem>> -> memref<1x128xi32, #tpu.memory_space<vmem>>
    %dma_start3A_1829 = tpu.memref_squeeze %dma_start3A_1828 : memref<1x128xi32, #tpu.memory_space<vmem>> -> memref<128xi32, #tpu.memory_space<vmem>>
    %dma_start3A_1830 = arith.constant 0 : i32
    %dma_start3A_1831 = tpu.memref_slice %arg24[%dma_start3A_1830] : memref<2048xf32, #tpu.memory_space<vmem_shared>> -> memref<2048xf32, #tpu.memory_space<vmem_shared>>
    tpu.enqueue_indirect_dma source(%dma_start3A_1826 : memref<128xf32, #tpu.memory_space<vmem>>) target(%dma_start3A_1831 : memref<2048xf32, #tpu.memory_space<vmem_shared>>) offsets(%dma_start3A_1829 : memref<128xi32, #tpu.memory_space<vmem>>) semaphore(%arg29 : memref<!tpu.dma_semaphore, #tpu.memory_space<semaphore_mem>>)
    %dma_start3A_1832 = arith.constant 0 : i32
    %dma_start3A_1833 = arith.constant 0 : i32
    %dma_start3A_1834 = tpu.memref_slice %arg17[%dma_start3A_1833] : memref<640xf32, #tpu.memory_space<vmem>> -> memref<128xf32, #tpu.memory_space<vmem>>
    %dma_start3A_1835 = arith.constant 0 : i32
    %dma_start3A_1836 = tpu.memref_slice %arg22[%dma_start3A_1832, %dma_start3A_1835] : memref<5x128xi32, #tpu.memory_space<vmem>> -> memref<1x128xi32, #tpu.memory_space<vmem>>
    %dma_start3A_1837 = tpu.memref_squeeze %dma_start3A_1836 : memref<1x128xi32, #tpu.memory_space<vmem>> -> memref<128xi32, #tpu.memory_space<vmem>>
    %dma_start3A_1838 = arith.constant 0 : i32
    %dma_start3A_1839 = tpu.memref_slice %arg25[%dma_start3A_1838] : memref<2048xf32, #tpu.memory_space<vmem_shared>> -> memref<2048xf32, #tpu.memory_space<vmem_shared>>
    tpu.enqueue_indirect_dma source(%dma_start3A_1834 : memref<128xf32, #tpu.memory_space<vmem>>) target(%dma_start3A_1839 : memref<2048xf32, #tpu.memory_space<vmem_shared>>) offsets(%dma_start3A_1837 : memref<128xi32, #tpu.memory_space<vmem>>) semaphore(%arg29 : memref<!tpu.dma_semaphore, #tpu.memory_space<semaphore_mem>>)
    %dma_start3A_1840 = arith.constant 0 : i32
    %dma_start3A_1841 = arith.constant 0 : i32
    %dma_start3A_1842 = tpu.memref_slice %arg18[%dma_start3A_1841] : memref<640xf32, #tpu.memory_space<vmem>> -> memref<128xf32, #tpu.memory_space<vmem>>
    %dma_start3A_1843 = arith.constant 0 : i32
    %dma_start3A_1844 = tpu.memref_slice %arg22[%dma_start3A_1840, %dma_start3A_1843] : memref<5x128xi32, #tpu.memory_space<vmem>> -> memref<1x128xi32, #tpu.memory_space<vmem>>
    %dma_start3A_1845 = tpu.memref_squeeze %dma_start3A_1844 : memref<1x128xi32, #tpu.memory_space<vmem>> -> memref<128xi32, #tpu.memory_space<vmem>>
    %dma_start3A_1846 = arith.constant 0 : i32
    %dma_start3A_1847 = tpu.memref_slice %arg26[%dma_start3A_1846] : memref<2048xf32, #tpu.memory_space<vmem_shared>> -> memref<2048xf32, #tpu.memory_space<vmem_shared>>
    tpu.enqueue_indirect_dma source(%dma_start3A_1842 : memref<128xf32, #tpu.memory_space<vmem>>) target(%dma_start3A_1847 : memref<2048xf32, #tpu.memory_space<vmem_shared>>) offsets(%dma_start3A_1845 : memref<128xi32, #tpu.memory_space<vmem>>) semaphore(%arg29 : memref<!tpu.dma_semaphore, #tpu.memory_space<semaphore_mem>>)
    %dma_start3A_1848 = arith.constant 0 : i32
    %dma_start3A_1849 = arith.constant 0 : i32
    %dma_start3A_1850 = tpu.memref_slice %arg19[%dma_start3A_1849] : memref<640xf32, #tpu.memory_space<vmem>> -> memref<128xf32, #tpu.memory_space<vmem>>
    %dma_start3A_1851 = arith.constant 0 : i32
    %dma_start3A_1852 = tpu.memref_slice %arg22[%dma_start3A_1848, %dma_start3A_1851] : memref<5x128xi32, #tpu.memory_space<vmem>> -> memref<1x128xi32, #tpu.memory_space<vmem>>
    %dma_start3A_1853 = tpu.memref_squeeze %dma_start3A_1852 : memref<1x128xi32, #tpu.memory_space<vmem>> -> memref<128xi32, #tpu.memory_space<vmem>>
    %dma_start3A_1854 = arith.constant 0 : i32
    %dma_start3A_1855 = tpu.memref_slice %arg27[%dma_start3A_1854] : memref<2048xf32, #tpu.memory_space<vmem_shared>> -> memref<2048xf32, #tpu.memory_space<vmem_shared>>
    tpu.enqueue_indirect_dma source(%dma_start3A_1850 : memref<128xf32, #tpu.memory_space<vmem>>) target(%dma_start3A_1855 : memref<2048xf32, #tpu.memory_space<vmem_shared>>) offsets(%dma_start3A_1853 : memref<128xi32, #tpu.memory_space<vmem>>) semaphore(%arg29 : memref<!tpu.dma_semaphore, #tpu.memory_space<semaphore_mem>>)
    %dma_start3A_1856 = arith.constant 0 : i32
    %dma_start3A_1857 = arith.constant 0 : i32
    %dma_start3A_1858 = tpu.memref_slice %arg20[%dma_start3A_1857] : memref<640xi32, #tpu.memory_space<vmem>> -> memref<128xi32, #tpu.memory_space<vmem>>
    %dma_start3A_1859 = arith.constant 0 : i32
    %dma_start3A_1860 = tpu.memref_slice %arg22[%dma_start3A_1856, %dma_start3A_1859] : memref<5x128xi32, #tpu.memory_space<vmem>> -> memref<1x128xi32, #tpu.memory_space<vmem>>
    %dma_start3A_1861 = tpu.memref_squeeze %dma_start3A_1860 : memref<1x128xi32, #tpu.memory_space<vmem>> -> memref<128xi32, #tpu.memory_space<vmem>>
    %dma_start3A_1862 = arith.constant 0 : i32
    %dma_start3A_1863 = tpu.memref_slice %arg28[%dma_start3A_1862] : memref<2048xi32, #tpu.memory_space<vmem_shared>> -> memref<2048xi32, #tpu.memory_space<vmem_shared>>
    tpu.enqueue_indirect_dma source(%dma_start3A_1858 : memref<128xi32, #tpu.memory_space<vmem>>) target(%dma_start3A_1863 : memref<2048xi32, #tpu.memory_space<vmem_shared>>) offsets(%dma_start3A_1861 : memref<128xi32, #tpu.memory_space<vmem>>) semaphore(%arg29 : memref<!tpu.dma_semaphore, #tpu.memory_space<semaphore_mem>>)
    %dma_start3A_1864 = arith.constant 1 : i32
    %dma_start3A_1865 = arith.constant 128 : i32
    %dma_start3A_1866 = tpu.memref_slice %arg15[%dma_start3A_1865] : memref<640xf32, #tpu.memory_space<vmem>> -> memref<128xf32, #tpu.memory_space<vmem>>
    %dma_start3A_1867 = arith.constant 0 : i32
    %dma_start3A_1868 = tpu.memref_slice %arg22[%dma_start3A_1864, %dma_start3A_1867] : memref<5x128xi32, #tpu.memory_space<vmem>> -> memref<1x128xi32, #tpu.memory_space<vmem>>
    %dma_start3A_1869 = tpu.memref_squeeze %dma_start3A_1868 : memref<1x128xi32, #tpu.memory_space<vmem>> -> memref<128xi32, #tpu.memory_space<vmem>>
    %dma_start3A_1870 = arith.constant 0 : i32
    %dma_start3A_1871 = tpu.memref_slice %arg23[%dma_start3A_1870] : memref<2048xf32, #tpu.memory_space<vmem_shared>> -> memref<2048xf32, #tpu.memory_space<vmem_shared>>
    tpu.enqueue_indirect_dma source(%dma_start3A_1866 : memref<128xf32, #tpu.memory_space<vmem>>) target(%dma_start3A_1871 : memref<2048xf32, #tpu.memory_space<vmem_shared>>) offsets(%dma_start3A_1869 : memref<128xi32, #tpu.memory_space<vmem>>) semaphore(%arg29 : memref<!tpu.dma_semaphore, #tpu.memory_space<semaphore_mem>>)
    %dma_start3A_1872 = arith.constant 1 : i32
    %dma_start3A_1873 = arith.constant 128 : i32
    %dma_start3A_1874 = tpu.memref_slice %arg16[%dma_start3A_1873] : memref<640xf32, #tpu.memory_space<vmem>> -> memref<128xf32, #tpu.memory_space<vmem>>
    %dma_start3A_1875 = arith.constant 0 : i32
    %dma_start3A_1876 = tpu.memref_slice %arg22[%dma_start3A_1872, %dma_start3A_1875] : memref<5x128xi32, #tpu.memory_space<vmem>> -> memref<1x128xi32, #tpu.memory_space<vmem>>
    %dma_start3A_1877 = tpu.memref_squeeze %dma_start3A_1876 : memref<1x128xi32, #tpu.memory_space<vmem>> -> memref<128xi32, #tpu.memory_space<vmem>>
    %dma_start3A_1878 = arith.constant 0 : i32
    %dma_start3A_1879 = tpu.memref_slice %arg24[%dma_start3A_1878] : memref<2048xf32, #tpu.memory_space<vmem_shared>> -> memref<2048xf32, #tpu.memory_space<vmem_shared>>
    tpu.enqueue_indirect_dma source(%dma_start3A_1874 : memref<128xf32, #tpu.memory_space<vmem>>) target(%dma_start3A_1879 : memref<2048xf32, #tpu.memory_space<vmem_shared>>) offsets(%dma_start3A_1877 : memref<128xi32, #tpu.memory_space<vmem>>) semaphore(%arg29 : memref<!tpu.dma_semaphore, #tpu.memory_space<semaphore_mem>>)
    %dma_start3A_1880 = arith.constant 1 : i32
    %dma_start3A_1881 = arith.constant 128 : i32
    %dma_start3A_1882 = tpu.memref_slice %arg17[%dma_start3A_1881] : memref<640xf32, #tpu.memory_space<vmem>> -> memref<128xf32, #tpu.memory_space<vmem>>
    %dma_start3A_1883 = arith.constant 0 : i32
    %dma_start3A_1884 = tpu.memref_slice %arg22[%dma_start3A_1880, %dma_start3A_1883] : memref<5x128xi32, #tpu.memory_space<vmem>> -> memref<1x128xi32, #tpu.memory_space<vmem>>
    %dma_start3A_1885 = tpu.memref_squeeze %dma_start3A_1884 : memref<1x128xi32, #tpu.memory_space<vmem>> -> memref<128xi32, #tpu.memory_space<vmem>>
    %dma_start3A_1886 = arith.constant 0 : i32
    %dma_start3A_1887 = tpu.memref_slice %arg25[%dma_start3A_1886] : memref<2048xf32, #tpu.memory_space<vmem_shared>> -> memref<2048xf32, #tpu.memory_space<vmem_shared>>
    tpu.enqueue_indirect_dma source(%dma_start3A_1882 : memref<128xf32, #tpu.memory_space<vmem>>) target(%dma_start3A_1887 : memref<2048xf32, #tpu.memory_space<vmem_shared>>) offsets(%dma_start3A_1885 : memref<128xi32, #tpu.memory_space<vmem>>) semaphore(%arg29 : memref<!tpu.dma_semaphore, #tpu.memory_space<semaphore_mem>>)
    %dma_start3A_1888 = arith.constant 1 : i32
    %dma_start3A_1889 = arith.constant 128 : i32
    %dma_start3A_1890 = tpu.memref_slice %arg18[%dma_start3A_1889] : memref<640xf32, #tpu.memory_space<vmem>> -> memref<128xf32, #tpu.memory_space<vmem>>
    %dma_start3A_1891 = arith.constant 0 : i32
    %dma_start3A_1892 = tpu.memref_slice %arg22[%dma_start3A_1888, %dma_start3A_1891] : memref<5x128xi32, #tpu.memory_space<vmem>> -> memref<1x128xi32, #tpu.memory_space<vmem>>
    %dma_start3A_1893 = tpu.memref_squeeze %dma_start3A_1892 : memref<1x128xi32, #tpu.memory_space<vmem>> -> memref<128xi32, #tpu.memory_space<vmem>>
    %dma_start3A_1894 = arith.constant 0 : i32
    %dma_start3A_1895 = tpu.memref_slice %arg26[%dma_start3A_1894] : memref<2048xf32, #tpu.memory_space<vmem_shared>> -> memref<2048xf32, #tpu.memory_space<vmem_shared>>
    tpu.enqueue_indirect_dma source(%dma_start3A_1890 : memref<128xf32, #tpu.memory_space<vmem>>) target(%dma_start3A_1895 : memref<2048xf32, #tpu.memory_space<vmem_shared>>) offsets(%dma_start3A_1893 : memref<128xi32, #tpu.memory_space<vmem>>) semaphore(%arg29 : memref<!tpu.dma_semaphore, #tpu.memory_space<semaphore_mem>>)
    %dma_start3A_1896 = arith.constant 1 : i32
    %dma_start3A_1897 = arith.constant 128 : i32
    %dma_start3A_1898 = tpu.memref_slice %arg19[%dma_start3A_1897] : memref<640xf32, #tpu.memory_space<vmem>> -> memref<128xf32, #tpu.memory_space<vmem>>
    %dma_start3A_1899 = arith.constant 0 : i32
    %dma_start3A_1900 = tpu.memref_slice %arg22[%dma_start3A_1896, %dma_start3A_1899] : memref<5x128xi32, #tpu.memory_space<vmem>> -> memref<1x128xi32, #tpu.memory_space<vmem>>
    %dma_start3A_1901 = tpu.memref_squeeze %dma_start3A_1900 : memref<1x128xi32, #tpu.memory_space<vmem>> -> memref<128xi32, #tpu.memory_space<vmem>>
    %dma_start3A_1902 = arith.constant 0 : i32
    %dma_start3A_1903 = tpu.memref_slice %arg27[%dma_start3A_1902] : memref<2048xf32, #tpu.memory_space<vmem_shared>> -> memref<2048xf32, #tpu.memory_space<vmem_shared>>
    tpu.enqueue_indirect_dma source(%dma_start3A_1898 : memref<128xf32, #tpu.memory_space<vmem>>) target(%dma_start3A_1903 : memref<2048xf32, #tpu.memory_space<vmem_shared>>) offsets(%dma_start3A_1901 : memref<128xi32, #tpu.memory_space<vmem>>) semaphore(%arg29 : memref<!tpu.dma_semaphore, #tpu.memory_space<semaphore_mem>>)
    %dma_start3A_1904 = arith.constant 1 : i32
    %dma_start3A_1905 = arith.constant 128 : i32
    %dma_start3A_1906 = tpu.memref_slice %arg20[%dma_start3A_1905] : memref<640xi32, #tpu.memory_space<vmem>> -> memref<128xi32, #tpu.memory_space<vmem>>
    %dma_start3A_1907 = arith.constant 0 : i32
    %dma_start3A_1908 = tpu.memref_slice %arg22[%dma_start3A_1904, %dma_start3A_1907] : memref<5x128xi32, #tpu.memory_space<vmem>> -> memref<1x128xi32, #tpu.memory_space<vmem>>
    %dma_start3A_1909 = tpu.memref_squeeze %dma_start3A_1908 : memref<1x128xi32, #tpu.memory_space<vmem>> -> memref<128xi32, #tpu.memory_space<vmem>>
    %dma_start3A_1910 = arith.constant 0 : i32
    %dma_start3A_1911 = tpu.memref_slice %arg28[%dma_start3A_1910] : memref<2048xi32, #tpu.memory_space<vmem_shared>> -> memref<2048xi32, #tpu.memory_space<vmem_shared>>
    tpu.enqueue_indirect_dma source(%dma_start3A_1906 : memref<128xi32, #tpu.memory_space<vmem>>) target(%dma_start3A_1911 : memref<2048xi32, #tpu.memory_space<vmem_shared>>) offsets(%dma_start3A_1909 : memref<128xi32, #tpu.memory_space<vmem>>) semaphore(%arg29 : memref<!tpu.dma_semaphore, #tpu.memory_space<semaphore_mem>>)
    %dma_start3A_1912 = arith.constant 2 : i32
    %dma_start3A_1913 = arith.constant 256 : i32
    %dma_start3A_1914 = tpu.memref_slice %arg15[%dma_start3A_1913] : memref<640xf32, #tpu.memory_space<vmem>> -> memref<128xf32, #tpu.memory_space<vmem>>
    %dma_start3A_1915 = arith.constant 0 : i32
    %dma_start3A_1916 = tpu.memref_slice %arg22[%dma_start3A_1912, %dma_start3A_1915] : memref<5x128xi32, #tpu.memory_space<vmem>> -> memref<1x128xi32, #tpu.memory_space<vmem>>
    %dma_start3A_1917 = tpu.memref_squeeze %dma_start3A_1916 : memref<1x128xi32, #tpu.memory_space<vmem>> -> memref<128xi32, #tpu.memory_space<vmem>>
    %dma_start3A_1918 = arith.constant 0 : i32
    %dma_start3A_1919 = tpu.memref_slice %arg23[%dma_start3A_1918] : memref<2048xf32, #tpu.memory_space<vmem_shared>> -> memref<2048xf32, #tpu.memory_space<vmem_shared>>
    tpu.enqueue_indirect_dma source(%dma_start3A_1914 : memref<128xf32, #tpu.memory_space<vmem>>) target(%dma_start3A_1919 : memref<2048xf32, #tpu.memory_space<vmem_shared>>) offsets(%dma_start3A_1917 : memref<128xi32, #tpu.memory_space<vmem>>) semaphore(%arg29 : memref<!tpu.dma_semaphore, #tpu.memory_space<semaphore_mem>>)
    %dma_start3A_1920 = arith.constant 2 : i32
    %dma_start3A_1921 = arith.constant 256 : i32
    %dma_start3A_1922 = tpu.memref_slice %arg16[%dma_start3A_1921] : memref<640xf32, #tpu.memory_space<vmem>> -> memref<128xf32, #tpu.memory_space<vmem>>
    %dma_start3A_1923 = arith.constant 0 : i32
    %dma_start3A_1924 = tpu.memref_slice %arg22[%dma_start3A_1920, %dma_start3A_1923] : memref<5x128xi32, #tpu.memory_space<vmem>> -> memref<1x128xi32, #tpu.memory_space<vmem>>
    %dma_start3A_1925 = tpu.memref_squeeze %dma_start3A_1924 : memref<1x128xi32, #tpu.memory_space<vmem>> -> memref<128xi32, #tpu.memory_space<vmem>>
    %dma_start3A_1926 = arith.constant 0 : i32
    %dma_start3A_1927 = tpu.memref_slice %arg24[%dma_start3A_1926] : memref<2048xf32, #tpu.memory_space<vmem_shared>> -> memref<2048xf32, #tpu.memory_space<vmem_shared>>
    tpu.enqueue_indirect_dma source(%dma_start3A_1922 : memref<128xf32, #tpu.memory_space<vmem>>) target(%dma_start3A_1927 : memref<2048xf32, #tpu.memory_space<vmem_shared>>) offsets(%dma_start3A_1925 : memref<128xi32, #tpu.memory_space<vmem>>) semaphore(%arg29 : memref<!tpu.dma_semaphore, #tpu.memory_space<semaphore_mem>>)
    %dma_start3A_1928 = arith.constant 2 : i32
    %dma_start3A_1929 = arith.constant 256 : i32
    %dma_start3A_1930 = tpu.memref_slice %arg17[%dma_start3A_1929] : memref<640xf32, #tpu.memory_space<vmem>> -> memref<128xf32, #tpu.memory_space<vmem>>
    %dma_start3A_1931 = arith.constant 0 : i32
    %dma_start3A_1932 = tpu.memref_slice %arg22[%dma_start3A_1928, %dma_start3A_1931] : memref<5x128xi32, #tpu.memory_space<vmem>> -> memref<1x128xi32, #tpu.memory_space<vmem>>
    %dma_start3A_1933 = tpu.memref_squeeze %dma_start3A_1932 : memref<1x128xi32, #tpu.memory_space<vmem>> -> memref<128xi32, #tpu.memory_space<vmem>>
    %dma_start3A_1934 = arith.constant 0 : i32
    %dma_start3A_1935 = tpu.memref_slice %arg25[%dma_start3A_1934] : memref<2048xf32, #tpu.memory_space<vmem_shared>> -> memref<2048xf32, #tpu.memory_space<vmem_shared>>
    tpu.enqueue_indirect_dma source(%dma_start3A_1930 : memref<128xf32, #tpu.memory_space<vmem>>) target(%dma_start3A_1935 : memref<2048xf32, #tpu.memory_space<vmem_shared>>) offsets(%dma_start3A_1933 : memref<128xi32, #tpu.memory_space<vmem>>) semaphore(%arg29 : memref<!tpu.dma_semaphore, #tpu.memory_space<semaphore_mem>>)
    %dma_start3A_1936 = arith.constant 2 : i32
    %dma_start3A_1937 = arith.constant 256 : i32
    %dma_start3A_1938 = tpu.memref_slice %arg18[%dma_start3A_1937] : memref<640xf32, #tpu.memory_space<vmem>> -> memref<128xf32, #tpu.memory_space<vmem>>
    %dma_start3A_1939 = arith.constant 0 : i32
    %dma_start3A_1940 = tpu.memref_slice %arg22[%dma_start3A_1936, %dma_start3A_1939] : memref<5x128xi32, #tpu.memory_space<vmem>> -> memref<1x128xi32, #tpu.memory_space<vmem>>
    %dma_start3A_1941 = tpu.memref_squeeze %dma_start3A_1940 : memref<1x128xi32, #tpu.memory_space<vmem>> -> memref<128xi32, #tpu.memory_space<vmem>>
    %dma_start3A_1942 = arith.constant 0 : i32
    %dma_start3A_1943 = tpu.memref_slice %arg26[%dma_start3A_1942] : memref<2048xf32, #tpu.memory_space<vmem_shared>> -> memref<2048xf32, #tpu.memory_space<vmem_shared>>
    tpu.enqueue_indirect_dma source(%dma_start3A_1938 : memref<128xf32, #tpu.memory_space<vmem>>) target(%dma_start3A_1943 : memref<2048xf32, #tpu.memory_space<vmem_shared>>) offsets(%dma_start3A_1941 : memref<128xi32, #tpu.memory_space<vmem>>) semaphore(%arg29 : memref<!tpu.dma_semaphore, #tpu.memory_space<semaphore_mem>>)
    %dma_start3A_1944 = arith.constant 2 : i32
    %dma_start3A_1945 = arith.constant 256 : i32
    %dma_start3A_1946 = tpu.memref_slice %arg19[%dma_start3A_1945] : memref<640xf32, #tpu.memory_space<vmem>> -> memref<128xf32, #tpu.memory_space<vmem>>
    %dma_start3A_1947 = arith.constant 0 : i32
    %dma_start3A_1948 = tpu.memref_slice %arg22[%dma_start3A_1944, %dma_start3A_1947] : memref<5x128xi32, #tpu.memory_space<vmem>> -> memref<1x128xi32, #tpu.memory_space<vmem>>
    %dma_start3A_1949 = tpu.memref_squeeze %dma_start3A_1948 : memref<1x128xi32, #tpu.memory_space<vmem>> -> memref<128xi32, #tpu.memory_space<vmem>>
    %dma_start3A_1950 = arith.constant 0 : i32
    %dma_start3A_1951 = tpu.memref_slice %arg27[%dma_start3A_1950] : memref<2048xf32, #tpu.memory_space<vmem_shared>> -> memref<2048xf32, #tpu.memory_space<vmem_shared>>
    tpu.enqueue_indirect_dma source(%dma_start3A_1946 : memref<128xf32, #tpu.memory_space<vmem>>) target(%dma_start3A_1951 : memref<2048xf32, #tpu.memory_space<vmem_shared>>) offsets(%dma_start3A_1949 : memref<128xi32, #tpu.memory_space<vmem>>) semaphore(%arg29 : memref<!tpu.dma_semaphore, #tpu.memory_space<semaphore_mem>>)
    %dma_start3A_1952 = arith.constant 2 : i32
    %dma_start3A_1953 = arith.constant 256 : i32
    %dma_start3A_1954 = tpu.memref_slice %arg20[%dma_start3A_1953] : memref<640xi32, #tpu.memory_space<vmem>> -> memref<128xi32, #tpu.memory_space<vmem>>
    %dma_start3A_1955 = arith.constant 0 : i32
    %dma_start3A_1956 = tpu.memref_slice %arg22[%dma_start3A_1952, %dma_start3A_1955] : memref<5x128xi32, #tpu.memory_space<vmem>> -> memref<1x128xi32, #tpu.memory_space<vmem>>
    %dma_start3A_1957 = tpu.memref_squeeze %dma_start3A_1956 : memref<1x128xi32, #tpu.memory_space<vmem>> -> memref<128xi32, #tpu.memory_space<vmem>>
    %dma_start3A_1958 = arith.constant 0 : i32
    %dma_start3A_1959 = tpu.memref_slice %arg28[%dma_start3A_1958] : memref<2048xi32, #tpu.memory_space<vmem_shared>> -> memref<2048xi32, #tpu.memory_space<vmem_shared>>
    tpu.enqueue_indirect_dma source(%dma_start3A_1954 : memref<128xi32, #tpu.memory_space<vmem>>) target(%dma_start3A_1959 : memref<2048xi32, #tpu.memory_space<vmem_shared>>) offsets(%dma_start3A_1957 : memref<128xi32, #tpu.memory_space<vmem>>) semaphore(%arg29 : memref<!tpu.dma_semaphore, #tpu.memory_space<semaphore_mem>>)
    %dma_start3A_1960 = arith.constant 3 : i32
    %dma_start3A_1961 = arith.constant 384 : i32
    %dma_start3A_1962 = tpu.memref_slice %arg15[%dma_start3A_1961] : memref<640xf32, #tpu.memory_space<vmem>> -> memref<128xf32, #tpu.memory_space<vmem>>
    %dma_start3A_1963 = arith.constant 0 : i32
    %dma_start3A_1964 = tpu.memref_slice %arg22[%dma_start3A_1960, %dma_start3A_1963] : memref<5x128xi32, #tpu.memory_space<vmem>> -> memref<1x128xi32, #tpu.memory_space<vmem>>
    %dma_start3A_1965 = tpu.memref_squeeze %dma_start3A_1964 : memref<1x128xi32, #tpu.memory_space<vmem>> -> memref<128xi32, #tpu.memory_space<vmem>>
    %dma_start3A_1966 = arith.constant 0 : i32
    %dma_start3A_1967 = tpu.memref_slice %arg23[%dma_start3A_1966] : memref<2048xf32, #tpu.memory_space<vmem_shared>> -> memref<2048xf32, #tpu.memory_space<vmem_shared>>
    tpu.enqueue_indirect_dma source(%dma_start3A_1962 : memref<128xf32, #tpu.memory_space<vmem>>) target(%dma_start3A_1967 : memref<2048xf32, #tpu.memory_space<vmem_shared>>) offsets(%dma_start3A_1965 : memref<128xi32, #tpu.memory_space<vmem>>) semaphore(%arg29 : memref<!tpu.dma_semaphore, #tpu.memory_space<semaphore_mem>>)
    %dma_start3A_1968 = arith.constant 3 : i32
    %dma_start3A_1969 = arith.constant 384 : i32
    %dma_start3A_1970 = tpu.memref_slice %arg16[%dma_start3A_1969] : memref<640xf32, #tpu.memory_space<vmem>> -> memref<128xf32, #tpu.memory_space<vmem>>
    %dma_start3A_1971 = arith.constant 0 : i32
    %dma_start3A_1972 = tpu.memref_slice %arg22[%dma_start3A_1968, %dma_start3A_1971] : memref<5x128xi32, #tpu.memory_space<vmem>> -> memref<1x128xi32, #tpu.memory_space<vmem>>
    %dma_start3A_1973 = tpu.memref_squeeze %dma_start3A_1972 : memref<1x128xi32, #tpu.memory_space<vmem>> -> memref<128xi32, #tpu.memory_space<vmem>>
    %dma_start3A_1974 = arith.constant 0 : i32
    %dma_start3A_1975 = tpu.memref_slice %arg24[%dma_start3A_1974] : memref<2048xf32, #tpu.memory_space<vmem_shared>> -> memref<2048xf32, #tpu.memory_space<vmem_shared>>
    tpu.enqueue_indirect_dma source(%dma_start3A_1970 : memref<128xf32, #tpu.memory_space<vmem>>) target(%dma_start3A_1975 : memref<2048xf32, #tpu.memory_space<vmem_shared>>) offsets(%dma_start3A_1973 : memref<128xi32, #tpu.memory_space<vmem>>) semaphore(%arg29 : memref<!tpu.dma_semaphore, #tpu.memory_space<semaphore_mem>>)
    %dma_start3A_1976 = arith.constant 3 : i32
    %dma_start3A_1977 = arith.constant 384 : i32
    %dma_start3A_1978 = tpu.memref_slice %arg17[%dma_start3A_1977] : memref<640xf32, #tpu.memory_space<vmem>> -> memref<128xf32, #tpu.memory_space<vmem>>
    %dma_start3A_1979 = arith.constant 0 : i32
    %dma_start3A_1980 = tpu.memref_slice %arg22[%dma_start3A_1976, %dma_start3A_1979] : memref<5x128xi32, #tpu.memory_space<vmem>> -> memref<1x128xi32, #tpu.memory_space<vmem>>
    %dma_start3A_1981 = tpu.memref_squeeze %dma_start3A_1980 : memref<1x128xi32, #tpu.memory_space<vmem>> -> memref<128xi32, #tpu.memory_space<vmem>>
    %dma_start3A_1982 = arith.constant 0 : i32
    %dma_start3A_1983 = tpu.memref_slice %arg25[%dma_start3A_1982] : memref<2048xf32, #tpu.memory_space<vmem_shared>> -> memref<2048xf32, #tpu.memory_space<vmem_shared>>
    tpu.enqueue_indirect_dma source(%dma_start3A_1978 : memref<128xf32, #tpu.memory_space<vmem>>) target(%dma_start3A_1983 : memref<2048xf32, #tpu.memory_space<vmem_shared>>) offsets(%dma_start3A_1981 : memref<128xi32, #tpu.memory_space<vmem>>) semaphore(%arg29 : memref<!tpu.dma_semaphore, #tpu.memory_space<semaphore_mem>>)
    %dma_start3A_1984 = arith.constant 3 : i32
    %dma_start3A_1985 = arith.constant 384 : i32
    %dma_start3A_1986 = tpu.memref_slice %arg18[%dma_start3A_1985] : memref<640xf32, #tpu.memory_space<vmem>> -> memref<128xf32, #tpu.memory_space<vmem>>
    %dma_start3A_1987 = arith.constant 0 : i32
    %dma_start3A_1988 = tpu.memref_slice %arg22[%dma_start3A_1984, %dma_start3A_1987] : memref<5x128xi32, #tpu.memory_space<vmem>> -> memref<1x128xi32, #tpu.memory_space<vmem>>
    %dma_start3A_1989 = tpu.memref_squeeze %dma_start3A_1988 : memref<1x128xi32, #tpu.memory_space<vmem>> -> memref<128xi32, #tpu.memory_space<vmem>>
    %dma_start3A_1990 = arith.constant 0 : i32
    %dma_start3A_1991 = tpu.memref_slice %arg26[%dma_start3A_1990] : memref<2048xf32, #tpu.memory_space<vmem_shared>> -> memref<2048xf32, #tpu.memory_space<vmem_shared>>
    tpu.enqueue_indirect_dma source(%dma_start3A_1986 : memref<128xf32, #tpu.memory_space<vmem>>) target(%dma_start3A_1991 : memref<2048xf32, #tpu.memory_space<vmem_shared>>) offsets(%dma_start3A_1989 : memref<128xi32, #tpu.memory_space<vmem>>) semaphore(%arg29 : memref<!tpu.dma_semaphore, #tpu.memory_space<semaphore_mem>>)
    %dma_start3A_1992 = arith.constant 3 : i32
    %dma_start3A_1993 = arith.constant 384 : i32
    %dma_start3A_1994 = tpu.memref_slice %arg19[%dma_start3A_1993] : memref<640xf32, #tpu.memory_space<vmem>> -> memref<128xf32, #tpu.memory_space<vmem>>
    %dma_start3A_1995 = arith.constant 0 : i32
    %dma_start3A_1996 = tpu.memref_slice %arg22[%dma_start3A_1992, %dma_start3A_1995] : memref<5x128xi32, #tpu.memory_space<vmem>> -> memref<1x128xi32, #tpu.memory_space<vmem>>
    %dma_start3A_1997 = tpu.memref_squeeze %dma_start3A_1996 : memref<1x128xi32, #tpu.memory_space<vmem>> -> memref<128xi32, #tpu.memory_space<vmem>>
    %dma_start3A_1998 = arith.constant 0 : i32
    %dma_start3A_1999 = tpu.memref_slice %arg27[%dma_start3A_1998] : memref<2048xf32, #tpu.memory_space<vmem_shared>> -> memref<2048xf32, #tpu.memory_space<vmem_shared>>
    tpu.enqueue_indirect_dma source(%dma_start3A_1994 : memref<128xf32, #tpu.memory_space<vmem>>) target(%dma_start3A_1999 : memref<2048xf32, #tpu.memory_space<vmem_shared>>) offsets(%dma_start3A_1997 : memref<128xi32, #tpu.memory_space<vmem>>) semaphore(%arg29 : memref<!tpu.dma_semaphore, #tpu.memory_space<semaphore_mem>>)
    %dma_start3A_2000 = arith.constant 3 : i32
    %dma_start3A_2001 = arith.constant 384 : i32
    %dma_start3A_2002 = tpu.memref_slice %arg20[%dma_start3A_2001] : memref<640xi32, #tpu.memory_space<vmem>> -> memref<128xi32, #tpu.memory_space<vmem>>
    %dma_start3A_2003 = arith.constant 0 : i32
    %dma_start3A_2004 = tpu.memref_slice %arg22[%dma_start3A_2000, %dma_start3A_2003] : memref<5x128xi32, #tpu.memory_space<vmem>> -> memref<1x128xi32, #tpu.memory_space<vmem>>
    %dma_start3A_2005 = tpu.memref_squeeze %dma_start3A_2004 : memref<1x128xi32, #tpu.memory_space<vmem>> -> memref<128xi32, #tpu.memory_space<vmem>>
    %dma_start3A_2006 = arith.constant 0 : i32
    %dma_start3A_2007 = tpu.memref_slice %arg28[%dma_start3A_2006] : memref<2048xi32, #tpu.memory_space<vmem_shared>> -> memref<2048xi32, #tpu.memory_space<vmem_shared>>
    tpu.enqueue_indirect_dma source(%dma_start3A_2002 : memref<128xi32, #tpu.memory_space<vmem>>) target(%dma_start3A_2007 : memref<2048xi32, #tpu.memory_space<vmem_shared>>) offsets(%dma_start3A_2005 : memref<128xi32, #tpu.memory_space<vmem>>) semaphore(%arg29 : memref<!tpu.dma_semaphore, #tpu.memory_space<semaphore_mem>>)
    %dma_start3A_2008 = arith.constant 4 : i32
    %dma_start3A_2009 = arith.constant 512 : i32
    %dma_start3A_2010 = tpu.memref_slice %arg15[%dma_start3A_2009] : memref<640xf32, #tpu.memory_space<vmem>> -> memref<128xf32, #tpu.memory_space<vmem>>
    %dma_start3A_2011 = arith.constant 0 : i32
    %dma_start3A_2012 = tpu.memref_slice %arg22[%dma_start3A_2008, %dma_start3A_2011] : memref<5x128xi32, #tpu.memory_space<vmem>> -> memref<1x128xi32, #tpu.memory_space<vmem>>
    %dma_start3A_2013 = tpu.memref_squeeze %dma_start3A_2012 : memref<1x128xi32, #tpu.memory_space<vmem>> -> memref<128xi32, #tpu.memory_space<vmem>>
    %dma_start3A_2014 = arith.constant 0 : i32
    %dma_start3A_2015 = tpu.memref_slice %arg23[%dma_start3A_2014] : memref<2048xf32, #tpu.memory_space<vmem_shared>> -> memref<2048xf32, #tpu.memory_space<vmem_shared>>
    tpu.enqueue_indirect_dma source(%dma_start3A_2010 : memref<128xf32, #tpu.memory_space<vmem>>) target(%dma_start3A_2015 : memref<2048xf32, #tpu.memory_space<vmem_shared>>) offsets(%dma_start3A_2013 : memref<128xi32, #tpu.memory_space<vmem>>) semaphore(%arg29 : memref<!tpu.dma_semaphore, #tpu.memory_space<semaphore_mem>>)
    %dma_start3A_2016 = arith.constant 4 : i32
    %dma_start3A_2017 = arith.constant 512 : i32
    %dma_start3A_2018 = tpu.memref_slice %arg16[%dma_start3A_2017] : memref<640xf32, #tpu.memory_space<vmem>> -> memref<128xf32, #tpu.memory_space<vmem>>
    %dma_start3A_2019 = arith.constant 0 : i32
    %dma_start3A_2020 = tpu.memref_slice %arg22[%dma_start3A_2016, %dma_start3A_2019] : memref<5x128xi32, #tpu.memory_space<vmem>> -> memref<1x128xi32, #tpu.memory_space<vmem>>
    %dma_start3A_2021 = tpu.memref_squeeze %dma_start3A_2020 : memref<1x128xi32, #tpu.memory_space<vmem>> -> memref<128xi32, #tpu.memory_space<vmem>>
    %dma_start3A_2022 = arith.constant 0 : i32
    %dma_start3A_2023 = tpu.memref_slice %arg24[%dma_start3A_2022] : memref<2048xf32, #tpu.memory_space<vmem_shared>> -> memref<2048xf32, #tpu.memory_space<vmem_shared>>
    tpu.enqueue_indirect_dma source(%dma_start3A_2018 : memref<128xf32, #tpu.memory_space<vmem>>) target(%dma_start3A_2023 : memref<2048xf32, #tpu.memory_space<vmem_shared>>) offsets(%dma_start3A_2021 : memref<128xi32, #tpu.memory_space<vmem>>) semaphore(%arg29 : memref<!tpu.dma_semaphore, #tpu.memory_space<semaphore_mem>>)
    %dma_start3A_2024 = arith.constant 4 : i32
    %dma_start3A_2025 = arith.constant 512 : i32
    %dma_start3A_2026 = tpu.memref_slice %arg17[%dma_start3A_2025] : memref<640xf32, #tpu.memory_space<vmem>> -> memref<128xf32, #tpu.memory_space<vmem>>
    %dma_start3A_2027 = arith.constant 0 : i32
    %dma_start3A_2028 = tpu.memref_slice %arg22[%dma_start3A_2024, %dma_start3A_2027] : memref<5x128xi32, #tpu.memory_space<vmem>> -> memref<1x128xi32, #tpu.memory_space<vmem>>
    %dma_start3A_2029 = tpu.memref_squeeze %dma_start3A_2028 : memref<1x128xi32, #tpu.memory_space<vmem>> -> memref<128xi32, #tpu.memory_space<vmem>>
    %dma_start3A_2030 = arith.constant 0 : i32
    %dma_start3A_2031 = tpu.memref_slice %arg25[%dma_start3A_2030] : memref<2048xf32, #tpu.memory_space<vmem_shared>> -> memref<2048xf32, #tpu.memory_space<vmem_shared>>
    tpu.enqueue_indirect_dma source(%dma_start3A_2026 : memref<128xf32, #tpu.memory_space<vmem>>) target(%dma_start3A_2031 : memref<2048xf32, #tpu.memory_space<vmem_shared>>) offsets(%dma_start3A_2029 : memref<128xi32, #tpu.memory_space<vmem>>) semaphore(%arg29 : memref<!tpu.dma_semaphore, #tpu.memory_space<semaphore_mem>>)
    %dma_start3A_2032 = arith.constant 4 : i32
    %dma_start3A_2033 = arith.constant 512 : i32
    %dma_start3A_2034 = tpu.memref_slice %arg18[%dma_start3A_2033] : memref<640xf32, #tpu.memory_space<vmem>> -> memref<128xf32, #tpu.memory_space<vmem>>
    %dma_start3A_2035 = arith.constant 0 : i32
    %dma_start3A_2036 = tpu.memref_slice %arg22[%dma_start3A_2032, %dma_start3A_2035] : memref<5x128xi32, #tpu.memory_space<vmem>> -> memref<1x128xi32, #tpu.memory_space<vmem>>
    %dma_start3A_2037 = tpu.memref_squeeze %dma_start3A_2036 : memref<1x128xi32, #tpu.memory_space<vmem>> -> memref<128xi32, #tpu.memory_space<vmem>>
    %dma_start3A_2038 = arith.constant 0 : i32
    %dma_start3A_2039 = tpu.memref_slice %arg26[%dma_start3A_2038] : memref<2048xf32, #tpu.memory_space<vmem_shared>> -> memref<2048xf32, #tpu.memory_space<vmem_shared>>
    tpu.enqueue_indirect_dma source(%dma_start3A_2034 : memref<128xf32, #tpu.memory_space<vmem>>) target(%dma_start3A_2039 : memref<2048xf32, #tpu.memory_space<vmem_shared>>) offsets(%dma_start3A_2037 : memref<128xi32, #tpu.memory_space<vmem>>) semaphore(%arg29 : memref<!tpu.dma_semaphore, #tpu.memory_space<semaphore_mem>>)
    %dma_start3A_2040 = arith.constant 4 : i32
    %dma_start3A_2041 = arith.constant 512 : i32
    %dma_start3A_2042 = tpu.memref_slice %arg19[%dma_start3A_2041] : memref<640xf32, #tpu.memory_space<vmem>> -> memref<128xf32, #tpu.memory_space<vmem>>
    %dma_start3A_2043 = arith.constant 0 : i32
    %dma_start3A_2044 = tpu.memref_slice %arg22[%dma_start3A_2040, %dma_start3A_2043] : memref<5x128xi32, #tpu.memory_space<vmem>> -> memref<1x128xi32, #tpu.memory_space<vmem>>
    %dma_start3A_2045 = tpu.memref_squeeze %dma_start3A_2044 : memref<1x128xi32, #tpu.memory_space<vmem>> -> memref<128xi32, #tpu.memory_space<vmem>>
    %dma_start3A_2046 = arith.constant 0 : i32
    %dma_start3A_2047 = tpu.memref_slice %arg27[%dma_start3A_2046] : memref<2048xf32, #tpu.memory_space<vmem_shared>> -> memref<2048xf32, #tpu.memory_space<vmem_shared>>
    tpu.enqueue_indirect_dma source(%dma_start3A_2042 : memref<128xf32, #tpu.memory_space<vmem>>) target(%dma_start3A_2047 : memref<2048xf32, #tpu.memory_space<vmem_shared>>) offsets(%dma_start3A_2045 : memref<128xi32, #tpu.memory_space<vmem>>) semaphore(%arg29 : memref<!tpu.dma_semaphore, #tpu.memory_space<semaphore_mem>>)
    %dma_start3A_2048 = arith.constant 4 : i32
    %dma_start3A_2049 = arith.constant 512 : i32
    %dma_start3A_2050 = tpu.memref_slice %arg20[%dma_start3A_2049] : memref<640xi32, #tpu.memory_space<vmem>> -> memref<128xi32, #tpu.memory_space<vmem>>
    %dma_start3A_2051 = arith.constant 0 : i32
    %dma_start3A_2052 = tpu.memref_slice %arg22[%dma_start3A_2048, %dma_start3A_2051] : memref<5x128xi32, #tpu.memory_space<vmem>> -> memref<1x128xi32, #tpu.memory_space<vmem>>
    %dma_start3A_2053 = tpu.memref_squeeze %dma_start3A_2052 : memref<1x128xi32, #tpu.memory_space<vmem>> -> memref<128xi32, #tpu.memory_space<vmem>>
    %dma_start3A_2054 = arith.constant 0 : i32
    %dma_start3A_2055 = tpu.memref_slice %arg28[%dma_start3A_2054] : memref<2048xi32, #tpu.memory_space<vmem_shared>> -> memref<2048xi32, #tpu.memory_space<vmem_shared>>
    tpu.enqueue_indirect_dma source(%dma_start3A_2050 : memref<128xi32, #tpu.memory_space<vmem>>) target(%dma_start3A_2055 : memref<2048xi32, #tpu.memory_space<vmem_shared>>) offsets(%dma_start3A_2053 : memref<128xi32, #tpu.memory_space<vmem>>) semaphore(%arg29 : memref<!tpu.dma_semaphore, #tpu.memory_space<semaphore_mem>>)
    %dma_wait3A_2056 = arith.constant 0 : i32
    %dma_wait3A_2057 = arith.constant 0 : i32
    %dma_wait3A_2058 = tpu.memref_slice %arg15[%dma_wait3A_2057] : memref<640xf32, #tpu.memory_space<vmem>> -> memref<128xf32, #tpu.memory_space<vmem>>
    %dma_wait3A_2059 = arith.constant 0 : i32
    %dma_wait3A_2060 = tpu.memref_slice %arg22[%dma_wait3A_2056, %dma_wait3A_2059] : memref<5x128xi32, #tpu.memory_space<vmem>> -> memref<1x128xi32, #tpu.memory_space<vmem>>
    %dma_wait3A_2061 = tpu.memref_squeeze %dma_wait3A_2060 : memref<1x128xi32, #tpu.memory_space<vmem>> -> memref<128xi32, #tpu.memory_space<vmem>>
    %dma_wait3A_2062 = arith.constant 0 : i32
    %dma_wait3A_2063 = tpu.memref_slice %arg23[%dma_wait3A_2062] : memref<2048xf32, #tpu.memory_space<vmem_shared>> -> memref<2048xf32, #tpu.memory_space<vmem_shared>>
    tpu.wait_indirect_dma semaphore(%arg29 : memref<!tpu.dma_semaphore, #tpu.memory_space<semaphore_mem>>) src(%dma_wait3A_2058 : memref<128xf32, #tpu.memory_space<vmem>>) dst(%dma_wait3A_2063 : memref<2048xf32, #tpu.memory_space<vmem_shared>>)
    %dma_wait3A_2064 = arith.constant 0 : i32
    %dma_wait3A_2065 = arith.constant 0 : i32
    %dma_wait3A_2066 = tpu.memref_slice %arg16[%dma_wait3A_2065] : memref<640xf32, #tpu.memory_space<vmem>> -> memref<128xf32, #tpu.memory_space<vmem>>
    %dma_wait3A_2067 = arith.constant 0 : i32
    %dma_wait3A_2068 = tpu.memref_slice %arg22[%dma_wait3A_2064, %dma_wait3A_2067] : memref<5x128xi32, #tpu.memory_space<vmem>> -> memref<1x128xi32, #tpu.memory_space<vmem>>
    %dma_wait3A_2069 = tpu.memref_squeeze %dma_wait3A_2068 : memref<1x128xi32, #tpu.memory_space<vmem>> -> memref<128xi32, #tpu.memory_space<vmem>>
    %dma_wait3A_2070 = arith.constant 0 : i32
    %dma_wait3A_2071 = tpu.memref_slice %arg24[%dma_wait3A_2070] : memref<2048xf32, #tpu.memory_space<vmem_shared>> -> memref<2048xf32, #tpu.memory_space<vmem_shared>>
    tpu.wait_indirect_dma semaphore(%arg29 : memref<!tpu.dma_semaphore, #tpu.memory_space<semaphore_mem>>) src(%dma_wait3A_2066 : memref<128xf32, #tpu.memory_space<vmem>>) dst(%dma_wait3A_2071 : memref<2048xf32, #tpu.memory_space<vmem_shared>>)
    %dma_wait3A_2072 = arith.constant 0 : i32
    %dma_wait3A_2073 = arith.constant 0 : i32
    %dma_wait3A_2074 = tpu.memref_slice %arg17[%dma_wait3A_2073] : memref<640xf32, #tpu.memory_space<vmem>> -> memref<128xf32, #tpu.memory_space<vmem>>
    %dma_wait3A_2075 = arith.constant 0 : i32
    %dma_wait3A_2076 = tpu.memref_slice %arg22[%dma_wait3A_2072, %dma_wait3A_2075] : memref<5x128xi32, #tpu.memory_space<vmem>> -> memref<1x128xi32, #tpu.memory_space<vmem>>
    %dma_wait3A_2077 = tpu.memref_squeeze %dma_wait3A_2076 : memref<1x128xi32, #tpu.memory_space<vmem>> -> memref<128xi32, #tpu.memory_space<vmem>>
    %dma_wait3A_2078 = arith.constant 0 : i32
    %dma_wait3A_2079 = tpu.memref_slice %arg25[%dma_wait3A_2078] : memref<2048xf32, #tpu.memory_space<vmem_shared>> -> memref<2048xf32, #tpu.memory_space<vmem_shared>>
    tpu.wait_indirect_dma semaphore(%arg29 : memref<!tpu.dma_semaphore, #tpu.memory_space<semaphore_mem>>) src(%dma_wait3A_2074 : memref<128xf32, #tpu.memory_space<vmem>>) dst(%dma_wait3A_2079 : memref<2048xf32, #tpu.memory_space<vmem_shared>>)
    %dma_wait3A_2080 = arith.constant 0 : i32
    %dma_wait3A_2081 = arith.constant 0 : i32
    %dma_wait3A_2082 = tpu.memref_slice %arg18[%dma_wait3A_2081] : memref<640xf32, #tpu.memory_space<vmem>> -> memref<128xf32, #tpu.memory_space<vmem>>
    %dma_wait3A_2083 = arith.constant 0 : i32
    %dma_wait3A_2084 = tpu.memref_slice %arg22[%dma_wait3A_2080, %dma_wait3A_2083] : memref<5x128xi32, #tpu.memory_space<vmem>> -> memref<1x128xi32, #tpu.memory_space<vmem>>
    %dma_wait3A_2085 = tpu.memref_squeeze %dma_wait3A_2084 : memref<1x128xi32, #tpu.memory_space<vmem>> -> memref<128xi32, #tpu.memory_space<vmem>>
    %dma_wait3A_2086 = arith.constant 0 : i32
    %dma_wait3A_2087 = tpu.memref_slice %arg26[%dma_wait3A_2086] : memref<2048xf32, #tpu.memory_space<vmem_shared>> -> memref<2048xf32, #tpu.memory_space<vmem_shared>>
    tpu.wait_indirect_dma semaphore(%arg29 : memref<!tpu.dma_semaphore, #tpu.memory_space<semaphore_mem>>) src(%dma_wait3A_2082 : memref<128xf32, #tpu.memory_space<vmem>>) dst(%dma_wait3A_2087 : memref<2048xf32, #tpu.memory_space<vmem_shared>>)
    %dma_wait3A_2088 = arith.constant 0 : i32
    %dma_wait3A_2089 = arith.constant 0 : i32
    %dma_wait3A_2090 = tpu.memref_slice %arg19[%dma_wait3A_2089] : memref<640xf32, #tpu.memory_space<vmem>> -> memref<128xf32, #tpu.memory_space<vmem>>
    %dma_wait3A_2091 = arith.constant 0 : i32
    %dma_wait3A_2092 = tpu.memref_slice %arg22[%dma_wait3A_2088, %dma_wait3A_2091] : memref<5x128xi32, #tpu.memory_space<vmem>> -> memref<1x128xi32, #tpu.memory_space<vmem>>
    %dma_wait3A_2093 = tpu.memref_squeeze %dma_wait3A_2092 : memref<1x128xi32, #tpu.memory_space<vmem>> -> memref<128xi32, #tpu.memory_space<vmem>>
    %dma_wait3A_2094 = arith.constant 0 : i32
    %dma_wait3A_2095 = tpu.memref_slice %arg27[%dma_wait3A_2094] : memref<2048xf32, #tpu.memory_space<vmem_shared>> -> memref<2048xf32, #tpu.memory_space<vmem_shared>>
    tpu.wait_indirect_dma semaphore(%arg29 : memref<!tpu.dma_semaphore, #tpu.memory_space<semaphore_mem>>) src(%dma_wait3A_2090 : memref<128xf32, #tpu.memory_space<vmem>>) dst(%dma_wait3A_2095 : memref<2048xf32, #tpu.memory_space<vmem_shared>>)
    %dma_wait3A_2096 = arith.constant 0 : i32
    %dma_wait3A_2097 = arith.constant 0 : i32
    %dma_wait3A_2098 = tpu.memref_slice %arg20[%dma_wait3A_2097] : memref<640xi32, #tpu.memory_space<vmem>> -> memref<128xi32, #tpu.memory_space<vmem>>
    %dma_wait3A_2099 = arith.constant 0 : i32
    %dma_wait3A_2100 = tpu.memref_slice %arg22[%dma_wait3A_2096, %dma_wait3A_2099] : memref<5x128xi32, #tpu.memory_space<vmem>> -> memref<1x128xi32, #tpu.memory_space<vmem>>
    %dma_wait3A_2101 = tpu.memref_squeeze %dma_wait3A_2100 : memref<1x128xi32, #tpu.memory_space<vmem>> -> memref<128xi32, #tpu.memory_space<vmem>>
    %dma_wait3A_2102 = arith.constant 0 : i32
    %dma_wait3A_2103 = tpu.memref_slice %arg28[%dma_wait3A_2102] : memref<2048xi32, #tpu.memory_space<vmem_shared>> -> memref<2048xi32, #tpu.memory_space<vmem_shared>>
    tpu.wait_indirect_dma semaphore(%arg29 : memref<!tpu.dma_semaphore, #tpu.memory_space<semaphore_mem>>) src(%dma_wait3A_2098 : memref<128xi32, #tpu.memory_space<vmem>>) dst(%dma_wait3A_2103 : memref<2048xi32, #tpu.memory_space<vmem_shared>>)
    %dma_wait3A_2104 = arith.constant 1 : i32
    %dma_wait3A_2105 = arith.constant 128 : i32
    %dma_wait3A_2106 = tpu.memref_slice %arg15[%dma_wait3A_2105] : memref<640xf32, #tpu.memory_space<vmem>> -> memref<128xf32, #tpu.memory_space<vmem>>
    %dma_wait3A_2107 = arith.constant 0 : i32
    %dma_wait3A_2108 = tpu.memref_slice %arg22[%dma_wait3A_2104, %dma_wait3A_2107] : memref<5x128xi32, #tpu.memory_space<vmem>> -> memref<1x128xi32, #tpu.memory_space<vmem>>
    %dma_wait3A_2109 = tpu.memref_squeeze %dma_wait3A_2108 : memref<1x128xi32, #tpu.memory_space<vmem>> -> memref<128xi32, #tpu.memory_space<vmem>>
    %dma_wait3A_2110 = arith.constant 0 : i32
    %dma_wait3A_2111 = tpu.memref_slice %arg23[%dma_wait3A_2110] : memref<2048xf32, #tpu.memory_space<vmem_shared>> -> memref<2048xf32, #tpu.memory_space<vmem_shared>>
    tpu.wait_indirect_dma semaphore(%arg29 : memref<!tpu.dma_semaphore, #tpu.memory_space<semaphore_mem>>) src(%dma_wait3A_2106 : memref<128xf32, #tpu.memory_space<vmem>>) dst(%dma_wait3A_2111 : memref<2048xf32, #tpu.memory_space<vmem_shared>>)
    %dma_wait3A_2112 = arith.constant 1 : i32
    %dma_wait3A_2113 = arith.constant 128 : i32
    %dma_wait3A_2114 = tpu.memref_slice %arg16[%dma_wait3A_2113] : memref<640xf32, #tpu.memory_space<vmem>> -> memref<128xf32, #tpu.memory_space<vmem>>
    %dma_wait3A_2115 = arith.constant 0 : i32
    %dma_wait3A_2116 = tpu.memref_slice %arg22[%dma_wait3A_2112, %dma_wait3A_2115] : memref<5x128xi32, #tpu.memory_space<vmem>> -> memref<1x128xi32, #tpu.memory_space<vmem>>
    %dma_wait3A_2117 = tpu.memref_squeeze %dma_wait3A_2116 : memref<1x128xi32, #tpu.memory_space<vmem>> -> memref<128xi32, #tpu.memory_space<vmem>>
    %dma_wait3A_2118 = arith.constant 0 : i32
    %dma_wait3A_2119 = tpu.memref_slice %arg24[%dma_wait3A_2118] : memref<2048xf32, #tpu.memory_space<vmem_shared>> -> memref<2048xf32, #tpu.memory_space<vmem_shared>>
    tpu.wait_indirect_dma semaphore(%arg29 : memref<!tpu.dma_semaphore, #tpu.memory_space<semaphore_mem>>) src(%dma_wait3A_2114 : memref<128xf32, #tpu.memory_space<vmem>>) dst(%dma_wait3A_2119 : memref<2048xf32, #tpu.memory_space<vmem_shared>>)
    %dma_wait3A_2120 = arith.constant 1 : i32
    %dma_wait3A_2121 = arith.constant 128 : i32
    %dma_wait3A_2122 = tpu.memref_slice %arg17[%dma_wait3A_2121] : memref<640xf32, #tpu.memory_space<vmem>> -> memref<128xf32, #tpu.memory_space<vmem>>
    %dma_wait3A_2123 = arith.constant 0 : i32
    %dma_wait3A_2124 = tpu.memref_slice %arg22[%dma_wait3A_2120, %dma_wait3A_2123] : memref<5x128xi32, #tpu.memory_space<vmem>> -> memref<1x128xi32, #tpu.memory_space<vmem>>
    %dma_wait3A_2125 = tpu.memref_squeeze %dma_wait3A_2124 : memref<1x128xi32, #tpu.memory_space<vmem>> -> memref<128xi32, #tpu.memory_space<vmem>>
    %dma_wait3A_2126 = arith.constant 0 : i32
    %dma_wait3A_2127 = tpu.memref_slice %arg25[%dma_wait3A_2126] : memref<2048xf32, #tpu.memory_space<vmem_shared>> -> memref<2048xf32, #tpu.memory_space<vmem_shared>>
    tpu.wait_indirect_dma semaphore(%arg29 : memref<!tpu.dma_semaphore, #tpu.memory_space<semaphore_mem>>) src(%dma_wait3A_2122 : memref<128xf32, #tpu.memory_space<vmem>>) dst(%dma_wait3A_2127 : memref<2048xf32, #tpu.memory_space<vmem_shared>>)
    %dma_wait3A_2128 = arith.constant 1 : i32
    %dma_wait3A_2129 = arith.constant 128 : i32
    %dma_wait3A_2130 = tpu.memref_slice %arg18[%dma_wait3A_2129] : memref<640xf32, #tpu.memory_space<vmem>> -> memref<128xf32, #tpu.memory_space<vmem>>
    %dma_wait3A_2131 = arith.constant 0 : i32
    %dma_wait3A_2132 = tpu.memref_slice %arg22[%dma_wait3A_2128, %dma_wait3A_2131] : memref<5x128xi32, #tpu.memory_space<vmem>> -> memref<1x128xi32, #tpu.memory_space<vmem>>
    %dma_wait3A_2133 = tpu.memref_squeeze %dma_wait3A_2132 : memref<1x128xi32, #tpu.memory_space<vmem>> -> memref<128xi32, #tpu.memory_space<vmem>>
    %dma_wait3A_2134 = arith.constant 0 : i32
    %dma_wait3A_2135 = tpu.memref_slice %arg26[%dma_wait3A_2134] : memref<2048xf32, #tpu.memory_space<vmem_shared>> -> memref<2048xf32, #tpu.memory_space<vmem_shared>>
    tpu.wait_indirect_dma semaphore(%arg29 : memref<!tpu.dma_semaphore, #tpu.memory_space<semaphore_mem>>) src(%dma_wait3A_2130 : memref<128xf32, #tpu.memory_space<vmem>>) dst(%dma_wait3A_2135 : memref<2048xf32, #tpu.memory_space<vmem_shared>>)
    %dma_wait3A_2136 = arith.constant 1 : i32
    %dma_wait3A_2137 = arith.constant 128 : i32
    %dma_wait3A_2138 = tpu.memref_slice %arg19[%dma_wait3A_2137] : memref<640xf32, #tpu.memory_space<vmem>> -> memref<128xf32, #tpu.memory_space<vmem>>
    %dma_wait3A_2139 = arith.constant 0 : i32
    %dma_wait3A_2140 = tpu.memref_slice %arg22[%dma_wait3A_2136, %dma_wait3A_2139] : memref<5x128xi32, #tpu.memory_space<vmem>> -> memref<1x128xi32, #tpu.memory_space<vmem>>
    %dma_wait3A_2141 = tpu.memref_squeeze %dma_wait3A_2140 : memref<1x128xi32, #tpu.memory_space<vmem>> -> memref<128xi32, #tpu.memory_space<vmem>>
    %dma_wait3A_2142 = arith.constant 0 : i32
    %dma_wait3A_2143 = tpu.memref_slice %arg27[%dma_wait3A_2142] : memref<2048xf32, #tpu.memory_space<vmem_shared>> -> memref<2048xf32, #tpu.memory_space<vmem_shared>>
    tpu.wait_indirect_dma semaphore(%arg29 : memref<!tpu.dma_semaphore, #tpu.memory_space<semaphore_mem>>) src(%dma_wait3A_2138 : memref<128xf32, #tpu.memory_space<vmem>>) dst(%dma_wait3A_2143 : memref<2048xf32, #tpu.memory_space<vmem_shared>>)
    %dma_wait3A_2144 = arith.constant 1 : i32
    %dma_wait3A_2145 = arith.constant 128 : i32
    %dma_wait3A_2146 = tpu.memref_slice %arg20[%dma_wait3A_2145] : memref<640xi32, #tpu.memory_space<vmem>> -> memref<128xi32, #tpu.memory_space<vmem>>
    %dma_wait3A_2147 = arith.constant 0 : i32
    %dma_wait3A_2148 = tpu.memref_slice %arg22[%dma_wait3A_2144, %dma_wait3A_2147] : memref<5x128xi32, #tpu.memory_space<vmem>> -> memref<1x128xi32, #tpu.memory_space<vmem>>
    %dma_wait3A_2149 = tpu.memref_squeeze %dma_wait3A_2148 : memref<1x128xi32, #tpu.memory_space<vmem>> -> memref<128xi32, #tpu.memory_space<vmem>>
    %dma_wait3A_2150 = arith.constant 0 : i32
    %dma_wait3A_2151 = tpu.memref_slice %arg28[%dma_wait3A_2150] : memref<2048xi32, #tpu.memory_space<vmem_shared>> -> memref<2048xi32, #tpu.memory_space<vmem_shared>>
    tpu.wait_indirect_dma semaphore(%arg29 : memref<!tpu.dma_semaphore, #tpu.memory_space<semaphore_mem>>) src(%dma_wait3A_2146 : memref<128xi32, #tpu.memory_space<vmem>>) dst(%dma_wait3A_2151 : memref<2048xi32, #tpu.memory_space<vmem_shared>>)
    %dma_wait3A_2152 = arith.constant 2 : i32
    %dma_wait3A_2153 = arith.constant 256 : i32
    %dma_wait3A_2154 = tpu.memref_slice %arg15[%dma_wait3A_2153] : memref<640xf32, #tpu.memory_space<vmem>> -> memref<128xf32, #tpu.memory_space<vmem>>
    %dma_wait3A_2155 = arith.constant 0 : i32
    %dma_wait3A_2156 = tpu.memref_slice %arg22[%dma_wait3A_2152, %dma_wait3A_2155] : memref<5x128xi32, #tpu.memory_space<vmem>> -> memref<1x128xi32, #tpu.memory_space<vmem>>
    %dma_wait3A_2157 = tpu.memref_squeeze %dma_wait3A_2156 : memref<1x128xi32, #tpu.memory_space<vmem>> -> memref<128xi32, #tpu.memory_space<vmem>>
    %dma_wait3A_2158 = arith.constant 0 : i32
    %dma_wait3A_2159 = tpu.memref_slice %arg23[%dma_wait3A_2158] : memref<2048xf32, #tpu.memory_space<vmem_shared>> -> memref<2048xf32, #tpu.memory_space<vmem_shared>>
    tpu.wait_indirect_dma semaphore(%arg29 : memref<!tpu.dma_semaphore, #tpu.memory_space<semaphore_mem>>) src(%dma_wait3A_2154 : memref<128xf32, #tpu.memory_space<vmem>>) dst(%dma_wait3A_2159 : memref<2048xf32, #tpu.memory_space<vmem_shared>>)
    %dma_wait3A_2160 = arith.constant 2 : i32
    %dma_wait3A_2161 = arith.constant 256 : i32
    %dma_wait3A_2162 = tpu.memref_slice %arg16[%dma_wait3A_2161] : memref<640xf32, #tpu.memory_space<vmem>> -> memref<128xf32, #tpu.memory_space<vmem>>
    %dma_wait3A_2163 = arith.constant 0 : i32
    %dma_wait3A_2164 = tpu.memref_slice %arg22[%dma_wait3A_2160, %dma_wait3A_2163] : memref<5x128xi32, #tpu.memory_space<vmem>> -> memref<1x128xi32, #tpu.memory_space<vmem>>
    %dma_wait3A_2165 = tpu.memref_squeeze %dma_wait3A_2164 : memref<1x128xi32, #tpu.memory_space<vmem>> -> memref<128xi32, #tpu.memory_space<vmem>>
    %dma_wait3A_2166 = arith.constant 0 : i32
    %dma_wait3A_2167 = tpu.memref_slice %arg24[%dma_wait3A_2166] : memref<2048xf32, #tpu.memory_space<vmem_shared>> -> memref<2048xf32, #tpu.memory_space<vmem_shared>>
    tpu.wait_indirect_dma semaphore(%arg29 : memref<!tpu.dma_semaphore, #tpu.memory_space<semaphore_mem>>) src(%dma_wait3A_2162 : memref<128xf32, #tpu.memory_space<vmem>>) dst(%dma_wait3A_2167 : memref<2048xf32, #tpu.memory_space<vmem_shared>>)
    %dma_wait3A_2168 = arith.constant 2 : i32
    %dma_wait3A_2169 = arith.constant 256 : i32
    %dma_wait3A_2170 = tpu.memref_slice %arg17[%dma_wait3A_2169] : memref<640xf32, #tpu.memory_space<vmem>> -> memref<128xf32, #tpu.memory_space<vmem>>
    %dma_wait3A_2171 = arith.constant 0 : i32
    %dma_wait3A_2172 = tpu.memref_slice %arg22[%dma_wait3A_2168, %dma_wait3A_2171] : memref<5x128xi32, #tpu.memory_space<vmem>> -> memref<1x128xi32, #tpu.memory_space<vmem>>
    %dma_wait3A_2173 = tpu.memref_squeeze %dma_wait3A_2172 : memref<1x128xi32, #tpu.memory_space<vmem>> -> memref<128xi32, #tpu.memory_space<vmem>>
    %dma_wait3A_2174 = arith.constant 0 : i32
    %dma_wait3A_2175 = tpu.memref_slice %arg25[%dma_wait3A_2174] : memref<2048xf32, #tpu.memory_space<vmem_shared>> -> memref<2048xf32, #tpu.memory_space<vmem_shared>>
    tpu.wait_indirect_dma semaphore(%arg29 : memref<!tpu.dma_semaphore, #tpu.memory_space<semaphore_mem>>) src(%dma_wait3A_2170 : memref<128xf32, #tpu.memory_space<vmem>>) dst(%dma_wait3A_2175 : memref<2048xf32, #tpu.memory_space<vmem_shared>>)
    %dma_wait3A_2176 = arith.constant 2 : i32
    %dma_wait3A_2177 = arith.constant 256 : i32
    %dma_wait3A_2178 = tpu.memref_slice %arg18[%dma_wait3A_2177] : memref<640xf32, #tpu.memory_space<vmem>> -> memref<128xf32, #tpu.memory_space<vmem>>
    %dma_wait3A_2179 = arith.constant 0 : i32
    %dma_wait3A_2180 = tpu.memref_slice %arg22[%dma_wait3A_2176, %dma_wait3A_2179] : memref<5x128xi32, #tpu.memory_space<vmem>> -> memref<1x128xi32, #tpu.memory_space<vmem>>
    %dma_wait3A_2181 = tpu.memref_squeeze %dma_wait3A_2180 : memref<1x128xi32, #tpu.memory_space<vmem>> -> memref<128xi32, #tpu.memory_space<vmem>>
    %dma_wait3A_2182 = arith.constant 0 : i32
    %dma_wait3A_2183 = tpu.memref_slice %arg26[%dma_wait3A_2182] : memref<2048xf32, #tpu.memory_space<vmem_shared>> -> memref<2048xf32, #tpu.memory_space<vmem_shared>>
    tpu.wait_indirect_dma semaphore(%arg29 : memref<!tpu.dma_semaphore, #tpu.memory_space<semaphore_mem>>) src(%dma_wait3A_2178 : memref<128xf32, #tpu.memory_space<vmem>>) dst(%dma_wait3A_2183 : memref<2048xf32, #tpu.memory_space<vmem_shared>>)
    %dma_wait3A_2184 = arith.constant 2 : i32
    %dma_wait3A_2185 = arith.constant 256 : i32
    %dma_wait3A_2186 = tpu.memref_slice %arg19[%dma_wait3A_2185] : memref<640xf32, #tpu.memory_space<vmem>> -> memref<128xf32, #tpu.memory_space<vmem>>
    %dma_wait3A_2187 = arith.constant 0 : i32
    %dma_wait3A_2188 = tpu.memref_slice %arg22[%dma_wait3A_2184, %dma_wait3A_2187] : memref<5x128xi32, #tpu.memory_space<vmem>> -> memref<1x128xi32, #tpu.memory_space<vmem>>
    %dma_wait3A_2189 = tpu.memref_squeeze %dma_wait3A_2188 : memref<1x128xi32, #tpu.memory_space<vmem>> -> memref<128xi32, #tpu.memory_space<vmem>>
    %dma_wait3A_2190 = arith.constant 0 : i32
    %dma_wait3A_2191 = tpu.memref_slice %arg27[%dma_wait3A_2190] : memref<2048xf32, #tpu.memory_space<vmem_shared>> -> memref<2048xf32, #tpu.memory_space<vmem_shared>>
    tpu.wait_indirect_dma semaphore(%arg29 : memref<!tpu.dma_semaphore, #tpu.memory_space<semaphore_mem>>) src(%dma_wait3A_2186 : memref<128xf32, #tpu.memory_space<vmem>>) dst(%dma_wait3A_2191 : memref<2048xf32, #tpu.memory_space<vmem_shared>>)
    %dma_wait3A_2192 = arith.constant 2 : i32
    %dma_wait3A_2193 = arith.constant 256 : i32
    %dma_wait3A_2194 = tpu.memref_slice %arg20[%dma_wait3A_2193] : memref<640xi32, #tpu.memory_space<vmem>> -> memref<128xi32, #tpu.memory_space<vmem>>
    %dma_wait3A_2195 = arith.constant 0 : i32
    %dma_wait3A_2196 = tpu.memref_slice %arg22[%dma_wait3A_2192, %dma_wait3A_2195] : memref<5x128xi32, #tpu.memory_space<vmem>> -> memref<1x128xi32, #tpu.memory_space<vmem>>
    %dma_wait3A_2197 = tpu.memref_squeeze %dma_wait3A_2196 : memref<1x128xi32, #tpu.memory_space<vmem>> -> memref<128xi32, #tpu.memory_space<vmem>>
    %dma_wait3A_2198 = arith.constant 0 : i32
    %dma_wait3A_2199 = tpu.memref_slice %arg28[%dma_wait3A_2198] : memref<2048xi32, #tpu.memory_space<vmem_shared>> -> memref<2048xi32, #tpu.memory_space<vmem_shared>>
    tpu.wait_indirect_dma semaphore(%arg29 : memref<!tpu.dma_semaphore, #tpu.memory_space<semaphore_mem>>) src(%dma_wait3A_2194 : memref<128xi32, #tpu.memory_space<vmem>>) dst(%dma_wait3A_2199 : memref<2048xi32, #tpu.memory_space<vmem_shared>>)
    %dma_wait3A_2200 = arith.constant 3 : i32
    %dma_wait3A_2201 = arith.constant 384 : i32
    %dma_wait3A_2202 = tpu.memref_slice %arg15[%dma_wait3A_2201] : memref<640xf32, #tpu.memory_space<vmem>> -> memref<128xf32, #tpu.memory_space<vmem>>
    %dma_wait3A_2203 = arith.constant 0 : i32
    %dma_wait3A_2204 = tpu.memref_slice %arg22[%dma_wait3A_2200, %dma_wait3A_2203] : memref<5x128xi32, #tpu.memory_space<vmem>> -> memref<1x128xi32, #tpu.memory_space<vmem>>
    %dma_wait3A_2205 = tpu.memref_squeeze %dma_wait3A_2204 : memref<1x128xi32, #tpu.memory_space<vmem>> -> memref<128xi32, #tpu.memory_space<vmem>>
    %dma_wait3A_2206 = arith.constant 0 : i32
    %dma_wait3A_2207 = tpu.memref_slice %arg23[%dma_wait3A_2206] : memref<2048xf32, #tpu.memory_space<vmem_shared>> -> memref<2048xf32, #tpu.memory_space<vmem_shared>>
    tpu.wait_indirect_dma semaphore(%arg29 : memref<!tpu.dma_semaphore, #tpu.memory_space<semaphore_mem>>) src(%dma_wait3A_2202 : memref<128xf32, #tpu.memory_space<vmem>>) dst(%dma_wait3A_2207 : memref<2048xf32, #tpu.memory_space<vmem_shared>>)
    %dma_wait3A_2208 = arith.constant 3 : i32
    %dma_wait3A_2209 = arith.constant 384 : i32
    %dma_wait3A_2210 = tpu.memref_slice %arg16[%dma_wait3A_2209] : memref<640xf32, #tpu.memory_space<vmem>> -> memref<128xf32, #tpu.memory_space<vmem>>
    %dma_wait3A_2211 = arith.constant 0 : i32
    %dma_wait3A_2212 = tpu.memref_slice %arg22[%dma_wait3A_2208, %dma_wait3A_2211] : memref<5x128xi32, #tpu.memory_space<vmem>> -> memref<1x128xi32, #tpu.memory_space<vmem>>
    %dma_wait3A_2213 = tpu.memref_squeeze %dma_wait3A_2212 : memref<1x128xi32, #tpu.memory_space<vmem>> -> memref<128xi32, #tpu.memory_space<vmem>>
    %dma_wait3A_2214 = arith.constant 0 : i32
    %dma_wait3A_2215 = tpu.memref_slice %arg24[%dma_wait3A_2214] : memref<2048xf32, #tpu.memory_space<vmem_shared>> -> memref<2048xf32, #tpu.memory_space<vmem_shared>>
    tpu.wait_indirect_dma semaphore(%arg29 : memref<!tpu.dma_semaphore, #tpu.memory_space<semaphore_mem>>) src(%dma_wait3A_2210 : memref<128xf32, #tpu.memory_space<vmem>>) dst(%dma_wait3A_2215 : memref<2048xf32, #tpu.memory_space<vmem_shared>>)
    %dma_wait3A_2216 = arith.constant 3 : i32
    %dma_wait3A_2217 = arith.constant 384 : i32
    %dma_wait3A_2218 = tpu.memref_slice %arg17[%dma_wait3A_2217] : memref<640xf32, #tpu.memory_space<vmem>> -> memref<128xf32, #tpu.memory_space<vmem>>
    %dma_wait3A_2219 = arith.constant 0 : i32
    %dma_wait3A_2220 = tpu.memref_slice %arg22[%dma_wait3A_2216, %dma_wait3A_2219] : memref<5x128xi32, #tpu.memory_space<vmem>> -> memref<1x128xi32, #tpu.memory_space<vmem>>
    %dma_wait3A_2221 = tpu.memref_squeeze %dma_wait3A_2220 : memref<1x128xi32, #tpu.memory_space<vmem>> -> memref<128xi32, #tpu.memory_space<vmem>>
    %dma_wait3A_2222 = arith.constant 0 : i32
    %dma_wait3A_2223 = tpu.memref_slice %arg25[%dma_wait3A_2222] : memref<2048xf32, #tpu.memory_space<vmem_shared>> -> memref<2048xf32, #tpu.memory_space<vmem_shared>>
    tpu.wait_indirect_dma semaphore(%arg29 : memref<!tpu.dma_semaphore, #tpu.memory_space<semaphore_mem>>) src(%dma_wait3A_2218 : memref<128xf32, #tpu.memory_space<vmem>>) dst(%dma_wait3A_2223 : memref<2048xf32, #tpu.memory_space<vmem_shared>>)
    %dma_wait3A_2224 = arith.constant 3 : i32
    %dma_wait3A_2225 = arith.constant 384 : i32
    %dma_wait3A_2226 = tpu.memref_slice %arg18[%dma_wait3A_2225] : memref<640xf32, #tpu.memory_space<vmem>> -> memref<128xf32, #tpu.memory_space<vmem>>
    %dma_wait3A_2227 = arith.constant 0 : i32
    %dma_wait3A_2228 = tpu.memref_slice %arg22[%dma_wait3A_2224, %dma_wait3A_2227] : memref<5x128xi32, #tpu.memory_space<vmem>> -> memref<1x128xi32, #tpu.memory_space<vmem>>
    %dma_wait3A_2229 = tpu.memref_squeeze %dma_wait3A_2228 : memref<1x128xi32, #tpu.memory_space<vmem>> -> memref<128xi32, #tpu.memory_space<vmem>>
    %dma_wait3A_2230 = arith.constant 0 : i32
    %dma_wait3A_2231 = tpu.memref_slice %arg26[%dma_wait3A_2230] : memref<2048xf32, #tpu.memory_space<vmem_shared>> -> memref<2048xf32, #tpu.memory_space<vmem_shared>>
    tpu.wait_indirect_dma semaphore(%arg29 : memref<!tpu.dma_semaphore, #tpu.memory_space<semaphore_mem>>) src(%dma_wait3A_2226 : memref<128xf32, #tpu.memory_space<vmem>>) dst(%dma_wait3A_2231 : memref<2048xf32, #tpu.memory_space<vmem_shared>>)
    %dma_wait3A_2232 = arith.constant 3 : i32
    %dma_wait3A_2233 = arith.constant 384 : i32
    %dma_wait3A_2234 = tpu.memref_slice %arg19[%dma_wait3A_2233] : memref<640xf32, #tpu.memory_space<vmem>> -> memref<128xf32, #tpu.memory_space<vmem>>
    %dma_wait3A_2235 = arith.constant 0 : i32
    %dma_wait3A_2236 = tpu.memref_slice %arg22[%dma_wait3A_2232, %dma_wait3A_2235] : memref<5x128xi32, #tpu.memory_space<vmem>> -> memref<1x128xi32, #tpu.memory_space<vmem>>
    %dma_wait3A_2237 = tpu.memref_squeeze %dma_wait3A_2236 : memref<1x128xi32, #tpu.memory_space<vmem>> -> memref<128xi32, #tpu.memory_space<vmem>>
    %dma_wait3A_2238 = arith.constant 0 : i32
    %dma_wait3A_2239 = tpu.memref_slice %arg27[%dma_wait3A_2238] : memref<2048xf32, #tpu.memory_space<vmem_shared>> -> memref<2048xf32, #tpu.memory_space<vmem_shared>>
    tpu.wait_indirect_dma semaphore(%arg29 : memref<!tpu.dma_semaphore, #tpu.memory_space<semaphore_mem>>) src(%dma_wait3A_2234 : memref<128xf32, #tpu.memory_space<vmem>>) dst(%dma_wait3A_2239 : memref<2048xf32, #tpu.memory_space<vmem_shared>>)
    %dma_wait3A_2240 = arith.constant 3 : i32
    %dma_wait3A_2241 = arith.constant 384 : i32
    %dma_wait3A_2242 = tpu.memref_slice %arg20[%dma_wait3A_2241] : memref<640xi32, #tpu.memory_space<vmem>> -> memref<128xi32, #tpu.memory_space<vmem>>
    %dma_wait3A_2243 = arith.constant 0 : i32
    %dma_wait3A_2244 = tpu.memref_slice %arg22[%dma_wait3A_2240, %dma_wait3A_2243] : memref<5x128xi32, #tpu.memory_space<vmem>> -> memref<1x128xi32, #tpu.memory_space<vmem>>
    %dma_wait3A_2245 = tpu.memref_squeeze %dma_wait3A_2244 : memref<1x128xi32, #tpu.memory_space<vmem>> -> memref<128xi32, #tpu.memory_space<vmem>>
    %dma_wait3A_2246 = arith.constant 0 : i32
    %dma_wait3A_2247 = tpu.memref_slice %arg28[%dma_wait3A_2246] : memref<2048xi32, #tpu.memory_space<vmem_shared>> -> memref<2048xi32, #tpu.memory_space<vmem_shared>>
    tpu.wait_indirect_dma semaphore(%arg29 : memref<!tpu.dma_semaphore, #tpu.memory_space<semaphore_mem>>) src(%dma_wait3A_2242 : memref<128xi32, #tpu.memory_space<vmem>>) dst(%dma_wait3A_2247 : memref<2048xi32, #tpu.memory_space<vmem_shared>>)
    %dma_wait3A_2248 = arith.constant 4 : i32
    %dma_wait3A_2249 = arith.constant 512 : i32
    %dma_wait3A_2250 = tpu.memref_slice %arg15[%dma_wait3A_2249] : memref<640xf32, #tpu.memory_space<vmem>> -> memref<128xf32, #tpu.memory_space<vmem>>
    %dma_wait3A_2251 = arith.constant 0 : i32
    %dma_wait3A_2252 = tpu.memref_slice %arg22[%dma_wait3A_2248, %dma_wait3A_2251] : memref<5x128xi32, #tpu.memory_space<vmem>> -> memref<1x128xi32, #tpu.memory_space<vmem>>
    %dma_wait3A_2253 = tpu.memref_squeeze %dma_wait3A_2252 : memref<1x128xi32, #tpu.memory_space<vmem>> -> memref<128xi32, #tpu.memory_space<vmem>>
    %dma_wait3A_2254 = arith.constant 0 : i32
    %dma_wait3A_2255 = tpu.memref_slice %arg23[%dma_wait3A_2254] : memref<2048xf32, #tpu.memory_space<vmem_shared>> -> memref<2048xf32, #tpu.memory_space<vmem_shared>>
    tpu.wait_indirect_dma semaphore(%arg29 : memref<!tpu.dma_semaphore, #tpu.memory_space<semaphore_mem>>) src(%dma_wait3A_2250 : memref<128xf32, #tpu.memory_space<vmem>>) dst(%dma_wait3A_2255 : memref<2048xf32, #tpu.memory_space<vmem_shared>>)
    %dma_wait3A_2256 = arith.constant 4 : i32
    %dma_wait3A_2257 = arith.constant 512 : i32
    %dma_wait3A_2258 = tpu.memref_slice %arg16[%dma_wait3A_2257] : memref<640xf32, #tpu.memory_space<vmem>> -> memref<128xf32, #tpu.memory_space<vmem>>
    %dma_wait3A_2259 = arith.constant 0 : i32
    %dma_wait3A_2260 = tpu.memref_slice %arg22[%dma_wait3A_2256, %dma_wait3A_2259] : memref<5x128xi32, #tpu.memory_space<vmem>> -> memref<1x128xi32, #tpu.memory_space<vmem>>
    %dma_wait3A_2261 = tpu.memref_squeeze %dma_wait3A_2260 : memref<1x128xi32, #tpu.memory_space<vmem>> -> memref<128xi32, #tpu.memory_space<vmem>>
    %dma_wait3A_2262 = arith.constant 0 : i32
    %dma_wait3A_2263 = tpu.memref_slice %arg24[%dma_wait3A_2262] : memref<2048xf32, #tpu.memory_space<vmem_shared>> -> memref<2048xf32, #tpu.memory_space<vmem_shared>>
    tpu.wait_indirect_dma semaphore(%arg29 : memref<!tpu.dma_semaphore, #tpu.memory_space<semaphore_mem>>) src(%dma_wait3A_2258 : memref<128xf32, #tpu.memory_space<vmem>>) dst(%dma_wait3A_2263 : memref<2048xf32, #tpu.memory_space<vmem_shared>>)
    %dma_wait3A_2264 = arith.constant 4 : i32
    %dma_wait3A_2265 = arith.constant 512 : i32
    %dma_wait3A_2266 = tpu.memref_slice %arg17[%dma_wait3A_2265] : memref<640xf32, #tpu.memory_space<vmem>> -> memref<128xf32, #tpu.memory_space<vmem>>
    %dma_wait3A_2267 = arith.constant 0 : i32
    %dma_wait3A_2268 = tpu.memref_slice %arg22[%dma_wait3A_2264, %dma_wait3A_2267] : memref<5x128xi32, #tpu.memory_space<vmem>> -> memref<1x128xi32, #tpu.memory_space<vmem>>
    %dma_wait3A_2269 = tpu.memref_squeeze %dma_wait3A_2268 : memref<1x128xi32, #tpu.memory_space<vmem>> -> memref<128xi32, #tpu.memory_space<vmem>>
    %dma_wait3A_2270 = arith.constant 0 : i32
    %dma_wait3A_2271 = tpu.memref_slice %arg25[%dma_wait3A_2270] : memref<2048xf32, #tpu.memory_space<vmem_shared>> -> memref<2048xf32, #tpu.memory_space<vmem_shared>>
    tpu.wait_indirect_dma semaphore(%arg29 : memref<!tpu.dma_semaphore, #tpu.memory_space<semaphore_mem>>) src(%dma_wait3A_2266 : memref<128xf32, #tpu.memory_space<vmem>>) dst(%dma_wait3A_2271 : memref<2048xf32, #tpu.memory_space<vmem_shared>>)
    %dma_wait3A_2272 = arith.constant 4 : i32
    %dma_wait3A_2273 = arith.constant 512 : i32
    %dma_wait3A_2274 = tpu.memref_slice %arg18[%dma_wait3A_2273] : memref<640xf32, #tpu.memory_space<vmem>> -> memref<128xf32, #tpu.memory_space<vmem>>
    %dma_wait3A_2275 = arith.constant 0 : i32
    %dma_wait3A_2276 = tpu.memref_slice %arg22[%dma_wait3A_2272, %dma_wait3A_2275] : memref<5x128xi32, #tpu.memory_space<vmem>> -> memref<1x128xi32, #tpu.memory_space<vmem>>
    %dma_wait3A_2277 = tpu.memref_squeeze %dma_wait3A_2276 : memref<1x128xi32, #tpu.memory_space<vmem>> -> memref<128xi32, #tpu.memory_space<vmem>>
    %dma_wait3A_2278 = arith.constant 0 : i32
    %dma_wait3A_2279 = tpu.memref_slice %arg26[%dma_wait3A_2278] : memref<2048xf32, #tpu.memory_space<vmem_shared>> -> memref<2048xf32, #tpu.memory_space<vmem_shared>>
    tpu.wait_indirect_dma semaphore(%arg29 : memref<!tpu.dma_semaphore, #tpu.memory_space<semaphore_mem>>) src(%dma_wait3A_2274 : memref<128xf32, #tpu.memory_space<vmem>>) dst(%dma_wait3A_2279 : memref<2048xf32, #tpu.memory_space<vmem_shared>>)
    %dma_wait3A_2280 = arith.constant 4 : i32
    %dma_wait3A_2281 = arith.constant 512 : i32
    %dma_wait3A_2282 = tpu.memref_slice %arg19[%dma_wait3A_2281] : memref<640xf32, #tpu.memory_space<vmem>> -> memref<128xf32, #tpu.memory_space<vmem>>
    %dma_wait3A_2283 = arith.constant 0 : i32
    %dma_wait3A_2284 = tpu.memref_slice %arg22[%dma_wait3A_2280, %dma_wait3A_2283] : memref<5x128xi32, #tpu.memory_space<vmem>> -> memref<1x128xi32, #tpu.memory_space<vmem>>
    %dma_wait3A_2285 = tpu.memref_squeeze %dma_wait3A_2284 : memref<1x128xi32, #tpu.memory_space<vmem>> -> memref<128xi32, #tpu.memory_space<vmem>>
    %dma_wait3A_2286 = arith.constant 0 : i32
    %dma_wait3A_2287 = tpu.memref_slice %arg27[%dma_wait3A_2286] : memref<2048xf32, #tpu.memory_space<vmem_shared>> -> memref<2048xf32, #tpu.memory_space<vmem_shared>>
    tpu.wait_indirect_dma semaphore(%arg29 : memref<!tpu.dma_semaphore, #tpu.memory_space<semaphore_mem>>) src(%dma_wait3A_2282 : memref<128xf32, #tpu.memory_space<vmem>>) dst(%dma_wait3A_2287 : memref<2048xf32, #tpu.memory_space<vmem_shared>>)
    %dma_wait3A_2288 = arith.constant 4 : i32
    %dma_wait3A_2289 = arith.constant 512 : i32
    %dma_wait3A_2290 = tpu.memref_slice %arg20[%dma_wait3A_2289] : memref<640xi32, #tpu.memory_space<vmem>> -> memref<128xi32, #tpu.memory_space<vmem>>
    %dma_wait3A_2291 = arith.constant 0 : i32
    %dma_wait3A_2292 = tpu.memref_slice %arg22[%dma_wait3A_2288, %dma_wait3A_2291] : memref<5x128xi32, #tpu.memory_space<vmem>> -> memref<1x128xi32, #tpu.memory_space<vmem>>
    %dma_wait3A_2293 = tpu.memref_squeeze %dma_wait3A_2292 : memref<1x128xi32, #tpu.memory_space<vmem>> -> memref<128xi32, #tpu.memory_space<vmem>>
    %dma_wait3A_2294 = arith.constant 0 : i32
    %dma_wait3A_2295 = tpu.memref_slice %arg28[%dma_wait3A_2294] : memref<2048xi32, #tpu.memory_space<vmem_shared>> -> memref<2048xi32, #tpu.memory_space<vmem_shared>>
    tpu.wait_indirect_dma semaphore(%arg29 : memref<!tpu.dma_semaphore, #tpu.memory_space<semaphore_mem>>) src(%dma_wait3A_2290 : memref<128xi32, #tpu.memory_space<vmem>>) dst(%dma_wait3A_2295 : memref<2048xi32, #tpu.memory_space<vmem_shared>>)
    %barrier3A = arith.constant 0 : index
    tpu.barrier barrier_id(%barrier3A)
    %eq3A_2296 = arith.constant 0 : i32
    %eq3A_2297 = arith.cmpi eq, %arg1, %eq3A_2296 : i32
    %convert_element_type3A_2298 = arith.extui %eq3A_2297 : i1 to i32
    %cond3A = arith.constant 0 : i32
    %cond3A_2299 = arith.cmpi ne, %convert_element_type3A_2298, %cond3A : i32
    scf.if %cond3A_2299 {
      "tpu.region"() ({
        %run_scoped3A = tpu.sem_alloc : memref<!tpu.dma_semaphore, #tpu.memory_space<semaphore_mem>>
        %dma_start3A_2325 = arith.constant 0 : i32
        %dma_start3A_2326 = tpu.memref_slice %arg9[%arg0, %dma_start3A_2325] : memref<2x1024xf32, #tpu.memory_space<hbm>> -> memref<1x1024xf32, #tpu.memory_space<hbm>>
        %dma_start3A_2327 = tpu.memref_squeeze %dma_start3A_2326 : memref<1x1024xf32, #tpu.memory_space<hbm>> -> memref<1024xf32, #tpu.memory_space<hbm>>
        %dma_start3A_2328 = arith.constant 0 : i32
        %dma_start3A_2329 = tpu.memref_slice %arg23[%dma_start3A_2328] : memref<2048xf32, #tpu.memory_space<vmem_shared>> -> memref<1024xf32, #tpu.memory_space<vmem_shared>>
        tpu.enqueue_dma source(%dma_start3A_2329 : memref<1024xf32, #tpu.memory_space<vmem_shared>>) target(%dma_start3A_2327 : memref<1024xf32, #tpu.memory_space<hbm>>) target_semaphore(%run_scoped3A : memref<!tpu.dma_semaphore, #tpu.memory_space<semaphore_mem>>)
        %dma_wait3A_2330 = arith.constant 0 : i32
        %dma_wait3A_2331 = tpu.memref_slice %arg9[%arg0, %dma_wait3A_2330] : memref<2x1024xf32, #tpu.memory_space<hbm>> -> memref<1x1024xf32, #tpu.memory_space<hbm>>
        %dma_wait3A_2332 = tpu.memref_squeeze %dma_wait3A_2331 : memref<1x1024xf32, #tpu.memory_space<hbm>> -> memref<1024xf32, #tpu.memory_space<hbm>>
        %dma_wait3A_2333 = arith.constant 0 : i32
        %dma_wait3A_2334 = tpu.memref_slice %arg23[%dma_wait3A_2333] : memref<2048xf32, #tpu.memory_space<vmem_shared>> -> memref<1024xf32, #tpu.memory_space<vmem_shared>>
        tpu.wait_dma2 semaphore(%run_scoped3A : memref<!tpu.dma_semaphore, #tpu.memory_space<semaphore_mem>>) src(%dma_wait3A_2334 : memref<1024xf32, #tpu.memory_space<vmem_shared>>) dst(%dma_wait3A_2332 : memref<1024xf32, #tpu.memory_space<hbm>>)
        tpu.yield
      }) : () -> ()
    } else {
    }
    %eq3A_2300 = arith.constant 1 : i32
    %eq3A_2301 = arith.cmpi eq, %arg1, %eq3A_2300 : i32
    %convert_element_type3A_2302 = arith.extui %eq3A_2301 : i1 to i32
    %cond3A_2303 = arith.constant 0 : i32
    %cond3A_2304 = arith.cmpi ne, %convert_element_type3A_2302, %cond3A_2303 : i32
    scf.if %cond3A_2304 {
      "tpu.region"() ({
        %run_scoped3A = tpu.sem_alloc : memref<!tpu.dma_semaphore, #tpu.memory_space<semaphore_mem>>
        %dma_start3A_2325 = arith.constant 0 : i32
        %dma_start3A_2326 = tpu.memref_slice %arg10[%arg0, %dma_start3A_2325] : memref<2x1024xf32, #tpu.memory_space<hbm>> -> memref<1x1024xf32, #tpu.memory_space<hbm>>
        %dma_start3A_2327 = tpu.memref_squeeze %dma_start3A_2326 : memref<1x1024xf32, #tpu.memory_space<hbm>> -> memref<1024xf32, #tpu.memory_space<hbm>>
        %dma_start3A_2328 = arith.constant 0 : i32
        %dma_start3A_2329 = tpu.memref_slice %arg24[%dma_start3A_2328] : memref<2048xf32, #tpu.memory_space<vmem_shared>> -> memref<1024xf32, #tpu.memory_space<vmem_shared>>
        tpu.enqueue_dma source(%dma_start3A_2329 : memref<1024xf32, #tpu.memory_space<vmem_shared>>) target(%dma_start3A_2327 : memref<1024xf32, #tpu.memory_space<hbm>>) target_semaphore(%run_scoped3A : memref<!tpu.dma_semaphore, #tpu.memory_space<semaphore_mem>>)
        %dma_wait3A_2330 = arith.constant 0 : i32
        %dma_wait3A_2331 = tpu.memref_slice %arg10[%arg0, %dma_wait3A_2330] : memref<2x1024xf32, #tpu.memory_space<hbm>> -> memref<1x1024xf32, #tpu.memory_space<hbm>>
        %dma_wait3A_2332 = tpu.memref_squeeze %dma_wait3A_2331 : memref<1x1024xf32, #tpu.memory_space<hbm>> -> memref<1024xf32, #tpu.memory_space<hbm>>
        %dma_wait3A_2333 = arith.constant 0 : i32
        %dma_wait3A_2334 = tpu.memref_slice %arg24[%dma_wait3A_2333] : memref<2048xf32, #tpu.memory_space<vmem_shared>> -> memref<1024xf32, #tpu.memory_space<vmem_shared>>
        tpu.wait_dma2 semaphore(%run_scoped3A : memref<!tpu.dma_semaphore, #tpu.memory_space<semaphore_mem>>) src(%dma_wait3A_2334 : memref<1024xf32, #tpu.memory_space<vmem_shared>>) dst(%dma_wait3A_2332 : memref<1024xf32, #tpu.memory_space<hbm>>)
        tpu.yield
      }) : () -> ()
    } else {
    }
    %eq3A_2305 = arith.constant 2 : i32
    %eq3A_2306 = arith.cmpi eq, %arg1, %eq3A_2305 : i32
    %convert_element_type3A_2307 = arith.extui %eq3A_2306 : i1 to i32
    %cond3A_2308 = arith.constant 0 : i32
    %cond3A_2309 = arith.cmpi ne, %convert_element_type3A_2307, %cond3A_2308 : i32
    scf.if %cond3A_2309 {
      "tpu.region"() ({
        %run_scoped3A = tpu.sem_alloc : memref<!tpu.dma_semaphore, #tpu.memory_space<semaphore_mem>>
        %dma_start3A_2325 = arith.constant 0 : i32
        %dma_start3A_2326 = tpu.memref_slice %arg11[%arg0, %dma_start3A_2325] : memref<2x1024xf32, #tpu.memory_space<hbm>> -> memref<1x1024xf32, #tpu.memory_space<hbm>>
        %dma_start3A_2327 = tpu.memref_squeeze %dma_start3A_2326 : memref<1x1024xf32, #tpu.memory_space<hbm>> -> memref<1024xf32, #tpu.memory_space<hbm>>
        %dma_start3A_2328 = arith.constant 0 : i32
        %dma_start3A_2329 = tpu.memref_slice %arg25[%dma_start3A_2328] : memref<2048xf32, #tpu.memory_space<vmem_shared>> -> memref<1024xf32, #tpu.memory_space<vmem_shared>>
        tpu.enqueue_dma source(%dma_start3A_2329 : memref<1024xf32, #tpu.memory_space<vmem_shared>>) target(%dma_start3A_2327 : memref<1024xf32, #tpu.memory_space<hbm>>) target_semaphore(%run_scoped3A : memref<!tpu.dma_semaphore, #tpu.memory_space<semaphore_mem>>)
        %dma_wait3A_2330 = arith.constant 0 : i32
        %dma_wait3A_2331 = tpu.memref_slice %arg11[%arg0, %dma_wait3A_2330] : memref<2x1024xf32, #tpu.memory_space<hbm>> -> memref<1x1024xf32, #tpu.memory_space<hbm>>
        %dma_wait3A_2332 = tpu.memref_squeeze %dma_wait3A_2331 : memref<1x1024xf32, #tpu.memory_space<hbm>> -> memref<1024xf32, #tpu.memory_space<hbm>>
        %dma_wait3A_2333 = arith.constant 0 : i32
        %dma_wait3A_2334 = tpu.memref_slice %arg25[%dma_wait3A_2333] : memref<2048xf32, #tpu.memory_space<vmem_shared>> -> memref<1024xf32, #tpu.memory_space<vmem_shared>>
        tpu.wait_dma2 semaphore(%run_scoped3A : memref<!tpu.dma_semaphore, #tpu.memory_space<semaphore_mem>>) src(%dma_wait3A_2334 : memref<1024xf32, #tpu.memory_space<vmem_shared>>) dst(%dma_wait3A_2332 : memref<1024xf32, #tpu.memory_space<hbm>>)
        tpu.yield
      }) : () -> ()
    } else {
    }
    %eq3A_2310 = arith.constant 3 : i32
    %eq3A_2311 = arith.cmpi eq, %arg1, %eq3A_2310 : i32
    %convert_element_type3A_2312 = arith.extui %eq3A_2311 : i1 to i32
    %cond3A_2313 = arith.constant 0 : i32
    %cond3A_2314 = arith.cmpi ne, %convert_element_type3A_2312, %cond3A_2313 : i32
    scf.if %cond3A_2314 {
      "tpu.region"() ({
        %run_scoped3A = tpu.sem_alloc : memref<!tpu.dma_semaphore, #tpu.memory_space<semaphore_mem>>
        %dma_start3A_2325 = arith.constant 0 : i32
        %dma_start3A_2326 = tpu.memref_slice %arg12[%arg0, %dma_start3A_2325] : memref<2x1024xf32, #tpu.memory_space<hbm>> -> memref<1x1024xf32, #tpu.memory_space<hbm>>
        %dma_start3A_2327 = tpu.memref_squeeze %dma_start3A_2326 : memref<1x1024xf32, #tpu.memory_space<hbm>> -> memref<1024xf32, #tpu.memory_space<hbm>>
        %dma_start3A_2328 = arith.constant 0 : i32
        %dma_start3A_2329 = tpu.memref_slice %arg26[%dma_start3A_2328] : memref<2048xf32, #tpu.memory_space<vmem_shared>> -> memref<1024xf32, #tpu.memory_space<vmem_shared>>
        tpu.enqueue_dma source(%dma_start3A_2329 : memref<1024xf32, #tpu.memory_space<vmem_shared>>) target(%dma_start3A_2327 : memref<1024xf32, #tpu.memory_space<hbm>>) target_semaphore(%run_scoped3A : memref<!tpu.dma_semaphore, #tpu.memory_space<semaphore_mem>>)
        %dma_wait3A_2330 = arith.constant 0 : i32
        %dma_wait3A_2331 = tpu.memref_slice %arg12[%arg0, %dma_wait3A_2330] : memref<2x1024xf32, #tpu.memory_space<hbm>> -> memref<1x1024xf32, #tpu.memory_space<hbm>>
        %dma_wait3A_2332 = tpu.memref_squeeze %dma_wait3A_2331 : memref<1x1024xf32, #tpu.memory_space<hbm>> -> memref<1024xf32, #tpu.memory_space<hbm>>
        %dma_wait3A_2333 = arith.constant 0 : i32
        %dma_wait3A_2334 = tpu.memref_slice %arg26[%dma_wait3A_2333] : memref<2048xf32, #tpu.memory_space<vmem_shared>> -> memref<1024xf32, #tpu.memory_space<vmem_shared>>
        tpu.wait_dma2 semaphore(%run_scoped3A : memref<!tpu.dma_semaphore, #tpu.memory_space<semaphore_mem>>) src(%dma_wait3A_2334 : memref<1024xf32, #tpu.memory_space<vmem_shared>>) dst(%dma_wait3A_2332 : memref<1024xf32, #tpu.memory_space<hbm>>)
        tpu.yield
      }) : () -> ()
    } else {
    }
    %eq3A_2315 = arith.constant 4 : i32
    %eq3A_2316 = arith.cmpi eq, %arg1, %eq3A_2315 : i32
    %convert_element_type3A_2317 = arith.extui %eq3A_2316 : i1 to i32
    %cond3A_2318 = arith.constant 0 : i32
    %cond3A_2319 = arith.cmpi ne, %convert_element_type3A_2317, %cond3A_2318 : i32
    scf.if %cond3A_2319 {
      "tpu.region"() ({
        %run_scoped3A = tpu.sem_alloc : memref<!tpu.dma_semaphore, #tpu.memory_space<semaphore_mem>>
        %dma_start3A_2325 = arith.constant 0 : i32
        %dma_start3A_2326 = tpu.memref_slice %arg13[%arg0, %dma_start3A_2325] : memref<2x1024xf32, #tpu.memory_space<hbm>> -> memref<1x1024xf32, #tpu.memory_space<hbm>>
        %dma_start3A_2327 = tpu.memref_squeeze %dma_start3A_2326 : memref<1x1024xf32, #tpu.memory_space<hbm>> -> memref<1024xf32, #tpu.memory_space<hbm>>
        %dma_start3A_2328 = arith.constant 0 : i32
        %dma_start3A_2329 = tpu.memref_slice %arg27[%dma_start3A_2328] : memref<2048xf32, #tpu.memory_space<vmem_shared>> -> memref<1024xf32, #tpu.memory_space<vmem_shared>>
        tpu.enqueue_dma source(%dma_start3A_2329 : memref<1024xf32, #tpu.memory_space<vmem_shared>>) target(%dma_start3A_2327 : memref<1024xf32, #tpu.memory_space<hbm>>) target_semaphore(%run_scoped3A : memref<!tpu.dma_semaphore, #tpu.memory_space<semaphore_mem>>)
        %dma_wait3A_2330 = arith.constant 0 : i32
        %dma_wait3A_2331 = tpu.memref_slice %arg13[%arg0, %dma_wait3A_2330] : memref<2x1024xf32, #tpu.memory_space<hbm>> -> memref<1x1024xf32, #tpu.memory_space<hbm>>
        %dma_wait3A_2332 = tpu.memref_squeeze %dma_wait3A_2331 : memref<1x1024xf32, #tpu.memory_space<hbm>> -> memref<1024xf32, #tpu.memory_space<hbm>>
        %dma_wait3A_2333 = arith.constant 0 : i32
        %dma_wait3A_2334 = tpu.memref_slice %arg27[%dma_wait3A_2333] : memref<2048xf32, #tpu.memory_space<vmem_shared>> -> memref<1024xf32, #tpu.memory_space<vmem_shared>>
        tpu.wait_dma2 semaphore(%run_scoped3A : memref<!tpu.dma_semaphore, #tpu.memory_space<semaphore_mem>>) src(%dma_wait3A_2334 : memref<1024xf32, #tpu.memory_space<vmem_shared>>) dst(%dma_wait3A_2332 : memref<1024xf32, #tpu.memory_space<hbm>>)
        tpu.yield
      }) : () -> ()
    } else {
    }
    %eq3A_2320 = arith.constant 5 : i32
    %eq3A_2321 = arith.cmpi eq, %arg1, %eq3A_2320 : i32
    %convert_element_type3A_2322 = arith.extui %eq3A_2321 : i1 to i32
    %cond3A_2323 = arith.constant 0 : i32
    %cond3A_2324 = arith.cmpi ne, %convert_element_type3A_2322, %cond3A_2323 : i32
    scf.if %cond3A_2324 {
      "tpu.region"() ({
        %run_scoped3A = tpu.sem_alloc : memref<!tpu.dma_semaphore, #tpu.memory_space<semaphore_mem>>
        %dma_start3A_2325 = arith.constant 0 : i32
        %dma_start3A_2326 = tpu.memref_slice %arg14[%arg0, %dma_start3A_2325] : memref<2x1024xi32, #tpu.memory_space<hbm>> -> memref<1x1024xi32, #tpu.memory_space<hbm>>
        %dma_start3A_2327 = tpu.memref_squeeze %dma_start3A_2326 : memref<1x1024xi32, #tpu.memory_space<hbm>> -> memref<1024xi32, #tpu.memory_space<hbm>>
        %dma_start3A_2328 = arith.constant 0 : i32
        %dma_start3A_2329 = tpu.memref_slice %arg28[%dma_start3A_2328] : memref<2048xi32, #tpu.memory_space<vmem_shared>> -> memref<1024xi32, #tpu.memory_space<vmem_shared>>
        tpu.enqueue_dma source(%dma_start3A_2329 : memref<1024xi32, #tpu.memory_space<vmem_shared>>) target(%dma_start3A_2327 : memref<1024xi32, #tpu.memory_space<hbm>>) target_semaphore(%run_scoped3A : memref<!tpu.dma_semaphore, #tpu.memory_space<semaphore_mem>>)
        %dma_wait3A_2330 = arith.constant 0 : i32
        %dma_wait3A_2331 = tpu.memref_slice %arg14[%arg0, %dma_wait3A_2330] : memref<2x1024xi32, #tpu.memory_space<hbm>> -> memref<1x1024xi32, #tpu.memory_space<hbm>>
        %dma_wait3A_2332 = tpu.memref_squeeze %dma_wait3A_2331 : memref<1x1024xi32, #tpu.memory_space<hbm>> -> memref<1024xi32, #tpu.memory_space<hbm>>
        %dma_wait3A_2333 = arith.constant 0 : i32
        %dma_wait3A_2334 = tpu.memref_slice %arg28[%dma_wait3A_2333] : memref<2048xi32, #tpu.memory_space<vmem_shared>> -> memref<1024xi32, #tpu.memory_space<vmem_shared>>
        tpu.wait_dma2 semaphore(%run_scoped3A : memref<!tpu.dma_semaphore, #tpu.memory_space<semaphore_mem>>) src(%dma_wait3A_2334 : memref<1024xi32, #tpu.memory_space<vmem_shared>>) dst(%dma_wait3A_2332 : memref<1024xi32, #tpu.memory_space<hbm>>)
        tpu.yield
      }) : () -> ()
    } else {
    }
    return
  }
}

module attributes {stable_mosaic.version = 14 : i64} {
  func.func @_select_body(%arg0: memref<160x128xf32, #tpu.memory_space<vmem>>, %arg1: memref<48xi32, #tpu.memory_space<smem>>) attributes {dimension_semantics = [], scalar_prefetch = 0 : i64, scratch_operands = 0 : i64, tpu.core_type = #tpu.core_type<tc>} {
    %get3A = arith.constant 0 : index
    %get3A_0 = arith.constant 0 : index
    %get3A_1 = vector.load %arg0[%get3A, %get3A_0] : memref<160x128xf32, #tpu.memory_space<vmem>>, vector<160x128xf32>
    %gt3A = arith.constant 5.000000e-02 : f32
    %gt3A_2 = vector.broadcast %gt3A : f32 to vector<160x128xf32>
    %gt3A_3 = arith.cmpf ogt, %get3A_1, %gt3A_2 : vector<160x128xf32>
    %bitcast_convert_type3A = tpu.bitcast %get3A_1 : vector<160x128xf32> -> vector<160x128xi32>
    %jit3A = arith.constant 0 : i32
    %broadcast_in_dim3A = vector.broadcast %jit3A : i32 to vector<160x128xi32>
    %select_n3A = arith.select %gt3A_3, %bitcast_convert_type3A, %broadcast_in_dim3A : vector<160x128xi1>, vector<160x128xi32>
    %iota3A = tpu.iota {dimensions = array<i32: 0>} : vector<160x128xi32>
    %mul3A = arith.constant 128 : i32
    %mul3A_4 = vector.broadcast %mul3A : i32 to vector<160x128xi32>
    %mul3A_5 = arith.muli %iota3A, %mul3A_4 : vector<160x128xi32>
    %iota3A_6 = tpu.iota {dimensions = array<i32: 1>} : vector<160x128xi32>
    %add3A = arith.addi %mul3A_5, %iota3A_6 : vector<160x128xi32>
    %scan3A = arith.constant 0 : i32
    %scan3A_7 = arith.constant 2139095040 : i32
    %scan3A_8 = arith.constant 0 : i32
    %scan3A_9 = arith.constant 31 : i32
    %scan3A_10 = arith.addi %scan3A_8, %scan3A_9 : i32
    %scan3A_11 = arith.constant 1 : i32
    %scan3A_12:2 = scf.for %scan3A_338 = %scan3A_8 to %scan3A_10 step %scan3A_11 iter_args(%scan3A_339 = %scan3A, %scan3A_340 = %scan3A_7) -> (i32, i32)  : i32 {
      %sub3A_341 = arith.subi %scan3A_340, %scan3A_339 : i32
      %jit3A_342 = arith.constant 2 : i32
      %div3A = arith.divsi %sub3A_341, %jit3A_342 : i32
      %sign3A = arith.constant 0 : i32
      %sign3A_343 = arith.cmpi sgt, %sub3A_341, %sign3A : i32
      %sign3A_344 = arith.extui %sign3A_343 : i1 to i32
      %sign3A_345 = arith.constant 0 : i32
      %sign3A_346 = arith.cmpi slt, %sub3A_341, %sign3A_345 : i32
      %sign3A_347 = arith.extui %sign3A_346 : i1 to i32
      %sign3A_348 = arith.subi %sign3A_344, %sign3A_347 : i32
      %sign3A_349 = arith.constant 0 : i32
      %sign3A_350 = arith.cmpi sgt, %jit3A_342, %sign3A_349 : i32
      %sign3A_351 = arith.extui %sign3A_350 : i1 to i32
      %sign3A_352 = arith.constant 0 : i32
      %sign3A_353 = arith.cmpi slt, %jit3A_342, %sign3A_352 : i32
      %sign3A_354 = arith.extui %sign3A_353 : i1 to i32
      %sign3A_355 = arith.subi %sign3A_351, %sign3A_354 : i32
      %ne3A = arith.cmpi ne, %sign3A_348, %sign3A_355 : i32
      %rem3A = arith.remsi %sub3A_341, %jit3A_342 : i32
      %ne3A_356 = arith.constant 0 : i32
      %ne3A_357 = arith.cmpi ne, %rem3A, %ne3A_356 : i32
      %and3A_358 = arith.andi %ne3A, %ne3A_357 : i1
      %sub3A_359 = arith.constant 1 : i32
      %sub3A_360 = arith.subi %div3A, %sub3A_359 : i32
      %select_n3A_361 = arith.select %and3A_358, %sub3A_360, %div3A : i32
      %add3A_362 = arith.addi %scan3A_339, %select_n3A_361 : i32
      %ge3A = vector.broadcast %add3A_362 : i32 to vector<160x128xi32>
      %ge3A_363 = arith.cmpi sge, %select_n3A, %ge3A : vector<160x128xi32>
      %convert_element_type3A_364 = arith.extui %ge3A_363 : vector<160x128xi1> to vector<160x128xi32>
      %reduce_sum3A_365 = vector.shape_cast %convert_element_type3A_364 : vector<160x128xi32> to vector<1x160x128xi32>
      %reduce_sum3A_366 = arith.constant dense<0> : vector<1xi32>
      %reduce_sum3A_367 = vector.multi_reduction <add>, %reduce_sum3A_365, %reduce_sum3A_366 [1, 2] : vector<1x160x128xi32> to vector<1xi32>
      %reduce_sum3A_368 = vector.shape_cast %reduce_sum3A_367 : vector<1xi32> to vector<1x1x1xi32>
      %reduce_sum3A_369 = vector.extract %reduce_sum3A_368[0, 0, 0] : i32 from vector<1x1x1xi32>
      %ge3A_370 = arith.constant 1000 : i32
      %ge3A_371 = arith.cmpi sge, %reduce_sum3A_369, %ge3A_370 : i32
      %select_n3A_372 = arith.select %ge3A_371, %add3A_362, %scan3A_339 : i32
      %select_n3A_373 = arith.select %ge3A_371, %scan3A_340, %add3A_362 : i32
      scf.yield %select_n3A_372, %select_n3A_373 : i32, i32
    }
    %gt3A_13 = vector.broadcast %scan3A_12#0 : i32 to vector<160x128xi32>
    %gt3A_14 = arith.cmpi sgt, %select_n3A, %gt3A_13 : vector<160x128xi32>
    %convert_element_type3A = arith.extui %gt3A_14 : vector<160x128xi1> to vector<160x128xi32>
    %reduce_sum3A = vector.shape_cast %convert_element_type3A : vector<160x128xi32> to vector<1x160x128xi32>
    %reduce_sum3A_15 = arith.constant dense<0> : vector<1xi32>
    %reduce_sum3A_16 = vector.multi_reduction <add>, %reduce_sum3A, %reduce_sum3A_15 [1, 2] : vector<1x160x128xi32> to vector<1xi32>
    %reduce_sum3A_17 = vector.shape_cast %reduce_sum3A_16 : vector<1xi32> to vector<1x1x1xi32>
    %reduce_sum3A_18 = vector.extract %reduce_sum3A_17[0, 0, 0] : i32 from vector<1x1x1xi32>
    %gt3A_19 = arith.constant 0 : i32
    %gt3A_20 = arith.cmpi sgt, %scan3A_12#0, %gt3A_19 : i32
    %sub3A = arith.constant 1000 : i32
    %sub3A_21 = arith.subi %sub3A, %reduce_sum3A_18 : i32
    %jit3A_22 = arith.constant 0 : i32
    %select_n3A_23 = arith.select %gt3A_20, %sub3A_21, %jit3A_22 : i32
    %eq3A = vector.broadcast %scan3A_12#0 : i32 to vector<160x128xi32>
    %eq3A_24 = arith.cmpi eq, %select_n3A, %eq3A : vector<160x128xi32>
    %scan3A_25 = arith.constant 0 : i32
    %scan3A_26 = arith.constant 20480 : i32
    %scan3A_27 = arith.constant 0 : i32
    %scan3A_28 = arith.constant 16 : i32
    %scan3A_29 = arith.addi %scan3A_27, %scan3A_28 : i32
    %scan3A_30 = arith.constant 1 : i32
    %scan3A_31:2 = scf.for %scan3A_338 = %scan3A_27 to %scan3A_29 step %scan3A_30 iter_args(%scan3A_339 = %scan3A_25, %scan3A_340 = %scan3A_26) -> (i32, i32)  : i32 {
      %sub3A_341 = arith.subi %scan3A_340, %scan3A_339 : i32
      %jit3A_342 = arith.constant 2 : i32
      %div3A = arith.divsi %sub3A_341, %jit3A_342 : i32
      %sign3A = arith.constant 0 : i32
      %sign3A_343 = arith.cmpi sgt, %sub3A_341, %sign3A : i32
      %sign3A_344 = arith.extui %sign3A_343 : i1 to i32
      %sign3A_345 = arith.constant 0 : i32
      %sign3A_346 = arith.cmpi slt, %sub3A_341, %sign3A_345 : i32
      %sign3A_347 = arith.extui %sign3A_346 : i1 to i32
      %sign3A_348 = arith.subi %sign3A_344, %sign3A_347 : i32
      %sign3A_349 = arith.constant 0 : i32
      %sign3A_350 = arith.cmpi sgt, %jit3A_342, %sign3A_349 : i32
      %sign3A_351 = arith.extui %sign3A_350 : i1 to i32
      %sign3A_352 = arith.constant 0 : i32
      %sign3A_353 = arith.cmpi slt, %jit3A_342, %sign3A_352 : i32
      %sign3A_354 = arith.extui %sign3A_353 : i1 to i32
      %sign3A_355 = arith.subi %sign3A_351, %sign3A_354 : i32
      %ne3A = arith.cmpi ne, %sign3A_348, %sign3A_355 : i32
      %rem3A = arith.remsi %sub3A_341, %jit3A_342 : i32
      %ne3A_356 = arith.constant 0 : i32
      %ne3A_357 = arith.cmpi ne, %rem3A, %ne3A_356 : i32
      %and3A_358 = arith.andi %ne3A, %ne3A_357 : i1
      %sub3A_359 = arith.constant 1 : i32
      %sub3A_360 = arith.subi %div3A, %sub3A_359 : i32
      %select_n3A_361 = arith.select %and3A_358, %sub3A_360, %div3A : i32
      %add3A_362 = arith.addi %scan3A_339, %select_n3A_361 : i32
      %lt3A_363 = vector.broadcast %add3A_362 : i32 to vector<160x128xi32>
      %lt3A_364 = arith.cmpi slt, %add3A, %lt3A_363 : vector<160x128xi32>
      %and3A_365 = arith.andi %eq3A_24, %lt3A_364 : vector<160x128xi1>
      %convert_element_type3A_366 = arith.extui %and3A_365 : vector<160x128xi1> to vector<160x128xi32>
      %reduce_sum3A_367 = vector.shape_cast %convert_element_type3A_366 : vector<160x128xi32> to vector<1x160x128xi32>
      %reduce_sum3A_368 = arith.constant dense<0> : vector<1xi32>
      %reduce_sum3A_369 = vector.multi_reduction <add>, %reduce_sum3A_367, %reduce_sum3A_368 [1, 2] : vector<1x160x128xi32> to vector<1xi32>
      %reduce_sum3A_370 = vector.shape_cast %reduce_sum3A_369 : vector<1xi32> to vector<1x1x1xi32>
      %reduce_sum3A_371 = vector.extract %reduce_sum3A_370[0, 0, 0] : i32 from vector<1x1x1xi32>
      %ge3A = arith.cmpi sge, %reduce_sum3A_371, %select_n3A_23 : i32
      %select_n3A_372 = arith.select %ge3A, %scan3A_339, %add3A_362 : i32
      %select_n3A_373 = arith.select %ge3A, %add3A_362, %scan3A_340 : i32
      scf.yield %select_n3A_372, %select_n3A_373 : i32, i32
    }
    %gt3A_32 = arith.constant 0 : i32
    %gt3A_33 = arith.cmpi sgt, %select_n3A_23, %gt3A_32 : i32
    %jit3A_34 = arith.constant 0 : i32
    %select_n3A_35 = arith.select %gt3A_33, %scan3A_31#1, %jit3A_34 : i32
    %gt3A_36 = vector.broadcast %scan3A_12#0 : i32 to vector<160x128xi32>
    %gt3A_37 = arith.cmpi sgt, %select_n3A, %gt3A_36 : vector<160x128xi32>
    %gt3A_38 = arith.constant 0 : i32
    %gt3A_39 = arith.cmpi sgt, %scan3A_12#0, %gt3A_38 : i32
    %and3A = vector.broadcast %gt3A_39 : i1 to vector<160x128xi1>
    %and3A_40 = arith.andi %eq3A_24, %and3A : vector<160x128xi1>
    %lt3A = vector.broadcast %select_n3A_35 : i32 to vector<160x128xi32>
    %lt3A_41 = arith.cmpi slt, %add3A, %lt3A : vector<160x128xi32>
    %and3A_42 = arith.andi %and3A_40, %lt3A_41 : vector<160x128xi1>
    %or3A = arith.ori %gt3A_37, %and3A_42 : vector<160x128xi1>
    %convert_element_type3A_43 = arith.extui %or3A : vector<160x128xi1> to vector<160x128xi32>
    %swap3A = arith.constant 0 : index
    %swap3A_44 = memref.load %arg1[%swap3A] : memref<48xi32, #tpu.memory_space<smem>>
    memref.store %scan3A_12#0, %arg1[%swap3A] : memref<48xi32, #tpu.memory_space<smem>>
    %swap3A_45 = arith.constant 1 : index
    %swap3A_46 = memref.load %arg1[%swap3A_45] : memref<48xi32, #tpu.memory_space<smem>>
    memref.store %select_n3A_35, %arg1[%swap3A_45] : memref<48xi32, #tpu.memory_space<smem>>
    %swap3A_47 = arith.constant 0 : i32
    %swap3A_48 = arith.constant 16 : index
    %swap3A_49 = memref.load %arg1[%swap3A_48] : memref<48xi32, #tpu.memory_space<smem>>
    memref.store %swap3A_47, %arg1[%swap3A_48] : memref<48xi32, #tpu.memory_space<smem>>
    %slice3A = vector.extract_strided_slice %convert_element_type3A_43 {offsets = [0, 0], sizes = [5, 128], strides = [1, 1]} : vector<160x128xi32> to vector<5x128xi32>
    %reduce_sum3A_50 = vector.shape_cast %slice3A : vector<5x128xi32> to vector<1x5x128xi32>
    %reduce_sum3A_51 = arith.constant dense<0> : vector<1xi32>
    %reduce_sum3A_52 = vector.multi_reduction <add>, %reduce_sum3A_50, %reduce_sum3A_51 [1, 2] : vector<1x5x128xi32> to vector<1xi32>
    %reduce_sum3A_53 = vector.shape_cast %reduce_sum3A_52 : vector<1xi32> to vector<1x1x1xi32>
    %reduce_sum3A_54 = vector.extract %reduce_sum3A_53[0, 0, 0] : i32 from vector<1x1x1xi32>
    %add3A_55 = arith.constant 0 : i32
    %add3A_56 = arith.addi %add3A_55, %reduce_sum3A_54 : i32
    %swap3A_57 = arith.constant 17 : index
    %swap3A_58 = memref.load %arg1[%swap3A_57] : memref<48xi32, #tpu.memory_space<smem>>
    memref.store %add3A_56, %arg1[%swap3A_57] : memref<48xi32, #tpu.memory_space<smem>>
    %slice3A_59 = vector.extract_strided_slice %convert_element_type3A_43 {offsets = [5, 0], sizes = [5, 128], strides = [1, 1]} : vector<160x128xi32> to vector<5x128xi32>
    %reduce_sum3A_60 = vector.shape_cast %slice3A_59 : vector<5x128xi32> to vector<1x5x128xi32>
    %reduce_sum3A_61 = arith.constant dense<0> : vector<1xi32>
    %reduce_sum3A_62 = vector.multi_reduction <add>, %reduce_sum3A_60, %reduce_sum3A_61 [1, 2] : vector<1x5x128xi32> to vector<1xi32>
    %reduce_sum3A_63 = vector.shape_cast %reduce_sum3A_62 : vector<1xi32> to vector<1x1x1xi32>
    %reduce_sum3A_64 = vector.extract %reduce_sum3A_63[0, 0, 0] : i32 from vector<1x1x1xi32>
    %add3A_65 = arith.addi %add3A_56, %reduce_sum3A_64 : i32
    %swap3A_66 = arith.constant 18 : index
    %swap3A_67 = memref.load %arg1[%swap3A_66] : memref<48xi32, #tpu.memory_space<smem>>
    memref.store %add3A_65, %arg1[%swap3A_66] : memref<48xi32, #tpu.memory_space<smem>>
    %slice3A_68 = vector.extract_strided_slice %convert_element_type3A_43 {offsets = [10, 0], sizes = [5, 128], strides = [1, 1]} : vector<160x128xi32> to vector<5x128xi32>
    %reduce_sum3A_69 = vector.shape_cast %slice3A_68 : vector<5x128xi32> to vector<1x5x128xi32>
    %reduce_sum3A_70 = arith.constant dense<0> : vector<1xi32>
    %reduce_sum3A_71 = vector.multi_reduction <add>, %reduce_sum3A_69, %reduce_sum3A_70 [1, 2] : vector<1x5x128xi32> to vector<1xi32>
    %reduce_sum3A_72 = vector.shape_cast %reduce_sum3A_71 : vector<1xi32> to vector<1x1x1xi32>
    %reduce_sum3A_73 = vector.extract %reduce_sum3A_72[0, 0, 0] : i32 from vector<1x1x1xi32>
    %add3A_74 = arith.addi %add3A_65, %reduce_sum3A_73 : i32
    %swap3A_75 = arith.constant 19 : index
    %swap3A_76 = memref.load %arg1[%swap3A_75] : memref<48xi32, #tpu.memory_space<smem>>
    memref.store %add3A_74, %arg1[%swap3A_75] : memref<48xi32, #tpu.memory_space<smem>>
    %slice3A_77 = vector.extract_strided_slice %convert_element_type3A_43 {offsets = [15, 0], sizes = [5, 128], strides = [1, 1]} : vector<160x128xi32> to vector<5x128xi32>
    %reduce_sum3A_78 = vector.shape_cast %slice3A_77 : vector<5x128xi32> to vector<1x5x128xi32>
    %reduce_sum3A_79 = arith.constant dense<0> : vector<1xi32>
    %reduce_sum3A_80 = vector.multi_reduction <add>, %reduce_sum3A_78, %reduce_sum3A_79 [1, 2] : vector<1x5x128xi32> to vector<1xi32>
    %reduce_sum3A_81 = vector.shape_cast %reduce_sum3A_80 : vector<1xi32> to vector<1x1x1xi32>
    %reduce_sum3A_82 = vector.extract %reduce_sum3A_81[0, 0, 0] : i32 from vector<1x1x1xi32>
    %add3A_83 = arith.addi %add3A_74, %reduce_sum3A_82 : i32
    %swap3A_84 = arith.constant 20 : index
    %swap3A_85 = memref.load %arg1[%swap3A_84] : memref<48xi32, #tpu.memory_space<smem>>
    memref.store %add3A_83, %arg1[%swap3A_84] : memref<48xi32, #tpu.memory_space<smem>>
    %slice3A_86 = vector.extract_strided_slice %convert_element_type3A_43 {offsets = [20, 0], sizes = [5, 128], strides = [1, 1]} : vector<160x128xi32> to vector<5x128xi32>
    %reduce_sum3A_87 = vector.shape_cast %slice3A_86 : vector<5x128xi32> to vector<1x5x128xi32>
    %reduce_sum3A_88 = arith.constant dense<0> : vector<1xi32>
    %reduce_sum3A_89 = vector.multi_reduction <add>, %reduce_sum3A_87, %reduce_sum3A_88 [1, 2] : vector<1x5x128xi32> to vector<1xi32>
    %reduce_sum3A_90 = vector.shape_cast %reduce_sum3A_89 : vector<1xi32> to vector<1x1x1xi32>
    %reduce_sum3A_91 = vector.extract %reduce_sum3A_90[0, 0, 0] : i32 from vector<1x1x1xi32>
    %add3A_92 = arith.addi %add3A_83, %reduce_sum3A_91 : i32
    %swap3A_93 = arith.constant 21 : index
    %swap3A_94 = memref.load %arg1[%swap3A_93] : memref<48xi32, #tpu.memory_space<smem>>
    memref.store %add3A_92, %arg1[%swap3A_93] : memref<48xi32, #tpu.memory_space<smem>>
    %slice3A_95 = vector.extract_strided_slice %convert_element_type3A_43 {offsets = [25, 0], sizes = [5, 128], strides = [1, 1]} : vector<160x128xi32> to vector<5x128xi32>
    %reduce_sum3A_96 = vector.shape_cast %slice3A_95 : vector<5x128xi32> to vector<1x5x128xi32>
    %reduce_sum3A_97 = arith.constant dense<0> : vector<1xi32>
    %reduce_sum3A_98 = vector.multi_reduction <add>, %reduce_sum3A_96, %reduce_sum3A_97 [1, 2] : vector<1x5x128xi32> to vector<1xi32>
    %reduce_sum3A_99 = vector.shape_cast %reduce_sum3A_98 : vector<1xi32> to vector<1x1x1xi32>
    %reduce_sum3A_100 = vector.extract %reduce_sum3A_99[0, 0, 0] : i32 from vector<1x1x1xi32>
    %add3A_101 = arith.addi %add3A_92, %reduce_sum3A_100 : i32
    %swap3A_102 = arith.constant 22 : index
    %swap3A_103 = memref.load %arg1[%swap3A_102] : memref<48xi32, #tpu.memory_space<smem>>
    memref.store %add3A_101, %arg1[%swap3A_102] : memref<48xi32, #tpu.memory_space<smem>>
    %slice3A_104 = vector.extract_strided_slice %convert_element_type3A_43 {offsets = [30, 0], sizes = [5, 128], strides = [1, 1]} : vector<160x128xi32> to vector<5x128xi32>
    %reduce_sum3A_105 = vector.shape_cast %slice3A_104 : vector<5x128xi32> to vector<1x5x128xi32>
    %reduce_sum3A_106 = arith.constant dense<0> : vector<1xi32>
    %reduce_sum3A_107 = vector.multi_reduction <add>, %reduce_sum3A_105, %reduce_sum3A_106 [1, 2] : vector<1x5x128xi32> to vector<1xi32>
    %reduce_sum3A_108 = vector.shape_cast %reduce_sum3A_107 : vector<1xi32> to vector<1x1x1xi32>
    %reduce_sum3A_109 = vector.extract %reduce_sum3A_108[0, 0, 0] : i32 from vector<1x1x1xi32>
    %add3A_110 = arith.addi %add3A_101, %reduce_sum3A_109 : i32
    %swap3A_111 = arith.constant 23 : index
    %swap3A_112 = memref.load %arg1[%swap3A_111] : memref<48xi32, #tpu.memory_space<smem>>
    memref.store %add3A_110, %arg1[%swap3A_111] : memref<48xi32, #tpu.memory_space<smem>>
    %slice3A_113 = vector.extract_strided_slice %convert_element_type3A_43 {offsets = [35, 0], sizes = [5, 128], strides = [1, 1]} : vector<160x128xi32> to vector<5x128xi32>
    %reduce_sum3A_114 = vector.shape_cast %slice3A_113 : vector<5x128xi32> to vector<1x5x128xi32>
    %reduce_sum3A_115 = arith.constant dense<0> : vector<1xi32>
    %reduce_sum3A_116 = vector.multi_reduction <add>, %reduce_sum3A_114, %reduce_sum3A_115 [1, 2] : vector<1x5x128xi32> to vector<1xi32>
    %reduce_sum3A_117 = vector.shape_cast %reduce_sum3A_116 : vector<1xi32> to vector<1x1x1xi32>
    %reduce_sum3A_118 = vector.extract %reduce_sum3A_117[0, 0, 0] : i32 from vector<1x1x1xi32>
    %add3A_119 = arith.addi %add3A_110, %reduce_sum3A_118 : i32
    %swap3A_120 = arith.constant 24 : index
    %swap3A_121 = memref.load %arg1[%swap3A_120] : memref<48xi32, #tpu.memory_space<smem>>
    memref.store %add3A_119, %arg1[%swap3A_120] : memref<48xi32, #tpu.memory_space<smem>>
    %slice3A_122 = vector.extract_strided_slice %convert_element_type3A_43 {offsets = [40, 0], sizes = [5, 128], strides = [1, 1]} : vector<160x128xi32> to vector<5x128xi32>
    %reduce_sum3A_123 = vector.shape_cast %slice3A_122 : vector<5x128xi32> to vector<1x5x128xi32>
    %reduce_sum3A_124 = arith.constant dense<0> : vector<1xi32>
    %reduce_sum3A_125 = vector.multi_reduction <add>, %reduce_sum3A_123, %reduce_sum3A_124 [1, 2] : vector<1x5x128xi32> to vector<1xi32>
    %reduce_sum3A_126 = vector.shape_cast %reduce_sum3A_125 : vector<1xi32> to vector<1x1x1xi32>
    %reduce_sum3A_127 = vector.extract %reduce_sum3A_126[0, 0, 0] : i32 from vector<1x1x1xi32>
    %add3A_128 = arith.addi %add3A_119, %reduce_sum3A_127 : i32
    %swap3A_129 = arith.constant 25 : index
    %swap3A_130 = memref.load %arg1[%swap3A_129] : memref<48xi32, #tpu.memory_space<smem>>
    memref.store %add3A_128, %arg1[%swap3A_129] : memref<48xi32, #tpu.memory_space<smem>>
    %slice3A_131 = vector.extract_strided_slice %convert_element_type3A_43 {offsets = [45, 0], sizes = [5, 128], strides = [1, 1]} : vector<160x128xi32> to vector<5x128xi32>
    %reduce_sum3A_132 = vector.shape_cast %slice3A_131 : vector<5x128xi32> to vector<1x5x128xi32>
    %reduce_sum3A_133 = arith.constant dense<0> : vector<1xi32>
    %reduce_sum3A_134 = vector.multi_reduction <add>, %reduce_sum3A_132, %reduce_sum3A_133 [1, 2] : vector<1x5x128xi32> to vector<1xi32>
    %reduce_sum3A_135 = vector.shape_cast %reduce_sum3A_134 : vector<1xi32> to vector<1x1x1xi32>
    %reduce_sum3A_136 = vector.extract %reduce_sum3A_135[0, 0, 0] : i32 from vector<1x1x1xi32>
    %add3A_137 = arith.addi %add3A_128, %reduce_sum3A_136 : i32
    %swap3A_138 = arith.constant 26 : index
    %swap3A_139 = memref.load %arg1[%swap3A_138] : memref<48xi32, #tpu.memory_space<smem>>
    memref.store %add3A_137, %arg1[%swap3A_138] : memref<48xi32, #tpu.memory_space<smem>>
    %slice3A_140 = vector.extract_strided_slice %convert_element_type3A_43 {offsets = [50, 0], sizes = [5, 128], strides = [1, 1]} : vector<160x128xi32> to vector<5x128xi32>
    %reduce_sum3A_141 = vector.shape_cast %slice3A_140 : vector<5x128xi32> to vector<1x5x128xi32>
    %reduce_sum3A_142 = arith.constant dense<0> : vector<1xi32>
    %reduce_sum3A_143 = vector.multi_reduction <add>, %reduce_sum3A_141, %reduce_sum3A_142 [1, 2] : vector<1x5x128xi32> to vector<1xi32>
    %reduce_sum3A_144 = vector.shape_cast %reduce_sum3A_143 : vector<1xi32> to vector<1x1x1xi32>
    %reduce_sum3A_145 = vector.extract %reduce_sum3A_144[0, 0, 0] : i32 from vector<1x1x1xi32>
    %add3A_146 = arith.addi %add3A_137, %reduce_sum3A_145 : i32
    %swap3A_147 = arith.constant 27 : index
    %swap3A_148 = memref.load %arg1[%swap3A_147] : memref<48xi32, #tpu.memory_space<smem>>
    memref.store %add3A_146, %arg1[%swap3A_147] : memref<48xi32, #tpu.memory_space<smem>>
    %slice3A_149 = vector.extract_strided_slice %convert_element_type3A_43 {offsets = [55, 0], sizes = [5, 128], strides = [1, 1]} : vector<160x128xi32> to vector<5x128xi32>
    %reduce_sum3A_150 = vector.shape_cast %slice3A_149 : vector<5x128xi32> to vector<1x5x128xi32>
    %reduce_sum3A_151 = arith.constant dense<0> : vector<1xi32>
    %reduce_sum3A_152 = vector.multi_reduction <add>, %reduce_sum3A_150, %reduce_sum3A_151 [1, 2] : vector<1x5x128xi32> to vector<1xi32>
    %reduce_sum3A_153 = vector.shape_cast %reduce_sum3A_152 : vector<1xi32> to vector<1x1x1xi32>
    %reduce_sum3A_154 = vector.extract %reduce_sum3A_153[0, 0, 0] : i32 from vector<1x1x1xi32>
    %add3A_155 = arith.addi %add3A_146, %reduce_sum3A_154 : i32
    %swap3A_156 = arith.constant 28 : index
    %swap3A_157 = memref.load %arg1[%swap3A_156] : memref<48xi32, #tpu.memory_space<smem>>
    memref.store %add3A_155, %arg1[%swap3A_156] : memref<48xi32, #tpu.memory_space<smem>>
    %slice3A_158 = vector.extract_strided_slice %convert_element_type3A_43 {offsets = [60, 0], sizes = [5, 128], strides = [1, 1]} : vector<160x128xi32> to vector<5x128xi32>
    %reduce_sum3A_159 = vector.shape_cast %slice3A_158 : vector<5x128xi32> to vector<1x5x128xi32>
    %reduce_sum3A_160 = arith.constant dense<0> : vector<1xi32>
    %reduce_sum3A_161 = vector.multi_reduction <add>, %reduce_sum3A_159, %reduce_sum3A_160 [1, 2] : vector<1x5x128xi32> to vector<1xi32>
    %reduce_sum3A_162 = vector.shape_cast %reduce_sum3A_161 : vector<1xi32> to vector<1x1x1xi32>
    %reduce_sum3A_163 = vector.extract %reduce_sum3A_162[0, 0, 0] : i32 from vector<1x1x1xi32>
    %add3A_164 = arith.addi %add3A_155, %reduce_sum3A_163 : i32
    %swap3A_165 = arith.constant 29 : index
    %swap3A_166 = memref.load %arg1[%swap3A_165] : memref<48xi32, #tpu.memory_space<smem>>
    memref.store %add3A_164, %arg1[%swap3A_165] : memref<48xi32, #tpu.memory_space<smem>>
    %slice3A_167 = vector.extract_strided_slice %convert_element_type3A_43 {offsets = [65, 0], sizes = [5, 128], strides = [1, 1]} : vector<160x128xi32> to vector<5x128xi32>
    %reduce_sum3A_168 = vector.shape_cast %slice3A_167 : vector<5x128xi32> to vector<1x5x128xi32>
    %reduce_sum3A_169 = arith.constant dense<0> : vector<1xi32>
    %reduce_sum3A_170 = vector.multi_reduction <add>, %reduce_sum3A_168, %reduce_sum3A_169 [1, 2] : vector<1x5x128xi32> to vector<1xi32>
    %reduce_sum3A_171 = vector.shape_cast %reduce_sum3A_170 : vector<1xi32> to vector<1x1x1xi32>
    %reduce_sum3A_172 = vector.extract %reduce_sum3A_171[0, 0, 0] : i32 from vector<1x1x1xi32>
    %add3A_173 = arith.addi %add3A_164, %reduce_sum3A_172 : i32
    %swap3A_174 = arith.constant 30 : index
    %swap3A_175 = memref.load %arg1[%swap3A_174] : memref<48xi32, #tpu.memory_space<smem>>
    memref.store %add3A_173, %arg1[%swap3A_174] : memref<48xi32, #tpu.memory_space<smem>>
    %slice3A_176 = vector.extract_strided_slice %convert_element_type3A_43 {offsets = [70, 0], sizes = [5, 128], strides = [1, 1]} : vector<160x128xi32> to vector<5x128xi32>
    %reduce_sum3A_177 = vector.shape_cast %slice3A_176 : vector<5x128xi32> to vector<1x5x128xi32>
    %reduce_sum3A_178 = arith.constant dense<0> : vector<1xi32>
    %reduce_sum3A_179 = vector.multi_reduction <add>, %reduce_sum3A_177, %reduce_sum3A_178 [1, 2] : vector<1x5x128xi32> to vector<1xi32>
    %reduce_sum3A_180 = vector.shape_cast %reduce_sum3A_179 : vector<1xi32> to vector<1x1x1xi32>
    %reduce_sum3A_181 = vector.extract %reduce_sum3A_180[0, 0, 0] : i32 from vector<1x1x1xi32>
    %add3A_182 = arith.addi %add3A_173, %reduce_sum3A_181 : i32
    %swap3A_183 = arith.constant 31 : index
    %swap3A_184 = memref.load %arg1[%swap3A_183] : memref<48xi32, #tpu.memory_space<smem>>
    memref.store %add3A_182, %arg1[%swap3A_183] : memref<48xi32, #tpu.memory_space<smem>>
    %slice3A_185 = vector.extract_strided_slice %convert_element_type3A_43 {offsets = [75, 0], sizes = [5, 128], strides = [1, 1]} : vector<160x128xi32> to vector<5x128xi32>
    %reduce_sum3A_186 = vector.shape_cast %slice3A_185 : vector<5x128xi32> to vector<1x5x128xi32>
    %reduce_sum3A_187 = arith.constant dense<0> : vector<1xi32>
    %reduce_sum3A_188 = vector.multi_reduction <add>, %reduce_sum3A_186, %reduce_sum3A_187 [1, 2] : vector<1x5x128xi32> to vector<1xi32>
    %reduce_sum3A_189 = vector.shape_cast %reduce_sum3A_188 : vector<1xi32> to vector<1x1x1xi32>
    %reduce_sum3A_190 = vector.extract %reduce_sum3A_189[0, 0, 0] : i32 from vector<1x1x1xi32>
    %add3A_191 = arith.addi %add3A_182, %reduce_sum3A_190 : i32
    %swap3A_192 = arith.constant 32 : index
    %swap3A_193 = memref.load %arg1[%swap3A_192] : memref<48xi32, #tpu.memory_space<smem>>
    memref.store %add3A_191, %arg1[%swap3A_192] : memref<48xi32, #tpu.memory_space<smem>>
    %slice3A_194 = vector.extract_strided_slice %convert_element_type3A_43 {offsets = [80, 0], sizes = [5, 128], strides = [1, 1]} : vector<160x128xi32> to vector<5x128xi32>
    %reduce_sum3A_195 = vector.shape_cast %slice3A_194 : vector<5x128xi32> to vector<1x5x128xi32>
    %reduce_sum3A_196 = arith.constant dense<0> : vector<1xi32>
    %reduce_sum3A_197 = vector.multi_reduction <add>, %reduce_sum3A_195, %reduce_sum3A_196 [1, 2] : vector<1x5x128xi32> to vector<1xi32>
    %reduce_sum3A_198 = vector.shape_cast %reduce_sum3A_197 : vector<1xi32> to vector<1x1x1xi32>
    %reduce_sum3A_199 = vector.extract %reduce_sum3A_198[0, 0, 0] : i32 from vector<1x1x1xi32>
    %add3A_200 = arith.addi %add3A_191, %reduce_sum3A_199 : i32
    %swap3A_201 = arith.constant 33 : index
    %swap3A_202 = memref.load %arg1[%swap3A_201] : memref<48xi32, #tpu.memory_space<smem>>
    memref.store %add3A_200, %arg1[%swap3A_201] : memref<48xi32, #tpu.memory_space<smem>>
    %slice3A_203 = vector.extract_strided_slice %convert_element_type3A_43 {offsets = [85, 0], sizes = [5, 128], strides = [1, 1]} : vector<160x128xi32> to vector<5x128xi32>
    %reduce_sum3A_204 = vector.shape_cast %slice3A_203 : vector<5x128xi32> to vector<1x5x128xi32>
    %reduce_sum3A_205 = arith.constant dense<0> : vector<1xi32>
    %reduce_sum3A_206 = vector.multi_reduction <add>, %reduce_sum3A_204, %reduce_sum3A_205 [1, 2] : vector<1x5x128xi32> to vector<1xi32>
    %reduce_sum3A_207 = vector.shape_cast %reduce_sum3A_206 : vector<1xi32> to vector<1x1x1xi32>
    %reduce_sum3A_208 = vector.extract %reduce_sum3A_207[0, 0, 0] : i32 from vector<1x1x1xi32>
    %add3A_209 = arith.addi %add3A_200, %reduce_sum3A_208 : i32
    %swap3A_210 = arith.constant 34 : index
    %swap3A_211 = memref.load %arg1[%swap3A_210] : memref<48xi32, #tpu.memory_space<smem>>
    memref.store %add3A_209, %arg1[%swap3A_210] : memref<48xi32, #tpu.memory_space<smem>>
    %slice3A_212 = vector.extract_strided_slice %convert_element_type3A_43 {offsets = [90, 0], sizes = [5, 128], strides = [1, 1]} : vector<160x128xi32> to vector<5x128xi32>
    %reduce_sum3A_213 = vector.shape_cast %slice3A_212 : vector<5x128xi32> to vector<1x5x128xi32>
    %reduce_sum3A_214 = arith.constant dense<0> : vector<1xi32>
    %reduce_sum3A_215 = vector.multi_reduction <add>, %reduce_sum3A_213, %reduce_sum3A_214 [1, 2] : vector<1x5x128xi32> to vector<1xi32>
    %reduce_sum3A_216 = vector.shape_cast %reduce_sum3A_215 : vector<1xi32> to vector<1x1x1xi32>
    %reduce_sum3A_217 = vector.extract %reduce_sum3A_216[0, 0, 0] : i32 from vector<1x1x1xi32>
    %add3A_218 = arith.addi %add3A_209, %reduce_sum3A_217 : i32
    %swap3A_219 = arith.constant 35 : index
    %swap3A_220 = memref.load %arg1[%swap3A_219] : memref<48xi32, #tpu.memory_space<smem>>
    memref.store %add3A_218, %arg1[%swap3A_219] : memref<48xi32, #tpu.memory_space<smem>>
    %slice3A_221 = vector.extract_strided_slice %convert_element_type3A_43 {offsets = [95, 0], sizes = [5, 128], strides = [1, 1]} : vector<160x128xi32> to vector<5x128xi32>
    %reduce_sum3A_222 = vector.shape_cast %slice3A_221 : vector<5x128xi32> to vector<1x5x128xi32>
    %reduce_sum3A_223 = arith.constant dense<0> : vector<1xi32>
    %reduce_sum3A_224 = vector.multi_reduction <add>, %reduce_sum3A_222, %reduce_sum3A_223 [1, 2] : vector<1x5x128xi32> to vector<1xi32>
    %reduce_sum3A_225 = vector.shape_cast %reduce_sum3A_224 : vector<1xi32> to vector<1x1x1xi32>
    %reduce_sum3A_226 = vector.extract %reduce_sum3A_225[0, 0, 0] : i32 from vector<1x1x1xi32>
    %add3A_227 = arith.addi %add3A_218, %reduce_sum3A_226 : i32
    %swap3A_228 = arith.constant 36 : index
    %swap3A_229 = memref.load %arg1[%swap3A_228] : memref<48xi32, #tpu.memory_space<smem>>
    memref.store %add3A_227, %arg1[%swap3A_228] : memref<48xi32, #tpu.memory_space<smem>>
    %slice3A_230 = vector.extract_strided_slice %convert_element_type3A_43 {offsets = [100, 0], sizes = [5, 128], strides = [1, 1]} : vector<160x128xi32> to vector<5x128xi32>
    %reduce_sum3A_231 = vector.shape_cast %slice3A_230 : vector<5x128xi32> to vector<1x5x128xi32>
    %reduce_sum3A_232 = arith.constant dense<0> : vector<1xi32>
    %reduce_sum3A_233 = vector.multi_reduction <add>, %reduce_sum3A_231, %reduce_sum3A_232 [1, 2] : vector<1x5x128xi32> to vector<1xi32>
    %reduce_sum3A_234 = vector.shape_cast %reduce_sum3A_233 : vector<1xi32> to vector<1x1x1xi32>
    %reduce_sum3A_235 = vector.extract %reduce_sum3A_234[0, 0, 0] : i32 from vector<1x1x1xi32>
    %add3A_236 = arith.addi %add3A_227, %reduce_sum3A_235 : i32
    %swap3A_237 = arith.constant 37 : index
    %swap3A_238 = memref.load %arg1[%swap3A_237] : memref<48xi32, #tpu.memory_space<smem>>
    memref.store %add3A_236, %arg1[%swap3A_237] : memref<48xi32, #tpu.memory_space<smem>>
    %slice3A_239 = vector.extract_strided_slice %convert_element_type3A_43 {offsets = [105, 0], sizes = [5, 128], strides = [1, 1]} : vector<160x128xi32> to vector<5x128xi32>
    %reduce_sum3A_240 = vector.shape_cast %slice3A_239 : vector<5x128xi32> to vector<1x5x128xi32>
    %reduce_sum3A_241 = arith.constant dense<0> : vector<1xi32>
    %reduce_sum3A_242 = vector.multi_reduction <add>, %reduce_sum3A_240, %reduce_sum3A_241 [1, 2] : vector<1x5x128xi32> to vector<1xi32>
    %reduce_sum3A_243 = vector.shape_cast %reduce_sum3A_242 : vector<1xi32> to vector<1x1x1xi32>
    %reduce_sum3A_244 = vector.extract %reduce_sum3A_243[0, 0, 0] : i32 from vector<1x1x1xi32>
    %add3A_245 = arith.addi %add3A_236, %reduce_sum3A_244 : i32
    %swap3A_246 = arith.constant 38 : index
    %swap3A_247 = memref.load %arg1[%swap3A_246] : memref<48xi32, #tpu.memory_space<smem>>
    memref.store %add3A_245, %arg1[%swap3A_246] : memref<48xi32, #tpu.memory_space<smem>>
    %slice3A_248 = vector.extract_strided_slice %convert_element_type3A_43 {offsets = [110, 0], sizes = [5, 128], strides = [1, 1]} : vector<160x128xi32> to vector<5x128xi32>
    %reduce_sum3A_249 = vector.shape_cast %slice3A_248 : vector<5x128xi32> to vector<1x5x128xi32>
    %reduce_sum3A_250 = arith.constant dense<0> : vector<1xi32>
    %reduce_sum3A_251 = vector.multi_reduction <add>, %reduce_sum3A_249, %reduce_sum3A_250 [1, 2] : vector<1x5x128xi32> to vector<1xi32>
    %reduce_sum3A_252 = vector.shape_cast %reduce_sum3A_251 : vector<1xi32> to vector<1x1x1xi32>
    %reduce_sum3A_253 = vector.extract %reduce_sum3A_252[0, 0, 0] : i32 from vector<1x1x1xi32>
    %add3A_254 = arith.addi %add3A_245, %reduce_sum3A_253 : i32
    %swap3A_255 = arith.constant 39 : index
    %swap3A_256 = memref.load %arg1[%swap3A_255] : memref<48xi32, #tpu.memory_space<smem>>
    memref.store %add3A_254, %arg1[%swap3A_255] : memref<48xi32, #tpu.memory_space<smem>>
    %slice3A_257 = vector.extract_strided_slice %convert_element_type3A_43 {offsets = [115, 0], sizes = [5, 128], strides = [1, 1]} : vector<160x128xi32> to vector<5x128xi32>
    %reduce_sum3A_258 = vector.shape_cast %slice3A_257 : vector<5x128xi32> to vector<1x5x128xi32>
    %reduce_sum3A_259 = arith.constant dense<0> : vector<1xi32>
    %reduce_sum3A_260 = vector.multi_reduction <add>, %reduce_sum3A_258, %reduce_sum3A_259 [1, 2] : vector<1x5x128xi32> to vector<1xi32>
    %reduce_sum3A_261 = vector.shape_cast %reduce_sum3A_260 : vector<1xi32> to vector<1x1x1xi32>
    %reduce_sum3A_262 = vector.extract %reduce_sum3A_261[0, 0, 0] : i32 from vector<1x1x1xi32>
    %add3A_263 = arith.addi %add3A_254, %reduce_sum3A_262 : i32
    %swap3A_264 = arith.constant 40 : index
    %swap3A_265 = memref.load %arg1[%swap3A_264] : memref<48xi32, #tpu.memory_space<smem>>
    memref.store %add3A_263, %arg1[%swap3A_264] : memref<48xi32, #tpu.memory_space<smem>>
    %slice3A_266 = vector.extract_strided_slice %convert_element_type3A_43 {offsets = [120, 0], sizes = [5, 128], strides = [1, 1]} : vector<160x128xi32> to vector<5x128xi32>
    %reduce_sum3A_267 = vector.shape_cast %slice3A_266 : vector<5x128xi32> to vector<1x5x128xi32>
    %reduce_sum3A_268 = arith.constant dense<0> : vector<1xi32>
    %reduce_sum3A_269 = vector.multi_reduction <add>, %reduce_sum3A_267, %reduce_sum3A_268 [1, 2] : vector<1x5x128xi32> to vector<1xi32>
    %reduce_sum3A_270 = vector.shape_cast %reduce_sum3A_269 : vector<1xi32> to vector<1x1x1xi32>
    %reduce_sum3A_271 = vector.extract %reduce_sum3A_270[0, 0, 0] : i32 from vector<1x1x1xi32>
    %add3A_272 = arith.addi %add3A_263, %reduce_sum3A_271 : i32
    %swap3A_273 = arith.constant 41 : index
    %swap3A_274 = memref.load %arg1[%swap3A_273] : memref<48xi32, #tpu.memory_space<smem>>
    memref.store %add3A_272, %arg1[%swap3A_273] : memref<48xi32, #tpu.memory_space<smem>>
    %slice3A_275 = vector.extract_strided_slice %convert_element_type3A_43 {offsets = [125, 0], sizes = [5, 128], strides = [1, 1]} : vector<160x128xi32> to vector<5x128xi32>
    %reduce_sum3A_276 = vector.shape_cast %slice3A_275 : vector<5x128xi32> to vector<1x5x128xi32>
    %reduce_sum3A_277 = arith.constant dense<0> : vector<1xi32>
    %reduce_sum3A_278 = vector.multi_reduction <add>, %reduce_sum3A_276, %reduce_sum3A_277 [1, 2] : vector<1x5x128xi32> to vector<1xi32>
    %reduce_sum3A_279 = vector.shape_cast %reduce_sum3A_278 : vector<1xi32> to vector<1x1x1xi32>
    %reduce_sum3A_280 = vector.extract %reduce_sum3A_279[0, 0, 0] : i32 from vector<1x1x1xi32>
    %add3A_281 = arith.addi %add3A_272, %reduce_sum3A_280 : i32
    %swap3A_282 = arith.constant 42 : index
    %swap3A_283 = memref.load %arg1[%swap3A_282] : memref<48xi32, #tpu.memory_space<smem>>
    memref.store %add3A_281, %arg1[%swap3A_282] : memref<48xi32, #tpu.memory_space<smem>>
    %slice3A_284 = vector.extract_strided_slice %convert_element_type3A_43 {offsets = [130, 0], sizes = [5, 128], strides = [1, 1]} : vector<160x128xi32> to vector<5x128xi32>
    %reduce_sum3A_285 = vector.shape_cast %slice3A_284 : vector<5x128xi32> to vector<1x5x128xi32>
    %reduce_sum3A_286 = arith.constant dense<0> : vector<1xi32>
    %reduce_sum3A_287 = vector.multi_reduction <add>, %reduce_sum3A_285, %reduce_sum3A_286 [1, 2] : vector<1x5x128xi32> to vector<1xi32>
    %reduce_sum3A_288 = vector.shape_cast %reduce_sum3A_287 : vector<1xi32> to vector<1x1x1xi32>
    %reduce_sum3A_289 = vector.extract %reduce_sum3A_288[0, 0, 0] : i32 from vector<1x1x1xi32>
    %add3A_290 = arith.addi %add3A_281, %reduce_sum3A_289 : i32
    %swap3A_291 = arith.constant 43 : index
    %swap3A_292 = memref.load %arg1[%swap3A_291] : memref<48xi32, #tpu.memory_space<smem>>
    memref.store %add3A_290, %arg1[%swap3A_291] : memref<48xi32, #tpu.memory_space<smem>>
    %slice3A_293 = vector.extract_strided_slice %convert_element_type3A_43 {offsets = [135, 0], sizes = [5, 128], strides = [1, 1]} : vector<160x128xi32> to vector<5x128xi32>
    %reduce_sum3A_294 = vector.shape_cast %slice3A_293 : vector<5x128xi32> to vector<1x5x128xi32>
    %reduce_sum3A_295 = arith.constant dense<0> : vector<1xi32>
    %reduce_sum3A_296 = vector.multi_reduction <add>, %reduce_sum3A_294, %reduce_sum3A_295 [1, 2] : vector<1x5x128xi32> to vector<1xi32>
    %reduce_sum3A_297 = vector.shape_cast %reduce_sum3A_296 : vector<1xi32> to vector<1x1x1xi32>
    %reduce_sum3A_298 = vector.extract %reduce_sum3A_297[0, 0, 0] : i32 from vector<1x1x1xi32>
    %add3A_299 = arith.addi %add3A_290, %reduce_sum3A_298 : i32
    %swap3A_300 = arith.constant 44 : index
    %swap3A_301 = memref.load %arg1[%swap3A_300] : memref<48xi32, #tpu.memory_space<smem>>
    memref.store %add3A_299, %arg1[%swap3A_300] : memref<48xi32, #tpu.memory_space<smem>>
    %slice3A_302 = vector.extract_strided_slice %convert_element_type3A_43 {offsets = [140, 0], sizes = [5, 128], strides = [1, 1]} : vector<160x128xi32> to vector<5x128xi32>
    %reduce_sum3A_303 = vector.shape_cast %slice3A_302 : vector<5x128xi32> to vector<1x5x128xi32>
    %reduce_sum3A_304 = arith.constant dense<0> : vector<1xi32>
    %reduce_sum3A_305 = vector.multi_reduction <add>, %reduce_sum3A_303, %reduce_sum3A_304 [1, 2] : vector<1x5x128xi32> to vector<1xi32>
    %reduce_sum3A_306 = vector.shape_cast %reduce_sum3A_305 : vector<1xi32> to vector<1x1x1xi32>
    %reduce_sum3A_307 = vector.extract %reduce_sum3A_306[0, 0, 0] : i32 from vector<1x1x1xi32>
    %add3A_308 = arith.addi %add3A_299, %reduce_sum3A_307 : i32
    %swap3A_309 = arith.constant 45 : index
    %swap3A_310 = memref.load %arg1[%swap3A_309] : memref<48xi32, #tpu.memory_space<smem>>
    memref.store %add3A_308, %arg1[%swap3A_309] : memref<48xi32, #tpu.memory_space<smem>>
    %slice3A_311 = vector.extract_strided_slice %convert_element_type3A_43 {offsets = [145, 0], sizes = [5, 128], strides = [1, 1]} : vector<160x128xi32> to vector<5x128xi32>
    %reduce_sum3A_312 = vector.shape_cast %slice3A_311 : vector<5x128xi32> to vector<1x5x128xi32>
    %reduce_sum3A_313 = arith.constant dense<0> : vector<1xi32>
    %reduce_sum3A_314 = vector.multi_reduction <add>, %reduce_sum3A_312, %reduce_sum3A_313 [1, 2] : vector<1x5x128xi32> to vector<1xi32>
    %reduce_sum3A_315 = vector.shape_cast %reduce_sum3A_314 : vector<1xi32> to vector<1x1x1xi32>
    %reduce_sum3A_316 = vector.extract %reduce_sum3A_315[0, 0, 0] : i32 from vector<1x1x1xi32>
    %add3A_317 = arith.addi %add3A_308, %reduce_sum3A_316 : i32
    %swap3A_318 = arith.constant 46 : index
    %swap3A_319 = memref.load %arg1[%swap3A_318] : memref<48xi32, #tpu.memory_space<smem>>
    memref.store %add3A_317, %arg1[%swap3A_318] : memref<48xi32, #tpu.memory_space<smem>>
    %slice3A_320 = vector.extract_strided_slice %convert_element_type3A_43 {offsets = [150, 0], sizes = [5, 128], strides = [1, 1]} : vector<160x128xi32> to vector<5x128xi32>
    %reduce_sum3A_321 = vector.shape_cast %slice3A_320 : vector<5x128xi32> to vector<1x5x128xi32>
    %reduce_sum3A_322 = arith.constant dense<0> : vector<1xi32>
    %reduce_sum3A_323 = vector.multi_reduction <add>, %reduce_sum3A_321, %reduce_sum3A_322 [1, 2] : vector<1x5x128xi32> to vector<1xi32>
    %reduce_sum3A_324 = vector.shape_cast %reduce_sum3A_323 : vector<1xi32> to vector<1x1x1xi32>
    %reduce_sum3A_325 = vector.extract %reduce_sum3A_324[0, 0, 0] : i32 from vector<1x1x1xi32>
    %add3A_326 = arith.addi %add3A_317, %reduce_sum3A_325 : i32
    %swap3A_327 = arith.constant 47 : index
    %swap3A_328 = memref.load %arg1[%swap3A_327] : memref<48xi32, #tpu.memory_space<smem>>
    memref.store %add3A_326, %arg1[%swap3A_327] : memref<48xi32, #tpu.memory_space<smem>>
    %slice3A_329 = vector.extract_strided_slice %convert_element_type3A_43 {offsets = [155, 0], sizes = [5, 128], strides = [1, 1]} : vector<160x128xi32> to vector<5x128xi32>
    %reduce_sum3A_330 = vector.shape_cast %slice3A_329 : vector<5x128xi32> to vector<1x5x128xi32>
    %reduce_sum3A_331 = arith.constant dense<0> : vector<1xi32>
    %reduce_sum3A_332 = vector.multi_reduction <add>, %reduce_sum3A_330, %reduce_sum3A_331 [1, 2] : vector<1x5x128xi32> to vector<1xi32>
    %reduce_sum3A_333 = vector.shape_cast %reduce_sum3A_332 : vector<1xi32> to vector<1x1x1xi32>
    %reduce_sum3A_334 = vector.extract %reduce_sum3A_333[0, 0, 0] : i32 from vector<1x1x1xi32>
    %add3A_335 = arith.addi %add3A_326, %reduce_sum3A_334 : i32
    %swap3A_336 = arith.constant 2 : index
    %swap3A_337 = memref.load %arg1[%swap3A_336] : memref<48xi32, #tpu.memory_space<smem>>
    memref.store %add3A_335, %arg1[%swap3A_336] : memref<48xi32, #tpu.memory_space<smem>>
    return
  }
}

module attributes {stable_mosaic.version = 14 : i64} {
  func.func @_nms_body(%arg0: memref<2x8x128xf32, #tpu.memory_space<vmem>>, %arg1: memref<2x8x128xf32, #tpu.memory_space<vmem>>, %arg2: memref<2x8x128xf32, #tpu.memory_space<vmem>>, %arg3: memref<2x8x128xf32, #tpu.memory_space<vmem>>, %arg4: memref<2x8x128xf32, #tpu.memory_space<vmem>>, %arg5: memref<2x8x128xi32, #tpu.memory_space<vmem>>, %arg6: memref<2x1024xf32, #tpu.memory_space<smem>>, %arg7: memref<2x1024xf32, #tpu.memory_space<smem>>, %arg8: memref<2x1024xf32, #tpu.memory_space<smem>>, %arg9: memref<2x1024xf32, #tpu.memory_space<smem>>, %arg10: memref<2x1024xi32, #tpu.memory_space<smem>>, %arg11: memref<48xi32, #tpu.memory_space<smem>>, %arg12: memref<8x128xf32, #tpu.memory_space<vmem>>) attributes {dimension_semantics = [], scalar_prefetch = 0 : i64, scratch_operands = 0 : i64, tpu.core_type = #tpu.core_type<tc>} {
    %get3A = arith.constant 2 : index
    %get3A_0 = memref.load %arg11[%get3A] : memref<48xi32, #tpu.memory_space<smem>>
    %get3A_1 = arith.constant 32 : index
    %get3A_2 = memref.load %arg11[%get3A_1] : memref<48xi32, #tpu.memory_space<smem>>
    %iota3A = tpu.iota {dimensions = array<i32: 0>} : vector<8x128xi32>
    %mul3A = arith.constant 128 : i32
    %mul3A_3 = vector.broadcast %mul3A : i32 to vector<8x128xi32>
    %mul3A_4 = arith.muli %iota3A, %mul3A_3 : vector<8x128xi32>
    %iota3A_5 = tpu.iota {dimensions = array<i32: 1>} : vector<8x128xi32>
    %add3A = arith.addi %mul3A_4, %iota3A_5 : vector<8x128xi32>
    %lt3A = vector.broadcast %get3A_2 : i32 to vector<8x128xi32>
    %lt3A_6 = arith.cmpi slt, %add3A, %lt3A : vector<8x128xi32>
    %get3A_7 = arith.constant 0 : index
    %get3A_8 = arith.constant 0 : index
    %get3A_9 = arith.constant 0 : index
    %get3A_10 = vector.load %arg0[%get3A_7, %get3A_8, %get3A_9] : memref<2x8x128xf32, #tpu.memory_space<vmem>>, vector<1x8x128xf32>
    %get3A_11 = vector.shape_cast %get3A_10 : vector<1x8x128xf32> to vector<8x128xf32>
    %get3A_12 = arith.constant 1 : index
    %get3A_13 = arith.constant 0 : index
    %get3A_14 = arith.constant 0 : index
    %get3A_15 = vector.load %arg0[%get3A_12, %get3A_13, %get3A_14] : memref<2x8x128xf32, #tpu.memory_space<vmem>>, vector<1x8x128xf32>
    %get3A_16 = vector.shape_cast %get3A_15 : vector<1x8x128xf32> to vector<8x128xf32>
    %select_n3A = arith.select %lt3A_6, %get3A_11, %get3A_16 : vector<8x128xi1>, vector<8x128xf32>
    %get3A_17 = arith.constant 0 : index
    %get3A_18 = arith.constant 0 : index
    %get3A_19 = arith.constant 0 : index
    %get3A_20 = vector.load %arg1[%get3A_17, %get3A_18, %get3A_19] : memref<2x8x128xf32, #tpu.memory_space<vmem>>, vector<1x8x128xf32>
    %get3A_21 = vector.shape_cast %get3A_20 : vector<1x8x128xf32> to vector<8x128xf32>
    %get3A_22 = arith.constant 1 : index
    %get3A_23 = arith.constant 0 : index
    %get3A_24 = arith.constant 0 : index
    %get3A_25 = vector.load %arg1[%get3A_22, %get3A_23, %get3A_24] : memref<2x8x128xf32, #tpu.memory_space<vmem>>, vector<1x8x128xf32>
    %get3A_26 = vector.shape_cast %get3A_25 : vector<1x8x128xf32> to vector<8x128xf32>
    %select_n3A_27 = arith.select %lt3A_6, %get3A_21, %get3A_26 : vector<8x128xi1>, vector<8x128xf32>
    %get3A_28 = arith.constant 0 : index
    %get3A_29 = arith.constant 0 : index
    %get3A_30 = arith.constant 0 : index
    %get3A_31 = vector.load %arg2[%get3A_28, %get3A_29, %get3A_30] : memref<2x8x128xf32, #tpu.memory_space<vmem>>, vector<1x8x128xf32>
    %get3A_32 = vector.shape_cast %get3A_31 : vector<1x8x128xf32> to vector<8x128xf32>
    %get3A_33 = arith.constant 1 : index
    %get3A_34 = arith.constant 0 : index
    %get3A_35 = arith.constant 0 : index
    %get3A_36 = vector.load %arg2[%get3A_33, %get3A_34, %get3A_35] : memref<2x8x128xf32, #tpu.memory_space<vmem>>, vector<1x8x128xf32>
    %get3A_37 = vector.shape_cast %get3A_36 : vector<1x8x128xf32> to vector<8x128xf32>
    %select_n3A_38 = arith.select %lt3A_6, %get3A_32, %get3A_37 : vector<8x128xi1>, vector<8x128xf32>
    %get3A_39 = arith.constant 0 : index
    %get3A_40 = arith.constant 0 : index
    %get3A_41 = arith.constant 0 : index
    %get3A_42 = vector.load %arg3[%get3A_39, %get3A_40, %get3A_41] : memref<2x8x128xf32, #tpu.memory_space<vmem>>, vector<1x8x128xf32>
    %get3A_43 = vector.shape_cast %get3A_42 : vector<1x8x128xf32> to vector<8x128xf32>
    %get3A_44 = arith.constant 1 : index
    %get3A_45 = arith.constant 0 : index
    %get3A_46 = arith.constant 0 : index
    %get3A_47 = vector.load %arg3[%get3A_44, %get3A_45, %get3A_46] : memref<2x8x128xf32, #tpu.memory_space<vmem>>, vector<1x8x128xf32>
    %get3A_48 = vector.shape_cast %get3A_47 : vector<1x8x128xf32> to vector<8x128xf32>
    %select_n3A_49 = arith.select %lt3A_6, %get3A_43, %get3A_48 : vector<8x128xi1>, vector<8x128xf32>
    %get3A_50 = arith.constant 0 : index
    %get3A_51 = arith.constant 0 : index
    %get3A_52 = arith.constant 0 : index
    %get3A_53 = vector.load %arg4[%get3A_50, %get3A_51, %get3A_52] : memref<2x8x128xf32, #tpu.memory_space<vmem>>, vector<1x8x128xf32>
    %get3A_54 = vector.shape_cast %get3A_53 : vector<1x8x128xf32> to vector<8x128xf32>
    %get3A_55 = arith.constant 1 : index
    %get3A_56 = arith.constant 0 : index
    %get3A_57 = arith.constant 0 : index
    %get3A_58 = vector.load %arg4[%get3A_55, %get3A_56, %get3A_57] : memref<2x8x128xf32, #tpu.memory_space<vmem>>, vector<1x8x128xf32>
    %get3A_59 = vector.shape_cast %get3A_58 : vector<1x8x128xf32> to vector<8x128xf32>
    %select_n3A_60 = arith.select %lt3A_6, %get3A_54, %get3A_59 : vector<8x128xi1>, vector<8x128xf32>
    %get3A_61 = arith.constant 0 : index
    %get3A_62 = arith.constant 0 : index
    %get3A_63 = arith.constant 0 : index
    %get3A_64 = vector.load %arg5[%get3A_61, %get3A_62, %get3A_63] : memref<2x8x128xi32, #tpu.memory_space<vmem>>, vector<1x8x128xi32>
    %get3A_65 = vector.shape_cast %get3A_64 : vector<1x8x128xi32> to vector<8x128xi32>
    %get3A_66 = arith.constant 1 : index
    %get3A_67 = arith.constant 0 : index
    %get3A_68 = arith.constant 0 : index
    %get3A_69 = vector.load %arg5[%get3A_66, %get3A_67, %get3A_68] : memref<2x8x128xi32, #tpu.memory_space<vmem>>, vector<1x8x128xi32>
    %get3A_70 = vector.shape_cast %get3A_69 : vector<1x8x128xi32> to vector<8x128xi32>
    %select_n3A_71 = arith.select %lt3A_6, %get3A_65, %get3A_70 : vector<8x128xi1>, vector<8x128xi32>
    %lt3A_72 = vector.broadcast %get3A_0 : i32 to vector<8x128xi32>
    %lt3A_73 = arith.cmpi slt, %add3A, %lt3A_72 : vector<8x128xi32>
    %jit3A = arith.constant 0xFF800000 : f32
    %broadcast_in_dim3A = vector.broadcast %jit3A : f32 to vector<8x128xf32>
    %select_n3A_74 = arith.select %lt3A_73, %select_n3A_60, %broadcast_in_dim3A : vector<8x128xi1>, vector<8x128xf32>
    %convert_element_type3A = arith.sitofp %select_n3A_71 : vector<8x128xi32> to vector<8x128xf32>
    %mul3A_75 = arith.constant 4.096000e+03 : f32
    %mul3A_76 = vector.broadcast %mul3A_75 : f32 to vector<8x128xf32>
    %mul3A_77 = arith.mulf %convert_element_type3A, %mul3A_76 : vector<8x128xf32>
    %add3A_78 = arith.addf %select_n3A, %mul3A_77 : vector<8x128xf32>
    %add3A_79 = arith.addf %select_n3A_27, %mul3A_77 : vector<8x128xf32>
    %add3A_80 = arith.addf %select_n3A_38, %mul3A_77 : vector<8x128xf32>
    %add3A_81 = arith.addf %select_n3A_49, %mul3A_77 : vector<8x128xf32>
    %sub3A = arith.subf %add3A_80, %add3A_78 : vector<8x128xf32>
    %sub3A_82 = arith.subf %add3A_81, %add3A_79 : vector<8x128xf32>
    %mul3A_83 = arith.mulf %sub3A, %sub3A_82 : vector<8x128xf32>
    %iota3A_84 = tpu.iota {dimensions = array<i32: 0>} : vector<8x128xi32>
    %iota3A_85 = tpu.iota {dimensions = array<i32: 1>} : vector<8x128xi32>
    %broadcast_in_dim3A_86 = arith.constant 0.000000e+00 : f32
    %broadcast_in_dim3A_87 = vector.broadcast %broadcast_in_dim3A_86 : f32 to vector<8x128xf32>
    %scan3A = arith.constant 0xFF800000 : f32
    %scan3A_88 = arith.constant 0 : i32
    %scan3A_89 = arith.constant 100 : i32
    %scan3A_90 = arith.addi %scan3A_88, %scan3A_89 : i32
    %scan3A_91 = arith.constant 1 : i32
    %scan3A_92:2 = scf.for %scan3A_96 = %scan3A_88 to %scan3A_90 step %scan3A_91 iter_args(%scan3A_97 = %select_n3A_74, %scan3A_98 = %broadcast_in_dim3A_87) -> (vector<8x128xf32>, vector<8x128xf32>)  : i32 {
      %reduce_max3A = vector.shape_cast %scan3A_97 : vector<8x128xf32> to vector<1x8x128xf32>
      %reduce_max3A_99 = arith.constant dense<0xFF800000> : vector<1xf32>
      %reduce_max3A_100 = vector.multi_reduction <maximumf>, %reduce_max3A, %reduce_max3A_99 [1, 2] : vector<1x8x128xf32> to vector<1xf32>
      %reduce_max3A_101 = vector.shape_cast %reduce_max3A_100 : vector<1xf32> to vector<1x1x1xf32>
      %reduce_max3A_102 = vector.extract %reduce_max3A_101[0, 0, 0] : f32 from vector<1x1x1xf32>
      %eq3A = vector.broadcast %reduce_max3A_102 : f32 to vector<8x128xf32>
      %eq3A_103 = arith.cmpf oeq, %scan3A_97, %eq3A : vector<8x128xf32>
      %jit3A_104 = arith.constant 1024 : i32
      %broadcast_in_dim3A_105 = vector.broadcast %jit3A_104 : i32 to vector<8x128xi32>
      %select_n3A_106 = arith.select %eq3A_103, %add3A, %broadcast_in_dim3A_105 : vector<8x128xi1>, vector<8x128xi32>
      %reduce_min3A = vector.shape_cast %select_n3A_106 : vector<8x128xi32> to vector<1x8x128xi32>
      %reduce_min3A_107 = arith.constant dense<2147483647> : vector<1xi32>
      %reduce_min3A_108 = vector.multi_reduction <minsi>, %reduce_min3A, %reduce_min3A_107 [1, 2] : vector<1x8x128xi32> to vector<1xi32>
      %reduce_min3A_109 = vector.shape_cast %reduce_min3A_108 : vector<1xi32> to vector<1x1x1xi32>
      %reduce_min3A_110 = vector.extract %reduce_min3A_109[0, 0, 0] : i32 from vector<1x1x1xi32>
      %eq3A_111 = vector.broadcast %reduce_min3A_110 : i32 to vector<8x128xi32>
      %eq3A_112 = arith.cmpi eq, %add3A, %eq3A_111 : vector<8x128xi32>
      %lt3A_113 = arith.cmpi slt, %reduce_min3A_110, %get3A_2 : i32
      %get3A_114 = arith.constant 0 : index
      %get3A_115 = arith.index_cast %reduce_min3A_110 : i32 to index
      %get3A_116 = memref.load %arg6[%get3A_114, %get3A_115] : memref<2x1024xf32, #tpu.memory_space<smem>>
      %get3A_117 = arith.constant 1 : index
      %get3A_118 = arith.index_cast %reduce_min3A_110 : i32 to index
      %get3A_119 = memref.load %arg6[%get3A_117, %get3A_118] : memref<2x1024xf32, #tpu.memory_space<smem>>
      %select_n3A_120 = arith.select %lt3A_113, %get3A_116, %get3A_119 : f32
      %get3A_121 = arith.constant 0 : index
      %get3A_122 = arith.index_cast %reduce_min3A_110 : i32 to index
      %get3A_123 = memref.load %arg7[%get3A_121, %get3A_122] : memref<2x1024xf32, #tpu.memory_space<smem>>
      %get3A_124 = arith.constant 1 : index
      %get3A_125 = arith.index_cast %reduce_min3A_110 : i32 to index
      %get3A_126 = memref.load %arg7[%get3A_124, %get3A_125] : memref<2x1024xf32, #tpu.memory_space<smem>>
      %select_n3A_127 = arith.select %lt3A_113, %get3A_123, %get3A_126 : f32
      %get3A_128 = arith.constant 0 : index
      %get3A_129 = arith.index_cast %reduce_min3A_110 : i32 to index
      %get3A_130 = memref.load %arg8[%get3A_128, %get3A_129] : memref<2x1024xf32, #tpu.memory_space<smem>>
      %get3A_131 = arith.constant 1 : index
      %get3A_132 = arith.index_cast %reduce_min3A_110 : i32 to index
      %get3A_133 = memref.load %arg8[%get3A_131, %get3A_132] : memref<2x1024xf32, #tpu.memory_space<smem>>
      %select_n3A_134 = arith.select %lt3A_113, %get3A_130, %get3A_133 : f32
      %get3A_135 = arith.constant 0 : index
      %get3A_136 = arith.index_cast %reduce_min3A_110 : i32 to index
      %get3A_137 = memref.load %arg9[%get3A_135, %get3A_136] : memref<2x1024xf32, #tpu.memory_space<smem>>
      %get3A_138 = arith.constant 1 : index
      %get3A_139 = arith.index_cast %reduce_min3A_110 : i32 to index
      %get3A_140 = memref.load %arg9[%get3A_138, %get3A_139] : memref<2x1024xf32, #tpu.memory_space<smem>>
      %select_n3A_141 = arith.select %lt3A_113, %get3A_137, %get3A_140 : f32
      %get3A_142 = arith.constant 0 : index
      %get3A_143 = arith.index_cast %reduce_min3A_110 : i32 to index
      %get3A_144 = memref.load %arg10[%get3A_142, %get3A_143] : memref<2x1024xi32, #tpu.memory_space<smem>>
      %get3A_145 = arith.constant 1 : index
      %get3A_146 = arith.index_cast %reduce_min3A_110 : i32 to index
      %get3A_147 = memref.load %arg10[%get3A_145, %get3A_146] : memref<2x1024xi32, #tpu.memory_space<smem>>
      %select_n3A_148 = arith.select %lt3A_113, %get3A_144, %get3A_147 : i32
      %convert_element_type3A_149 = arith.sitofp %select_n3A_148 : i32 to f32
      %mul3A_150 = arith.constant 4.096000e+03 : f32
      %mul3A_151 = arith.mulf %convert_element_type3A_149, %mul3A_150 : f32
      %add3A_152 = arith.addf %select_n3A_120, %mul3A_151 : f32
      %add3A_153 = arith.addf %select_n3A_127, %mul3A_151 : f32
      %add3A_154 = arith.addf %select_n3A_134, %mul3A_151 : f32
      %add3A_155 = arith.addf %select_n3A_141, %mul3A_151 : f32
      %sub3A_156 = arith.subf %add3A_154, %add3A_152 : f32
      %sub3A_157 = arith.subf %add3A_155, %add3A_153 : f32
      %mul3A_158 = arith.mulf %sub3A_156, %sub3A_157 : f32
      %max3A = vector.broadcast %add3A_152 : f32 to vector<8x128xf32>
      %max3A_159 = arith.maximumf %max3A, %add3A_78 : vector<8x128xf32>
      %max3A_160 = vector.broadcast %add3A_153 : f32 to vector<8x128xf32>
      %max3A_161 = arith.maximumf %max3A_160, %add3A_79 : vector<8x128xf32>
      %min3A = vector.broadcast %add3A_154 : f32 to vector<8x128xf32>
      %min3A_162 = arith.minimumf %min3A, %add3A_80 : vector<8x128xf32>
      %min3A_163 = vector.broadcast %add3A_155 : f32 to vector<8x128xf32>
      %min3A_164 = arith.minimumf %min3A_163, %add3A_81 : vector<8x128xf32>
      %sub3A_165 = arith.subf %min3A_162, %max3A_159 : vector<8x128xf32>
      %max3A_166 = arith.constant 0.000000e+00 : f32
      %max3A_167 = vector.broadcast %max3A_166 : f32 to vector<8x128xf32>
      %max3A_168 = arith.maximumf %sub3A_165, %max3A_167 : vector<8x128xf32>
      %sub3A_169 = arith.subf %min3A_164, %max3A_161 : vector<8x128xf32>
      %max3A_170 = arith.constant 0.000000e+00 : f32
      %max3A_171 = vector.broadcast %max3A_170 : f32 to vector<8x128xf32>
      %max3A_172 = arith.maximumf %sub3A_169, %max3A_171 : vector<8x128xf32>
      %mul3A_173 = arith.mulf %max3A_168, %max3A_172 : vector<8x128xf32>
      %add3A_174 = vector.broadcast %mul3A_158 : f32 to vector<8x128xf32>
      %add3A_175 = arith.addf %add3A_174, %mul3A_83 : vector<8x128xf32>
      %sub3A_176 = arith.subf %add3A_175, %mul3A_173 : vector<8x128xf32>
      %add3A_177 = arith.constant 9.99999997E-7 : f32
      %add3A_178 = vector.broadcast %add3A_177 : f32 to vector<8x128xf32>
      %add3A_179 = arith.addf %sub3A_176, %add3A_178 : vector<8x128xf32>
      %div3A = arith.divf %mul3A_173, %add3A_179 : vector<8x128xf32>
      %ge3A = arith.constant 5.000000e-01 : f32
      %ge3A_180 = vector.broadcast %ge3A : f32 to vector<8x128xf32>
      %ge3A_181 = arith.cmpf oge, %div3A, %ge3A_180 : vector<8x128xf32>
      %broadcast_in_dim3A_182 = vector.broadcast %scan3A : f32 to vector<8x128xf32>
      %select_n3A_183 = arith.select %ge3A_181, %broadcast_in_dim3A_182, %scan3A_97 : vector<8x128xi1>, vector<8x128xf32>
      %broadcast_in_dim3A_184 = vector.broadcast %scan3A : f32 to vector<8x128xf32>
      %select_n3A_185 = arith.select %eq3A_112, %broadcast_in_dim3A_184, %select_n3A_183 : vector<8x128xi1>, vector<8x128xf32>
      %gt3A = arith.cmpf ogt, %reduce_max3A_102, %scan3A : f32
      %jit3A_186 = arith.constant 0.000000e+00 : f32
      %select_n3A_187 = arith.select %gt3A, %select_n3A_120, %jit3A_186 : f32
      %jit3A_188 = arith.constant 0.000000e+00 : f32
      %select_n3A_189 = arith.select %gt3A, %select_n3A_127, %jit3A_188 : f32
      %jit3A_190 = arith.constant 0.000000e+00 : f32
      %select_n3A_191 = arith.select %gt3A, %select_n3A_134, %jit3A_190 : f32
      %jit3A_192 = arith.constant 0.000000e+00 : f32
      %select_n3A_193 = arith.select %gt3A, %select_n3A_141, %jit3A_192 : f32
      %jit3A_194 = arith.constant 0.000000e+00 : f32
      %select_n3A_195 = arith.select %gt3A, %reduce_max3A_102, %jit3A_194 : f32
      %jit3A_196 = arith.constant -1.000000e+00 : f32
      %select_n3A_197 = arith.select %gt3A, %convert_element_type3A_149, %jit3A_196 : f32
      %eq3A_198 = arith.constant 0 : i32
      %eq3A_199 = vector.broadcast %eq3A_198 : i32 to vector<8x128xi32>
      %eq3A_200 = arith.cmpi eq, %iota3A_84, %eq3A_199 : vector<8x128xi32>
      %eq3A_201 = arith.constant 1 : i32
      %eq3A_202 = vector.broadcast %eq3A_201 : i32 to vector<8x128xi32>
      %eq3A_203 = arith.cmpi eq, %iota3A_84, %eq3A_202 : vector<8x128xi32>
      %eq3A_204 = arith.constant 2 : i32
      %eq3A_205 = vector.broadcast %eq3A_204 : i32 to vector<8x128xi32>
      %eq3A_206 = arith.cmpi eq, %iota3A_84, %eq3A_205 : vector<8x128xi32>
      %eq3A_207 = arith.constant 3 : i32
      %eq3A_208 = vector.broadcast %eq3A_207 : i32 to vector<8x128xi32>
      %eq3A_209 = arith.cmpi eq, %iota3A_84, %eq3A_208 : vector<8x128xi32>
      %eq3A_210 = arith.constant 4 : i32
      %eq3A_211 = vector.broadcast %eq3A_210 : i32 to vector<8x128xi32>
      %eq3A_212 = arith.cmpi eq, %iota3A_84, %eq3A_211 : vector<8x128xi32>
      %broadcast_in_dim3A_213 = vector.broadcast %select_n3A_195 : f32 to vector<8x128xf32>
      %broadcast_in_dim3A_214 = vector.broadcast %select_n3A_197 : f32 to vector<8x128xf32>
      %select_n3A_215 = arith.select %eq3A_212, %broadcast_in_dim3A_213, %broadcast_in_dim3A_214 : vector<8x128xi1>, vector<8x128xf32>
      %broadcast_in_dim3A_216 = vector.broadcast %select_n3A_193 : f32 to vector<8x128xf32>
      %select_n3A_217 = arith.select %eq3A_209, %broadcast_in_dim3A_216, %select_n3A_215 : vector<8x128xi1>, vector<8x128xf32>
      %broadcast_in_dim3A_218 = vector.broadcast %select_n3A_191 : f32 to vector<8x128xf32>
      %select_n3A_219 = arith.select %eq3A_206, %broadcast_in_dim3A_218, %select_n3A_217 : vector<8x128xi1>, vector<8x128xf32>
      %broadcast_in_dim3A_220 = vector.broadcast %select_n3A_189 : f32 to vector<8x128xf32>
      %select_n3A_221 = arith.select %eq3A_203, %broadcast_in_dim3A_220, %select_n3A_219 : vector<8x128xi1>, vector<8x128xf32>
      %broadcast_in_dim3A_222 = vector.broadcast %select_n3A_187 : f32 to vector<8x128xf32>
      %select_n3A_223 = arith.select %eq3A_200, %broadcast_in_dim3A_222, %select_n3A_221 : vector<8x128xi1>, vector<8x128xf32>
      %eq3A_224 = vector.broadcast %scan3A_96 : i32 to vector<8x128xi32>
      %eq3A_225 = arith.cmpi eq, %iota3A_85, %eq3A_224 : vector<8x128xi32>
      %select_n3A_226 = arith.select %eq3A_225, %select_n3A_223, %scan3A_98 : vector<8x128xi1>, vector<8x128xf32>
      scf.yield %select_n3A_185, %select_n3A_226 : vector<8x128xf32>, vector<8x128xf32>
    }
    %scan3A_93 = arith.constant 100 : i32
    %swap3A = arith.constant 0 : index
    %swap3A_94 = arith.constant 0 : index
    %swap3A_95 = vector.load %arg12[%swap3A, %swap3A_94] : memref<8x128xf32, #tpu.memory_space<vmem>>, vector<8x128xf32>
    tpu.vector_store %arg12[%swap3A, %swap3A_94], %scan3A_92#1 {strides = array<i32>} : memref<8x128xf32, #tpu.memory_space<vmem>>, vector<8x128xf32>,
    return
  }
}

</mosaic_0001>

<sc_bundles>
// kernel: kernel.5.cloned.1.call-start
scs
__scs_entry_jumppad:
0x0: {  	(pc) =	sbr.rel $0x88, $3  }
0x1: {  	(tag) =	ssettag $0x0;
	lr =	simm.s32 $0x1  }
0x2: {  	[smem:$0x3F9F] =	sst lr;
	_ =	strace $0xD0000000  }
0x3: {  	_ = 	snop  }
0x4: {  	_ = 	snop  }
0x5: {  	_ = 	snop  }
0x6: {  	_ = 	snop  }
0x7: {  	_ = 	snop  }
__scs_overlays_trampoline_lowered:
0x8: {  	[smem:$0x3FAE] =	sst s0  }
0x9: {  	[smem:$0x3FAF] =	sst s1  }
0xa: {  	[smem:$0x3FB0] =	sst s2  }
0xb: {  	[smem:$0x3FB1] =	sst s3  }
0xc: {  	[smem:$0x3FB2] =	sst s4  }
0xd: {  	[smem:$0x3FB3] =	sst s5  }
0xe: {  	[smem:$0x3FB4] =	sst s6  }
0xf: {  	[smem:$0x3FB5] =	sst s7  }
0x10: {  	[smem:$0x3FB6] =	sst s8  }
0x11: {  	[smem:$0x3FB7] =	sst s9;
	s0 =	simm.s32 @!p0 $0x0  }
0x12: {  	s1 =	sld [smem:$0x3F9D];
	s0 =	simm.s32 @p0 $0x1  }
0x13: {  	[smem:$0x3FB8] =	sst s0;
	s0 =	simm.s32 @!p1 $0x0  }
0x14: {  	s2 =	sld [smem:$0x3F9C];
	s0 =	simm.s32 @p1 $0x1  }
0x15: {  	[smem:$0x3FB9] =	sst s0;
	s0 =	simm.s32 @!p2 $0x0  }
0x16: {  	s3 =	sld [smem:$0x3FDB];
	s0 =	simm.s32 @p2 $0x1  }
0x17: {  	s4 =	simm.s32 $0x1BF5;
	[smem:$0x3FBB] =	sst s0  }
0x18: {  	s0 =	sld [smem:$0x3F9E];
	_ =	swait.ge [sflag:s4], $0x0  }
0x19: {  	s7 =	sld [smem:$0x3F9F]  }
0x1a: {  	s8 =	sadd.s32 $0xFFFFE003, lr  }
0x1b: {  	s9 =	sadd.s32 $0xFFFFFEF7, lr;
	s5 =	simm.s32 $0xFFFFFFFF;
	p2 =	slt.u32 s8, $0xFFFFF086  }
0x1c: {  	p1 =	slt.u32 s9, $0xF7A;
	s5 =	simm.s32 @!p2 $0x0  }
0x1d: {  	s5 =	simm.s32 @p1 $0x1;
	p0 =	seq.s32 s7, s2  }
0x1e: {  	s7 =	smul.u32 @!p0 $0xF7A, s2;
	p2 =	seq.s32 @!p0 s5, $0x0  }
0x1f: {  	s9 =	smul.u32 $0xF7A, s1;
	s8 =	simm.s32 @!p0 $0x1BF5;
	p2 =	por !p2, p0  }
0x20: {  	[sflag:s8] =	ssyncset.s32 @!p0 $0xFFFFF086;
	s6 =	sadd.s32 @!p0 s3, s7;
	s7 =	simm.s32 @!p0 $0x108  }
0x21: {  	s3 =	sadd.s32 s3, s9;
	s6 =	sadd.s32 @!p0 $0x88, s6;
	s7 =	simm.s32 @p2 $0x1082  }
0x22: {  	[simem:s7], [sflag:s8] =	dma.local @!p0 [hbm:s6], $0xF7A  }
0x23: {  	s9 =	sor.u32 $0xD0000000, s2;
	s6 =	simm.s32 $0x108;
	_ =	swait.ge @!p0 [sflag:s8], $0x0  }
0x24: {  	s3 =	sadd.s32 $0x88, s3;
	s6 =	simm.s32 @!p1 $0x1082;
	[sflag:s4] =	ssyncset.s32 $0xFFFFF086  }
0x25: {  	[simem:s6], [sflag:s4] =	dma.local [hbm:s3], $0xF7A  }
0x26: {  	[smem:$0x3F9F] =	sst s1;
	(tag) =	ssettag s2;
	_ =	strace s9  }
0x27: {  	s1 =	sld [smem:$0x3FAF]  }
0x28: {  	s2 =	sld [smem:$0x3FB0]  }
0x29: {  	s4 =	sld [smem:$0x3FB2]  }
0x2a: {  	p0 =	seq.s32 s5, $0x0;
	s5 =	sld [smem:$0x3FB3]  }
0x2b: {  	s6 =	sld [smem:$0x3FB4]  }
0x2c: {  	s7 =	sld [smem:$0x3FB5]  }
0x2d: {  	s3 =	simm.s32 $0x108;
	s8 =	sld [smem:$0x3FB6]  }
0x2e: {  	s3 =	simm.s32 @!p0 $0x1082;
	s9 =	sld [smem:$0x3FB7]  }
0x2f: {  	lr =	sadd.s32 s0, s3;
	s0 =	sld [smem:$0x3FAE]  }
0x30: {  	s3 =	sld [smem:$0x3FB1]  }
0x31: {  	[smem:$0x3FBA] =	sst s10  }
0x32: {  	s10 =	sld [smem:$0x3FB8];
	_ =	sdelay $0x3  }
0x33: {  	p0 =	seq.s32 s10, $0x1;
	s10 =	sld [smem:$0x3FBA];
	_ =	sdelay $0x3  }
0x34: {  	[smem:$0x3FBA] =	sst s10  }
0x35: {  	s10 =	sld [smem:$0x3FB9];
	_ =	sdelay $0x3  }
0x36: {  	p1 =	seq.s32 s10, $0x1;
	s10 =	sld [smem:$0x3FBA];
	_ =	sdelay $0x3  }
0x37: {  	[smem:$0x3FBA] =	sst s10  }
0x38: {  	s10 =	sld [smem:$0x3FBB]  }
0x39: {  	_ = 	snop;
	(pc) =	sbr.ind lr, $3  }
0x3a: {  	_ = 	snop  }
0x3b: {  	_ = 	snop  }
0x3c: {  	p2 =	seq.s32 s10, $0x1;
	s10 =	sld [smem:$0x3FBA]  }
0x3d: {  	_ =	shalt  }
0x3e: {  	_ =	shalt  }
0x3f: {  	_ =	shalt  }
0x40: {  	_ =	shalt  }
0x41: {  	_ =	shalt  }
0x42: {  	_ =	shalt  }
0x43: {  	_ =	shalt  }
0x44: {  	_ =	shalt  }
0x45: {  	_ =	shalt  }
0x46: {  	_ =	shalt  }
0x47: {  	_ =	shalt  }
0x48: {  	_ =	shalt  }
0x49: {  	_ =	shalt  }
0x4a: {  	_ =	shalt  }
0x4b: {  	_ =	shalt  }
0x4c: {  	_ =	shalt  }
0x4d: {  	_ =	shalt  }
0x4e: {  	_ =	shalt  }
0x4f: {  	_ =	shalt  }
0x50: {  	_ =	shalt  }
0x51: {  	_ =	shalt  }
0x52: {  	_ =	shalt  }
0x53: {  	_ =	shalt  }
0x54: {  	_ =	shalt  }
0x55: {  	_ =	shalt  }
0x56: {  	_ =	shalt  }
0x57: {  	_ =	shalt  }
0x58: {  	_ =	shalt  }
0x59: {  	_ =	shalt  }
0x5a: {  	_ =	shalt  }
0x5b: {  	_ =	shalt  }
0x5c: {  	_ =	shalt  }
0x5d: {  	_ =	shalt  }
0x5e: {  	_ =	shalt  }
0x5f: {  	_ =	shalt  }
0x60: {  	_ =	shalt  }
0x61: {  	_ =	shalt  }
0x62: {  	_ =	shalt  }
0x63: {  	_ =	shalt  }
0x64: {  	_ =	shalt  }
0x65: {  	_ =	shalt  }
0x66: {  	_ =	shalt  }
0x67: {  	_ =	shalt  }
0x68: {  	_ =	shalt  }
0x69: {  	_ =	shalt  }
0x6a: {  	_ =	shalt  }
0x6b: {  	_ =	shalt  }
0x6c: {  	_ =	shalt  }
0x6d: {  	_ =	shalt  }
0x6e: {  	_ =	shalt  }
0x6f: {  	_ =	shalt  }
0x70: {  	_ =	shalt  }
0x71: {  	_ =	shalt  }
0x72: {  	_ =	shalt  }
0x73: {  	_ =	shalt  }
0x74: {  	_ =	shalt  }
0x75: {  	_ =	shalt  }
0x76: {  	_ =	shalt  }
0x77: {  	_ =	shalt  }
0x78: {  	_ =	shalt  }
0x79: {  	_ =	shalt  }
0x7a: {  	_ =	shalt  }
0x7b: {  	_ =	shalt  }
0x7c: {  	_ =	shalt  }
0x7d: {  	_ =	shalt  }
0x7e: {  	_ =	shalt  }
0x7f: {  	_ =	shalt  }
0x80: {  	_ =	shalt  }
0x81: {  	_ =	shalt  }
0x82: {  	_ =	shalt  }
0x83: {  	_ =	shalt  }
0x84: {  	_ =	shalt  }
0x85: {  	_ =	shalt  }
0x86: {  	_ =	shalt  }
0x87: {  	_ =	shalt  }
.Lfunc_end0:
.L_simem_size_0:
called_computation_lowered:
.L_overlay_start_0:
0x88: {  	s2 =	sld [smem:$0x3FD9]  }
0x89: {  	s3 =	sld [smem:$0x3FFE];
	_ =	sdelay $0x1  }
0x8a: {  	s1 =	srdreg.scid  }
0x8b: {  	s0 =	sand.u32 $0x1, s1  }
0x8c: {  	s14 =	sshll.u32 s0, $0xA;
	s2 =	sadd.s32 s3, s2  }
0x8d: {  	s2 =	sadd.s32 s2, s14  }
0x8e: {  	[smem:$0x3FC6] =	sst s2  }
0x8f: {  	_ = 	snop  }
0x90: {  	s2 =	sld [smem:$0x3FD0];
	_ =	sdelay $0x2  }
0x91: {  	s15 =	simm.s32 $0xA;
	s4 =	simm.s32 $0x10  }
0x92: {  	[smem:s4], [sflag:s15] =	dma.local [hbm:s2], $0x1  }
0x93: {  	_ =	swait.eq [sflag:s15], $0x1  }
0x94: {  	[sflag:s15] =	ssyncset.done $0x0  }
0x95: {  	[sflag:s15] =	ssyncadd.s32 $0xFFFFFFFF  }
0x96: {  	s16 =	sld [smem:$0x11];
	(tm) =	ssettm $0x1  }
0x97: {  	s17 =	sld [smem:$0x3FFB];
	_ =	sdelay $0x3  }
0x98: {  	_ =	strace s17  }
0x99: {  	s3 =	sld [smem:$0x3FFC];
	_ =	sdelay $0x3  }
0x9a: {  	_ =	strace s3  }
0x9b: {  	s3 =	sld [smem:$0x3FFD];
	_ =	sdelay $0x3  }
0x9c: {  	_ =	strace s3  }
0x9d: {  	_ =	strace $0x8FFFFFFF  }
0x9e: {  	s18 =	sld [smem:$0x3FDB];
	_ =	sdelay $0x1  }
0x9f: {  	s19 =	simm.s32 $_scs_section_size  }
0xa0: {  	s5 =	simm.s32 $_size__tile_overlayer_lowered;
	s6 =	simm.s32 $_tile_overlayer_lowered  }
0xa1: {  	s22 =	simm.s32 $0x1BFF;
	s21 =	sshll.u32 s6, $0x1;
	s3 =	sadd.s32 s19, s18  }
0xa2: {  	s7 =	simm.s32 $0x0;
	s20 =	sshll.u32 s5, $0x1;
	s5 =	sadd.s32 s21, s3  }
0xa3: {  	[timem:s7], [sflag:s22] =	dma.local [hbm:s5], s20  }
0xa4: {  	_ =	swait.ge [sflag:s22], s20  }
0xa5: {  	s4 =	ssub.s32 $0x0, s20;
	[sflag:s22] =	ssyncset.done $0x0  }
0xa6: {  	[sflag:s22] =	ssyncadd.s32 s4;
	_ =	sdelay $0x1  }
0xa7: {  	s23 =	simm.s32 $0x1B8B  }
0xa8: {  	_ =	swait.ge [sflag:s23], $0x1  }
0xa9: {  	[sflag:s23] =	ssyncset.done $0x0  }
0xaa: {  	s25 =	simm.s32 $0x1B8E;
	s24 =	sld [smem:$0x3FFE];
	[sflag:s23] =	ssyncadd.s32 $0xFFFFFFFF  }
0xab: {  	s26 =	simm.s32 $execute0_lowered;
	[smem:$0x3FD2] =	sst s25  }
0xac: {  	s5 =	sshll.u32 s26, $0x1;
	_ =	strace $0x80000046;
	[dreg:$0x1] =	wrdreg $0xFFFFFFFF  }
0xad: {  	s28 =	simm.s32 $_size_execute0_lowered;
	s3 =	sadd.s32 s3, s5;
	[dreg:$0x0] =	wrdreg $0x0  }
0xae: {  	s5 =	sshll.u32 s28, $0x1;
	[dreg:$0x2] =	wrdreg s3  }
0xaf: {  	[dreg:$0x3] =	wrdreg s5  }
0xb0: {  	[dreg:$0x4] =	wrdreg $0xC0  }
0xb1: {  	_ =	task [dreg:s7], $0x5FFFF  }
0xb2: {  	[dreg:$0x1] =	wrdreg $0xFFFFFFFF  }
0xb3: {  	[dreg:$0x0] =	wrdreg $0x60  }
0xb4: {  	[dreg:$0x2] =	wrdreg s24  }
0xb5: {  	[dreg:$0x3] =	wrdreg s16  }
0xb6: {  	[dreg:$0x4] =	wrdreg $0x13800  }
0xb7: {  	[dreg:$0x5] =	wrdreg $0x14000  }
0xb8: {  	[dreg:$0x6] =	wrdreg $0x14800  }
0xb9: {  	[dreg:$0x7] =	wrdreg $0x15000  }
0xba: {  	[dreg:$0x8] =	wrdreg $0x15800  }
0xbb: {  	[dreg:$0x9] =	wrdreg $0x16000  }
0xbc: {  	[dreg:$0xa] =	wrdreg $0x9  }
0xbd: {  	_ =	task.clear_ibuf [dreg:s7], $0xBFFFF;
	_ =	strace $0x90000046  }
0xbe: {  	s29 =	simm.s32 $0x9;
	_ =	strace $0x80000048  }
0xbf: {  	_ =	swait.ge [sflag:s29], $0x1  }
0xc0: {  	[sflag:s29] =	ssyncadd.s32 $0xFFFFFFFF  }
0xc1: {  	_ =	strace $0x90000048  }
0xc2: {  	_ =	sfence  }
0xc3: {  	s30 =	sld [smem:$0x0];
	_ =	sdelay $0x2  }
0xc4: {  	s31 =	sshll.u32 s1, $0xD;
	s1 =	sshrl.u32 s1, $0x2  }
0xc5: {  	s3 =	sand.u32 $0x4000, s31;
	s1 =	sadd.s32 s1, s30  }
0xc6: {  	s0 =	sor.u32 s3, s0;
	s1 =	sshll.u32 s1, $0x11  }
0xc7: {  	s0 =	sor.u32 s1, s0  }
0xc8: {  	s0 =	sadd.s32 $0x8F2B, s0  }
0xc9: {  	[sflag:s0] =	ssyncadd.remote.s32 $0x1  }
0xca: {  	_ =	sfence.sel $0xFFFF  }
0xcb: {  	[dreg:$0x0] =	wrdreg $0xFFFFFFFF;
	(pc) =	sbr.abs _section_cstart, $3  }
0xcc: {  	[dreg:$0x1] =	wrdreg $0xFFFFFFFF  }
0xcd: {  	_ =	task.clear_ibuf [dreg:s7], $0x2FFFF;
	_ =	strace $0x9FFFFFFF  }
0xce: {  	(tm) =	ssettm $0x7FFFFFFF  }
0xcf: {  	_ =	shalt  }
tec
execute0_lowered:
.L_overlay_start_1:
0x0: {  	(tag) =	ssettag $0x1  }
0x1: {  	s0 =	srdreg.scid  }
0x2: {  	s3 =	rddreg [dreg:$0x0];
	s6 =	sand.u32 $0x1, s0  }
0x3: {  	s1 =	rddreg [dreg:$0x2];
	s13 =	stileid.u32;
	s10 =	sshll.u32 s6, $0x4  }
0x4: {  	s2 =	rddreg [dreg:$0x3];
	s16 =	sor.u32 s13, s10  }
0x5: {  	s4 =	rddreg [dreg:$0x4];
	s0 =	smul.u32 $0x280, s16  }
0x6: {  	s5 =	rddreg [dreg:$0x5]  }
0x7: {  	s7 =	rddreg [dreg:$0x6];
	s11 =	sshrl.u32 s0, $0x3  }
0x8: {  	s8 =	rddreg [dreg:$0x7];
	s9 =	simm.s32 $0x0;
	s15 =	sadd.s32 s11, s3  }
0x9: {  	[smem:$0x7FF] =	sst s9;
	s18 =	sadd.s32 $0x4000, s15  }
0xa: {  	_ =	strace $0x80000047;
	s19 =	sadd.s32 $0x2200, s15;
	[dreg:$0x9] =	wrdreg s18  }
0xb: {  	s20 =	sadd.s32 $0x2C00, s15;
	[dreg:$0xa] =	wrdreg s19  }
0xc: {  	s21 =	sadd.s32 $0x3600, s15;
	[dreg:$0xb] =	wrdreg s20  }
0xd: {  	s22 =	sadd.s32 $0x4A00, s15;
	[dreg:$0xc] =	wrdreg s21  }
0xe: {  	s3 =	sadd.s32 s10, s3;
	s23 =	sadd.s32 $0x5400, s15;
	[dreg:$0xd] =	wrdreg s22  }
0xf: {  	s24 =	sadd.s32 $0x6800, s3;
	[dreg:$0xe] =	wrdreg s23  }
0x10: {  	s12 =	ssub.s32 $0x2, s6;
	s26 =	sadd.s32 $0x6200, s3;
	[dreg:$0xf] =	wrdreg s24  }
0x11: {  	s17 =	sshrl.u32 s12, $0x1;
	s11 =	sadd.s32 $0x6000, s3;
	[dreg:$0x10] =	wrdreg s26  }
0x12: {  	s17 =	ssub.s32 s12, s17;
	s12 =	sadd.s32 $0x6600, s3;
	[dreg:$0x11] =	wrdreg s11  }
0x13: {  	s14 =	sadd.s32 $0x6400, s3;
	[dreg:$0x12] =	wrdreg s12  }
0x14: {  	s3 =	sadd.s32 $0x5E00, s3;
	[dreg:$0x13] =	wrdreg s14  }
0x15: {  	s15 =	sadd.s32 $0xE0, s0;
	[dreg:$0x14] =	wrdreg s3  }
0x16: {  	[smem:$0x7F5] =	sst s15;
	s22 =	sadd.s32 $0xF0, s0  }
0x17: {  	s26 =	sadd.s32 $0x100, s0;
	[smem:$0x7F6] =	sst s22  }
0x18: {  	s11 =	sadd.s32 $0x110, s0;
	[smem:$0x7F7] =	sst s26  }
0x19: {  	s12 =	sadd.s32 $0x120, s0;
	[smem:$0x7F8] =	sst s11  }
0x1a: {  	p0 =	seq.s32 s6, $0x0;
	s14 =	sadd.s32 $0x130, s0;
	[smem:$0x7F9] =	sst s12  }
0x1b: {  	s3 =	simm.s32 $0xF10;
	s15 =	sadd.s32 $0x140, s0;
	[smem:$0x7FA] =	sst s14  }
0x1c: {  	s3 =	simm.s32 @!p0 $0xF20;
	[smem:$0x7FB] =	sst s15  }
0x1d: {  	s22 =	sadd.s32 $0x150, s0;
	[dreg:$0x15] =	wrdreg s3  }
0x1e: {  	s26 =	sadd.s32 $0x160, s0;
	[smem:$0x7FC] =	sst s22  }
0x1f: {  	s11 =	sadd.s32 $0x170, s0;
	[dreg:$0x1e] =	wrdreg s26  }
0x20: {  	p3 =	seq.s32 s13, $0x2;
	s12 =	sadd.s32 $0x180, s0;
	[dreg:$0x1f] =	wrdreg s11  }
0x21: {  	s16 =	sshll.u32 s16, $0x4;
	s14 =	sadd.s32 $0x190, s0;
	[smem:$0x7FD] =	sst s12  }
0x22: {  	s15 =	sadd.s32 $0x1A0, s0;
	s3 =	simm.s32 @!p3 $0x0;
	[dreg:$0x1b] =	wrdreg s14  }
0x23: {  	v0 =	vlaneseq.u32;
	s25 =	sor.u32 $0x400, s16;
	[dreg:$0x1c] =	wrdreg s15;
	s3 =	simm.s32 @p3 $0x1  }
0x24: {  	s6 =	sor.u32 $0x20, s0;
	v1 =	vor.u32 s0, v0;
	[smem:$0x7F4] =	sst s3;
	s3 =	sor.u32 $0x10, s0  }
0x25: {  	s28 =	sor.u32 $0x40, s0;
	[tilespmem:$0x1FE80] =	vst v1;
	v1 =	vmov s25;
	s22 =	sadd.s32 $0x1B0, s0;
	s25 =	sld [smem:$0x7FA];
	v2 =	vor.u32 s3, v0  }
0x26: {  	s24 =	sor.u32 $0x30, s0;
	s26 =	sadd.s32 $0x1C0, s0;
	[dreg:$0x1d] =	wrdreg s22;
	[tilespmem:$0x1FE90] =	vst v2;
	v2 =	vor.u32 s6, v0  }
0x27: {  	s29 =	sor.u32 $0x50, s0;
	s11 =	sadd.s32 $0x1D0, s0;
	[dreg:$0x18] =	wrdreg s26;
	[tilespmem:$0x1FEA0] =	vst v2;
	v2 =	vor.u32 s24, v0  }
0x28: {  	s31 =	sor.u32 $0x60, s0;
	s12 =	sadd.s32 $0x1E0, s0;
	[dreg:$0x19] =	wrdreg s11;
	[tilespmem:$0x1FEB0] =	vst v2;
	v2 =	vor.u32 s28, v0  }
0x29: {  	s16 =	sor.u32 $0x70, s0;
	s14 =	sadd.s32 $0x200, s0;
	[dreg:$0x1a] =	wrdreg s12;
	[tilespmem:$0x1FEC0] =	vst v2;
	v2 =	vor.u32 s29, v0  }
0x2a: {  	s23 =	smax.u32 s17, $0x1;
	s15 =	sadd.s32 $0x210, s0;
	[dreg:$0x16] =	wrdreg s14;
	[tilespmem:$0x1FED0] =	vst v2;
	v2 =	vor.u32 s31, v0  }
0x2b: {  	s17 =	sadd.s32 $0x80, s0;
	s26 =	sadd.s32 $0x1F0, s0;
	[dreg:$0x17] =	wrdreg s15;
	[tilespmem:$0x1FEE0] =	vst v2;
	v2 =	vor.u32 s16, v0  }
0x2c: {  	s18 =	sadd.s32 $0x90, s0;
	v32 =	vor.u32 s26, v0;
	s26 =	rddreg [dreg:$0x17];
	[tilespmem:$0x1FEF0] =	vst v2;
	v2 =	vor.u32 s17, v0  }
0x2d: {  	s19 =	sadd.s32 $0xA0, s0;
	s24 =	sld [smem:$0x7F9];
	[tilespmem:$0x1FF00] =	vst v2;
	v2 =	vor.u32 s18, v0  }
0x2e: {  	s20 =	sadd.s32 $0xB0, s0;
	s18 =	sld [smem:$0x7F5];
	[tilespmem:$0x1FF10] =	vst v2;
	v2 =	vor.u32 s19, v0  }
0x2f: {  	s21 =	sadd.s32 $0xC0, s0;
	s19 =	sld [smem:$0x7F6];
	[tilespmem:$0x1FF20] =	vst v2;
	v2 =	vor.u32 s20, v0  }
0x30: {  	s30 =	sadd.s32 $0xD0, s0;
	s20 =	sld [smem:$0x7F7];
	[tilespmem:$0x1FF30] =	vst v2;
	v2 =	vor.u32 s21, v0  }
0x31: {  	s21 =	sld [smem:$0x7F8];
	[tilespmem:$0x1FF40] =	vst v2;
	v2 =	vor.u32 s30, v0  }
0x32: {  	[tilespmem:$0x1FF50] =	vst v2;
	v2 =	vor.u32 s18, v0;
	s18 =	sld [smem:$0x7FB]  }
0x33: {  	[tilespmem:$0x1FF60] =	vst v2;
	v2 =	vor.u32 s19, v0;
	s19 =	sld [smem:$0x7FC]  }
0x34: {  	[tilespmem:$0x1FF70] =	vst v2;
	v2 =	vor.u32 s20, v0;
	s20 =	rddreg [dreg:$0x1e]  }
0x35: {  	[tilespmem:$0x1FF80] =	vst v2;
	v2 =	vor.u32 s21, v0;
	s21 =	rddreg [dreg:$0x1f]  }
0x36: {  	s10 =	sadd.s32 $0x270, s0;
	v23 =	vor.u32 s20, v0;
	s20 =	rddreg [dreg:$0x18]  }
0x37: {  	v40 =	vor.u32 s10, v0;
	s14 =	sadd.s32 $0x220, s0;
	s15 =	sadd.s32 $0x230, s0;
	[tilespmem:$0x1FF90] =	vst v2;
	v2 =	vor.u32 s24, v0;
	s24 =	sld [smem:$0x7FD]  }
0x38: {  	s22 =	sadd.s32 $0x240, s0;
	s11 =	sadd.s32 $0x250, s0;
	v35 =	vor.u32 s14, v0;
	v36 =	vor.u32 s15, v0;
	v24 =	vor.u32 s21, v0;
	s21 =	rddreg [dreg:$0x19]  }
0x39: {  	s12 =	sadd.s32 $0x260, s0;
	v37 =	vor.u32 s22, v0;
	v38 =	vor.u32 s11, v0;
	[tilespmem:$0x1FFA0] =	vst v2;
	v2 =	vor.u32 s25, v0;
	s25 =	rddreg [dreg:$0x1b]  }
0x3a: {  	v39 =	vor.u32 s12, v0;
	v34 =	vor.u32 s26, v0;
	[tilespmem:$0x1FFB0] =	vst v2;
	v2 =	vor.u32 s18, v0;
	s18 =	rddreg [dreg:$0x1c]  }
0x3b: {  	v29 =	vor.u32 s20, v0;
	v30 =	vor.u32 s21, v0;
	v26 =	vor.u32 s25, v0;
	s25 =	rddreg [dreg:$0x16]  }
0x3c: {  	p1 =	seq.s32 s13, $0x0;
	p2 =	seq.s32 s13, $0x1;
	[tilespmem:$0x1FFC0] =	vst v2;
	v2 =	vor.u32 s19, v0;
	v25 =	vor.u32 s24, v0;
	v27 =	vor.u32 s18, v0;
	s19 =	rddreg [dreg:$0x1d]  }
0x3d: {  	p4 =	seq.s32 s13, $0x3;
	p5 =	seq.s32 s13, $0x4;
	s24 =	rddreg [dreg:$0x1a];
	v33 =	vor.u32 s25, v0;
	[tilespmem:$0x1FFD0] =	vst v2;
	v28 =	vor.u32 s19, v0;
	v2 =	vmov s13  }
.Ltmp0:
0x3e: {  	p6 =	seq.s32 s13, $0x5;
	p0 =	sgt.s32 s13, $0x2;
	v31 =	vor.u32 s24, v0;
	vm0 =	veq.s32 v2, v0;
	v0 =	vimm.s32 $0x0;
	(pc) =	sbr.rel .LBB2_1-.Ltmp0, $4  }
0x3f: {  	s0 =	simm.s32 $0x1080;
	s22 =	simm.s32 $0xA00;
	s3 =	simm.s32 $0xF80;
	v0 =	vsel vm0, $0xFFFFFFFF, v0  }
0x40: {  	vm15 =	vmmov $0x1;
	s26 =	simm.s32 $0x280;
	s6 =	simm.s32 $0x80;
	s28 =	simm.s32 $0x500;
	[tilespmem:$0x1FFE0] =	vst v0;
	v0 =	vimm.s32 $0x0  }
0x41: {  	s29 =	simm.s32 $0x780;
	s31 =	simm.s32 $0x1;
	s16 =	simm.s32 $0x1000;
	v0 =	vsel vm15, $0xFFFFFFFF, v0  }
0x42: {  	v41 =	vimm.s32 $0x0;
	s30 =	simm.s32 $0x1100;
	s21 =	simm.s32 $0xC80;
	s18 =	simm.s32 $0x1180;
	[tilespmem:$0x1FFF0] =	vst v0  }
.LBB2_12:
0x43: {  	s10 =	sshrl.u32 s5, $0x3;
	s11 =	rddreg [dreg:$0x11]  }
0x44: {  	s12 =	simm.s32 $0x20;
	s13 =	simm.s32 $0x10;
	s14 =	simm.s32 $0x1CC2  }
0x45: {  	[hbm:s11@s12], [sflag:s14] =	dma.strided [spmem:s10@s13], $0x80, s31, $0x10   }
.LBB2_14:
0x46: {  	s10 =	simm.s32 $0x2  }
0x47: {  	_ =	swait.ge [sflag:s10], $0x80  }
0x48: {  	[sflag:s10] =	ssyncset.done $0x0  }
0x49: {  	[sflag:s10] =	ssyncadd.s32 $0xFFFFFF80  }
.LBB2_15:
0x4a: {  	s23 =	sadd.s32 $0xFFFFFFFF, s23  }
0x4b: {  	p3 =	sne.s32 s23, $0x0  }
.Ltmp1:
0x4c: {  	_ = 	snop;
	(pc) =	sbr.rel @!p3 .LBB2_16-.Ltmp1, $1  }
0x4d: {  	_ =	sdelay $0x3  }
.LBB2_1:
0x4e: {  	s10 =	rddreg [dreg:$0x9]  }
0x4f: {  	[tilespmem:s9], [sflag:$0x1] =	stream.linear.gather [hbm4b:s10+s9], $0x280, $0x38;
	[tilespmem:$0x1680] =	vst v63  }
0x50: {  	s15 =	rddreg [dreg:$0xa]  }
0x51: {  	[tilespmem:s26], [sflag:$0x1] =	stream.linear.gather [hbm4b:s15+s9], $0x280, $0x38;
	[tilespmem:$0x1680] =	vst v63  }
0x52: {  	s17 =	rddreg [dreg:$0xb]  }
0x53: {  	[tilespmem:s28], [sflag:$0x1] =	stream.linear.gather [hbm4b:s17+s9], $0x280, $0x38;
	[tilespmem:$0x1680] =	vst v63  }
0x54: {  	s19 =	rddreg [dreg:$0xc]  }
0x55: {  	[tilespmem:s29], [sflag:$0x1] =	stream.linear.gather [hbm4b:s19+s9], $0x280, $0x38;
	[tilespmem:$0x1680] =	vst v63  }
0x56: {  	s20 =	rddreg [dreg:$0xd]  }
0x57: {  	[tilespmem:s22], [sflag:$0x1] =	stream.linear.gather [hbm4b:s20+s9], $0x280, $0x38;
	[tilespmem:$0x1680] =	vst v63  }
0x58: {  	s24 =	rddreg [dreg:$0xe]  }
0x59: {  	[tilespmem:s21], [sflag:$0x1] =	stream.linear.gather [hbm4b:s24+s9], $0x280, $0x38;
	[tilespmem:$0x1680] =	vst v63  }
0x5a: {  	s25 =	rddreg [dreg:$0x1];
	s11 =	simm.s32 $0xF00  }
0x5b: {  	[tilespmem:s11], [sflag:$0x1] =	stream.linear.gather [hbm4b:s25+s9], $0x80, $0x38;
	[tilespmem:$0x1680] =	vst v63  }
0x5c: {  	_ =	swait.ge [sflag:s31], $0x280  }
0x5d: {  	[sflag:s31] =	ssyncset.done $0x0  }
0x5e: {  	[sflag:s31] =	ssyncadd.s32 $0xFFFFFD80  }
0x5f: {  	_ =	swait.ge [sflag:s31], $0x280  }
0x60: {  	[sflag:s31] =	ssyncset.done $0x0  }
0x61: {  	[sflag:s31] =	ssyncadd.s32 $0xFFFFFD80  }
0x62: {  	_ =	swait.ge [sflag:s31], $0x280  }
0x63: {  	[sflag:s31] =	ssyncset.done $0x0  }
0x64: {  	[sflag:s31] =	ssyncadd.s32 $0xFFFFFD80  }
0x65: {  	_ =	swait.ge [sflag:s31], $0x280  }
0x66: {  	[sflag:s31] =	ssyncset.done $0x0  }
0x67: {  	[sflag:s31] =	ssyncadd.s32 $0xFFFFFD80  }
0x68: {  	_ =	swait.ge [sflag:s31], $0x280  }
0x69: {  	[sflag:s31] =	ssyncset.done $0x0  }
0x6a: {  	[sflag:s31] =	ssyncadd.s32 $0xFFFFFD80  }
0x6b: {  	_ =	swait.ge [sflag:s31], $0x280  }
0x6c: {  	[sflag:s31] =	ssyncset.done $0x0  }
0x6d: {  	[sflag:s31] =	ssyncadd.s32 $0xFFFFFD80  }
0x6e: {  	_ =	swait.ge [sflag:s31], $0x80  }
0x6f: {  	[sflag:s31] =	ssyncset.done $0x0  }
0x70: {  	v2 =	vld [tilespmem:$0x1FFF0];
	[sflag:s31] =	ssyncadd.s32 $0xFFFFFF80  }
0x71: {  	v0 =	vld [tilespmem:$0xF00];
	_ =	sdelay $0x3  }
0x72: {  	vm0 =	vnez.u8 v2  }
0x73: {  	v2 =	vnsel vm0, $0x0, v0  }
0x74: {  	(xrf0) =	vadd.scan.msk.s32 $0xffff, v2;
	_ =	sdelay $0x5  }
0x75: {  	s11 =	rddreg [dreg:$0x15];
	v12 =	vld [tilespmem:$0x1FE80];
	v2, _, _ =	vpop (xrf0)  }
0x76: {  	v3 =	vld [tilespmem:s11+$0x0];
	(v2sf) =	vpush v2, $0xF  }
0x77: {  	vm12 =	vcmask $0x308;
	v4 =	vld [tilespmem:$0xA10]  }
0x78: {  	v13 =	vld [tilespmem:$0xA30];
	v0 =	vsel vm12, $0x0, v0  }
0x79: {  	(xrf0) =	vadd.scan.msk.s32 $0xffff, v0;
	v42 =	vbroadcast v2, $0xF;
	v2 =	vld [tilespmem:$0x1FFE0]  }
0x7a: {  	v0 =	vld [tilespmem:$0xA00]  }
0x7b: {  	v6 =	vld [tilespmem:$0x1FE90]  }
0x7c: {  	v16 =	vld [tilespmem:$0xA50]  }
0x7d: {  	vm4 =	vmxor vm4, vm4;
	v7 =	vld [tilespmem:$0x1FEA0]  }
0x7e: {  	v9 =	vld [tilespmem:$0x1FEC0];
	vm1 =	vgt.f32 v4, $5.000000070e-02;
	vm11 =	vgt.f32 v13, $5.000000070e-02;
	vm14 =	vnez.u8 v2  }
0x7f: {  	v4 =	vnsel vm1, $0x0, v4;
	vm13 =	vgt.f32 v0, $5.000000070e-02;
	v5, _, _ =	vpop (xrf0);
	v2 =	vnsel vm14, $0x0, v3;
	v3 =	vld [tilespmem:$0xA20]  }
0x80: {  	v8 =	vld [tilespmem:$0x1FEB0];
	v0 =	vnsel vm13, $0x0, v0;
	v43 =	vbroadcast v5, $0xF;
	v5 =	vnsel vm11, $0x0, v13  }
0x81: {  	v15 =	vld [tilespmem:$0xA40];
	vm11 =	vgt.f32 v16, $5.000000070e-02;
	vm15 =	veq.s32 v0, v42;
	vm1 =	veq.s32 v4, v42  }
0x82: {  	vm3 =	vgt.s32 v0, v42;
	vm9 =	vgt.s32 v4, v42;
	vm2 =	vlt.s32 v12, v43  }
0x83: {  	vm8 =	vlt.s32 v6, v43;
	vm5 =	vlt.s32 v7, v43;
	vm7 =	vlt.s32 v9, v43  }
0x84: {  	v7 =	vnsel vm11, $0x0, v16;
	vm0 =	vmand vm2, vm15;
	vm10 =	vgt.f32 v3, $5.000000070e-02  }
0x85: {  	vm2 =	vmand vm8, vm1;
	vm15 =	vlt.s32 v8, v43;
	v3 =	vnsel vm10, $0x0, v3;
	s17 =	spop (v2sf)  }
0x86: {  	vm14 =	veq.s32 v5, v42;
	vm10 =	vgt.f32 v15, $5.000000070e-02;
	vm12 =	veq.s32 v3, v42;
	p3 =	sgt.s32 s17, $0x0  }
0x87: {  	v10 =	vld [tilespmem:$0x1FED0];
	vm6 =	vgt.s32 v3, v42;
	v6 =	vnsel vm10, $0x0, v15;
	vm4 =	vmneg @p3 vm4  }
0x88: {  	vm13 =	vmand vm5, vm12;
	vm12 =	veq.s32 v6, v42;
	vm0 =	vmand vm0, vm4  }
0x89: {  	v19 =	vld [tilespmem:$0xA70];
	vm8 =	vgt.s32 v6, v42;
	vm2 =	vmand vm4, vm2;
	vm1 =	vmor vm3, vm0  }
0x8a: {  	v45 =	vld [tilespmem:$0x1FEE0];
	vm2 =	vmor vm9, vm2;
	vm0 =	vmand vm4, vm13;
	vm3 =	vmand vm15, vm14  }
0x8b: {  	v18 =	vld [tilespmem:$0xA60];
	vm9 =	vgt.s32 v5, v42;
	vm13 =	vmand vm7, vm12;
	vm14 =	veq.s32 v7, v42  }
0x8c: {  	vm15 =	vlt.s32 v10, v43;
	vm12 =	vgt.s32 v7, v42;
	v0 =	vsel vm1, $0x1, v41  }
0x8d: {  	(xrf0) =	vadd.scan.msk.s32 $0xffff, v2;
	v14 =	vsel vm2, $0x1, v41;
	vm5 =	vmor vm6, vm0;
	vm3 =	vmand vm4, vm3  }
0x8e: {  	vm7 =	vmand vm15, vm14;
	vm14 =	vgt.f32 v19, $5.000000070e-02;
	v3 =	vsel vm5, $0x1, v41;
	(xrf0) =	vadd.scan.msk.s32 $0xffff, v0  }
0x8f: {  	v51 =	vld [tilespmem:$0xAA0];
	vm0 =	vmor vm9, vm3;
	vm3 =	vmand vm4, vm13;
	vm7 =	vmand vm4, vm7;
	(xrf0) =	vadd.scan.msk.s32 $0xffff, v14  }
0x90: {  	vm13 =	vgt.f32 v18, $5.000000070e-02;
	vm9 =	vlt.s32 v45, v43;
	v46 =	vnsel vm14, $0x0, v19;
	(xrf0) =	vadd.scan.msk.s32 $0xffff, v3;
	v3 =	vld [tilespmem:$0x1FEF0]  }
0x91: {  	v17 =	vsel vm0, $0x1, v41;
	vm6 =	vmor vm8, vm3;
	v44 =	vnsel vm13, $0x0, v18  }
0x92: {  	v11 =	vld [tilespmem:$0x1FF00];
	vm7 =	vmor vm12, vm7;
	v2 =	vsel vm6, $0x1, v41;
	vm15 =	veq.s32 v44, v42;
	(xrf0) =	vadd.scan.msk.s32 $0xffff, v17  }
0x93: {  	vm13 =	veq.s32 v46, v42;
	v0 =	vsel vm7, $0x1, v41;
	vm12 =	vmand vm9, vm15;
	(xrf0) =	vadd.scan.msk.s32 $0xffff, v2;
	v2 =	vld [tilespmem:$0xA80]  }
0x94: {  	v50 =	vld [tilespmem:$0xA90];
	vm10 =	vgt.s32 v44, v42;
	vm15 =	vgt.s32 v46, v42;
	vm3 =	vmand vm4, vm12  }
0x95: {  	vm8 =	vmor vm10, vm3;
	vm10 =	vgt.f32 v51, $5.000000070e-02;
	vm14 =	vlt.s32 v3, v43  }
0x96: {  	v14 =	vld [tilespmem:$0x1FF10];
	(xrf0) =	vadd.scan.msk.s32 $0xffff, v0;
	v0 =	vsel vm8, $0x1, v41;
	v9 =	vnsel vm10, $0x0, v51;
	v3, _, _ =	vpop (xrf0);
	vm9 =	vmand vm14, vm13  }
0x97: {  	(v2sf) =	vpush v3, $0xF;
	v47, _, _ =	vpop (xrf0);
	vm13 =	vlt.s32 v11, v43;
	vm9 =	vmand vm4, vm9  }
0x98: {  	(v2sf) =	vpush v47, $0xF;
	v48, _, _ =	vpop (xrf0);
	vm12 =	vgt.f32 v2, $5.000000070e-02;
	vm3 =	vmor vm15, vm9  }
0x99: {  	(v2sf) =	vpush v48, $0xF;
	v2 =	vnsel vm12, $0x0, v2;
	vm15 =	vgt.f32 v50, $5.000000070e-02  }
0x9a: {  	v15 =	vld [tilespmem:$0x1FF20];
	(xrf0) =	vadd.scan.msk.s32 $0xffff, v0;
	v0 =	vsel vm3, $0x1, v41;
	vm9 =	veq.s32 v2, v42;
	v7 =	vnsel vm15, $0x0, v50  }
0x9b: {  	vm12 =	vlt.s32 v14, v43;
	vm9 =	vmand vm13, vm9;
	vm11 =	veq.s32 v7, v42  }
0x9c: {  	vm14 =	vgt.s32 v2, v42;
	vm9 =	vmand vm4, vm9;
	vm10 =	vmand vm12, vm11  }
0x9d: {  	v13 =	vld [tilespmem:$0xAB0];
	(xrf0) =	vadd.scan.msk.s32 $0xffff, v0;
	vm13 =	vgt.s32 v7, v42;
	v0, _, _ =	vpop (xrf0);
	vm9 =	vmor vm14, vm9;
	vm10 =	vmand vm4, vm10  }
0x9e: {  	(v2sf) =	vpush v0, $0xF;
	v2 =	vsel vm9, $0x1, v41;
	vm10 =	vmor vm13, vm10  }
0x9f: {  	v57 =	vld [tilespmem:$0xAC0];
	vm11 =	veq.s32 v9, v42;
	vm12 =	vlt.s32 v15, v43;
	v49, _, _ =	vpop (xrf0);
	(xrf0) =	vadd.scan.msk.s32 $0xffff, v2;
	v2 =	vsel vm10, $0x1, v41  }
0xa0: {  	vm11 =	vmand vm12, vm11;
	(v2sf) =	vpush v49, $0xF;
	v8, _, _ =	vpop (xrf0);
	(xrf0) =	vadd.scan.msk.s32 $0xffff, v2;
	v2 =	vld [tilespmem:$0x1FF30]  }
0xa1: {  	v60 =	vld [tilespmem:$0x1FF40];
	vm12 =	vgt.s32 v9, v42;
	vm11 =	vmand vm4, vm11;
	(v2sf) =	vpush v8, $0xF  }
0xa2: {  	vm11 =	vmor vm12, vm11;
	vm12 =	vgt.f32 v13, $5.000000070e-02;
	v52, _, _ =	vpop (xrf0)  }
0xa3: {  	v58 =	vsel vm11, $0x1, v41;
	v59 =	vnsel vm12, $0x0, v13;
	(v2sf) =	vpush v52, $0xF;
	v53, _, _ =	vpop (xrf0)  }
0xa4: {  	vm12 =	vgt.f32 v57, $5.000000070e-02;
	vm13 =	veq.s32 v59, v42;
	(v2sf) =	vpush v53, $0xF;
	v12, _, _ =	vpop (xrf0)  }
0xa5: {  	(v2sf) =	vpush v12, $0xF;
	vm14 =	vlt.s32 v2, v43;
	v2 =	vnsel vm12, $0x0, v57  }
0xa6: {  	vm12 =	vmand vm14, vm13;
	vm13 =	veq.s32 v2, v42;
	vm14 =	vlt.s32 v60, v43  }
0xa7: {  	(xrf0) =	vadd.scan.msk.s32 $0xffff, v58;
	vm15 =	vgt.s32 v59, v42;
	vm12 =	vmand vm4, vm12;
	vm14 =	vmand vm14, vm13  }
0xa8: {  	s12 =	spop (v2sf);
	vm13 =	vmor vm15, vm12;
	vm12 =	vgt.s32 v2, v42;
	vm14 =	vmand vm4, vm14  }
0xa9: {  	s19 =	spop (v2sf);
	v61 =	vsel vm13, $0x1, v41;
	vm12 =	vmor vm12, vm14  }
0xaa: {  	v3 =	vadd.s32 $0xFFFFFFFF, v3;
	v2, _, _ =	vpop (xrf0);
	s17 =	sadd.s32 s12, s19;
	s13 =	spop (v2sf);
	(xrf0) =	vadd.scan.msk.s32 $0xffff, v61;
	v62 =	vsel vm12, $0x1, v41  }
0xab: {  	v3 =	vbroadcast v3, $0xF;
	(v2sf) =	vpush v2, $0xF;
	v63 =	vmov s17;
	s17 =	sadd.s32 s13, s17;
	v13, _, _ =	vpop (xrf0);
	(xrf0) =	vadd.scan.msk.s32 $0xffff, v62  }
0xac: {  	v15 =	vadd.s32 $0xFFFFFFFF, v63;
	v16 =	vmov s17;
	(v2sf) =	vpush v13, $0xF  }
0xad: {  	v14, _, _ =	vpop (xrf0);
	v7 =	vbroadcast v15, $0x0;
	v9 =	vadd.s32 $0xFFFFFFFF, v16;
	s14 =	spop (v2sf)  }
0xae: {  	v3 =	vadd.s32 v47, v3;
	(v2sf) =	vpush v14, $0xF;
	v17 =	vbroadcast v9, $0x0;
	s17 =	sadd.s32 s14, s17  }
0xaf: {  	v45 =	vsel vm1, v3, v1;
	v3 =	vadd.s32 v48, v7;
	s15 =	spop (v2sf);
	v18 =	vmov s17  }
0xb0: {  	v44 =	vsel vm2, v3, v1;
	v0 =	vadd.s32 v0, v17;
	s17 =	sadd.s32 s15, s17;
	s20 =	spop (v2sf);
	v3 =	vadd.s32 $0xFFFFFFFF, v18;
	v19, _, _ =	vpop (xrf0)  }
0xb1: {  	v54 =	vmov s17;
	s17 =	sadd.s32 s20, s17;
	v3 =	vbroadcast v3, $0x0;
	(v2sf) =	vpush v19, $0xF;
	v7, _, _ =	vpop (xrf0)  }
0xb2: {  	s24 =	spop (v2sf);
	v5 =	vadd.s32 $0xFFFFFFFF, v54;
	v55 =	vmov s17;
	(v2sf) =	vpush v7, $0xF  }
0xb3: {  	v58 =	vld [tilespmem:$0xAD0];
	v47 =	vsel vm5, v0, v1;
	s17 =	sadd.s32 s24, s17;
	s25 =	spop (v2sf);
	v0 =	vbroadcast v5, $0x0;
	v56 =	vadd.s32 $0xFFFFFFFF, v55  }
0xb4: {  	v63 =	vld [tilespmem:$0x1FF50];
	v57 =	vmov s17;
	s17 =	sadd.s32 s25, s17;
	s10 =	spop (v2sf);
	v3 =	vadd.s32 v49, v3;
	v5 =	vbroadcast v56, $0x0  }
0xb5: {  	v59 =	vmov s17;
	s17 =	sadd.s32 s10, s17;
	v49 =	vsel vm0, v3, v1;
	v0 =	vadd.s32 v8, v0  }
0xb6: {  	v3 =	vadd.s32 $0xFFFFFFFF, v57;
	v60 =	vmov s17;
	v5 =	vadd.s32 v52, v5  }
0xb7: {  	v3 =	vbroadcast v3, $0x0;
	v50 =	vsel vm6, v0, v1;
	v0 =	vadd.s32 $0xFFFFFFFF, v59  }
0xb8: {  	vm6 =	vgt.f32 v58, $5.000000070e-02;
	v48 =	vsel vm7, v5, v1;
	v0 =	vbroadcast v0, $0x0  }
0xb9: {  	v61 =	vnsel vm6, $0x0, v58;
	vm7 =	vlt.s32 v63, v43;
	v3 =	vadd.s32 v53, v3  }
0xba: {  	vm0 =	veq.s32 v61, v42;
	v46 =	vsel vm8, v3, v1;
	v3 =	vadd.s32 $0xFFFFFFFF, v60;
	s11 =	spop (v2sf)  }
0xbb: {  	v0 =	vadd.s32 v12, v0;
	vm0 =	vmand vm7, vm0;
	vm8 =	vgt.s32 v61, v42;
	s17 =	sadd.s32 s11, s17;
	s12 =	spop (v2sf)  }
0xbc: {  	v3 =	vbroadcast v3, $0x0;
	vm0 =	vmand vm4, vm0;
	v62 =	vmov s17;
	s17 =	sadd.s32 s12, s17  }
0xbd: {  	v56 =	vsel vm3, v0, v1;
	s13 =	spop (v2sf);
	vm0 =	vmor vm8, vm0;
	v11 =	vmov s17  }
0xbe: {  	v17 =	vld [tilespmem:$0xAE0];
	v2 =	vadd.s32 v2, v3;
	v3 =	vadd.s32 $0xFFFFFFFF, v62;
	s17 =	sadd.s32 s13, s17;
	v12 =	vadd.s32 $0xFFFFFFFF, v11  }
0xbf: {  	v3 =	vbroadcast v3, $0x0;
	v15 =	vmov s17;
	v5 =	vbroadcast v12, $0x0  }
0xc0: {  	v16 =	vsel vm0, $0x1, v41;
	v52 =	vsel vm9, v2, v1;
	v0 =	vadd.s32 $0xFFFFFFFF, v15;
	s14 =	spop (v2sf)  }
0xc1: {  	v57 =	vld [tilespmem:$0x1FF60];
	(xrf0) =	vadd.scan.msk.s32 $0xffff, v16;
	v2 =	vadd.s32 v13, v3;
	v0 =	vbroadcast v0, $0x0;
	v3 =	vadd.s32 v14, v5;
	s17 =	sadd.s32 s14, s17;
	s15 =	spop (v2sf)  }
0xc2: {  	v54 =	vsel vm10, v2, v1;
	v51 =	vsel vm11, v3, v1;
	v2 =	vmov s17;
	s17 =	sadd.s32 s15, s17  }
0xc3: {  	v0 =	vadd.s32 v19, v0;
	vm11 =	vgt.f32 v17, $5.000000070e-02;
	v3 =	vmov s17  }
0xc4: {  	v18 =	vld [tilespmem:$0xAF0];
	v53 =	vsel vm13, v0, v1;
	v2 =	vadd.s32 $0xFFFFFFFF, v2;
	v3 =	vadd.s32 $0xFFFFFFFF, v3  }
0xc5: {  	v19 =	vld [tilespmem:$0xB00];
	v2 =	vbroadcast v2, $0x0;
	v0 =	vbroadcast v3, $0x0;
	v3 =	vnsel vm11, $0x0, v17  }
0xc6: {  	vm13 =	vlt.s32 v57, v43;
	vm1 =	veq.s32 v3, v42;
	vm14 =	vgt.s32 v3, v42;
	v3 =	vld [tilespmem:$0x1FF70]  }
0xc7: {  	v59 =	vld [tilespmem:$0x1FF80];
	v58, _, _ =	vpop (xrf0);
	v2 =	vadd.s32 v7, v2;
	vm1 =	vmand vm13, vm1  }
0xc8: {  	v55 =	vsel vm12, v2, v1;
	v0 =	vadd.s32 v58, v0;
	v2 =	vld [tilespmem:$0xB10];
	vm1 =	vmand vm4, vm1  }
0xc9: {  	v57 =	vsel vm0, v0, v1;
	v0 =	vimm.s32 $0x0;
	vm6 =	vmor vm14, vm1  }
0xca: {  	vm15 =	vgt.f32 v18, $5.000000070e-02;
	v60 =	vimm.s32 $0x0;
	v0 =	vsel vm6, $0xFFFFFFFF, v0  }
0xcb: {  	vm9 =	vgt.f32 v19, $5.000000070e-02;
	[tilespmem:$0x1FDB0] =	vst v0;
	v0 =	vnsel vm15, $0x0, v18;
	vm8 =	vlt.s32 v3, v43;
	v3 =	vld [tilespmem:$0xB20]  }
0xcc: {  	vm11 =	vlt.s32 v59, v43;
	vm7 =	veq.s32 v0, v42;
	vm3 =	vgt.s32 v0, v42  }
0xcd: {  	v0 =	vnsel vm9, $0x0, v19;
	vm13 =	vgt.f32 v2, $5.000000070e-02;
	vm0 =	vmand vm8, vm7  }
0xce: {  	vm10 =	veq.s32 v0, v42;
	vm2 =	vgt.s32 v0, v42;
	vm0 =	vmand vm4, vm0  }
0xcf: {  	v61 =	vld [tilespmem:$0x1FF90];
	v0 =	vnsel vm13, $0x0, v2;
	vm12 =	vmand vm11, vm10;
	vm0 =	vmor vm3, vm0  }
0xd0: {  	vm1 =	veq.s32 v0, v42;
	v4 =	vsel vm0, $0xFFFFFFFF, v60;
	vm15 =	vgt.f32 v3, $5.000000070e-02  }
0xd1: {  	vm0 =	vmand vm4, vm12;
	vm12 =	vgt.s32 v0, v42;
	v0 =	vnsel vm15, $0x0, v3;
	v3 =	vld [tilespmem:$0x1FFA0];
	_ =	sdelay $0x2  }
0xd2: {  	vm14 =	vlt.s32 v61, v43  }
0xd3: {  	vm1 =	vmand vm14, vm1  }
0xd4: {  	vm0 =	vmor vm2, vm0;
	vm14 =	vlt.s32 v3, v43;
	v3 =	vimm.s32 $0x0  }
0xd5: {  	vm1 =	vmand vm4, vm1;
	vm13 =	veq.s32 v0, v42;
	v3 =	vsel vm0, $0xFFFFFFFF, v3  }
0xd6: {  	vm15 =	vmor vm12, vm1;
	vm5 =	vmand vm14, vm13;
	[tilespmem:$0x1FDE0] =	vst v3;
	v3 =	vimm.s32 $0x0  }
0xd7: {  	v8 =	vld [tilespmem:$0x1FFC0];
	vm6 =	vgt.s32 v0, v42;
	vm0 =	vmand vm4, vm5;
	v3 =	vsel vm15, $0xFFFFFFFF, v3  }
0xd8: {  	v2 =	vld [tilespmem:$0xB30];
	vm0 =	vmor vm6, vm0;
	[tilespmem:$0x1FDF0] =	vst v3;
	v3 =	vimm.s32 $0x0  }
0xd9: {  	v62 =	vld [tilespmem:$0xB40];
	v3 =	vsel vm0, $0xFFFFFFFF, v3  }
0xda: {  	[tilespmem:$0x1FE00] =	vst v3;
	v3 =	vld [tilespmem:$0x1FFB0];
	_ =	sdelay $0x2  }
0xdb: {  	vm7 =	vgt.f32 v2, $5.000000070e-02  }
0xdc: {  	vm8 =	vgt.f32 v62, $5.000000070e-02;
	v2 =	vnsel vm7, $0x0, v2  }
0xdd: {  	v0 =	vld [tilespmem:$0xB50];
	vm9 =	veq.s32 v2, v42;
	vm13 =	vlt.s32 v8, v43;
	vm10 =	vlt.s32 v3, v43  }
0xde: {  	vm14 =	vgt.s32 v2, v42;
	v3 =	vnsel vm8, $0x0, v62;
	vm11 =	vmand vm10, vm9  }
0xdf: {  	v63 =	vld [tilespmem:$0xB60];
	vm12 =	veq.s32 v3, v42;
	vm15 =	vgt.s32 v3, v42;
	vm0 =	vmand vm4, vm11  }
0xe0: {  	v2 =	vld [tilespmem:$0xB70];
	v3 =	vimm.s32 $0x0;
	vm1 =	vmand vm13, vm12;
	vm0 =	vmor vm14, vm0  }
0xe1: {  	vm1 =	vmand vm4, vm1;
	v3 =	vsel vm0, $0xFFFFFFFF, v3  }
0xe2: {  	vm5 =	vgt.f32 v0, $5.000000070e-02;
	vm6 =	vmor vm15, vm1;
	[tilespmem:$0x1FE10] =	vst v3;
	v3 =	vimm.s32 $0x0  }
0xe3: {  	v0 =	vnsel vm5, $0x0, v0;
	v3 =	vsel vm6, $0xFFFFFFFF, v3  }
0xe4: {  	vm7 =	veq.s32 v0, v42;
	vm9 =	vgt.f32 v63, $5.000000070e-02;
	[tilespmem:$0x1FE20] =	vst v3;
	v3 =	vld [tilespmem:$0x1FFD0]  }
0xe5: {  	vm10 =	vgt.s32 v0, v42;
	v0 =	vnsel vm9, $0x0, v63;
	vm14 =	vgt.f32 v2, $5.000000070e-02  }
0xe6: {  	vm11 =	veq.s32 v0, v42;
	vm2 =	vgt.s32 v0, v42;
	v0 =	vnsel vm14, $0x0, v2;
	v2 =	vld [tilespmem:$0xB90]  }
0xe7: {  	v10 =	vld [tilespmem:$0xBA0];
	v9 =	vimm.s32 $0x0  }
0xe8: {  	vm12 =	vlt.s32 v23, v43;
	vm15 =	vlt.s32 v24, v43;
	vm1 =	veq.s32 v0, v42  }
0xe9: {  	vm13 =	vmand vm12, vm11;
	vm1 =	vmand vm15, vm1;
	vm8 =	vlt.s32 v3, v43;
	v3 =	vld [tilespmem:$0xB80]  }
0xea: {  	vm14 =	vlt.s32 v25, v43;
	vm12 =	vgt.s32 v0, v42;
	vm1 =	vmand vm4, vm1  }
0xeb: {  	vm15 =	vmor vm12, vm1;
	vm0 =	vmand vm8, vm7;
	vm7 =	vgt.f32 v2, $5.000000070e-02  }
0xec: {  	vm8 =	vgt.f32 v10, $5.000000070e-02;
	vm0 =	vmand vm4, vm0;
	v2 =	vnsel vm7, $0x0, v2  }
0xed: {  	vm0 =	vmor vm10, vm0;
	vm9 =	veq.s32 v2, v42;
	vm10 =	vlt.s32 v26, v43  }
0xee: {  	[tilespmem:$0x1FDC0] =	vst v4;
	v4 =	vsel vm0, $0xFFFFFFFF, v9;
	vm0 =	vmand vm4, vm13;
	vm5 =	vgt.f32 v3, $5.000000070e-02  }
0xef: {  	vm0 =	vmor vm2, vm0;
	v0 =	vnsel vm5, $0x0, v3;
	v3 =	vimm.s32 $0x0  }
0xf0: {  	vm11 =	vmand vm10, vm9;
	vm9 =	vlt.s32 v29, v43;
	v3 =	vsel vm0, $0xFFFFFFFF, v3  }
0xf1: {  	vm13 =	veq.s32 v0, v42;
	vm6 =	vgt.s32 v0, v42;
	v0 =	vld [tilespmem:$0xBB0];
	[tilespmem:$0x1FD90] =	vst v3;
	v3 =	vimm.s32 $0x0  }
0xf2: {  	vm5 =	vmand vm14, vm13;
	vm13 =	vlt.s32 v27, v43;
	vm14 =	vgt.s32 v2, v42  }
0xf3: {  	v12 =	vld [tilespmem:$0xBD0];
	v2 =	vimm.s32 $0x0;
	v3 =	vsel vm15, $0xFFFFFFFF, v3;
	vm0 =	vmand vm4, vm5  }
0xf4: {  	[tilespmem:$0x1FE40] =	vst v3;
	vm15 =	vmor vm6, vm0;
	v3 =	vimm.s32 $0x0;
	vm0 =	vmand vm4, vm11  }
0xf5: {  	vm5 =	vlt.s32 v28, v43;
	v3 =	vsel vm15, $0xFFFFFFFF, v3;
	vm11 =	vmor vm14, vm0  }
0xf6: {  	v11 =	vld [tilespmem:$0xBC0];
	[tilespmem:$0x1FE50] =	vst v3;
	v3 =	vnsel vm8, $0x0, v10;
	vm7 =	vgt.f32 v0, $5.000000070e-02;
	v2 =	vsel vm11, $0xFFFFFFFF, v2  }
0xf7: {  	vm12 =	veq.s32 v3, v42;
	vm6 =	vgt.s32 v3, v42;
	[tilespmem:$0x1FE60] =	vst v2;
	v2 =	vimm.s32 $0x0  }
0xf8: {  	v14 =	vld [tilespmem:$0xBF0];
	v0 =	vnsel vm7, $0x0, v0;
	vm7 =	vgt.f32 v12, $5.000000070e-02;
	vm1 =	vmand vm13, vm12  }
0xf9: {  	vm13 =	veq.s32 v0, v42;
	v13 =	vnsel vm7, $0x0, v12;
	vm12 =	vlt.s32 v30, v43  }
0xfa: {  	v3 =	vld [tilespmem:$0xBE0];
	vm1 =	vmand vm4, vm1;
	vm0 =	vmand vm5, vm13;
	vm10 =	veq.s32 v13, v42  }
0xfb: {  	vm13 =	vgt.s32 v0, v42;
	vm14 =	vmor vm6, vm1;
	vm6 =	vgt.f32 v11, $5.000000070e-02  }
0xfc: {  	vm2 =	vmand vm12, vm10;
	vm0 =	vmand vm4, vm0;
	v2 =	vsel vm14, $0xFFFFFFFF, v2  }
0xfd: {  	vm12 =	vgt.s32 v13, v42;
	vm10 =	vgt.f32 v14, $5.000000070e-02;
	[tilespmem:$0x1FE70] =	vst v2;
	v2 =	vnsel vm6, $0x0, v11  }
0xfe: {  	vm8 =	veq.s32 v2, v42;
	vm7 =	vgt.s32 v2, v42;
	v2 =	vnsel vm10, $0x0, v14  }
0xff: {  	vm1 =	vmand vm9, vm8;
	vm8 =	vmor vm13, vm0;
	vm13 =	vgt.f32 v3, $5.000000070e-02  }
0x100: {  	v15 =	vld [tilespmem:$0xC00];
	vm9 =	vlt.s32 v31, v43;
	vm6 =	vmand vm4, vm1;
	v0 =	vnsel vm13, $0x0, v3  }
0x101: {  	vm1 =	vmand vm4, vm2;
	vm6 =	vmor vm7, vm6;
	vm7 =	veq.s32 v0, v42  }
0x102: {  	vm13 =	veq.s32 v2, v42;
	vm0 =	vmand vm9, vm7;
	vm7 =	vlt.s32 v32, v43  }
0x103: {  	vm5 =	vmor vm12, vm1;
	vm1 =	vmand vm7, vm13;
	vm13 =	vgt.s32 v2, v42;
	v2 =	vld [tilespmem:$0x1FDB0];
	_ =	sdelay $0x1  }
0x104: {  	vm12 =	vgt.f32 v15, $5.000000070e-02  }
0x105: {  	v16 =	vnsel vm12, $0x0, v15  }
0x106: {  	vm10 =	vlt.s32 v33, v43;
	v3 =	vld [tilespmem:$0xC10];
	vm9 =	veq.s32 v16, v42  }
0x107: {  	vm2 =	vmand vm10, vm9;
	vm9 =	vnez.u8 v2  }
0x108: {  	v2 =	vsel vm9, $0x1, v41  }
0x109: {  	(xrf0) =	vadd.scan.msk.s32 $0xffff, v2;
	v2 =	vld [tilespmem:$0x1FDC0];
	_ =	sdelay $0x1  }
0x10a: {  	v17 =	vld [tilespmem:$0xC20];
	vm12 =	vgt.s32 v0, v42;
	vm0 =	vmand vm4, vm0;
	vm10 =	vgt.f32 v3, $5.000000070e-02  }
0x10b: {  	vm12 =	vmor vm12, vm0;
	v0 =	vnsel vm10, $0x0, v3  }
0x10c: {  	vm0 =	vmand vm4, vm1;
	vm10 =	veq.s32 v0, v42;
	vm9 =	vlt.s32 v34, v43  }
0x10d: {  	vm13 =	vmor vm13, vm0;
	vm0 =	vmand vm9, vm10;
	vm10 =	vnez.u8 v2  }
0x10e: {  	v2 =	vsel vm10, $0x1, v41  }
0x10f: {  	vm9 =	vgt.f32 v17, $5.000000070e-02;
	(xrf0) =	vadd.scan.msk.s32 $0xffff, v2;
	v2 =	vld [tilespmem:$0x1FDE0]  }
0x110: {  	v18 =	vnsel vm9, $0x0, v17;
	vm9 =	vgt.s32 v0, v42;
	v0 =	vld [tilespmem:$0x1FDF0]  }
0x111: {  	v3 =	vld [tilespmem:$0xC30];
	_ =	sdelay $0x2  }
0x112: {  	vm10 =	vnez.u8 v2  }
0x113: {  	v2 =	vsel vm10, $0x1, v41;
	vm10 =	vnez.u8 v0  }
0x114: {  	v0 =	vsel vm10, $0x1, v41;
	vm10 =	vgt.f32 v3, $5.000000070e-02  }
0x115: {  	v59 =	vnsel vm10, $0x0, v3;
	v3 =	vld [tilespmem:$0x1FE00];
	_ =	sdelay $0x4  }
0x116: {  	(xrf0) =	vadd.scan.msk.s32 $0xffff, v2;
	vm10 =	vnez.u8 v3  }
0x117: {  	vm3 =	vlt.s32 v35, v43;
	(xrf0) =	vadd.scan.msk.s32 $0xffff, v0;
	v3 =	vsel vm10, $0x1, v41  }
0x118: {  	vm1 =	vmand vm4, vm2;
	vm0 =	vmand vm4, vm0;
	vm2 =	veq.s32 v18, v42;
	(xrf0) =	vadd.scan.msk.s32 $0xffff, v3;
	v3 =	vld [tilespmem:$0x1FE10]  }
0x119: {  	vm7 =	vgt.s32 v16, v42;
	vm9 =	vmor vm9, vm0;
	vm0 =	vmand vm3, vm2  }
0x11a: {  	vm7 =	vmor vm7, vm1;
	vm1 =	vgt.s32 v18, v42;
	vm0 =	vmand vm4, vm0  }
0x11b: {  	v19 =	vimm.s32 $0x0;
	vm0 =	vmor vm1, vm0  }
0x11c: {  	[tilespmem:$0x1FE30] =	vst v4;
	v4 =	vsel vm0, $0xFFFFFFFF, v19;
	vm0 =	veq.s32 v59, v42;
	vm10 =	vlt.s32 v36, v43  }
0x11d: {  	vm0 =	vmand vm10, vm0;
	vm10 =	vnez.u8 v3  }
0x11e: {  	v0, _, _ =	vpop (xrf0);
	v3 =	vsel vm10, $0x1, v41  }
0x11f: {  	v60, _, _ =	vpop (xrf0);
	(xrf0) =	vadd.scan.msk.s32 $0xffff, v3;
	v3 =	vld [tilespmem:$0x1FE20];
	_ =	sdelay $0x3  }
0x120: {  	(v2sf) =	vpush v58, $0xF;
	v58 =	vld [tilespmem:$0x1FD90]  }
0x121: {  	vm10 =	vnez.u8 v3;
	v3 =	vld [tilespmem:$0x1FE30]  }
0x122: {  	v2 =	vld [tilespmem:$0xC40];
	_ =	sdelay $0x2  }
0x123: {  	vm1 =	vgt.s32 v59, v42;
	v59 =	vld [tilespmem:$0x1FE40]  }
0x124: {  	v9 =	vsel vm10, $0x1, v41;
	vm10 =	vnez.u8 v3  }
0x125: {  	vm2 =	vnez.u8 v58;
	[tilespmem:$0x1FDA0] =	vst v4;
	v10 =	vsel vm10, $0x1, v41;
	vm10 =	vgt.f32 v2, $5.000000070e-02  }
0x126: {  	v4 =	vsel vm2, $0x1, v41;
	vm0 =	vmand vm4, vm0;
	(xrf0) =	vadd.scan.msk.s32 $0xffff, v9;
	v2 =	vnsel vm10, $0x0, v2  }
0x127: {  	vm3 =	vmor vm1, vm0;
	v3, _, _ =	vpop (xrf0);
	(xrf0) =	vadd.scan.msk.s32 $0xffff, v10;
	vm10 =	vlt.s32 v37, v43;
	vm0 =	veq.s32 v2, v42  }
0x128: {  	v11 =	vld [tilespmem:$0xC50];
	v14, _, _ =	vpop (xrf0);
	(xrf0) =	vadd.scan.msk.s32 $0xffff, v4;
	vm0 =	vmand vm10, vm0;
	vm10 =	vnez.u8 v59  }
0x129: {  	v4 =	vsel vm10, $0x1, v41  }
0x12a: {  	v61 =	vsel vm15, $0x1, v41;
	v15, _, _ =	vpop (xrf0);
	(xrf0) =	vadd.scan.msk.s32 $0xffff, v4  }
0x12b: {  	v16, _, _ =	vpop (xrf0);
	(xrf0) =	vadd.scan.msk.s32 $0xffff, v61  }
0x12c: {  	v62 =	vsel vm11, $0x1, v41;
	v13 =	vsel vm14, $0x1, v41;
	v12, _, _ =	vpop (xrf0)  }
0x12d: {  	v63 =	vld [tilespmem:$0xC60];
	vm15 =	vgt.f32 v11, $5.000000070e-02;
	vm0 =	vmand vm4, vm0;
	vm10 =	vgt.s32 v2, v42;
	v10, _, _ =	vpop (xrf0);
	(xrf0) =	vadd.scan.msk.s32 $0xffff, v62  }
0x12e: {  	v17 =	vsel vm8, $0x1, v41;
	v2 =	vnsel vm15, $0x0, v11;
	vm10 =	vmor vm10, vm0;
	v11, _, _ =	vpop (xrf0);
	(xrf0) =	vadd.scan.msk.s32 $0xffff, v13  }
0x12f: {  	vm0 =	veq.s32 v2, v42;
	vm14 =	vgt.s32 v2, v42;
	v2 =	vsel vm6, $0x1, v41;
	(xrf0) =	vadd.scan.msk.s32 $0xffff, v17  }
0x130: {  	(xrf0) =	vadd.scan.msk.s32 $0xffff, v2;
	v2 =	vsel vm5, $0x1, v41;
	v13, _, _ =	vpop (xrf0)  }
0x131: {  	(v2sf) =	vpush v0, $0xF;
	v59, _, _ =	vpop (xrf0);
	(xrf0) =	vadd.scan.msk.s32 $0xffff, v2;
	v2 =	vsel vm12, $0x1, v41  }
0x132: {  	vm15 =	vgt.f32 v63, $5.000000070e-02;
	(xrf0) =	vadd.scan.msk.s32 $0xffff, v2;
	v2 =	vsel vm13, $0x1, v41  }
0x133: {  	v5 =	vnsel vm15, $0x0, v63;
	v63, _, _ =	vpop (xrf0);
	(xrf0) =	vadd.scan.msk.s32 $0xffff, v2;
	v2 =	vsel vm7, $0x1, v41  }
0x134: {  	(v2sf) =	vpush v60, $0xF;
	(xrf0) =	vadd.scan.msk.s32 $0xffff, v2;
	v2 =	vsel vm9, $0x1, v41  }
0x135: {  	s20 =	spop (v2sf);
	(v2sf) =	vpush v3, $0xF;
	v4, _, _ =	vpop (xrf0);
	(xrf0) =	vadd.scan.msk.s32 $0xffff, v2;
	v2 =	vld [tilespmem:$0x1FDA0]  }
0x136: {  	s17 =	sadd.s32 s20, s17;
	(v2sf) =	vpush v14, $0xF  }
0x137: {  	vm11 =	vlt.s32 v38, v43;
	v18 =	vmov s17;
	(v2sf) =	vpush v15, $0xF  }
0x138: {  	v6 =	vadd.s32 $0xFFFFFFFF, v18;
	(v2sf) =	vpush v16, $0xF;
	vm0 =	vmand vm11, vm0  }
0x139: {  	v19 =	vbroadcast v6, $0x0;
	(v2sf) =	vpush v12, $0xF;
	vm0 =	vmand vm4, vm0  }
0x13a: {  	vm11 =	vlt.s32 v39, v43;
	vm1 =	vmor vm14, vm0;
	vm14 =	vnez.u8 v2  }
0x13b: {  	(v2sf) =	vpush v10, $0xF;
	vm0 =	veq.s32 v5, v42;
	v8, _, _ =	vpop (xrf0);
	v2 =	vsel vm14, $0x1, v41  }
0x13c: {  	vm0 =	vmand vm11, vm0;
	vm11 =	vgt.s32 v5, v42;
	v5, _, _ =	vpop (xrf0);
	(xrf0) =	vadd.scan.msk.s32 $0xffff, v2;
	v2 =	vsel vm3, $0x1, v41  }
0x13d: {  	(v2sf) =	vpush v11, $0xF;
	vm0 =	vmand vm4, vm0;
	v7, _, _ =	vpop (xrf0);
	(xrf0) =	vadd.scan.msk.s32 $0xffff, v2;
	v2 =	vsel vm10, $0x1, v41  }
0x13e: {  	vm0 =	vmor vm11, vm0;
	(v2sf) =	vpush v13, $0xF;
	v6, _, _ =	vpop (xrf0);
	(xrf0) =	vadd.scan.msk.s32 $0xffff, v2;
	v2 =	vsel vm1, $0x1, v41  }
0x13f: {  	(v2sf) =	vpush v59, $0xF;
	v9, _, _ =	vpop (xrf0);
	(xrf0) =	vadd.scan.msk.s32 $0xffff, v2;
	v2 =	vsel vm0, $0x1, v41  }
0x140: {  	s24 =	spop (v2sf);
	v62 =	vadd.s32 v0, v19;
	(v2sf) =	vpush v63, $0xF;
	v0, _, _ =	vpop (xrf0);
	(xrf0) =	vadd.scan.msk.s32 $0xffff, v2;
	v2 =	vld [tilespmem:$0x1FDB0]  }
0x141: {  	s17 =	sadd.s32 s24, s17;
	(v2sf) =	vpush v4, $0xF  }
0x142: {  	v61 =	vmov s17;
	(v2sf) =	vpush v8, $0xF  }
0x143: {  	v20 =	vld [tilespmem:$0x1FDC0];
	s25 =	spop (v2sf);
	v61 =	vadd.s32 $0xFFFFFFFF, v61;
	(v2sf) =	vpush v5, $0xF  }
0x144: {  	s17 =	sadd.s32 s25, s17;
	v17 =	vbroadcast v61, $0x0;
	(v2sf) =	vpush v7, $0xF  }
0x145: {  	v61 =	vmov s17;
	(v2sf) =	vpush v6, $0xF;
	vm11 =	vnez.u8 v2  }
0x146: {  	s10 =	spop (v2sf);
	(v2sf) =	vpush v9, $0xF;
	v18 =	vsel vm11, v62, v1;
	v62 =	vadd.s32 $0xFFFFFFFF, v61  }
0x147: {  	s17 =	sadd.s32 s10, s17;
	s11 =	spop (v2sf);
	v58, _, _ =	vpop (xrf0);
	(v2sf) =	vpush v0, $0xF;
	v19 =	vbroadcast v62, $0x0  }
0x148: {  	s20 =	spop (v2sf);
	(v2sf) =	vpush v58, $0xF;
	v2, _, _ =	vpop (xrf0);
	vm11 =	vnez.u8 v20;
	v20 =	vmov s17  }
0x149: {  	s12 =	spop (v2sf);
	v61, _, _ =	vpop (xrf0);
	(v2sf) =	vpush v2, $0xF;
	v19 =	vadd.s32 v3, v19;
	v3 =	vadd.s32 $0xFFFFFFFF, v20  }
0x14a: {  	v17 =	vadd.s32 v60, v17;
	s13 =	spop (v2sf);
	v60, _, _ =	vpop (xrf0);
	(v2sf) =	vpush v61, $0xF  }
0x14b: {  	s19 =	sadd.s32 s11, s17;
	s14 =	spop (v2sf);
	(v2sf) =	vpush v60, $0xF;
	v62, _, _ =	vpop (xrf0)  }
0x14c: {  	v21 =	vmov s19;
	s15 =	spop (v2sf);
	v20 =	vbroadcast v3, $0x0;
	(v2sf) =	vpush v62, $0xF;
	v3, _, _ =	vpop (xrf0)  }
0x14d: {  	v21 =	vadd.s32 $0xFFFFFFFF, v21;
	s24 =	spop (v2sf);
	(v2sf) =	vpush v3, $0xF;
	[tilespmem:$0x1FDD0] =	vst v0  }
0x14e: {  	s20 =	sadd.s32 s20, s19;
	v21 =	vbroadcast v21, $0x0;
	v0 =	vld [tilespmem:$0x1FDE0]  }
0x14f: {  	s10 =	sadd.s32 s12, s20;
	v22 =	vmov s20  }
0x150: {  	v22 =	vadd.s32 $0xFFFFFFFF, v22;
	v15 =	vadd.s32 v15, v21;
	s17 =	sadd.s32 s13, s10  }
0x151: {  	s11 =	sadd.s32 s14, s17;
	v14 =	vadd.s32 v14, v20;
	v20 =	vbroadcast v22, $0x0;
	v22 =	vmov s10  }
0x152: {  	v17 =	vsel vm11, v17, v1;
	v21 =	vadd.s32 $0xFFFFFFFF, v22;
	v22 =	vmov s11  }
0x153: {  	s19 =	sadd.s32 s15, s11;
	v16 =	vadd.s32 v16, v20;
	v20 =	vbroadcast v21, $0x0;
	vm11 =	vnez.u8 v0;
	v0 =	vld [tilespmem:$0x1FDD0];
	[tilespmem:$0xF80] =	vst v45  }
0x154: {  	v21 =	vmov s17;
	v22 =	vadd.s32 $0xFFFFFFFF, v22;
	v45 =	vld [tilespmem:$0x1FDF0];
	[tilespmem:$0xFB0] =	vst v49;
	v49 =	vmov s19  }
0x155: {  	v12 =	vadd.s32 v12, v20;
	v20 =	vbroadcast v22, $0x0;
	[tilespmem:$0xF90] =	vst v44;
	v44 =	vadd.s32 $0xFFFFFFFF, v49;
	v49 =	vld [tilespmem:$0x1FE10]  }
0x156: {  	v21 =	vadd.s32 $0xFFFFFFFF, v21;
	[tilespmem:$0xFC0] =	vst v50;
	v50 =	vld [tilespmem:$0x1FE20]  }
0x157: {  	s20 =	sadd.s32 s24, s19;
	v21 =	vbroadcast v21, $0x0;
	v11 =	vadd.s32 v11, v20;
	s12 =	spop (v2sf);
	v20 =	vld [tilespmem:$0x1FE30]  }
0x158: {  	vm15 =	vmmov vm3;
	s13 =	spop (v2sf);
	s10 =	sadd.s32 s12, s20  }
0x159: {  	v10 =	vadd.s32 v10, v21;
	[tilespmem:$0xFD0] =	vst v48;
	v48 =	vld [tilespmem:$0x1FE00];
	v19 =	vsel vm11, v19, v1;
	s25 =	spop (v2sf);
	s13 =	sadd.s32 s13, s10;
	vm11 =	vnez.u8 v45  }
0x15a: {  	v11 =	vsel vm2, v11, v1;
	s14 =	spop (v2sf);
	s12 =	sadd.s32 s25, s13;
	v14 =	vsel vm11, v14, v1;
	vm11 =	vnez.u8 v49  }
0x15b: {  	v22 =	vbroadcast v44, $0x0;
	s15 =	spop (v2sf);
	s11 =	sadd.s32 s14, s12;
	v16 =	vsel vm11, v16, v1;
	vm11 =	vnez.u8 v50  }
0x15c: {  	v21 =	vmov s10;
	s24 =	spop (v2sf);
	s17 =	sadd.s32 s15, s11;
	v12 =	vsel vm11, v12, v1;
	vm11 =	vnez.u8 v20;
	v20 =	vld [tilespmem:$0x1FE40]  }
0x15d: {  	[tilespmem:$0xFA0] =	vst v47;
	v13 =	vadd.s32 v13, v22;
	v22 =	vmov s13;
	v44 =	vmov s12;
	s25 =	spop (v2sf);
	s14 =	sadd.s32 s24, s17  }
0x15e: {  	[tilespmem:$0xFE0] =	vst v46;
	vm3 =	vnez.u8 v48;
	v45 =	vmov s11;
	v46 =	vmov s17;
	s15 =	spop (v2sf);
	s19 =	sadd.s32 s25, s14  }
0x15f: {  	[tilespmem:$0xFF0] =	vst v56;
	v15 =	vsel vm3, v15, v1;
	v47 =	vmov s14;
	v46 =	vadd.s32 $0xFFFFFFFF, v46;
	s24 =	spop (v2sf);
	s15 =	sadd.s32 s15, s19  }
0x160: {  	[tilespmem:$0x1000] =	vst v52;
	v48 =	vmov s19;
	v10 =	vsel vm11, v10, v1;
	s25 =	spop (v2sf);
	s24 =	sadd.s32 s24, s15;
	v49 =	vmov s15  }
0x161: {  	[tilespmem:$0x1010] =	vst v54;
	s25 =	sadd.s32 s25, s24;
	v50 =	vmov s24;
	vm11 =	vnez.u8 v20;
	v20 =	vmov s20;
	s20 =	spop (v2sf)  }
0x162: {  	[tilespmem:$0x1020] =	vst v51;
	v51 =	vmov s25;
	v13 =	vsel vm11, v13, v1;
	s12 =	spop (v2sf);
	s10 =	sadd.s32 s20, s25;
	v20 =	vadd.s32 $0xFFFFFFFF, v20  }
0x163: {  	[tilespmem:$0x1050] =	vst v57;
	s15 =	spop (v2sf);
	s11 =	sadd.s32 s12, s10;
	v52 =	vmov s10;
	v57 =	vbroadcast v20, $0x0;
	v20 =	vadd.s32 $0xFFFFFFFF, v21  }
0x164: {  	[tilespmem:$0x1030] =	vst v53;
	s12 =	sadd.s32 s15, s11;
	v53 =	vmov s11;
	v56 =	vbroadcast v20, $0x0;
	v20 =	vadd.s32 $0xFFFFFFFF, v22  }
0x165: {  	[tilespmem:$0x1060] =	vst v18;
	s17 =	spop (v2sf);
	v54 =	vmov s12;
	v18 =	vadd.s32 v59, v57;
	v57 =	vbroadcast v20, $0x0  }
0x166: {  	[tilespmem:$0x1040] =	vst v55;
	v22 =	vld [tilespmem:$0x1FE50];
	s10 =	sadd.s32 s17, s12;
	s19 =	spop (v2sf);
	v20 =	vadd.s32 $0xFFFFFFFF, v44;
	v44 =	vadd.s32 $0xFFFFFFFF, v45;
	v53 =	vadd.s32 $0xFFFFFFFF, v53  }
0x167: {  	[tilespmem:$0x1070] =	vst v17;
	v55 =	vmov s10;
	s10 =	sadd.s32 s19, s10;
	v59 =	vadd.s32 v63, v56;
	v63 =	vbroadcast v20, $0x0;
	v20 =	vld [tilespmem:$0x1FE60]  }
0x168: {  	[tilespmem:$0x10A0] =	vst v15;
	v15 =	vbroadcast v44, $0x0;
	v21 =	vmov s10;
	v4 =	vadd.s32 v4, v57  }
0x169: {  	[tilespmem:$0x10E0] =	vst v11;
	v45 =	vld [tilespmem:$0xC70];
	v57 =	vbroadcast v46, $0x0;
	v46 =	vadd.s32 $0xFFFFFFFF, v50;
	v50 =	vadd.s32 $0xFFFFFFFF, v52  }
0x16a: {  	[tilespmem:$0x1080] =	vst v19;
	v56 =	vld [tilespmem:$0x1FE70];
	v8 =	vadd.s32 v8, v63;
	v5 =	vadd.s32 v5, v15;
	v63 =	vadd.s32 $0xFFFFFFFF, v48  }
0x16b: {  	[tilespmem:$0x1090] =	vst v14;
	v48 =	vbroadcast v46, $0x0;
	v52 =	vbroadcast v50, $0x0;
	vm11 =	vnez.u8 v22  }
0x16c: {  	[tilespmem:$0x10B0] =	vst v16;
	v8 =	vsel vm8, v8, v1;
	v18 =	vsel vm11, v18, v1;
	vm11 =	vnez.u8 v20  }
0x16d: {  	[tilespmem:$0x10C0] =	vst v12;
	v17 =	vbroadcast v63, $0x0;
	v14 =	vsel vm11, v59, v1;
	v59 =	vadd.s32 $0xFFFFFFFF, v47  }
0x16e: {  	[tilespmem:$0x10D0] =	vst v10;
	v7 =	vadd.s32 v7, v57;
	v5 =	vsel vm6, v5, v1;
	v10 =	vbroadcast v59, $0x0  }
0x16f: {  	[tilespmem:$0x10F0] =	vst v13;
	vm8 =	vgt.f32 v45, $5.000000070e-02;
	v9 =	vadd.s32 v9, v17;
	vm11 =	vnez.u8 v56  }
0x170: {  	[tilespmem:$0x1130] =	vst v8;
	v44 =	vnsel vm8, $0x0, v45;
	v4 =	vsel vm11, v4, v1;
	v6 =	vadd.s32 v6, v10  }
0x171: {  	[tilespmem:$0x1140] =	vst v5;
	vm11 =	vlt.s32 v40, v43;
	v6 =	vsel vm12, v6, v1;
	vm12 =	veq.s32 v44, v42  }
0x172: {  	v7 =	vsel vm5, v7, v1;
	[tilespmem:$0x1100] =	vst v18;
	v9 =	vsel vm13, v9, v1;
	vm5 =	vmand vm11, vm12  }
0x173: {  	[tilespmem:$0x1150] =	vst v7;
	vm13 =	vgt.s32 v44, v42;
	v47 =	vadd.s32 $0xFFFFFFFF, v51;
	vm4 =	vmand vm4, vm5  }
0x174: {  	v45 =	vadd.s32 $0xFFFFFFFF, v49;
	[tilespmem:$0x1110] =	vst v14;
	v49 =	vbroadcast v47, $0x0;
	vm4 =	vmor vm13, vm4  }
0x175: {  	v57 =	vadd.s32 $0xFFFFFFFF, v54;
	[tilespmem:$0x1120] =	vst v4;
	v4 =	vbroadcast v45, $0x0;
	v51 =	vsel vm4, $0x1, v41  }
0x176: {  	v56 =	vbroadcast v53, $0x0;
	[tilespmem:$0x1170] =	vst v9;
	v2 =	vadd.s32 v2, v49;
	(xrf0) =	vadd.scan.msk.s32 $0xffff, v51  }
0x177: {  	v59 =	vadd.s32 $0xFFFFFFFF, v55;
	v0 =	vadd.s32 v0, v4;
	v2 =	vsel vm14, v2, v1;
	[tilespmem:$0x1160] =	vst v6  }
0x178: {  	v4 =	vadd.s32 v58, v48;
	v58 =	vbroadcast v57, $0x0;
	v0 =	vsel vm7, v0, v1;
	[tilespmem:$0x11A0] =	vst v2  }
0x179: {  	v4 =	vsel vm9, v4, v1;
	v2 =	vadd.s32 v60, v56;
	[tilespmem:$0x1180] =	vst v0;
	v0 =	vadd.s32 v61, v52  }
0x17a: {  	v60 =	vbroadcast v59, $0x0;
	[tilespmem:$0x1190] =	vst v4;
	v61 =	vadd.s32 $0xFFFFFFFF, v21;
	v0 =	vsel vm15, v0, v1  }
0x17b: {  	v2 =	vsel vm10, v2, v1;
	v63 =	vbroadcast v61, $0x0;
	[tilespmem:$0x11B0] =	vst v0;
	v0 =	vadd.s32 v62, v58  }
0x17c: {  	[tilespmem:$0x11C0] =	vst v2;
	v2 =	vadd.s32 v3, v60;
	v0 =	vsel vm1, v0, v1;
	v3, _, _ =	vpop (xrf0)  }
0x17d: {  	[tilespmem:$0x11D0] =	vst v0;
	v0 =	vsel vm0, v2, v1;
	v2 =	vadd.s32 v3, v63  }
0x17e: {  	[tilespmem:$0x11E0] =	vst v0;
	v0 =	vsel vm4, v2, v1  }
0x17f: {  	[tilespmem:$0x11F0] =	vst v0  }
0x180: {  	[spmem:s1] =	stream.indirect.scatter [tilespmem:s9], [sflag:$0x1], $0x1, s3, s6, $0xb8;
	[tilespmem:$0x1680] =	vst v63  }
0x181: {  	_ = 	snop  }
0x182: {  	[spmem:s2] =	stream.indirect.scatter [tilespmem:s26], [sflag:$0x1], $0x1, s3, s6, $0xb8;
	[tilespmem:$0x1680] =	vst v63  }
0x183: {  	_ = 	snop  }
0x184: {  	[spmem:s4] =	stream.indirect.scatter [tilespmem:s28], [sflag:$0x1], $0x1, s3, s6, $0xb8;
	[tilespmem:$0x1680] =	vst v63  }
0x185: {  	_ = 	snop  }
0x186: {  	[spmem:s5] =	stream.indirect.scatter [tilespmem:s29], [sflag:$0x1], $0x1, s3, s6, $0xb8;
	[tilespmem:$0x1680] =	vst v63  }
0x187: {  	_ = 	snop  }
0x188: {  	[spmem:s7] =	stream.indirect.scatter [tilespmem:s22], [sflag:$0x1], $0x1, s3, s6, $0xb8;
	[tilespmem:$0x1680] =	vst v63  }
0x189: {  	_ = 	snop  }
0x18a: {  	[spmem:s8] =	stream.indirect.scatter [tilespmem:s21], [sflag:$0x1], $0x1, s3, s6, $0xb8;
	[tilespmem:$0x1680] =	vst v63  }
0x18b: {  	_ = 	snop  }
0x18c: {  	[spmem:s1] =	stream.indirect.scatter [tilespmem:s6], [sflag:$0x1], $0x1, s16, s6, $0xb8;
	[tilespmem:$0x1680] =	vst v63  }
0x18d: {  	s20 =	simm.s32 $0x300  }
0x18e: {  	[spmem:s2] =	stream.indirect.scatter [tilespmem:s20], [sflag:$0x1], $0x1, s16, s6, $0xb8;
	[tilespmem:$0x1680] =	vst v63  }
0x18f: {  	s24 =	simm.s32 $0x580  }
0x190: {  	[spmem:s4] =	stream.indirect.scatter [tilespmem:s24], [sflag:$0x1], $0x1, s16, s6, $0xb8;
	[tilespmem:$0x1680] =	vst v63  }
0x191: {  	s25 =	simm.s32 $0x800  }
0x192: {  	[spmem:s5] =	stream.indirect.scatter [tilespmem:s25], [sflag:$0x1], $0x1, s16, s6, $0xb8;
	[tilespmem:$0x1680] =	vst v63  }
0x193: {  	s11 =	simm.s32 $0xA80  }
0x194: {  	[spmem:s7] =	stream.indirect.scatter [tilespmem:s11], [sflag:$0x1], $0x1, s16, s6, $0xb8;
	[tilespmem:$0x1680] =	vst v63  }
0x195: {  	s12 =	simm.s32 $0xD00  }
0x196: {  	[spmem:s8] =	stream.indirect.scatter [tilespmem:s12], [sflag:$0x1], $0x1, s16, s6, $0xb8;
	[tilespmem:$0x1680] =	vst v63  }
0x197: {  	s13 =	simm.s32 $0x100  }
0x198: {  	[spmem:s1] =	stream.indirect.scatter [tilespmem:s13], [sflag:$0x1], $0x1, s0, s6, $0xb8;
	[tilespmem:$0x1680] =	vst v63  }
0x199: {  	s14 =	simm.s32 $0x380  }
0x19a: {  	[spmem:s2] =	stream.indirect.scatter [tilespmem:s14], [sflag:$0x1], $0x1, s0, s6, $0xb8;
	[tilespmem:$0x1680] =	vst v63  }
0x19b: {  	s15 =	simm.s32 $0x600  }
0x19c: {  	[spmem:s4] =	stream.indirect.scatter [tilespmem:s15], [sflag:$0x1], $0x1, s0, s6, $0xb8;
	[tilespmem:$0x1680] =	vst v63  }
0x19d: {  	s17 =	simm.s32 $0x880  }
0x19e: {  	[spmem:s5] =	stream.indirect.scatter [tilespmem:s17], [sflag:$0x1], $0x1, s0, s6, $0xb8;
	[tilespmem:$0x1680] =	vst v63  }
0x19f: {  	s19 =	simm.s32 $0xB00  }
0x1a0: {  	[spmem:s7] =	stream.indirect.scatter [tilespmem:s19], [sflag:$0x1], $0x1, s0, s6, $0xb8;
	[tilespmem:$0x1680] =	vst v63  }
0x1a1: {  	s20 =	simm.s32 $0xD80  }
0x1a2: {  	[spmem:s8] =	stream.indirect.scatter [tilespmem:s20], [sflag:$0x1], $0x1, s0, s6, $0xb8;
	[tilespmem:$0x1680] =	vst v63  }
0x1a3: {  	s24 =	simm.s32 $0x180  }
0x1a4: {  	[spmem:s1] =	stream.indirect.scatter [tilespmem:s24], [sflag:$0x1], $0x1, s30, s6, $0xb8;
	[tilespmem:$0x1680] =	vst v63  }
0x1a5: {  	s25 =	simm.s32 $0x400  }
0x1a6: {  	[spmem:s2] =	stream.indirect.scatter [tilespmem:s25], [sflag:$0x1], $0x1, s30, s6, $0xb8;
	[tilespmem:$0x1680] =	vst v63  }
0x1a7: {  	s11 =	simm.s32 $0x680  }
0x1a8: {  	[spmem:s4] =	stream.indirect.scatter [tilespmem:s11], [sflag:$0x1], $0x1, s30, s6, $0xb8;
	[tilespmem:$0x1680] =	vst v63  }
0x1a9: {  	s12 =	simm.s32 $0x900  }
0x1aa: {  	[spmem:s5] =	stream.indirect.scatter [tilespmem:s12], [sflag:$0x1], $0x1, s30, s6, $0xb8;
	[tilespmem:$0x1680] =	vst v63  }
0x1ab: {  	s13 =	simm.s32 $0xB80  }
0x1ac: {  	[spmem:s7] =	stream.indirect.scatter [tilespmem:s13], [sflag:$0x1], $0x1, s30, s6, $0xb8;
	[tilespmem:$0x1680] =	vst v63  }
0x1ad: {  	s14 =	simm.s32 $0xE00  }
0x1ae: {  	[spmem:s8] =	stream.indirect.scatter [tilespmem:s14], [sflag:$0x1], $0x1, s30, s6, $0xb8;
	[tilespmem:$0x1680] =	vst v63  }
0x1af: {  	s15 =	simm.s32 $0x200  }
0x1b0: {  	[spmem:s1] =	stream.indirect.scatter [tilespmem:s15], [sflag:$0x1], $0x1, s18, s6, $0xb8;
	[tilespmem:$0x1680] =	vst v63  }
0x1b1: {  	s17 =	simm.s32 $0x480  }
0x1b2: {  	[spmem:s2] =	stream.indirect.scatter [tilespmem:s17], [sflag:$0x1], $0x1, s18, s6, $0xb8;
	[tilespmem:$0x1680] =	vst v63  }
0x1b3: {  	s19 =	simm.s32 $0x700  }
0x1b4: {  	[spmem:s4] =	stream.indirect.scatter [tilespmem:s19], [sflag:$0x1], $0x1, s18, s6, $0xb8;
	[tilespmem:$0x1680] =	vst v63  }
0x1b5: {  	s20 =	simm.s32 $0x980  }
0x1b6: {  	[spmem:s5] =	stream.indirect.scatter [tilespmem:s20], [sflag:$0x1], $0x1, s18, s6, $0xb8;
	[tilespmem:$0x1680] =	vst v63  }
0x1b7: {  	s24 =	simm.s32 $0xC00  }
0x1b8: {  	[spmem:s7] =	stream.indirect.scatter [tilespmem:s24], [sflag:$0x1], $0x1, s18, s6, $0xb8;
	[tilespmem:$0x1680] =	vst v63  }
0x1b9: {  	s25 =	simm.s32 $0xE80  }
0x1ba: {  	[spmem:s8] =	stream.indirect.scatter [tilespmem:s25], [sflag:$0x1], $0x1, s18, s6, $0xb8;
	[tilespmem:$0x1680] =	vst v63  }
0x1bb: {  	_ =	swait.ge [sflag:s31], $0x80  }
0x1bc: {  	[sflag:s31] =	ssyncset.done $0x0  }
0x1bd: {  	[sflag:s31] =	ssyncadd.s32 $0xFFFFFF80  }
0x1be: {  	_ =	swait.ge [sflag:s31], $0x80  }
0x1bf: {  	[sflag:s31] =	ssyncset.done $0x0  }
0x1c0: {  	[sflag:s31] =	ssyncadd.s32 $0xFFFFFF80  }
0x1c1: {  	_ =	swait.ge [sflag:s31], $0x80  }
0x1c2: {  	[sflag:s31] =	ssyncset.done $0x0  }
0x1c3: {  	[sflag:s31] =	ssyncadd.s32 $0xFFFFFF80  }
0x1c4: {  	_ =	swait.ge [sflag:s31], $0x80  }
0x1c5: {  	[sflag:s31] =	ssyncset.done $0x0  }
0x1c6: {  	[sflag:s31] =	ssyncadd.s32 $0xFFFFFF80  }
0x1c7: {  	_ =	swait.ge [sflag:s31], $0x80  }
0x1c8: {  	[sflag:s31] =	ssyncset.done $0x0  }
0x1c9: {  	[sflag:s31] =	ssyncadd.s32 $0xFFFFFF80  }
0x1ca: {  	_ =	swait.ge [sflag:s31], $0x80  }
0x1cb: {  	[sflag:s31] =	ssyncset.done $0x0  }
0x1cc: {  	[sflag:s31] =	ssyncadd.s32 $0xFFFFFF80  }
0x1cd: {  	_ =	swait.ge [sflag:s31], $0x80  }
0x1ce: {  	[sflag:s31] =	ssyncset.done $0x0  }
0x1cf: {  	[sflag:s31] =	ssyncadd.s32 $0xFFFFFF80  }
0x1d0: {  	_ =	swait.ge [sflag:s31], $0x80  }
0x1d1: {  	[sflag:s31] =	ssyncset.done $0x0  }
0x1d2: {  	[sflag:s31] =	ssyncadd.s32 $0xFFFFFF80  }
0x1d3: {  	_ =	swait.ge [sflag:s31], $0x80  }
0x1d4: {  	[sflag:s31] =	ssyncset.done $0x0  }
0x1d5: {  	[sflag:s31] =	ssyncadd.s32 $0xFFFFFF80  }
0x1d6: {  	_ =	swait.ge [sflag:s31], $0x80  }
0x1d7: {  	[sflag:s31] =	ssyncset.done $0x0  }
0x1d8: {  	[sflag:s31] =	ssyncadd.s32 $0xFFFFFF80  }
0x1d9: {  	_ =	swait.ge [sflag:s31], $0x80  }
0x1da: {  	[sflag:s31] =	ssyncset.done $0x0  }
0x1db: {  	[sflag:s31] =	ssyncadd.s32 $0xFFFFFF80  }
0x1dc: {  	_ =	swait.ge [sflag:s31], $0x80  }
0x1dd: {  	[sflag:s31] =	ssyncset.done $0x0  }
0x1de: {  	[sflag:s31] =	ssyncadd.s32 $0xFFFFFF80  }
0x1df: {  	_ =	swait.ge [sflag:s31], $0x80  }
0x1e0: {  	[sflag:s31] =	ssyncset.done $0x0  }
0x1e1: {  	[sflag:s31] =	ssyncadd.s32 $0xFFFFFF80  }
0x1e2: {  	_ =	swait.ge [sflag:s31], $0x80  }
0x1e3: {  	[sflag:s31] =	ssyncset.done $0x0  }
0x1e4: {  	[sflag:s31] =	ssyncadd.s32 $0xFFFFFF80  }
0x1e5: {  	_ =	swait.ge [sflag:s31], $0x80  }
0x1e6: {  	[sflag:s31] =	ssyncset.done $0x0  }
0x1e7: {  	[sflag:s31] =	ssyncadd.s32 $0xFFFFFF80  }
0x1e8: {  	_ =	swait.ge [sflag:s31], $0x80  }
0x1e9: {  	[sflag:s31] =	ssyncset.done $0x0  }
0x1ea: {  	[sflag:s31] =	ssyncadd.s32 $0xFFFFFF80  }
0x1eb: {  	_ =	swait.ge [sflag:s31], $0x80  }
0x1ec: {  	[sflag:s31] =	ssyncset.done $0x0  }
0x1ed: {  	[sflag:s31] =	ssyncadd.s32 $0xFFFFFF80  }
0x1ee: {  	_ =	swait.ge [sflag:s31], $0x80  }
0x1ef: {  	[sflag:s31] =	ssyncset.done $0x0  }
0x1f0: {  	[sflag:s31] =	ssyncadd.s32 $0xFFFFFF80  }
0x1f1: {  	_ =	swait.ge [sflag:s31], $0x80  }
0x1f2: {  	[sflag:s31] =	ssyncset.done $0x0  }
0x1f3: {  	[sflag:s31] =	ssyncadd.s32 $0xFFFFFF80  }
0x1f4: {  	_ =	swait.ge [sflag:s31], $0x80  }
0x1f5: {  	[sflag:s31] =	ssyncset.done $0x0  }
0x1f6: {  	[sflag:s31] =	ssyncadd.s32 $0xFFFFFF80  }
0x1f7: {  	_ =	swait.ge [sflag:s31], $0x80  }
0x1f8: {  	[sflag:s31] =	ssyncset.done $0x0  }
0x1f9: {  	[sflag:s31] =	ssyncadd.s32 $0xFFFFFF80  }
0x1fa: {  	_ =	swait.ge [sflag:s31], $0x80  }
0x1fb: {  	[sflag:s31] =	ssyncset.done $0x0  }
0x1fc: {  	[sflag:s31] =	ssyncadd.s32 $0xFFFFFF80  }
0x1fd: {  	_ =	swait.ge [sflag:s31], $0x80  }
0x1fe: {  	[sflag:s31] =	ssyncset.done $0x0  }
0x1ff: {  	[sflag:s31] =	ssyncadd.s32 $0xFFFFFF80  }
0x200: {  	_ =	swait.ge [sflag:s31], $0x80  }
0x201: {  	[sflag:s31] =	ssyncset.done $0x0  }
0x202: {  	[sflag:s31] =	ssyncadd.s32 $0xFFFFFF80  }
0x203: {  	_ =	swait.ge [sflag:s31], $0x80  }
0x204: {  	[sflag:s31] =	ssyncset.done $0x0  }
0x205: {  	[sflag:s31] =	ssyncadd.s32 $0xFFFFFF80  }
0x206: {  	_ =	swait.ge [sflag:s31], $0x80  }
0x207: {  	[sflag:s31] =	ssyncset.done $0x0  }
0x208: {  	[sflag:s31] =	ssyncadd.s32 $0xFFFFFF80  }
0x209: {  	_ =	swait.ge [sflag:s31], $0x80  }
0x20a: {  	[sflag:s31] =	ssyncset.done $0x0  }
0x20b: {  	[sflag:s31] =	ssyncadd.s32 $0xFFFFFF80  }
0x20c: {  	_ =	swait.ge [sflag:s31], $0x80  }
0x20d: {  	[sflag:s31] =	ssyncset.done $0x0  }
0x20e: {  	[sflag:s31] =	ssyncadd.s32 $0xFFFFFF80  }
0x20f: {  	_ =	swait.ge [sflag:s31], $0x80  }
0x210: {  	[sflag:s31] =	ssyncset.done $0x0  }
0x211: {  	[sflag:s31] =	ssyncadd.s32 $0xFFFFFF80  }
.Ltmp2:
0x212: {  	_ =	swait.ge [sflag:s31], $0x80;
	(pc) =	sbr.rel @p0 .LBB2_6-.Ltmp2, $3  }
0x213: {  	[sflag:s31] =	ssyncset.done $0x0  }
0x214: {  	[sflag:s31] =	ssyncadd.s32 $0xFFFFFF80  }
0x215: {  	[bflag:$0x0] =	sbarrier.arrive $0xFFFF;
	_ =	sdelay $0x1  }
.Ltmp3:
0x216: {  	(pc) =	sbr.rel @p1 .LBB2_10-.Ltmp3, $1  }
0x217: {  	_ =	sdelay $0x3  }
.Ltmp4:
0x218: {  	(pc) =	sbr.rel @p2 .LBB2_11-.Ltmp4, $1  }
0x219: {  	_ =	sdelay $0x3  }
0x21a: {  	s10 =	sld [smem:$0x7F4];
	_ =	sdelay $0x2  }
0x21b: {  	p3 =	seq.s32 s10, $0x1  }
.Ltmp5:
0x21c: {  	_ = 	snop;
	(pc) =	sbr.rel @!p3 .LBB2_15-.Ltmp5, $1  }
0x21d: {  	_ =	sdelay $0x3  }
.Ltmp6:
0x21e: {  	(pc) =	sbr.rel .LBB2_14-.Ltmp6, $4  }
0x21f: {  	_ = 	snop  }
0x220: {  	s10 =	sshrl.u32 s4, $0x3;
	s11 =	rddreg [dreg:$0x12]  }
0x221: {  	s12 =	simm.s32 $0x20;
	s13 =	simm.s32 $0x10;
	s14 =	simm.s32 $0x1C82  }
0x222: {  	[hbm:s11@s12], [sflag:s14] =	dma.strided [spmem:s10@s13], $0x80, s31, $0x10   }
.LBB2_6:
.Ltmp7:
0x223: {  	(pc) =	sbr.rel @p4 .LBB2_12-.Ltmp7, $1  }
0x224: {  	_ =	sdelay $0x3  }
.Ltmp8:
0x225: {  	(pc) =	sbr.rel @p5 .LBB2_13-.Ltmp8, $1  }
0x226: {  	_ =	sdelay $0x3  }
.Ltmp9:
0x227: {  	(pc) =	sbr.rel @!p6 .LBB2_15-.Ltmp9, $1  }
0x228: {  	_ =	sdelay $0x3  }
.Ltmp10:
0x229: {  	(pc) =	sbr.rel .LBB2_14-.Ltmp10, $4  }
0x22a: {  	_ = 	snop  }
0x22b: {  	s10 =	sshrl.u32 s8, $0x3;
	s11 =	rddreg [dreg:$0xf]  }
0x22c: {  	s12 =	simm.s32 $0x20;
	s13 =	simm.s32 $0x10;
	s14 =	simm.s32 $0x1D42  }
0x22d: {  	[hbm:s11@s12], [sflag:s14] =	dma.strided [spmem:s10@s13], $0x80, s31, $0x10   }
.LBB2_10:
.Ltmp11:
0x22e: {  	(pc) =	sbr.rel .LBB2_14-.Ltmp11, $4  }
0x22f: {  	_ = 	snop  }
0x230: {  	s10 =	sshrl.u32 s1, $0x3;
	s11 =	rddreg [dreg:$0x14]  }
0x231: {  	s12 =	simm.s32 $0x20;
	s13 =	simm.s32 $0x10;
	s14 =	simm.s32 $0x1C02  }
0x232: {  	[hbm:s11@s12], [sflag:s14] =	dma.strided [spmem:s10@s13], $0x80, s31, $0x10   }
.LBB2_11:
.Ltmp12:
0x233: {  	(pc) =	sbr.rel .LBB2_14-.Ltmp12, $4  }
0x234: {  	_ = 	snop  }
0x235: {  	s10 =	sshrl.u32 s2, $0x3;
	s11 =	rddreg [dreg:$0x13]  }
0x236: {  	s12 =	simm.s32 $0x20;
	s13 =	simm.s32 $0x10;
	s14 =	simm.s32 $0x1C42  }
0x237: {  	[hbm:s11@s12], [sflag:s14] =	dma.strided [spmem:s10@s13], $0x80, s31, $0x10   }
.LBB2_13:
.Ltmp13:
0x238: {  	(pc) =	sbr.rel .LBB2_14-.Ltmp13, $4  }
0x239: {  	_ = 	snop  }
0x23a: {  	s10 =	sshrl.u32 s7, $0x3;
	s11 =	rddreg [dreg:$0x10]  }
0x23b: {  	s12 =	simm.s32 $0x20;
	s13 =	simm.s32 $0x10;
	s14 =	simm.s32 $0x1D02  }
0x23c: {  	[hbm:s11@s12], [sflag:s14] =	dma.strided [spmem:s10@s13], $0x80, s31, $0x10   }
.LBB2_16:
0x23d: {  	_ =	sfence.sel $0x180000  }
0x23e: {  	[bflag:$0x0] =	sbarrier.arrive $0xFFFF  }
0x23f: {  	_ =	strace $0x90000047  }
0x240: {  	s0 =	stileid.u32;
	[bflag:$0x2] =	sbarrier.arrive $0xFFFF  }
0x241: {  	p0 =	sne.s32 s0, $0x0;
	s0 =	rddreg [dreg:$0x8]  }
0x242: {  	s0 =	sadd.s32 @!p0 $0x100000, s0  }
0x243: {  	[sflag:s0] =	ssyncadd.tile.s32 @!p0 $0x1;
	_ =	shalt  }
.Lfunc_end2:
_tile_overlayer_lowered:
.L_overlay_start_2:
0x244: {  	(tag) =	ssettag $0x2  }
0x245: {  	s0 =	rddreg [dreg:$0x0];
	s2 =	stileid.u32  }
0x246: {  	s1 =	rddreg [dreg:$0x1];
	p0 =	sne.s32 s2, $0x0  }
0x247: {  	s3 =	rddreg [dreg:$0x2];
	[bflag:$0x3] =	sbarrier.arrive $0xFFFF;
	s2 =	simm.s32 @!p0 $0x1C02  }
0x248: {  	[timem:s3], [sflag:s2] =	dma.local @!p0 [hbm:s0], s1  }
0x249: {  	s0 =	simm.s32 @!p0 $0x2  }
0x24a: {  	_ =	swait.ge @!p0 [sflag:s0], s1  }
0x24b: {  	s1 =	ssub.s32 @!p0 $0x0, s1;
	[sflag:s0] =	ssyncset.done @!p0 $0x0  }
0x24c: {  	[sflag:s0] =	ssyncadd.s32 @!p0 s1  }
0x24d: {  	[bflag:$0x3] =	sbarrier.arrive $0xFFFF  }
0x24e: {  	_ =	shalt  }

</sc_bundles>
